<compile_context>
chip_gen: v7x
topology: tpu7x:2x2x1
jax: 0.10.2.dev20260603
libtpu: 0.0.44.dev20260713+nightly
codegen_flags: <defaults>
</compile_context>

<pallas_src>
import functools

import jax
import jax.numpy as jnp
from jax import lax
from jax.experimental import pallas as pl
from jax.experimental.pallas import tpu as pltpu
import jax.experimental.pallas.tpu_sc as plsc

E = 8
TOPK = 2
D = 2048
F = 1024
T = 4096
BLK = 256
NBLK = (2 * T + E * (BLK - 1)) // BLK + 1
P = NBLK * BLK
CSB = 256
NW = 32
TPT = T // NW
F32 = jnp.float32
I32 = jnp.int32


def _k1_body(x_ref, wr_ref, logits_ref, cosl_ref, l2l_ref, pos_ref, rw_ref,
             sel_ref, bexp_ref):
    x = x_ref[...]
    wr = wr_ref[...]
    logits = jnp.dot(x, wr, preferred_element_type=F32)
    logits_ref[...] = logits

    hi = lax.Precision.HIGHEST
    dn0 = (((0,), (0,)), ((), ()))
    eye = (lax.broadcasted_iota(I32, (E, E), 0)
           == lax.broadcasted_iota(I32, (E, E), 1)).astype(F32)
    gram = lax.dot_general(logits, logits, dn0, precision=hi)
    colsq = jnp.sum(gram * eye, axis=0, keepdims=True)
    cn = jnp.sqrt(colsq)
    denom = jnp.maximum(lax.dot_general(cn, cn, dn0, precision=hi), 1e-8)
    cosl_ref[...] = gram / denom
    sq_i = lax.dot_general(eye, colsq, (((1,), (1,)), ((), ())),
                           precision=hi)
    l2l_ref[...] = jnp.sqrt(jnp.maximum(sq_i + colsq - 2.0 * gram, 0.0))

    mx = jnp.max(logits, axis=1, keepdims=True)
    el = jnp.exp(logits - mx)
    probs = el / jnp.sum(el, axis=1, keepdims=True)
    iot = lax.broadcasted_iota(I32, (T, E), 1)
    m1 = jnp.max(probs, axis=1, keepdims=True)
    a1 = jnp.min(jnp.where(probs == m1, iot, E), axis=1, keepdims=True)
    probs2 = jnp.where(iot == a1, -jnp.inf, probs)
    m2 = jnp.max(probs2, axis=1, keepdims=True)
    a2 = jnp.min(jnp.where(probs2 == m2, iot, E), axis=1, keepdims=True)
    rw_ref[:, 0:1] = m1
    rw_ref[:, 1:2] = m2
    sel_ref[:, 0:1] = a1
    sel_ref[:, 1:2] = a2

    c0 = (iot == a1).astype(F32)
    c1 = (iot == a2).astype(F32)
    ct = c0 + c1
    tri = (lax.broadcasted_iota(I32, (CSB, CSB), 1)
           < lax.broadcasted_iota(I32, (CSB, CSB), 0)).astype(F32)
    run = jnp.zeros((1, E), F32)
    parts = []
    for bi in range(T // CSB):
        blk = lax.slice(ct, (bi * CSB, 0), ((bi + 1) * CSB, E))
        parts.append(jnp.dot(tri, blk, preferred_element_type=F32,
                             precision=hi) + run)
        run = run + jnp.sum(blk, axis=0, keepdims=True)
    base = jnp.concatenate(parts, axis=0)
    counts = run
    pcnt = jnp.ceil(counts / BLK) * BLK
    u8 = (lax.broadcasted_iota(I32, (E, E), 0)
          < lax.broadcasted_iota(I32, (E, E), 1)).astype(F32)
    start = jnp.dot(pcnt, u8, preferred_element_type=F32,
                    precision=hi)
    rank0 = jnp.sum(base * c0, axis=1, keepdims=True)
    rank1 = jnp.sum(base * c1, axis=1, keepdims=True)
    s0 = jnp.sum(start * c0, axis=1, keepdims=True)
    s1 = jnp.sum(start * c1, axis=1, keepdims=True)
    pos_ref[:, 0:1] = (s0 + rank0).astype(I32)
    pos_ref[:, 1:2] = (s1 + rank1).astype(I32)

    end_p = start + pcnt
    qcol = (lax.broadcasted_iota(I32, (NBLK, 1), 0) * BLK).astype(F32)
    ge = (qcol >= end_p).astype(F32)
    bexp_ref[...] = jnp.minimum(
        jnp.sum(ge, axis=1, keepdims=True), E - 1).astype(I32)


def _run_k1(x, w_router):
    return pl.pallas_call(
        _k1_body,
        out_shape=[
            jax.ShapeDtypeStruct((T, E), F32),
            jax.ShapeDtypeStruct((E, E), F32),
            jax.ShapeDtypeStruct((E, E), F32),
            jax.ShapeDtypeStruct((T, TOPK), I32),
            jax.ShapeDtypeStruct((T, TOPK), F32),
            jax.ShapeDtypeStruct((T, TOPK), I32),
            jax.ShapeDtypeStruct((NBLK, 1), I32),
        ],
        compiler_params=pltpu.CompilerParams(
            vmem_limit_bytes=100 * 1024 * 1024),
    )(x, w_router)


def _k2_body(x_hbm, pos0_hbm, pos1_hbm, xs_hbm, rowbuf, idx0, idx1, sem):
    wid = lax.axis_index("s") * 2 + lax.axis_index("c")
    pltpu.sync_copy(pos0_hbm.at[pl.ds(wid * (TPT // 16), TPT // 16)], idx0)
    pltpu.sync_copy(pos1_hbm.at[pl.ds(wid * (TPT // 16), TPT // 16)], idx1)
    base = wid * TPT
    for c in range(TPT // 16):
        pltpu.sync_copy(x_hbm.at[pl.ds(base + c * 16, 16)], rowbuf)
        d0 = pltpu.async_copy(rowbuf, xs_hbm.at[idx0.at[c]], sem)
        d1 = pltpu.async_copy(rowbuf, xs_hbm.at[idx1.at[c]], sem)
        d0.wait()
        d1.wait()


def _run_k2(x, pos0, pos1):
    mesh = plsc.VectorSubcoreMesh(core_axis_name="c", subcore_axis_name="s")
    return pl.kernel(
        _k2_body,
        out_type=jax.ShapeDtypeStruct((P, D), F32),
        mesh=mesh,
        scratch_types=[
            pltpu.VMEM((16, D), F32),
            pltpu.VMEM((TPT // 16, 16), I32),
            pltpu.VMEM((TPT // 16, 16), I32),
            pltpu.SemaphoreType.DMA,
        ],
    )(x, pos0.reshape(T // 16, 16), pos1.reshape(T // 16, 16))


def _k3_body(bexp_ref, xs_ref, wg_ref, wu_ref, wd_ref, ys_ref):
    del bexp_ref
    xb = xs_ref[...]
    wg = wg_ref[...].reshape(D, F)
    wu = wu_ref[...].reshape(D, F)
    wd = wd_ref[...].reshape(F, D)
    g = jnp.dot(xb, wg, preferred_element_type=F32)
    u = jnp.dot(xb, wu, preferred_element_type=F32)
    h = g * (1.0 / (1.0 + jnp.exp(-g))) * u
    ys_ref[...] = jnp.dot(h, wd, preferred_element_type=F32)


def _run_k3(xs, bexp, wg, wu, wd):
    grid_spec = pltpu.PrefetchScalarGridSpec(
        num_scalar_prefetch=1,
        grid=(NBLK,),
        in_specs=[
            pl.BlockSpec((BLK, D), lambda m, be: (m, 0)),
            pl.BlockSpec((1, D, F), lambda m, be: (be[m], 0, 0)),
            pl.BlockSpec((1, D, F), lambda m, be: (be[m], 0, 0)),
            pl.BlockSpec((1, F, D), lambda m, be: (be[m], 0, 0)),
        ],
        out_specs=pl.BlockSpec((BLK, D), lambda m, be: (m, 0)),
    )
    return pl.pallas_call(
        _k3_body,
        grid_spec=grid_spec,
        out_shape=jax.ShapeDtypeStruct((P, D), F32),
        compiler_params=pltpu.CompilerParams(
            dimension_semantics=("arbitrary",),
            vmem_limit_bytes=110 * 1024 * 1024),
    )(bexp, xs, wg, wu, wd)


def _k4_body(ys_hbm, pos0_hbm, pos1_hbm, y0_hbm, y1_hbm,
             rowbuf0, rowbuf1, idx0, idx1, sem0, sem1):
    wid = lax.axis_index("s") * 2 + lax.axis_index("c")
    pltpu.sync_copy(pos0_hbm.at[pl.ds(wid * (TPT // 16), TPT // 16)], idx0)
    pltpu.sync_copy(pos1_hbm.at[pl.ds(wid * (TPT // 16), TPT // 16)], idx1)
    base = wid * TPT
    for c in range(TPT // 16):
        d0 = pltpu.async_copy(ys_hbm.at[idx0.at[c]], rowbuf0, sem0)
        d1 = pltpu.async_copy(ys_hbm.at[idx1.at[c]], rowbuf1, sem1)
        d0.wait()
        pltpu.sync_copy(rowbuf0, y0_hbm.at[pl.ds(base + c * 16, 16)])
        d1.wait()
        pltpu.sync_copy(rowbuf1, y1_hbm.at[pl.ds(base + c * 16, 16)])


def _run_k4(ys, pos0, pos1):
    mesh = plsc.VectorSubcoreMesh(core_axis_name="c", subcore_axis_name="s")
    return pl.kernel(
        _k4_body,
        out_type=[jax.ShapeDtypeStruct((T, D), F32),
                  jax.ShapeDtypeStruct((T, D), F32)],
        mesh=mesh,
        scratch_types=[
            pltpu.VMEM((16, D), F32),
            pltpu.VMEM((16, D), F32),
            pltpu.VMEM((TPT // 16, 16), I32),
            pltpu.VMEM((TPT // 16, 16), I32),
            pltpu.SemaphoreType.DMA,
            pltpu.SemaphoreType.DMA,
        ],
    )(ys, pos0.reshape(T // 16, 16), pos1.reshape(T // 16, 16))


K5B = 512
K5N = T // K5B


def _k5_body(y0_ref, y1_ref, rw0_ref, rw1_ref, sel0_ref, sel1_ref,
             final_ref, cos_ref, l2o_ref, gacc, sacc):
    m = pl.program_id(0)

    @pl.when(m == 0)
    def _():
        gacc[...] = jnp.zeros((E, E), F32)
        sacc[...] = jnp.zeros((1, E), F32)

    rw0 = rw0_ref[...].reshape(K5B, 1)
    rw1 = rw1_ref[...].reshape(K5B, 1)
    y0 = y0_ref[...] * rw0
    y1 = y1_ref[...] * rw1
    final_ref[...] = y0 + y1

    p = jnp.sum(y0 * y1, axis=1, keepdims=True)
    d0 = jnp.sum(y0 * y0, axis=1, keepdims=True)
    d1 = jnp.sum(y1 * y1, axis=1, keepdims=True)
    s0 = jnp.sum(y0, axis=1, keepdims=True)
    s1 = jnp.sum(y1, axis=1, keepdims=True)
    iot = lax.broadcasted_iota(I32, (K5B, E), 1)
    oh0 = (sel0_ref[...].reshape(K5B, 1) == iot).astype(F32)
    oh1 = (sel1_ref[...].reshape(K5B, 1) == iot).astype(F32)

    dn = (((0,), (0,)), ((), ()))
    hi = lax.Precision.HIGHEST
    spart = (lax.dot_general(s0, oh0, dn, precision=hi)
             + lax.dot_general(s1, oh1, dn, precision=hi))
    dpart = (lax.dot_general(d0, oh0, dn, precision=hi)
             + lax.dot_general(d1, oh1, dn, precision=hi))
    m01 = lax.dot_general(oh0, p * oh1, dn, precision=hi)
    m10 = lax.dot_general(oh1, p * oh0, dn, precision=hi)
    eye = (lax.broadcasted_iota(I32, (E, E), 0)
           == lax.broadcasted_iota(I32, (E, E), 1)).astype(F32)
    gacc[...] += m01 + m10 + eye * dpart
    sacc[...] += spart

    @pl.when(m == K5N - 1)
    def _():
        n_tot = float(T * D)
        g = gacc[...]
        s = sacc[...]
        c = g - lax.dot_general(s, s, dn, precision=hi) / n_tot
        cd = jnp.sum(c * eye, axis=0, keepdims=True)
        den = jnp.maximum(jnp.sqrt(jnp.maximum(cd, 0.0)), 1e-12)
        denom2 = lax.dot_general(den, den, dn, precision=hi)
        cos = c / denom2
        cos_ref[...] = cos
        sqn = jnp.sum(cos * eye, axis=0, keepdims=True)
        sq_i = lax.dot_general(eye, sqn, (((1,), (1,)), ((), ())),
                               precision=hi)
        l2o_ref[...] = jnp.sqrt(jnp.maximum(sq_i + sqn - 2.0 * cos, 0.0))


def _run_k5(y0, y1, rw, sel):
    rw0 = rw[:, 0].reshape(K5N, K5B, 1)
    rw1 = rw[:, 1].reshape(K5N, K5B, 1)
    sel0 = sel[:, 0].reshape(K5N, K5B, 1)
    sel1 = sel[:, 1].reshape(K5N, K5B, 1)
    return pl.pallas_call(
        _k5_body,
        grid=(K5N,),
        in_specs=[
            pl.BlockSpec((K5B, D), lambda m: (m, 0)),
            pl.BlockSpec((K5B, D), lambda m: (m, 0)),
            pl.BlockSpec((1, K5B, 1), lambda m: (m, 0, 0)),
            pl.BlockSpec((1, K5B, 1), lambda m: (m, 0, 0)),
            pl.BlockSpec((1, K5B, 1), lambda m: (m, 0, 0)),
            pl.BlockSpec((1, K5B, 1), lambda m: (m, 0, 0)),
        ],
        out_specs=[
            pl.BlockSpec((K5B, D), lambda m: (m, 0)),
            pl.BlockSpec((E, E), lambda m: (0, 0)),
            pl.BlockSpec((E, E), lambda m: (0, 0)),
        ],
        out_shape=[
            jax.ShapeDtypeStruct((T, D), F32),
            jax.ShapeDtypeStruct((E, E), F32),
            jax.ShapeDtypeStruct((E, E), F32),
        ],
        scratch_shapes=[pltpu.VMEM((E, E), F32), pltpu.VMEM((1, E), F32)],
        compiler_params=pltpu.CompilerParams(
            dimension_semantics=("arbitrary",),
            vmem_limit_bytes=100 * 1024 * 1024),
    )(y0, y1, rw0, rw1, sel0, sel1)


def kernel(hidden_states, W_router, Wg, Wu, Wd):
    b, s, d = hidden_states.shape
    x = hidden_states.reshape(-1, d)
    (logits, cosine_logits, l2_logits, pos, rw, sel, bexp) = _run_k1(
        x, W_router)
    pos0 = pos[:, 0]
    pos1 = pos[:, 1]
    xs = _run_k2(x, pos0, pos1)
    ys = _run_k3(xs, bexp.reshape(NBLK), Wg, Wu, Wd)
    y0, y1 = _run_k4(ys, pos0, pos1)
    final, cosine_out, l2_out = _run_k5(y0, y1, rw, sel)
    return (final.reshape(b, s, d), logits, cosine_logits, l2_logits,
            cosine_out, l2_out)

# --- scband reference (transcript-rebuilt; emitter-appended) ---
"""Pipeline reference for scband-olmoe-similarity-wrapper-69526930587821 (READ-ONLY COPY).

The authoritative reference and input builder live on the scoring server;
editing this copy changes nothing except your own understanding.
"""

import jax, jax.numpy as jnp
import numpy as np

NUM_EXPERTS = 8
TOP_K = 2
D_MODEL = 2048
D_FF = 1024
B = 2
S = 2048
NORM_TOPK_PROB = False


def setup_inputs(seed: int = 0) -> dict:
    key = jax.random.key(seed)
    k1, k2, k3, k4, k5 = jax.random.split(key, 5)
    hidden_states = jax.random.normal(k1, (B, S, D_MODEL), dtype=jnp.float32)
    W_router = jax.random.normal(k2, (D_MODEL, NUM_EXPERTS), dtype=jnp.float32) * 0.02
    Wg = jax.random.normal(k3, (NUM_EXPERTS, D_MODEL, D_FF), dtype=jnp.float32) * 0.02
    Wu = jax.random.normal(k4, (NUM_EXPERTS, D_MODEL, D_FF), dtype=jnp.float32) * 0.02
    Wd = jax.random.normal(k5, (NUM_EXPERTS, D_FF, D_MODEL), dtype=jnp.float32) * 0.02
    return {"hidden_states": hidden_states, "W_router": W_router, "Wg": Wg, "Wu": Wu, "Wd": Wd}


def reference(hidden_states, W_router, Wg, Wu, Wd):
    # OlmoeSparseMoeBlock forward (wrapped model) + the similarity statistics
    # computed by the wrapper's forward hook, vectorized.
    b, s, d = hidden_states.shape
    x = hidden_states.reshape(-1, d)              # [T, D]
    T = x.shape[0]
    E = W_router.shape[1]

    # Router
    router_logits = x @ W_router                  # [T, E]
    routing_weights_all = jax.nn.softmax(router_logits.astype(jnp.float32), axis=-1)
    rw, sel = jax.lax.top_k(routing_weights_all, TOP_K)  # [T, k]
    if NORM_TOPK_PROB:
        rw = rw / jnp.sum(rw, axis=-1, keepdims=True)
    rw = rw.astype(x.dtype)

    # Aggregated per-(token, expert) combine weights (scatter-add)
    combine = jnp.zeros((T, E), dtype=x.dtype).at[jnp.arange(T)[:, None], sel].add(rw)  # [T, E]

    # Expert SwiGLU MLPs (dense over experts, masked by combine weights)
    g = jnp.einsum('td,edf->etf', x, Wg)          # [E, T, F]
    u = jnp.einsum('td,edf->etf', x, Wu)          # [E, T, F]
    h = jax.nn.silu(g) * u
    eo = jnp.einsum('etf,efd->etd', h, Wd)        # [E, T, D]
    weighted = combine.T[:, :, None] * eo         # [E, T, D] weighted per-expert outputs
    final_hidden_states = jnp.sum(weighted, axis=0).reshape(b, s, d)

    # --- hook: router-logit column similarity matrices ---
    cols = router_logits                          # [T, E], columns are per-expert logits
    col_sq = jnp.sum(cols * cols, axis=0)         # [E]
    gram = cols.T @ cols                          # [E, E]
    col_norm = jnp.sqrt(col_sq)
    denom = jnp.maximum(col_norm[:, None] * col_norm[None, :], 1e-8)
    cosine_logits = gram / denom
    l2_logits = jnp.sqrt(jnp.maximum(col_sq[:, None] + col_sq[None, :] - 2.0 * gram, 0.0))

    # --- hook: expert-output similarity matrices ---
    flat = weighted.reshape(E, -1)                # [E, T*D]
    flat = flat - jnp.mean(flat, axis=1, keepdims=True)
    norms = jnp.linalg.norm(flat, axis=1, keepdims=True)
    flatn = flat / jnp.maximum(norms, 1e-12)      # F.normalize(p=2, dim=1)
    cosine_out = flatn @ flatn.T
    sqn = jnp.sum(flatn * flatn, axis=1)
    gram_out = cosine_out  # gram of normalized vectors
    l2_out = jnp.sqrt(jnp.maximum(sqn[:, None] + sqn[None, :] - 2.0 * gram_out, 0.0))

    return (final_hidden_states, router_logits, cosine_logits, l2_logits, cosine_out, l2_out)

if __name__ == "__main__":
    import jax
    _d = setup_inputs()
    print(jax.jit(kernel)(*tuple(_d.values())))

</pallas_src>

<mosaic_0001>
#map = affine_map<(d0, d1) -> (0, 0)>
module attributes {stable_mosaic.version = 14 : i64} {
  func.func @_k4_body(%arg0: i32, %arg1: i32, %arg2: memref<10240x2048xf32, #tpu.memory_space<hbm>>, %arg3: memref<256x16xi32, #tpu.memory_space<hbm>>, %arg4: memref<256x16xi32, #tpu.memory_space<hbm>>, %arg5: memref<4096x2048xf32, #tpu.memory_space<hbm>>, %arg6: memref<4096x2048xf32, #tpu.memory_space<hbm>>, %arg7: memref<16x2048xf32, #tpu.memory_space<vmem>>, %arg8: memref<16x2048xf32, #tpu.memory_space<vmem>>, %arg9: memref<8x16xi32, #tpu.memory_space<vmem>>, %arg10: memref<8x16xi32, #tpu.memory_space<vmem>>, %arg11: memref<!tpu.dma_semaphore, #tpu.memory_space<semaphore_mem>>, %arg12: memref<!tpu.dma_semaphore, #tpu.memory_space<semaphore_mem>>) attributes {dimension_semantics = [#tpu.dimension_semantics<core_parallel>, #tpu.dimension_semantics<subcore_parallel>], iteration_bounds = array<i64: 2, 16>, scalar_prefetch = 0 : i64, scratch_operands = 6 : i64, tpu.core_type = #tpu.core_type<sc_vector_subcore>, window_params = [{transform_indices = #map}, {transform_indices = #map}, {transform_indices = #map}, {transform_indices = #map}, {transform_indices = #map}]} {
    %mul3A = arith.constant 2 : i32
    %mul3A_0 = arith.muli %arg1, %mul3A : i32
    %add3A = arith.addi %mul3A_0, %arg0 : i32
    %mul3A_1 = arith.constant 8 : i32
    %mul3A_2 = arith.muli %add3A, %mul3A_1 : i32
    "tpu.region"() ({
      %run_scoped3A = tpu.sem_alloc : memref<!tpu.dma_semaphore, #tpu.memory_space<semaphore_mem>>
      %dma_start3A_261 = arith.constant 0 : i32
      %dma_start3A_262 = tpu.memref_slice %arg3[%mul3A_2, %dma_start3A_261] : memref<256x16xi32, #tpu.memory_space<hbm>> -> memref<8x16xi32, #tpu.memory_space<hbm>>
      %dma_start3A_263 = arith.constant 0 : i32
      %dma_start3A_264 = tpu.memref_slice %arg3[%mul3A_2, %dma_start3A_263] : memref<256x16xi32, #tpu.memory_space<hbm>> -> memref<8x16xi32, #tpu.memory_space<hbm>>
      tpu.enqueue_dma source(%dma_start3A_264 : memref<8x16xi32, #tpu.memory_space<hbm>>) target(%arg9 : memref<8x16xi32, #tpu.memory_space<vmem>>) target_semaphore(%run_scoped3A : memref<!tpu.dma_semaphore, #tpu.memory_space<semaphore_mem>>)
      %dma_wait3A_265 = arith.constant 0 : i32
      %dma_wait3A_266 = tpu.memref_slice %arg3[%mul3A_2, %dma_wait3A_265] : memref<256x16xi32, #tpu.memory_space<hbm>> -> memref<8x16xi32, #tpu.memory_space<hbm>>
      %dma_wait3A_267 = arith.constant 0 : i32
      %dma_wait3A_268 = tpu.memref_slice %arg3[%mul3A_2, %dma_wait3A_267] : memref<256x16xi32, #tpu.memory_space<hbm>> -> memref<8x16xi32, #tpu.memory_space<hbm>>
      tpu.wait_dma2 semaphore(%run_scoped3A : memref<!tpu.dma_semaphore, #tpu.memory_space<semaphore_mem>>) src(%dma_wait3A_268 : memref<8x16xi32, #tpu.memory_space<hbm>>) dst(%arg9 : memref<8x16xi32, #tpu.memory_space<vmem>>)
      tpu.yield
    }) : () -> ()
    %mul3A_3 = arith.constant 8 : i32
    %mul3A_4 = arith.muli %add3A, %mul3A_3 : i32
    "tpu.region"() ({
      %run_scoped3A = tpu.sem_alloc : memref<!tpu.dma_semaphore, #tpu.memory_space<semaphore_mem>>
      %dma_start3A_261 = arith.constant 0 : i32
      %dma_start3A_262 = tpu.memref_slice %arg4[%mul3A_4, %dma_start3A_261] : memref<256x16xi32, #tpu.memory_space<hbm>> -> memref<8x16xi32, #tpu.memory_space<hbm>>
      %dma_start3A_263 = arith.constant 0 : i32
      %dma_start3A_264 = tpu.memref_slice %arg4[%mul3A_4, %dma_start3A_263] : memref<256x16xi32, #tpu.memory_space<hbm>> -> memref<8x16xi32, #tpu.memory_space<hbm>>
      tpu.enqueue_dma source(%dma_start3A_264 : memref<8x16xi32, #tpu.memory_space<hbm>>) target(%arg10 : memref<8x16xi32, #tpu.memory_space<vmem>>) target_semaphore(%run_scoped3A : memref<!tpu.dma_semaphore, #tpu.memory_space<semaphore_mem>>)
      %dma_wait3A_265 = arith.constant 0 : i32
      %dma_wait3A_266 = tpu.memref_slice %arg4[%mul3A_4, %dma_wait3A_265] : memref<256x16xi32, #tpu.memory_space<hbm>> -> memref<8x16xi32, #tpu.memory_space<hbm>>
      %dma_wait3A_267 = arith.constant 0 : i32
      %dma_wait3A_268 = tpu.memref_slice %arg4[%mul3A_4, %dma_wait3A_267] : memref<256x16xi32, #tpu.memory_space<hbm>> -> memref<8x16xi32, #tpu.memory_space<hbm>>
      tpu.wait_dma2 semaphore(%run_scoped3A : memref<!tpu.dma_semaphore, #tpu.memory_space<semaphore_mem>>) src(%dma_wait3A_268 : memref<8x16xi32, #tpu.memory_space<hbm>>) dst(%arg10 : memref<8x16xi32, #tpu.memory_space<vmem>>)
      tpu.yield
    }) : () -> ()
    %mul3A_5 = arith.constant 128 : i32
    %mul3A_6 = arith.muli %add3A, %mul3A_5 : i32
    %dma_start3A = arith.constant 0 : i32
    %dma_start3A_7 = arith.constant 0 : i32
    %dma_start3A_8 = tpu.memref_slice %arg9[%dma_start3A, %dma_start3A_7] : memref<8x16xi32, #tpu.memory_space<vmem>> -> memref<1x16xi32, #tpu.memory_space<vmem>>
    %dma_start3A_9 = tpu.memref_squeeze %dma_start3A_8 : memref<1x16xi32, #tpu.memory_space<vmem>> -> memref<16xi32, #tpu.memory_space<vmem>>
    %dma_start3A_10 = arith.constant 0 : i32
    %dma_start3A_11 = arith.constant 0 : i32
    %dma_start3A_12 = tpu.memref_slice %arg2[%dma_start3A_10, %dma_start3A_11] : memref<10240x2048xf32, #tpu.memory_space<hbm>> -> memref<10240x2048xf32, #tpu.memory_space<hbm>>
    tpu.enqueue_indirect_dma source(%dma_start3A_12 : memref<10240x2048xf32, #tpu.memory_space<hbm>>) target(%arg7 : memref<16x2048xf32, #tpu.memory_space<vmem>>) offsets(%dma_start3A_9 : memref<16xi32, #tpu.memory_space<vmem>>) semaphore(%arg11 : memref<!tpu.dma_semaphore, #tpu.memory_space<semaphore_mem>>)
    %dma_start3A_13 = arith.constant 0 : i32
    %dma_start3A_14 = arith.constant 0 : i32
    %dma_start3A_15 = tpu.memref_slice %arg10[%dma_start3A_13, %dma_start3A_14] : memref<8x16xi32, #tpu.memory_space<vmem>> -> memref<1x16xi32, #tpu.memory_space<vmem>>
    %dma_start3A_16 = tpu.memref_squeeze %dma_start3A_15 : memref<1x16xi32, #tpu.memory_space<vmem>> -> memref<16xi32, #tpu.memory_space<vmem>>
    %dma_start3A_17 = arith.constant 0 : i32
    %dma_start3A_18 = arith.constant 0 : i32
    %dma_start3A_19 = tpu.memref_slice %arg2[%dma_start3A_17, %dma_start3A_18] : memref<10240x2048xf32, #tpu.memory_space<hbm>> -> memref<10240x2048xf32, #tpu.memory_space<hbm>>
    tpu.enqueue_indirect_dma source(%dma_start3A_19 : memref<10240x2048xf32, #tpu.memory_space<hbm>>) target(%arg8 : memref<16x2048xf32, #tpu.memory_space<vmem>>) offsets(%dma_start3A_16 : memref<16xi32, #tpu.memory_space<vmem>>) semaphore(%arg12 : memref<!tpu.dma_semaphore, #tpu.memory_space<semaphore_mem>>)
    %dma_wait3A = arith.constant 0 : i32
    %dma_wait3A_20 = arith.constant 0 : i32
    %dma_wait3A_21 = tpu.memref_slice %arg9[%dma_wait3A, %dma_wait3A_20] : memref<8x16xi32, #tpu.memory_space<vmem>> -> memref<1x16xi32, #tpu.memory_space<vmem>>
    %dma_wait3A_22 = tpu.memref_squeeze %dma_wait3A_21 : memref<1x16xi32, #tpu.memory_space<vmem>> -> memref<16xi32, #tpu.memory_space<vmem>>
    %dma_wait3A_23 = arith.constant 0 : i32
    %dma_wait3A_24 = arith.constant 0 : i32
    %dma_wait3A_25 = tpu.memref_slice %arg2[%dma_wait3A_23, %dma_wait3A_24] : memref<10240x2048xf32, #tpu.memory_space<hbm>> -> memref<10240x2048xf32, #tpu.memory_space<hbm>>
    tpu.wait_indirect_dma semaphore(%arg11 : memref<!tpu.dma_semaphore, #tpu.memory_space<semaphore_mem>>) src(%dma_wait3A_25 : memref<10240x2048xf32, #tpu.memory_space<hbm>>) dst(%arg7 : memref<16x2048xf32, #tpu.memory_space<vmem>>)
    %add3A_26 = arith.constant 0 : i32
    %add3A_27 = arith.addi %mul3A_6, %add3A_26 : i32
    "tpu.region"() ({
      %run_scoped3A = tpu.sem_alloc : memref<!tpu.dma_semaphore, #tpu.memory_space<semaphore_mem>>
      %dma_start3A_261 = arith.constant 0 : i32
      %dma_start3A_262 = tpu.memref_slice %arg5[%add3A_27, %dma_start3A_261] : memref<4096x2048xf32, #tpu.memory_space<hbm>> -> memref<16x2048xf32, #tpu.memory_space<hbm>>
      %dma_start3A_263 = arith.constant 0 : i32
      %dma_start3A_264 = tpu.memref_slice %arg5[%add3A_27, %dma_start3A_263] : memref<4096x2048xf32, #tpu.memory_space<hbm>> -> memref<16x2048xf32, #tpu.memory_space<hbm>>
      tpu.enqueue_dma source(%arg7 : memref<16x2048xf32, #tpu.memory_space<vmem>>) target(%dma_start3A_264 : memref<16x2048xf32, #tpu.memory_space<hbm>>) target_semaphore(%run_scoped3A : memref<!tpu.dma_semaphore, #tpu.memory_space<semaphore_mem>>)
      %dma_wait3A_265 = arith.constant 0 : i32
      %dma_wait3A_266 = tpu.memref_slice %arg5[%add3A_27, %dma_wait3A_265] : memref<4096x2048xf32, #tpu.memory_space<hbm>> -> memref<16x2048xf32, #tpu.memory_space<hbm>>
      %dma_wait3A_267 = arith.constant 0 : i32
      %dma_wait3A_268 = tpu.memref_slice %arg5[%add3A_27, %dma_wait3A_267] : memref<4096x2048xf32, #tpu.memory_space<hbm>> -> memref<16x2048xf32, #tpu.memory_space<hbm>>
      tpu.wait_dma2 semaphore(%run_scoped3A : memref<!tpu.dma_semaphore, #tpu.memory_space<semaphore_mem>>) src(%arg7 : memref<16x2048xf32, #tpu.memory_space<vmem>>) dst(%dma_wait3A_268 : memref<16x2048xf32, #tpu.memory_space<hbm>>)
      tpu.yield
    }) : () -> ()
    %dma_wait3A_28 = arith.constant 0 : i32
    %dma_wait3A_29 = arith.constant 0 : i32
    %dma_wait3A_30 = tpu.memref_slice %arg10[%dma_wait3A_28, %dma_wait3A_29] : memref<8x16xi32, #tpu.memory_space<vmem>> -> memref<1x16xi32, #tpu.memory_space<vmem>>
    %dma_wait3A_31 = tpu.memref_squeeze %dma_wait3A_30 : memref<1x16xi32, #tpu.memory_space<vmem>> -> memref<16xi32, #tpu.memory_space<vmem>>
    %dma_wait3A_32 = arith.constant 0 : i32
    %dma_wait3A_33 = arith.constant 0 : i32
    %dma_wait3A_34 = tpu.memref_slice %arg2[%dma_wait3A_32, %dma_wait3A_33] : memref<10240x2048xf32, #tpu.memory_space<hbm>> -> memref<10240x2048xf32, #tpu.memory_space<hbm>>
    tpu.wait_indirect_dma semaphore(%arg12 : memref<!tpu.dma_semaphore, #tpu.memory_space<semaphore_mem>>) src(%dma_wait3A_34 : memref<10240x2048xf32, #tpu.memory_space<hbm>>) dst(%arg8 : memref<16x2048xf32, #tpu.memory_space<vmem>>)
    %add3A_35 = arith.constant 0 : i32
    %add3A_36 = arith.addi %mul3A_6, %add3A_35 : i32
    "tpu.region"() ({
      %run_scoped3A = tpu.sem_alloc : memref<!tpu.dma_semaphore, #tpu.memory_space<semaphore_mem>>
      %dma_start3A_261 = arith.constant 0 : i32
      %dma_start3A_262 = tpu.memref_slice %arg6[%add3A_36, %dma_start3A_261] : memref<4096x2048xf32, #tpu.memory_space<hbm>> -> memref<16x2048xf32, #tpu.memory_space<hbm>>
      %dma_start3A_263 = arith.constant 0 : i32
      %dma_start3A_264 = tpu.memref_slice %arg6[%add3A_36, %dma_start3A_263] : memref<4096x2048xf32, #tpu.memory_space<hbm>> -> memref<16x2048xf32, #tpu.memory_space<hbm>>
      tpu.enqueue_dma source(%arg8 : memref<16x2048xf32, #tpu.memory_space<vmem>>) target(%dma_start3A_264 : memref<16x2048xf32, #tpu.memory_space<hbm>>) target_semaphore(%run_scoped3A : memref<!tpu.dma_semaphore, #tpu.memory_space<semaphore_mem>>)
      %dma_wait3A_265 = arith.constant 0 : i32
      %dma_wait3A_266 = tpu.memref_slice %arg6[%add3A_36, %dma_wait3A_265] : memref<4096x2048xf32, #tpu.memory_space<hbm>> -> memref<16x2048xf32, #tpu.memory_space<hbm>>
      %dma_wait3A_267 = arith.constant 0 : i32
      %dma_wait3A_268 = tpu.memref_slice %arg6[%add3A_36, %dma_wait3A_267] : memref<4096x2048xf32, #tpu.memory_space<hbm>> -> memref<16x2048xf32, #tpu.memory_space<hbm>>
      tpu.wait_dma2 semaphore(%run_scoped3A : memref<!tpu.dma_semaphore, #tpu.memory_space<semaphore_mem>>) src(%arg8 : memref<16x2048xf32, #tpu.memory_space<vmem>>) dst(%dma_wait3A_268 : memref<16x2048xf32, #tpu.memory_space<hbm>>)
      tpu.yield
    }) : () -> ()
    %dma_start3A_37 = arith.constant 1 : i32
    %dma_start3A_38 = arith.constant 0 : i32
    %dma_start3A_39 = tpu.memref_slice %arg9[%dma_start3A_37, %dma_start3A_38] : memref<8x16xi32, #tpu.memory_space<vmem>> -> memref<1x16xi32, #tpu.memory_space<vmem>>
    %dma_start3A_40 = tpu.memref_squeeze %dma_start3A_39 : memref<1x16xi32, #tpu.memory_space<vmem>> -> memref<16xi32, #tpu.memory_space<vmem>>
    %dma_start3A_41 = arith.constant 0 : i32
    %dma_start3A_42 = arith.constant 0 : i32
    %dma_start3A_43 = tpu.memref_slice %arg2[%dma_start3A_41, %dma_start3A_42] : memref<10240x2048xf32, #tpu.memory_space<hbm>> -> memref<10240x2048xf32, #tpu.memory_space<hbm>>
    tpu.enqueue_indirect_dma source(%dma_start3A_43 : memref<10240x2048xf32, #tpu.memory_space<hbm>>) target(%arg7 : memref<16x2048xf32, #tpu.memory_space<vmem>>) offsets(%dma_start3A_40 : memref<16xi32, #tpu.memory_space<vmem>>) semaphore(%arg11 : memref<!tpu.dma_semaphore, #tpu.memory_space<semaphore_mem>>)
    %dma_start3A_44 = arith.constant 1 : i32
    %dma_start3A_45 = arith.constant 0 : i32
    %dma_start3A_46 = tpu.memref_slice %arg10[%dma_start3A_44, %dma_start3A_45] : memref<8x16xi32, #tpu.memory_space<vmem>> -> memref<1x16xi32, #tpu.memory_space<vmem>>
    %dma_start3A_47 = tpu.memref_squeeze %dma_start3A_46 : memref<1x16xi32, #tpu.memory_space<vmem>> -> memref<16xi32, #tpu.memory_space<vmem>>
    %dma_start3A_48 = arith.constant 0 : i32
    %dma_start3A_49 = arith.constant 0 : i32
    %dma_start3A_50 = tpu.memref_slice %arg2[%dma_start3A_48, %dma_start3A_49] : memref<10240x2048xf32, #tpu.memory_space<hbm>> -> memref<10240x2048xf32, #tpu.memory_space<hbm>>
    tpu.enqueue_indirect_dma source(%dma_start3A_50 : memref<10240x2048xf32, #tpu.memory_space<hbm>>) target(%arg8 : memref<16x2048xf32, #tpu.memory_space<vmem>>) offsets(%dma_start3A_47 : memref<16xi32, #tpu.memory_space<vmem>>) semaphore(%arg12 : memref<!tpu.dma_semaphore, #tpu.memory_space<semaphore_mem>>)
    %dma_wait3A_51 = arith.constant 1 : i32
    %dma_wait3A_52 = arith.constant 0 : i32
    %dma_wait3A_53 = tpu.memref_slice %arg9[%dma_wait3A_51, %dma_wait3A_52] : memref<8x16xi32, #tpu.memory_space<vmem>> -> memref<1x16xi32, #tpu.memory_space<vmem>>
    %dma_wait3A_54 = tpu.memref_squeeze %dma_wait3A_53 : memref<1x16xi32, #tpu.memory_space<vmem>> -> memref<16xi32, #tpu.memory_space<vmem>>
    %dma_wait3A_55 = arith.constant 0 : i32
    %dma_wait3A_56 = arith.constant 0 : i32
    %dma_wait3A_57 = tpu.memref_slice %arg2[%dma_wait3A_55, %dma_wait3A_56] : memref<10240x2048xf32, #tpu.memory_space<hbm>> -> memref<10240x2048xf32, #tpu.memory_space<hbm>>
    tpu.wait_indirect_dma semaphore(%arg11 : memref<!tpu.dma_semaphore, #tpu.memory_space<semaphore_mem>>) src(%dma_wait3A_57 : memref<10240x2048xf32, #tpu.memory_space<hbm>>) dst(%arg7 : memref<16x2048xf32, #tpu.memory_space<vmem>>)
    %add3A_58 = arith.constant 16 : i32
    %add3A_59 = arith.addi %mul3A_6, %add3A_58 : i32
    "tpu.region"() ({
      %run_scoped3A = tpu.sem_alloc : memref<!tpu.dma_semaphore, #tpu.memory_space<semaphore_mem>>
      %dma_start3A_261 = arith.constant 0 : i32
      %dma_start3A_262 = tpu.memref_slice %arg5[%add3A_59, %dma_start3A_261] : memref<4096x2048xf32, #tpu.memory_space<hbm>> -> memref<16x2048xf32, #tpu.memory_space<hbm>>
      %dma_start3A_263 = arith.constant 0 : i32
      %dma_start3A_264 = tpu.memref_slice %arg5[%add3A_59, %dma_start3A_263] : memref<4096x2048xf32, #tpu.memory_space<hbm>> -> memref<16x2048xf32, #tpu.memory_space<hbm>>
      tpu.enqueue_dma source(%arg7 : memref<16x2048xf32, #tpu.memory_space<vmem>>) target(%dma_start3A_264 : memref<16x2048xf32, #tpu.memory_space<hbm>>) target_semaphore(%run_scoped3A : memref<!tpu.dma_semaphore, #tpu.memory_space<semaphore_mem>>)
      %dma_wait3A_265 = arith.constant 0 : i32
      %dma_wait3A_266 = tpu.memref_slice %arg5[%add3A_59, %dma_wait3A_265] : memref<4096x2048xf32, #tpu.memory_space<hbm>> -> memref<16x2048xf32, #tpu.memory_space<hbm>>
      %dma_wait3A_267 = arith.constant 0 : i32
      %dma_wait3A_268 = tpu.memref_slice %arg5[%add3A_59, %dma_wait3A_267] : memref<4096x2048xf32, #tpu.memory_space<hbm>> -> memref<16x2048xf32, #tpu.memory_space<hbm>>
      tpu.wait_dma2 semaphore(%run_scoped3A : memref<!tpu.dma_semaphore, #tpu.memory_space<semaphore_mem>>) src(%arg7 : memref<16x2048xf32, #tpu.memory_space<vmem>>) dst(%dma_wait3A_268 : memref<16x2048xf32, #tpu.memory_space<hbm>>)
      tpu.yield
    }) : () -> ()
    %dma_wait3A_60 = arith.constant 1 : i32
    %dma_wait3A_61 = arith.constant 0 : i32
    %dma_wait3A_62 = tpu.memref_slice %arg10[%dma_wait3A_60, %dma_wait3A_61] : memref<8x16xi32, #tpu.memory_space<vmem>> -> memref<1x16xi32, #tpu.memory_space<vmem>>
    %dma_wait3A_63 = tpu.memref_squeeze %dma_wait3A_62 : memref<1x16xi32, #tpu.memory_space<vmem>> -> memref<16xi32, #tpu.memory_space<vmem>>
    %dma_wait3A_64 = arith.constant 0 : i32
    %dma_wait3A_65 = arith.constant 0 : i32
    %dma_wait3A_66 = tpu.memref_slice %arg2[%dma_wait3A_64, %dma_wait3A_65] : memref<10240x2048xf32, #tpu.memory_space<hbm>> -> memref<10240x2048xf32, #tpu.memory_space<hbm>>
    tpu.wait_indirect_dma semaphore(%arg12 : memref<!tpu.dma_semaphore, #tpu.memory_space<semaphore_mem>>) src(%dma_wait3A_66 : memref<10240x2048xf32, #tpu.memory_space<hbm>>) dst(%arg8 : memref<16x2048xf32, #tpu.memory_space<vmem>>)
    %add3A_67 = arith.constant 16 : i32
    %add3A_68 = arith.addi %mul3A_6, %add3A_67 : i32
    "tpu.region"() ({
      %run_scoped3A = tpu.sem_alloc : memref<!tpu.dma_semaphore, #tpu.memory_space<semaphore_mem>>
      %dma_start3A_261 = arith.constant 0 : i32
      %dma_start3A_262 = tpu.memref_slice %arg6[%add3A_68, %dma_start3A_261] : memref<4096x2048xf32, #tpu.memory_space<hbm>> -> memref<16x2048xf32, #tpu.memory_space<hbm>>
      %dma_start3A_263 = arith.constant 0 : i32
      %dma_start3A_264 = tpu.memref_slice %arg6[%add3A_68, %dma_start3A_263] : memref<4096x2048xf32, #tpu.memory_space<hbm>> -> memref<16x2048xf32, #tpu.memory_space<hbm>>
      tpu.enqueue_dma source(%arg8 : memref<16x2048xf32, #tpu.memory_space<vmem>>) target(%dma_start3A_264 : memref<16x2048xf32, #tpu.memory_space<hbm>>) target_semaphore(%run_scoped3A : memref<!tpu.dma_semaphore, #tpu.memory_space<semaphore_mem>>)
      %dma_wait3A_265 = arith.constant 0 : i32
      %dma_wait3A_266 = tpu.memref_slice %arg6[%add3A_68, %dma_wait3A_265] : memref<4096x2048xf32, #tpu.memory_space<hbm>> -> memref<16x2048xf32, #tpu.memory_space<hbm>>
      %dma_wait3A_267 = arith.constant 0 : i32
      %dma_wait3A_268 = tpu.memref_slice %arg6[%add3A_68, %dma_wait3A_267] : memref<4096x2048xf32, #tpu.memory_space<hbm>> -> memref<16x2048xf32, #tpu.memory_space<hbm>>
      tpu.wait_dma2 semaphore(%run_scoped3A : memref<!tpu.dma_semaphore, #tpu.memory_space<semaphore_mem>>) src(%arg8 : memref<16x2048xf32, #tpu.memory_space<vmem>>) dst(%dma_wait3A_268 : memref<16x2048xf32, #tpu.memory_space<hbm>>)
      tpu.yield
    }) : () -> ()
    %dma_start3A_69 = arith.constant 2 : i32
    %dma_start3A_70 = arith.constant 0 : i32
    %dma_start3A_71 = tpu.memref_slice %arg9[%dma_start3A_69, %dma_start3A_70] : memref<8x16xi32, #tpu.memory_space<vmem>> -> memref<1x16xi32, #tpu.memory_space<vmem>>
    %dma_start3A_72 = tpu.memref_squeeze %dma_start3A_71 : memref<1x16xi32, #tpu.memory_space<vmem>> -> memref<16xi32, #tpu.memory_space<vmem>>
    %dma_start3A_73 = arith.constant 0 : i32
    %dma_start3A_74 = arith.constant 0 : i32
    %dma_start3A_75 = tpu.memref_slice %arg2[%dma_start3A_73, %dma_start3A_74] : memref<10240x2048xf32, #tpu.memory_space<hbm>> -> memref<10240x2048xf32, #tpu.memory_space<hbm>>
    tpu.enqueue_indirect_dma source(%dma_start3A_75 : memref<10240x2048xf32, #tpu.memory_space<hbm>>) target(%arg7 : memref<16x2048xf32, #tpu.memory_space<vmem>>) offsets(%dma_start3A_72 : memref<16xi32, #tpu.memory_space<vmem>>) semaphore(%arg11 : memref<!tpu.dma_semaphore, #tpu.memory_space<semaphore_mem>>)
    %dma_start3A_76 = arith.constant 2 : i32
    %dma_start3A_77 = arith.constant 0 : i32
    %dma_start3A_78 = tpu.memref_slice %arg10[%dma_start3A_76, %dma_start3A_77] : memref<8x16xi32, #tpu.memory_space<vmem>> -> memref<1x16xi32, #tpu.memory_space<vmem>>
    %dma_start3A_79 = tpu.memref_squeeze %dma_start3A_78 : memref<1x16xi32, #tpu.memory_space<vmem>> -> memref<16xi32, #tpu.memory_space<vmem>>
    %dma_start3A_80 = arith.constant 0 : i32
    %dma_start3A_81 = arith.constant 0 : i32
    %dma_start3A_82 = tpu.memref_slice %arg2[%dma_start3A_80, %dma_start3A_81] : memref<10240x2048xf32, #tpu.memory_space<hbm>> -> memref<10240x2048xf32, #tpu.memory_space<hbm>>
    tpu.enqueue_indirect_dma source(%dma_start3A_82 : memref<10240x2048xf32, #tpu.memory_space<hbm>>) target(%arg8 : memref<16x2048xf32, #tpu.memory_space<vmem>>) offsets(%dma_start3A_79 : memref<16xi32, #tpu.memory_space<vmem>>) semaphore(%arg12 : memref<!tpu.dma_semaphore, #tpu.memory_space<semaphore_mem>>)
    %dma_wait3A_83 = arith.constant 2 : i32
    %dma_wait3A_84 = arith.constant 0 : i32
    %dma_wait3A_85 = tpu.memref_slice %arg9[%dma_wait3A_83, %dma_wait3A_84] : memref<8x16xi32, #tpu.memory_space<vmem>> -> memref<1x16xi32, #tpu.memory_space<vmem>>
    %dma_wait3A_86 = tpu.memref_squeeze %dma_wait3A_85 : memref<1x16xi32, #tpu.memory_space<vmem>> -> memref<16xi32, #tpu.memory_space<vmem>>
    %dma_wait3A_87 = arith.constant 0 : i32
    %dma_wait3A_88 = arith.constant 0 : i32
    %dma_wait3A_89 = tpu.memref_slice %arg2[%dma_wait3A_87, %dma_wait3A_88] : memref<10240x2048xf32, #tpu.memory_space<hbm>> -> memref<10240x2048xf32, #tpu.memory_space<hbm>>
    tpu.wait_indirect_dma semaphore(%arg11 : memref<!tpu.dma_semaphore, #tpu.memory_space<semaphore_mem>>) src(%dma_wait3A_89 : memref<10240x2048xf32, #tpu.memory_space<hbm>>) dst(%arg7 : memref<16x2048xf32, #tpu.memory_space<vmem>>)
    %add3A_90 = arith.constant 32 : i32
    %add3A_91 = arith.addi %mul3A_6, %add3A_90 : i32
    "tpu.region"() ({
      %run_scoped3A = tpu.sem_alloc : memref<!tpu.dma_semaphore, #tpu.memory_space<semaphore_mem>>
      %dma_start3A_261 = arith.constant 0 : i32
      %dma_start3A_262 = tpu.memref_slice %arg5[%add3A_91, %dma_start3A_261] : memref<4096x2048xf32, #tpu.memory_space<hbm>> -> memref<16x2048xf32, #tpu.memory_space<hbm>>
      %dma_start3A_263 = arith.constant 0 : i32
      %dma_start3A_264 = tpu.memref_slice %arg5[%add3A_91, %dma_start3A_263] : memref<4096x2048xf32, #tpu.memory_space<hbm>> -> memref<16x2048xf32, #tpu.memory_space<hbm>>
      tpu.enqueue_dma source(%arg7 : memref<16x2048xf32, #tpu.memory_space<vmem>>) target(%dma_start3A_264 : memref<16x2048xf32, #tpu.memory_space<hbm>>) target_semaphore(%run_scoped3A : memref<!tpu.dma_semaphore, #tpu.memory_space<semaphore_mem>>)
      %dma_wait3A_265 = arith.constant 0 : i32
      %dma_wait3A_266 = tpu.memref_slice %arg5[%add3A_91, %dma_wait3A_265] : memref<4096x2048xf32, #tpu.memory_space<hbm>> -> memref<16x2048xf32, #tpu.memory_space<hbm>>
      %dma_wait3A_267 = arith.constant 0 : i32
      %dma_wait3A_268 = tpu.memref_slice %arg5[%add3A_91, %dma_wait3A_267] : memref<4096x2048xf32, #tpu.memory_space<hbm>> -> memref<16x2048xf32, #tpu.memory_space<hbm>>
      tpu.wait_dma2 semaphore(%run_scoped3A : memref<!tpu.dma_semaphore, #tpu.memory_space<semaphore_mem>>) src(%arg7 : memref<16x2048xf32, #tpu.memory_space<vmem>>) dst(%dma_wait3A_268 : memref<16x2048xf32, #tpu.memory_space<hbm>>)
      tpu.yield
    }) : () -> ()
    %dma_wait3A_92 = arith.constant 2 : i32
    %dma_wait3A_93 = arith.constant 0 : i32
    %dma_wait3A_94 = tpu.memref_slice %arg10[%dma_wait3A_92, %dma_wait3A_93] : memref<8x16xi32, #tpu.memory_space<vmem>> -> memref<1x16xi32, #tpu.memory_space<vmem>>
    %dma_wait3A_95 = tpu.memref_squeeze %dma_wait3A_94 : memref<1x16xi32, #tpu.memory_space<vmem>> -> memref<16xi32, #tpu.memory_space<vmem>>
    %dma_wait3A_96 = arith.constant 0 : i32
    %dma_wait3A_97 = arith.constant 0 : i32
    %dma_wait3A_98 = tpu.memref_slice %arg2[%dma_wait3A_96, %dma_wait3A_97] : memref<10240x2048xf32, #tpu.memory_space<hbm>> -> memref<10240x2048xf32, #tpu.memory_space<hbm>>
    tpu.wait_indirect_dma semaphore(%arg12 : memref<!tpu.dma_semaphore, #tpu.memory_space<semaphore_mem>>) src(%dma_wait3A_98 : memref<10240x2048xf32, #tpu.memory_space<hbm>>) dst(%arg8 : memref<16x2048xf32, #tpu.memory_space<vmem>>)
    %add3A_99 = arith.constant 32 : i32
    %add3A_100 = arith.addi %mul3A_6, %add3A_99 : i32
    "tpu.region"() ({
      %run_scoped3A = tpu.sem_alloc : memref<!tpu.dma_semaphore, #tpu.memory_space<semaphore_mem>>
      %dma_start3A_261 = arith.constant 0 : i32
      %dma_start3A_262 = tpu.memref_slice %arg6[%add3A_100, %dma_start3A_261] : memref<4096x2048xf32, #tpu.memory_space<hbm>> -> memref<16x2048xf32, #tpu.memory_space<hbm>>
      %dma_start3A_263 = arith.constant 0 : i32
      %dma_start3A_264 = tpu.memref_slice %arg6[%add3A_100, %dma_start3A_263] : memref<4096x2048xf32, #tpu.memory_space<hbm>> -> memref<16x2048xf32, #tpu.memory_space<hbm>>
      tpu.enqueue_dma source(%arg8 : memref<16x2048xf32, #tpu.memory_space<vmem>>) target(%dma_start3A_264 : memref<16x2048xf32, #tpu.memory_space<hbm>>) target_semaphore(%run_scoped3A : memref<!tpu.dma_semaphore, #tpu.memory_space<semaphore_mem>>)
      %dma_wait3A_265 = arith.constant 0 : i32
      %dma_wait3A_266 = tpu.memref_slice %arg6[%add3A_100, %dma_wait3A_265] : memref<4096x2048xf32, #tpu.memory_space<hbm>> -> memref<16x2048xf32, #tpu.memory_space<hbm>>
      %dma_wait3A_267 = arith.constant 0 : i32
      %dma_wait3A_268 = tpu.memref_slice %arg6[%add3A_100, %dma_wait3A_267] : memref<4096x2048xf32, #tpu.memory_space<hbm>> -> memref<16x2048xf32, #tpu.memory_space<hbm>>
      tpu.wait_dma2 semaphore(%run_scoped3A : memref<!tpu.dma_semaphore, #tpu.memory_space<semaphore_mem>>) src(%arg8 : memref<16x2048xf32, #tpu.memory_space<vmem>>) dst(%dma_wait3A_268 : memref<16x2048xf32, #tpu.memory_space<hbm>>)
      tpu.yield
    }) : () -> ()
    %dma_start3A_101 = arith.constant 3 : i32
    %dma_start3A_102 = arith.constant 0 : i32
    %dma_start3A_103 = tpu.memref_slice %arg9[%dma_start3A_101, %dma_start3A_102] : memref<8x16xi32, #tpu.memory_space<vmem>> -> memref<1x16xi32, #tpu.memory_space<vmem>>
    %dma_start3A_104 = tpu.memref_squeeze %dma_start3A_103 : memref<1x16xi32, #tpu.memory_space<vmem>> -> memref<16xi32, #tpu.memory_space<vmem>>
    %dma_start3A_105 = arith.constant 0 : i32
    %dma_start3A_106 = arith.constant 0 : i32
    %dma_start3A_107 = tpu.memref_slice %arg2[%dma_start3A_105, %dma_start3A_106] : memref<10240x2048xf32, #tpu.memory_space<hbm>> -> memref<10240x2048xf32, #tpu.memory_space<hbm>>
    tpu.enqueue_indirect_dma source(%dma_start3A_107 : memref<10240x2048xf32, #tpu.memory_space<hbm>>) target(%arg7 : memref<16x2048xf32, #tpu.memory_space<vmem>>) offsets(%dma_start3A_104 : memref<16xi32, #tpu.memory_space<vmem>>) semaphore(%arg11 : memref<!tpu.dma_semaphore, #tpu.memory_space<semaphore_mem>>)
    %dma_start3A_108 = arith.constant 3 : i32
    %dma_start3A_109 = arith.constant 0 : i32
    %dma_start3A_110 = tpu.memref_slice %arg10[%dma_start3A_108, %dma_start3A_109] : memref<8x16xi32, #tpu.memory_space<vmem>> -> memref<1x16xi32, #tpu.memory_space<vmem>>
    %dma_start3A_111 = tpu.memref_squeeze %dma_start3A_110 : memref<1x16xi32, #tpu.memory_space<vmem>> -> memref<16xi32, #tpu.memory_space<vmem>>
    %dma_start3A_112 = arith.constant 0 : i32
    %dma_start3A_113 = arith.constant 0 : i32
    %dma_start3A_114 = tpu.memref_slice %arg2[%dma_start3A_112, %dma_start3A_113] : memref<10240x2048xf32, #tpu.memory_space<hbm>> -> memref<10240x2048xf32, #tpu.memory_space<hbm>>
    tpu.enqueue_indirect_dma source(%dma_start3A_114 : memref<10240x2048xf32, #tpu.memory_space<hbm>>) target(%arg8 : memref<16x2048xf32, #tpu.memory_space<vmem>>) offsets(%dma_start3A_111 : memref<16xi32, #tpu.memory_space<vmem>>) semaphore(%arg12 : memref<!tpu.dma_semaphore, #tpu.memory_space<semaphore_mem>>)
    %dma_wait3A_115 = arith.constant 3 : i32
    %dma_wait3A_116 = arith.constant 0 : i32
    %dma_wait3A_117 = tpu.memref_slice %arg9[%dma_wait3A_115, %dma_wait3A_116] : memref<8x16xi32, #tpu.memory_space<vmem>> -> memref<1x16xi32, #tpu.memory_space<vmem>>
    %dma_wait3A_118 = tpu.memref_squeeze %dma_wait3A_117 : memref<1x16xi32, #tpu.memory_space<vmem>> -> memref<16xi32, #tpu.memory_space<vmem>>
    %dma_wait3A_119 = arith.constant 0 : i32
    %dma_wait3A_120 = arith.constant 0 : i32
    %dma_wait3A_121 = tpu.memref_slice %arg2[%dma_wait3A_119, %dma_wait3A_120] : memref<10240x2048xf32, #tpu.memory_space<hbm>> -> memref<10240x2048xf32, #tpu.memory_space<hbm>>
    tpu.wait_indirect_dma semaphore(%arg11 : memref<!tpu.dma_semaphore, #tpu.memory_space<semaphore_mem>>) src(%dma_wait3A_121 : memref<10240x2048xf32, #tpu.memory_space<hbm>>) dst(%arg7 : memref<16x2048xf32, #tpu.memory_space<vmem>>)
    %add3A_122 = arith.constant 48 : i32
    %add3A_123 = arith.addi %mul3A_6, %add3A_122 : i32
    "tpu.region"() ({
      %run_scoped3A = tpu.sem_alloc : memref<!tpu.dma_semaphore, #tpu.memory_space<semaphore_mem>>
      %dma_start3A_261 = arith.constant 0 : i32
      %dma_start3A_262 = tpu.memref_slice %arg5[%add3A_123, %dma_start3A_261] : memref<4096x2048xf32, #tpu.memory_space<hbm>> -> memref<16x2048xf32, #tpu.memory_space<hbm>>
      %dma_start3A_263 = arith.constant 0 : i32
      %dma_start3A_264 = tpu.memref_slice %arg5[%add3A_123, %dma_start3A_263] : memref<4096x2048xf32, #tpu.memory_space<hbm>> -> memref<16x2048xf32, #tpu.memory_space<hbm>>
      tpu.enqueue_dma source(%arg7 : memref<16x2048xf32, #tpu.memory_space<vmem>>) target(%dma_start3A_264 : memref<16x2048xf32, #tpu.memory_space<hbm>>) target_semaphore(%run_scoped3A : memref<!tpu.dma_semaphore, #tpu.memory_space<semaphore_mem>>)
      %dma_wait3A_265 = arith.constant 0 : i32
      %dma_wait3A_266 = tpu.memref_slice %arg5[%add3A_123, %dma_wait3A_265] : memref<4096x2048xf32, #tpu.memory_space<hbm>> -> memref<16x2048xf32, #tpu.memory_space<hbm>>
      %dma_wait3A_267 = arith.constant 0 : i32
      %dma_wait3A_268 = tpu.memref_slice %arg5[%add3A_123, %dma_wait3A_267] : memref<4096x2048xf32, #tpu.memory_space<hbm>> -> memref<16x2048xf32, #tpu.memory_space<hbm>>
      tpu.wait_dma2 semaphore(%run_scoped3A : memref<!tpu.dma_semaphore, #tpu.memory_space<semaphore_mem>>) src(%arg7 : memref<16x2048xf32, #tpu.memory_space<vmem>>) dst(%dma_wait3A_268 : memref<16x2048xf32, #tpu.memory_space<hbm>>)
      tpu.yield
    }) : () -> ()
    %dma_wait3A_124 = arith.constant 3 : i32
    %dma_wait3A_125 = arith.constant 0 : i32
    %dma_wait3A_126 = tpu.memref_slice %arg10[%dma_wait3A_124, %dma_wait3A_125] : memref<8x16xi32, #tpu.memory_space<vmem>> -> memref<1x16xi32, #tpu.memory_space<vmem>>
    %dma_wait3A_127 = tpu.memref_squeeze %dma_wait3A_126 : memref<1x16xi32, #tpu.memory_space<vmem>> -> memref<16xi32, #tpu.memory_space<vmem>>
    %dma_wait3A_128 = arith.constant 0 : i32
    %dma_wait3A_129 = arith.constant 0 : i32
    %dma_wait3A_130 = tpu.memref_slice %arg2[%dma_wait3A_128, %dma_wait3A_129] : memref<10240x2048xf32, #tpu.memory_space<hbm>> -> memref<10240x2048xf32, #tpu.memory_space<hbm>>
    tpu.wait_indirect_dma semaphore(%arg12 : memref<!tpu.dma_semaphore, #tpu.memory_space<semaphore_mem>>) src(%dma_wait3A_130 : memref<10240x2048xf32, #tpu.memory_space<hbm>>) dst(%arg8 : memref<16x2048xf32, #tpu.memory_space<vmem>>)
    %add3A_131 = arith.constant 48 : i32
    %add3A_132 = arith.addi %mul3A_6, %add3A_131 : i32
    "tpu.region"() ({
      %run_scoped3A = tpu.sem_alloc : memref<!tpu.dma_semaphore, #tpu.memory_space<semaphore_mem>>
      %dma_start3A_261 = arith.constant 0 : i32
      %dma_start3A_262 = tpu.memref_slice %arg6[%add3A_132, %dma_start3A_261] : memref<4096x2048xf32, #tpu.memory_space<hbm>> -> memref<16x2048xf32, #tpu.memory_space<hbm>>
      %dma_start3A_263 = arith.constant 0 : i32
      %dma_start3A_264 = tpu.memref_slice %arg6[%add3A_132, %dma_start3A_263] : memref<4096x2048xf32, #tpu.memory_space<hbm>> -> memref<16x2048xf32, #tpu.memory_space<hbm>>
      tpu.enqueue_dma source(%arg8 : memref<16x2048xf32, #tpu.memory_space<vmem>>) target(%dma_start3A_264 : memref<16x2048xf32, #tpu.memory_space<hbm>>) target_semaphore(%run_scoped3A : memref<!tpu.dma_semaphore, #tpu.memory_space<semaphore_mem>>)
      %dma_wait3A_265 = arith.constant 0 : i32
      %dma_wait3A_266 = tpu.memref_slice %arg6[%add3A_132, %dma_wait3A_265] : memref<4096x2048xf32, #tpu.memory_space<hbm>> -> memref<16x2048xf32, #tpu.memory_space<hbm>>
      %dma_wait3A_267 = arith.constant 0 : i32
      %dma_wait3A_268 = tpu.memref_slice %arg6[%add3A_132, %dma_wait3A_267] : memref<4096x2048xf32, #tpu.memory_space<hbm>> -> memref<16x2048xf32, #tpu.memory_space<hbm>>
      tpu.wait_dma2 semaphore(%run_scoped3A : memref<!tpu.dma_semaphore, #tpu.memory_space<semaphore_mem>>) src(%arg8 : memref<16x2048xf32, #tpu.memory_space<vmem>>) dst(%dma_wait3A_268 : memref<16x2048xf32, #tpu.memory_space<hbm>>)
      tpu.yield
    }) : () -> ()
    %dma_start3A_133 = arith.constant 4 : i32
    %dma_start3A_134 = arith.constant 0 : i32
    %dma_start3A_135 = tpu.memref_slice %arg9[%dma_start3A_133, %dma_start3A_134] : memref<8x16xi32, #tpu.memory_space<vmem>> -> memref<1x16xi32, #tpu.memory_space<vmem>>
    %dma_start3A_136 = tpu.memref_squeeze %dma_start3A_135 : memref<1x16xi32, #tpu.memory_space<vmem>> -> memref<16xi32, #tpu.memory_space<vmem>>
    %dma_start3A_137 = arith.constant 0 : i32
    %dma_start3A_138 = arith.constant 0 : i32
    %dma_start3A_139 = tpu.memref_slice %arg2[%dma_start3A_137, %dma_start3A_138] : memref<10240x2048xf32, #tpu.memory_space<hbm>> -> memref<10240x2048xf32, #tpu.memory_space<hbm>>
    tpu.enqueue_indirect_dma source(%dma_start3A_139 : memref<10240x2048xf32, #tpu.memory_space<hbm>>) target(%arg7 : memref<16x2048xf32, #tpu.memory_space<vmem>>) offsets(%dma_start3A_136 : memref<16xi32, #tpu.memory_space<vmem>>) semaphore(%arg11 : memref<!tpu.dma_semaphore, #tpu.memory_space<semaphore_mem>>)
    %dma_start3A_140 = arith.constant 4 : i32
    %dma_start3A_141 = arith.constant 0 : i32
    %dma_start3A_142 = tpu.memref_slice %arg10[%dma_start3A_140, %dma_start3A_141] : memref<8x16xi32, #tpu.memory_space<vmem>> -> memref<1x16xi32, #tpu.memory_space<vmem>>
    %dma_start3A_143 = tpu.memref_squeeze %dma_start3A_142 : memref<1x16xi32, #tpu.memory_space<vmem>> -> memref<16xi32, #tpu.memory_space<vmem>>
    %dma_start3A_144 = arith.constant 0 : i32
    %dma_start3A_145 = arith.constant 0 : i32
    %dma_start3A_146 = tpu.memref_slice %arg2[%dma_start3A_144, %dma_start3A_145] : memref<10240x2048xf32, #tpu.memory_space<hbm>> -> memref<10240x2048xf32, #tpu.memory_space<hbm>>
    tpu.enqueue_indirect_dma source(%dma_start3A_146 : memref<10240x2048xf32, #tpu.memory_space<hbm>>) target(%arg8 : memref<16x2048xf32, #tpu.memory_space<vmem>>) offsets(%dma_start3A_143 : memref<16xi32, #tpu.memory_space<vmem>>) semaphore(%arg12 : memref<!tpu.dma_semaphore, #tpu.memory_space<semaphore_mem>>)
    %dma_wait3A_147 = arith.constant 4 : i32
    %dma_wait3A_148 = arith.constant 0 : i32
    %dma_wait3A_149 = tpu.memref_slice %arg9[%dma_wait3A_147, %dma_wait3A_148] : memref<8x16xi32, #tpu.memory_space<vmem>> -> memref<1x16xi32, #tpu.memory_space<vmem>>
    %dma_wait3A_150 = tpu.memref_squeeze %dma_wait3A_149 : memref<1x16xi32, #tpu.memory_space<vmem>> -> memref<16xi32, #tpu.memory_space<vmem>>
    %dma_wait3A_151 = arith.constant 0 : i32
    %dma_wait3A_152 = arith.constant 0 : i32
    %dma_wait3A_153 = tpu.memref_slice %arg2[%dma_wait3A_151, %dma_wait3A_152] : memref<10240x2048xf32, #tpu.memory_space<hbm>> -> memref<10240x2048xf32, #tpu.memory_space<hbm>>
    tpu.wait_indirect_dma semaphore(%arg11 : memref<!tpu.dma_semaphore, #tpu.memory_space<semaphore_mem>>) src(%dma_wait3A_153 : memref<10240x2048xf32, #tpu.memory_space<hbm>>) dst(%arg7 : memref<16x2048xf32, #tpu.memory_space<vmem>>)
    %add3A_154 = arith.constant 64 : i32
    %add3A_155 = arith.addi %mul3A_6, %add3A_154 : i32
    "tpu.region"() ({
      %run_scoped3A = tpu.sem_alloc : memref<!tpu.dma_semaphore, #tpu.memory_space<semaphore_mem>>
      %dma_start3A_261 = arith.constant 0 : i32
      %dma_start3A_262 = tpu.memref_slice %arg5[%add3A_155, %dma_start3A_261] : memref<4096x2048xf32, #tpu.memory_space<hbm>> -> memref<16x2048xf32, #tpu.memory_space<hbm>>
      %dma_start3A_263 = arith.constant 0 : i32
      %dma_start3A_264 = tpu.memref_slice %arg5[%add3A_155, %dma_start3A_263] : memref<4096x2048xf32, #tpu.memory_space<hbm>> -> memref<16x2048xf32, #tpu.memory_space<hbm>>
      tpu.enqueue_dma source(%arg7 : memref<16x2048xf32, #tpu.memory_space<vmem>>) target(%dma_start3A_264 : memref<16x2048xf32, #tpu.memory_space<hbm>>) target_semaphore(%run_scoped3A : memref<!tpu.dma_semaphore, #tpu.memory_space<semaphore_mem>>)
      %dma_wait3A_265 = arith.constant 0 : i32
      %dma_wait3A_266 = tpu.memref_slice %arg5[%add3A_155, %dma_wait3A_265] : memref<4096x2048xf32, #tpu.memory_space<hbm>> -> memref<16x2048xf32, #tpu.memory_space<hbm>>
      %dma_wait3A_267 = arith.constant 0 : i32
      %dma_wait3A_268 = tpu.memref_slice %arg5[%add3A_155, %dma_wait3A_267] : memref<4096x2048xf32, #tpu.memory_space<hbm>> -> memref<16x2048xf32, #tpu.memory_space<hbm>>
      tpu.wait_dma2 semaphore(%run_scoped3A : memref<!tpu.dma_semaphore, #tpu.memory_space<semaphore_mem>>) src(%arg7 : memref<16x2048xf32, #tpu.memory_space<vmem>>) dst(%dma_wait3A_268 : memref<16x2048xf32, #tpu.memory_space<hbm>>)
      tpu.yield
    }) : () -> ()
    %dma_wait3A_156 = arith.constant 4 : i32
    %dma_wait3A_157 = arith.constant 0 : i32
    %dma_wait3A_158 = tpu.memref_slice %arg10[%dma_wait3A_156, %dma_wait3A_157] : memref<8x16xi32, #tpu.memory_space<vmem>> -> memref<1x16xi32, #tpu.memory_space<vmem>>
    %dma_wait3A_159 = tpu.memref_squeeze %dma_wait3A_158 : memref<1x16xi32, #tpu.memory_space<vmem>> -> memref<16xi32, #tpu.memory_space<vmem>>
    %dma_wait3A_160 = arith.constant 0 : i32
    %dma_wait3A_161 = arith.constant 0 : i32
    %dma_wait3A_162 = tpu.memref_slice %arg2[%dma_wait3A_160, %dma_wait3A_161] : memref<10240x2048xf32, #tpu.memory_space<hbm>> -> memref<10240x2048xf32, #tpu.memory_space<hbm>>
    tpu.wait_indirect_dma semaphore(%arg12 : memref<!tpu.dma_semaphore, #tpu.memory_space<semaphore_mem>>) src(%dma_wait3A_162 : memref<10240x2048xf32, #tpu.memory_space<hbm>>) dst(%arg8 : memref<16x2048xf32, #tpu.memory_space<vmem>>)
    %add3A_163 = arith.constant 64 : i32
    %add3A_164 = arith.addi %mul3A_6, %add3A_163 : i32
    "tpu.region"() ({
      %run_scoped3A = tpu.sem_alloc : memref<!tpu.dma_semaphore, #tpu.memory_space<semaphore_mem>>
      %dma_start3A_261 = arith.constant 0 : i32
      %dma_start3A_262 = tpu.memref_slice %arg6[%add3A_164, %dma_start3A_261] : memref<4096x2048xf32, #tpu.memory_space<hbm>> -> memref<16x2048xf32, #tpu.memory_space<hbm>>
      %dma_start3A_263 = arith.constant 0 : i32
      %dma_start3A_264 = tpu.memref_slice %arg6[%add3A_164, %dma_start3A_263] : memref<4096x2048xf32, #tpu.memory_space<hbm>> -> memref<16x2048xf32, #tpu.memory_space<hbm>>
      tpu.enqueue_dma source(%arg8 : memref<16x2048xf32, #tpu.memory_space<vmem>>) target(%dma_start3A_264 : memref<16x2048xf32, #tpu.memory_space<hbm>>) target_semaphore(%run_scoped3A : memref<!tpu.dma_semaphore, #tpu.memory_space<semaphore_mem>>)
      %dma_wait3A_265 = arith.constant 0 : i32
      %dma_wait3A_266 = tpu.memref_slice %arg6[%add3A_164, %dma_wait3A_265] : memref<4096x2048xf32, #tpu.memory_space<hbm>> -> memref<16x2048xf32, #tpu.memory_space<hbm>>
      %dma_wait3A_267 = arith.constant 0 : i32
      %dma_wait3A_268 = tpu.memref_slice %arg6[%add3A_164, %dma_wait3A_267] : memref<4096x2048xf32, #tpu.memory_space<hbm>> -> memref<16x2048xf32, #tpu.memory_space<hbm>>
      tpu.wait_dma2 semaphore(%run_scoped3A : memref<!tpu.dma_semaphore, #tpu.memory_space<semaphore_mem>>) src(%arg8 : memref<16x2048xf32, #tpu.memory_space<vmem>>) dst(%dma_wait3A_268 : memref<16x2048xf32, #tpu.memory_space<hbm>>)
      tpu.yield
    }) : () -> ()
    %dma_start3A_165 = arith.constant 5 : i32
    %dma_start3A_166 = arith.constant 0 : i32
    %dma_start3A_167 = tpu.memref_slice %arg9[%dma_start3A_165, %dma_start3A_166] : memref<8x16xi32, #tpu.memory_space<vmem>> -> memref<1x16xi32, #tpu.memory_space<vmem>>
    %dma_start3A_168 = tpu.memref_squeeze %dma_start3A_167 : memref<1x16xi32, #tpu.memory_space<vmem>> -> memref<16xi32, #tpu.memory_space<vmem>>
    %dma_start3A_169 = arith.constant 0 : i32
    %dma_start3A_170 = arith.constant 0 : i32
    %dma_start3A_171 = tpu.memref_slice %arg2[%dma_start3A_169, %dma_start3A_170] : memref<10240x2048xf32, #tpu.memory_space<hbm>> -> memref<10240x2048xf32, #tpu.memory_space<hbm>>
    tpu.enqueue_indirect_dma source(%dma_start3A_171 : memref<10240x2048xf32, #tpu.memory_space<hbm>>) target(%arg7 : memref<16x2048xf32, #tpu.memory_space<vmem>>) offsets(%dma_start3A_168 : memref<16xi32, #tpu.memory_space<vmem>>) semaphore(%arg11 : memref<!tpu.dma_semaphore, #tpu.memory_space<semaphore_mem>>)
    %dma_start3A_172 = arith.constant 5 : i32
    %dma_start3A_173 = arith.constant 0 : i32
    %dma_start3A_174 = tpu.memref_slice %arg10[%dma_start3A_172, %dma_start3A_173] : memref<8x16xi32, #tpu.memory_space<vmem>> -> memref<1x16xi32, #tpu.memory_space<vmem>>
    %dma_start3A_175 = tpu.memref_squeeze %dma_start3A_174 : memref<1x16xi32, #tpu.memory_space<vmem>> -> memref<16xi32, #tpu.memory_space<vmem>>
    %dma_start3A_176 = arith.constant 0 : i32
    %dma_start3A_177 = arith.constant 0 : i32
    %dma_start3A_178 = tpu.memref_slice %arg2[%dma_start3A_176, %dma_start3A_177] : memref<10240x2048xf32, #tpu.memory_space<hbm>> -> memref<10240x2048xf32, #tpu.memory_space<hbm>>
    tpu.enqueue_indirect_dma source(%dma_start3A_178 : memref<10240x2048xf32, #tpu.memory_space<hbm>>) target(%arg8 : memref<16x2048xf32, #tpu.memory_space<vmem>>) offsets(%dma_start3A_175 : memref<16xi32, #tpu.memory_space<vmem>>) semaphore(%arg12 : memref<!tpu.dma_semaphore, #tpu.memory_space<semaphore_mem>>)
    %dma_wait3A_179 = arith.constant 5 : i32
    %dma_wait3A_180 = arith.constant 0 : i32
    %dma_wait3A_181 = tpu.memref_slice %arg9[%dma_wait3A_179, %dma_wait3A_180] : memref<8x16xi32, #tpu.memory_space<vmem>> -> memref<1x16xi32, #tpu.memory_space<vmem>>
    %dma_wait3A_182 = tpu.memref_squeeze %dma_wait3A_181 : memref<1x16xi32, #tpu.memory_space<vmem>> -> memref<16xi32, #tpu.memory_space<vmem>>
    %dma_wait3A_183 = arith.constant 0 : i32
    %dma_wait3A_184 = arith.constant 0 : i32
    %dma_wait3A_185 = tpu.memref_slice %arg2[%dma_wait3A_183, %dma_wait3A_184] : memref<10240x2048xf32, #tpu.memory_space<hbm>> -> memref<10240x2048xf32, #tpu.memory_space<hbm>>
    tpu.wait_indirect_dma semaphore(%arg11 : memref<!tpu.dma_semaphore, #tpu.memory_space<semaphore_mem>>) src(%dma_wait3A_185 : memref<10240x2048xf32, #tpu.memory_space<hbm>>) dst(%arg7 : memref<16x2048xf32, #tpu.memory_space<vmem>>)
    %add3A_186 = arith.constant 80 : i32
    %add3A_187 = arith.addi %mul3A_6, %add3A_186 : i32
    "tpu.region"() ({
      %run_scoped3A = tpu.sem_alloc : memref<!tpu.dma_semaphore, #tpu.memory_space<semaphore_mem>>
      %dma_start3A_261 = arith.constant 0 : i32
      %dma_start3A_262 = tpu.memref_slice %arg5[%add3A_187, %dma_start3A_261] : memref<4096x2048xf32, #tpu.memory_space<hbm>> -> memref<16x2048xf32, #tpu.memory_space<hbm>>
      %dma_start3A_263 = arith.constant 0 : i32
      %dma_start3A_264 = tpu.memref_slice %arg5[%add3A_187, %dma_start3A_263] : memref<4096x2048xf32, #tpu.memory_space<hbm>> -> memref<16x2048xf32, #tpu.memory_space<hbm>>
      tpu.enqueue_dma source(%arg7 : memref<16x2048xf32, #tpu.memory_space<vmem>>) target(%dma_start3A_264 : memref<16x2048xf32, #tpu.memory_space<hbm>>) target_semaphore(%run_scoped3A : memref<!tpu.dma_semaphore, #tpu.memory_space<semaphore_mem>>)
      %dma_wait3A_265 = arith.constant 0 : i32
      %dma_wait3A_266 = tpu.memref_slice %arg5[%add3A_187, %dma_wait3A_265] : memref<4096x2048xf32, #tpu.memory_space<hbm>> -> memref<16x2048xf32, #tpu.memory_space<hbm>>
      %dma_wait3A_267 = arith.constant 0 : i32
      %dma_wait3A_268 = tpu.memref_slice %arg5[%add3A_187, %dma_wait3A_267] : memref<4096x2048xf32, #tpu.memory_space<hbm>> -> memref<16x2048xf32, #tpu.memory_space<hbm>>
      tpu.wait_dma2 semaphore(%run_scoped3A : memref<!tpu.dma_semaphore, #tpu.memory_space<semaphore_mem>>) src(%arg7 : memref<16x2048xf32, #tpu.memory_space<vmem>>) dst(%dma_wait3A_268 : memref<16x2048xf32, #tpu.memory_space<hbm>>)
      tpu.yield
    }) : () -> ()
    %dma_wait3A_188 = arith.constant 5 : i32
    %dma_wait3A_189 = arith.constant 0 : i32
    %dma_wait3A_190 = tpu.memref_slice %arg10[%dma_wait3A_188, %dma_wait3A_189] : memref<8x16xi32, #tpu.memory_space<vmem>> -> memref<1x16xi32, #tpu.memory_space<vmem>>
    %dma_wait3A_191 = tpu.memref_squeeze %dma_wait3A_190 : memref<1x16xi32, #tpu.memory_space<vmem>> -> memref<16xi32, #tpu.memory_space<vmem>>
    %dma_wait3A_192 = arith.constant 0 : i32
    %dma_wait3A_193 = arith.constant 0 : i32
    %dma_wait3A_194 = tpu.memref_slice %arg2[%dma_wait3A_192, %dma_wait3A_193] : memref<10240x2048xf32, #tpu.memory_space<hbm>> -> memref<10240x2048xf32, #tpu.memory_space<hbm>>
    tpu.wait_indirect_dma semaphore(%arg12 : memref<!tpu.dma_semaphore, #tpu.memory_space<semaphore_mem>>) src(%dma_wait3A_194 : memref<10240x2048xf32, #tpu.memory_space<hbm>>) dst(%arg8 : memref<16x2048xf32, #tpu.memory_space<vmem>>)
    %add3A_195 = arith.constant 80 : i32
    %add3A_196 = arith.addi %mul3A_6, %add3A_195 : i32
    "tpu.region"() ({
      %run_scoped3A = tpu.sem_alloc : memref<!tpu.dma_semaphore, #tpu.memory_space<semaphore_mem>>
      %dma_start3A_261 = arith.constant 0 : i32
      %dma_start3A_262 = tpu.memref_slice %arg6[%add3A_196, %dma_start3A_261] : memref<4096x2048xf32, #tpu.memory_space<hbm>> -> memref<16x2048xf32, #tpu.memory_space<hbm>>
      %dma_start3A_263 = arith.constant 0 : i32
      %dma_start3A_264 = tpu.memref_slice %arg6[%add3A_196, %dma_start3A_263] : memref<4096x2048xf32, #tpu.memory_space<hbm>> -> memref<16x2048xf32, #tpu.memory_space<hbm>>
      tpu.enqueue_dma source(%arg8 : memref<16x2048xf32, #tpu.memory_space<vmem>>) target(%dma_start3A_264 : memref<16x2048xf32, #tpu.memory_space<hbm>>) target_semaphore(%run_scoped3A : memref<!tpu.dma_semaphore, #tpu.memory_space<semaphore_mem>>)
      %dma_wait3A_265 = arith.constant 0 : i32
      %dma_wait3A_266 = tpu.memref_slice %arg6[%add3A_196, %dma_wait3A_265] : memref<4096x2048xf32, #tpu.memory_space<hbm>> -> memref<16x2048xf32, #tpu.memory_space<hbm>>
      %dma_wait3A_267 = arith.constant 0 : i32
      %dma_wait3A_268 = tpu.memref_slice %arg6[%add3A_196, %dma_wait3A_267] : memref<4096x2048xf32, #tpu.memory_space<hbm>> -> memref<16x2048xf32, #tpu.memory_space<hbm>>
      tpu.wait_dma2 semaphore(%run_scoped3A : memref<!tpu.dma_semaphore, #tpu.memory_space<semaphore_mem>>) src(%arg8 : memref<16x2048xf32, #tpu.memory_space<vmem>>) dst(%dma_wait3A_268 : memref<16x2048xf32, #tpu.memory_space<hbm>>)
      tpu.yield
    }) : () -> ()
    %dma_start3A_197 = arith.constant 6 : i32
    %dma_start3A_198 = arith.constant 0 : i32
    %dma_start3A_199 = tpu.memref_slice %arg9[%dma_start3A_197, %dma_start3A_198] : memref<8x16xi32, #tpu.memory_space<vmem>> -> memref<1x16xi32, #tpu.memory_space<vmem>>
    %dma_start3A_200 = tpu.memref_squeeze %dma_start3A_199 : memref<1x16xi32, #tpu.memory_space<vmem>> -> memref<16xi32, #tpu.memory_space<vmem>>
    %dma_start3A_201 = arith.constant 0 : i32
    %dma_start3A_202 = arith.constant 0 : i32
    %dma_start3A_203 = tpu.memref_slice %arg2[%dma_start3A_201, %dma_start3A_202] : memref<10240x2048xf32, #tpu.memory_space<hbm>> -> memref<10240x2048xf32, #tpu.memory_space<hbm>>
    tpu.enqueue_indirect_dma source(%dma_start3A_203 : memref<10240x2048xf32, #tpu.memory_space<hbm>>) target(%arg7 : memref<16x2048xf32, #tpu.memory_space<vmem>>) offsets(%dma_start3A_200 : memref<16xi32, #tpu.memory_space<vmem>>) semaphore(%arg11 : memref<!tpu.dma_semaphore, #tpu.memory_space<semaphore_mem>>)
    %dma_start3A_204 = arith.constant 6 : i32
    %dma_start3A_205 = arith.constant 0 : i32
    %dma_start3A_206 = tpu.memref_slice %arg10[%dma_start3A_204, %dma_start3A_205] : memref<8x16xi32, #tpu.memory_space<vmem>> -> memref<1x16xi32, #tpu.memory_space<vmem>>
    %dma_start3A_207 = tpu.memref_squeeze %dma_start3A_206 : memref<1x16xi32, #tpu.memory_space<vmem>> -> memref<16xi32, #tpu.memory_space<vmem>>
    %dma_start3A_208 = arith.constant 0 : i32
    %dma_start3A_209 = arith.constant 0 : i32
    %dma_start3A_210 = tpu.memref_slice %arg2[%dma_start3A_208, %dma_start3A_209] : memref<10240x2048xf32, #tpu.memory_space<hbm>> -> memref<10240x2048xf32, #tpu.memory_space<hbm>>
    tpu.enqueue_indirect_dma source(%dma_start3A_210 : memref<10240x2048xf32, #tpu.memory_space<hbm>>) target(%arg8 : memref<16x2048xf32, #tpu.memory_space<vmem>>) offsets(%dma_start3A_207 : memref<16xi32, #tpu.memory_space<vmem>>) semaphore(%arg12 : memref<!tpu.dma_semaphore, #tpu.memory_space<semaphore_mem>>)
    %dma_wait3A_211 = arith.constant 6 : i32
    %dma_wait3A_212 = arith.constant 0 : i32
    %dma_wait3A_213 = tpu.memref_slice %arg9[%dma_wait3A_211, %dma_wait3A_212] : memref<8x16xi32, #tpu.memory_space<vmem>> -> memref<1x16xi32, #tpu.memory_space<vmem>>
    %dma_wait3A_214 = tpu.memref_squeeze %dma_wait3A_213 : memref<1x16xi32, #tpu.memory_space<vmem>> -> memref<16xi32, #tpu.memory_space<vmem>>
    %dma_wait3A_215 = arith.constant 0 : i32
    %dma_wait3A_216 = arith.constant 0 : i32
    %dma_wait3A_217 = tpu.memref_slice %arg2[%dma_wait3A_215, %dma_wait3A_216] : memref<10240x2048xf32, #tpu.memory_space<hbm>> -> memref<10240x2048xf32, #tpu.memory_space<hbm>>
    tpu.wait_indirect_dma semaphore(%arg11 : memref<!tpu.dma_semaphore, #tpu.memory_space<semaphore_mem>>) src(%dma_wait3A_217 : memref<10240x2048xf32, #tpu.memory_space<hbm>>) dst(%arg7 : memref<16x2048xf32, #tpu.memory_space<vmem>>)
    %add3A_218 = arith.constant 96 : i32
    %add3A_219 = arith.addi %mul3A_6, %add3A_218 : i32
    "tpu.region"() ({
      %run_scoped3A = tpu.sem_alloc : memref<!tpu.dma_semaphore, #tpu.memory_space<semaphore_mem>>
      %dma_start3A_261 = arith.constant 0 : i32
      %dma_start3A_262 = tpu.memref_slice %arg5[%add3A_219, %dma_start3A_261] : memref<4096x2048xf32, #tpu.memory_space<hbm>> -> memref<16x2048xf32, #tpu.memory_space<hbm>>
      %dma_start3A_263 = arith.constant 0 : i32
      %dma_start3A_264 = tpu.memref_slice %arg5[%add3A_219, %dma_start3A_263] : memref<4096x2048xf32, #tpu.memory_space<hbm>> -> memref<16x2048xf32, #tpu.memory_space<hbm>>
      tpu.enqueue_dma source(%arg7 : memref<16x2048xf32, #tpu.memory_space<vmem>>) target(%dma_start3A_264 : memref<16x2048xf32, #tpu.memory_space<hbm>>) target_semaphore(%run_scoped3A : memref<!tpu.dma_semaphore, #tpu.memory_space<semaphore_mem>>)
      %dma_wait3A_265 = arith.constant 0 : i32
      %dma_wait3A_266 = tpu.memref_slice %arg5[%add3A_219, %dma_wait3A_265] : memref<4096x2048xf32, #tpu.memory_space<hbm>> -> memref<16x2048xf32, #tpu.memory_space<hbm>>
      %dma_wait3A_267 = arith.constant 0 : i32
      %dma_wait3A_268 = tpu.memref_slice %arg5[%add3A_219, %dma_wait3A_267] : memref<4096x2048xf32, #tpu.memory_space<hbm>> -> memref<16x2048xf32, #tpu.memory_space<hbm>>
      tpu.wait_dma2 semaphore(%run_scoped3A : memref<!tpu.dma_semaphore, #tpu.memory_space<semaphore_mem>>) src(%arg7 : memref<16x2048xf32, #tpu.memory_space<vmem>>) dst(%dma_wait3A_268 : memref<16x2048xf32, #tpu.memory_space<hbm>>)
      tpu.yield
    }) : () -> ()
    %dma_wait3A_220 = arith.constant 6 : i32
    %dma_wait3A_221 = arith.constant 0 : i32
    %dma_wait3A_222 = tpu.memref_slice %arg10[%dma_wait3A_220, %dma_wait3A_221] : memref<8x16xi32, #tpu.memory_space<vmem>> -> memref<1x16xi32, #tpu.memory_space<vmem>>
    %dma_wait3A_223 = tpu.memref_squeeze %dma_wait3A_222 : memref<1x16xi32, #tpu.memory_space<vmem>> -> memref<16xi32, #tpu.memory_space<vmem>>
    %dma_wait3A_224 = arith.constant 0 : i32
    %dma_wait3A_225 = arith.constant 0 : i32
    %dma_wait3A_226 = tpu.memref_slice %arg2[%dma_wait3A_224, %dma_wait3A_225] : memref<10240x2048xf32, #tpu.memory_space<hbm>> -> memref<10240x2048xf32, #tpu.memory_space<hbm>>
    tpu.wait_indirect_dma semaphore(%arg12 : memref<!tpu.dma_semaphore, #tpu.memory_space<semaphore_mem>>) src(%dma_wait3A_226 : memref<10240x2048xf32, #tpu.memory_space<hbm>>) dst(%arg8 : memref<16x2048xf32, #tpu.memory_space<vmem>>)
    %add3A_227 = arith.constant 96 : i32
    %add3A_228 = arith.addi %mul3A_6, %add3A_227 : i32
    "tpu.region"() ({
      %run_scoped3A = tpu.sem_alloc : memref<!tpu.dma_semaphore, #tpu.memory_space<semaphore_mem>>
      %dma_start3A_261 = arith.constant 0 : i32
      %dma_start3A_262 = tpu.memref_slice %arg6[%add3A_228, %dma_start3A_261] : memref<4096x2048xf32, #tpu.memory_space<hbm>> -> memref<16x2048xf32, #tpu.memory_space<hbm>>
      %dma_start3A_263 = arith.constant 0 : i32
      %dma_start3A_264 = tpu.memref_slice %arg6[%add3A_228, %dma_start3A_263] : memref<4096x2048xf32, #tpu.memory_space<hbm>> -> memref<16x2048xf32, #tpu.memory_space<hbm>>
      tpu.enqueue_dma source(%arg8 : memref<16x2048xf32, #tpu.memory_space<vmem>>) target(%dma_start3A_264 : memref<16x2048xf32, #tpu.memory_space<hbm>>) target_semaphore(%run_scoped3A : memref<!tpu.dma_semaphore, #tpu.memory_space<semaphore_mem>>)
      %dma_wait3A_265 = arith.constant 0 : i32
      %dma_wait3A_266 = tpu.memref_slice %arg6[%add3A_228, %dma_wait3A_265] : memref<4096x2048xf32, #tpu.memory_space<hbm>> -> memref<16x2048xf32, #tpu.memory_space<hbm>>
      %dma_wait3A_267 = arith.constant 0 : i32
      %dma_wait3A_268 = tpu.memref_slice %arg6[%add3A_228, %dma_wait3A_267] : memref<4096x2048xf32, #tpu.memory_space<hbm>> -> memref<16x2048xf32, #tpu.memory_space<hbm>>
      tpu.wait_dma2 semaphore(%run_scoped3A : memref<!tpu.dma_semaphore, #tpu.memory_space<semaphore_mem>>) src(%arg8 : memref<16x2048xf32, #tpu.memory_space<vmem>>) dst(%dma_wait3A_268 : memref<16x2048xf32, #tpu.memory_space<hbm>>)
      tpu.yield
    }) : () -> ()
    %dma_start3A_229 = arith.constant 7 : i32
    %dma_start3A_230 = arith.constant 0 : i32
    %dma_start3A_231 = tpu.memref_slice %arg9[%dma_start3A_229, %dma_start3A_230] : memref<8x16xi32, #tpu.memory_space<vmem>> -> memref<1x16xi32, #tpu.memory_space<vmem>>
    %dma_start3A_232 = tpu.memref_squeeze %dma_start3A_231 : memref<1x16xi32, #tpu.memory_space<vmem>> -> memref<16xi32, #tpu.memory_space<vmem>>
    %dma_start3A_233 = arith.constant 0 : i32
    %dma_start3A_234 = arith.constant 0 : i32
    %dma_start3A_235 = tpu.memref_slice %arg2[%dma_start3A_233, %dma_start3A_234] : memref<10240x2048xf32, #tpu.memory_space<hbm>> -> memref<10240x2048xf32, #tpu.memory_space<hbm>>
    tpu.enqueue_indirect_dma source(%dma_start3A_235 : memref<10240x2048xf32, #tpu.memory_space<hbm>>) target(%arg7 : memref<16x2048xf32, #tpu.memory_space<vmem>>) offsets(%dma_start3A_232 : memref<16xi32, #tpu.memory_space<vmem>>) semaphore(%arg11 : memref<!tpu.dma_semaphore, #tpu.memory_space<semaphore_mem>>)
    %dma_start3A_236 = arith.constant 7 : i32
    %dma_start3A_237 = arith.constant 0 : i32
    %dma_start3A_238 = tpu.memref_slice %arg10[%dma_start3A_236, %dma_start3A_237] : memref<8x16xi32, #tpu.memory_space<vmem>> -> memref<1x16xi32, #tpu.memory_space<vmem>>
    %dma_start3A_239 = tpu.memref_squeeze %dma_start3A_238 : memref<1x16xi32, #tpu.memory_space<vmem>> -> memref<16xi32, #tpu.memory_space<vmem>>
    %dma_start3A_240 = arith.constant 0 : i32
    %dma_start3A_241 = arith.constant 0 : i32
    %dma_start3A_242 = tpu.memref_slice %arg2[%dma_start3A_240, %dma_start3A_241] : memref<10240x2048xf32, #tpu.memory_space<hbm>> -> memref<10240x2048xf32, #tpu.memory_space<hbm>>
    tpu.enqueue_indirect_dma source(%dma_start3A_242 : memref<10240x2048xf32, #tpu.memory_space<hbm>>) target(%arg8 : memref<16x2048xf32, #tpu.memory_space<vmem>>) offsets(%dma_start3A_239 : memref<16xi32, #tpu.memory_space<vmem>>) semaphore(%arg12 : memref<!tpu.dma_semaphore, #tpu.memory_space<semaphore_mem>>)
    %dma_wait3A_243 = arith.constant 7 : i32
    %dma_wait3A_244 = arith.constant 0 : i32
    %dma_wait3A_245 = tpu.memref_slice %arg9[%dma_wait3A_243, %dma_wait3A_244] : memref<8x16xi32, #tpu.memory_space<vmem>> -> memref<1x16xi32, #tpu.memory_space<vmem>>
    %dma_wait3A_246 = tpu.memref_squeeze %dma_wait3A_245 : memref<1x16xi32, #tpu.memory_space<vmem>> -> memref<16xi32, #tpu.memory_space<vmem>>
    %dma_wait3A_247 = arith.constant 0 : i32
    %dma_wait3A_248 = arith.constant 0 : i32
    %dma_wait3A_249 = tpu.memref_slice %arg2[%dma_wait3A_247, %dma_wait3A_248] : memref<10240x2048xf32, #tpu.memory_space<hbm>> -> memref<10240x2048xf32, #tpu.memory_space<hbm>>
    tpu.wait_indirect_dma semaphore(%arg11 : memref<!tpu.dma_semaphore, #tpu.memory_space<semaphore_mem>>) src(%dma_wait3A_249 : memref<10240x2048xf32, #tpu.memory_space<hbm>>) dst(%arg7 : memref<16x2048xf32, #tpu.memory_space<vmem>>)
    %add3A_250 = arith.constant 112 : i32
    %add3A_251 = arith.addi %mul3A_6, %add3A_250 : i32
    "tpu.region"() ({
      %run_scoped3A = tpu.sem_alloc : memref<!tpu.dma_semaphore, #tpu.memory_space<semaphore_mem>>
      %dma_start3A_261 = arith.constant 0 : i32
      %dma_start3A_262 = tpu.memref_slice %arg5[%add3A_251, %dma_start3A_261] : memref<4096x2048xf32, #tpu.memory_space<hbm>> -> memref<16x2048xf32, #tpu.memory_space<hbm>>
      %dma_start3A_263 = arith.constant 0 : i32
      %dma_start3A_264 = tpu.memref_slice %arg5[%add3A_251, %dma_start3A_263] : memref<4096x2048xf32, #tpu.memory_space<hbm>> -> memref<16x2048xf32, #tpu.memory_space<hbm>>
      tpu.enqueue_dma source(%arg7 : memref<16x2048xf32, #tpu.memory_space<vmem>>) target(%dma_start3A_264 : memref<16x2048xf32, #tpu.memory_space<hbm>>) target_semaphore(%run_scoped3A : memref<!tpu.dma_semaphore, #tpu.memory_space<semaphore_mem>>)
      %dma_wait3A_265 = arith.constant 0 : i32
      %dma_wait3A_266 = tpu.memref_slice %arg5[%add3A_251, %dma_wait3A_265] : memref<4096x2048xf32, #tpu.memory_space<hbm>> -> memref<16x2048xf32, #tpu.memory_space<hbm>>
      %dma_wait3A_267 = arith.constant 0 : i32
      %dma_wait3A_268 = tpu.memref_slice %arg5[%add3A_251, %dma_wait3A_267] : memref<4096x2048xf32, #tpu.memory_space<hbm>> -> memref<16x2048xf32, #tpu.memory_space<hbm>>
      tpu.wait_dma2 semaphore(%run_scoped3A : memref<!tpu.dma_semaphore, #tpu.memory_space<semaphore_mem>>) src(%arg7 : memref<16x2048xf32, #tpu.memory_space<vmem>>) dst(%dma_wait3A_268 : memref<16x2048xf32, #tpu.memory_space<hbm>>)
      tpu.yield
    }) : () -> ()
    %dma_wait3A_252 = arith.constant 7 : i32
    %dma_wait3A_253 = arith.constant 0 : i32
    %dma_wait3A_254 = tpu.memref_slice %arg10[%dma_wait3A_252, %dma_wait3A_253] : memref<8x16xi32, #tpu.memory_space<vmem>> -> memref<1x16xi32, #tpu.memory_space<vmem>>
    %dma_wait3A_255 = tpu.memref_squeeze %dma_wait3A_254 : memref<1x16xi32, #tpu.memory_space<vmem>> -> memref<16xi32, #tpu.memory_space<vmem>>
    %dma_wait3A_256 = arith.constant 0 : i32
    %dma_wait3A_257 = arith.constant 0 : i32
    %dma_wait3A_258 = tpu.memref_slice %arg2[%dma_wait3A_256, %dma_wait3A_257] : memref<10240x2048xf32, #tpu.memory_space<hbm>> -> memref<10240x2048xf32, #tpu.memory_space<hbm>>
    tpu.wait_indirect_dma semaphore(%arg12 : memref<!tpu.dma_semaphore, #tpu.memory_space<semaphore_mem>>) src(%dma_wait3A_258 : memref<10240x2048xf32, #tpu.memory_space<hbm>>) dst(%arg8 : memref<16x2048xf32, #tpu.memory_space<vmem>>)
    %add3A_259 = arith.constant 112 : i32
    %add3A_260 = arith.addi %mul3A_6, %add3A_259 : i32
    "tpu.region"() ({
      %run_scoped3A = tpu.sem_alloc : memref<!tpu.dma_semaphore, #tpu.memory_space<semaphore_mem>>
      %dma_start3A_261 = arith.constant 0 : i32
      %dma_start3A_262 = tpu.memref_slice %arg6[%add3A_260, %dma_start3A_261] : memref<4096x2048xf32, #tpu.memory_space<hbm>> -> memref<16x2048xf32, #tpu.memory_space<hbm>>
      %dma_start3A_263 = arith.constant 0 : i32
      %dma_start3A_264 = tpu.memref_slice %arg6[%add3A_260, %dma_start3A_263] : memref<4096x2048xf32, #tpu.memory_space<hbm>> -> memref<16x2048xf32, #tpu.memory_space<hbm>>
      tpu.enqueue_dma source(%arg8 : memref<16x2048xf32, #tpu.memory_space<vmem>>) target(%dma_start3A_264 : memref<16x2048xf32, #tpu.memory_space<hbm>>) target_semaphore(%run_scoped3A : memref<!tpu.dma_semaphore, #tpu.memory_space<semaphore_mem>>)
      %dma_wait3A_265 = arith.constant 0 : i32
      %dma_wait3A_266 = tpu.memref_slice %arg6[%add3A_260, %dma_wait3A_265] : memref<4096x2048xf32, #tpu.memory_space<hbm>> -> memref<16x2048xf32, #tpu.memory_space<hbm>>
      %dma_wait3A_267 = arith.constant 0 : i32
      %dma_wait3A_268 = tpu.memref_slice %arg6[%add3A_260, %dma_wait3A_267] : memref<4096x2048xf32, #tpu.memory_space<hbm>> -> memref<16x2048xf32, #tpu.memory_space<hbm>>
      tpu.wait_dma2 semaphore(%run_scoped3A : memref<!tpu.dma_semaphore, #tpu.memory_space<semaphore_mem>>) src(%arg8 : memref<16x2048xf32, #tpu.memory_space<vmem>>) dst(%dma_wait3A_268 : memref<16x2048xf32, #tpu.memory_space<hbm>>)
      tpu.yield
    }) : () -> ()
    return
  }
}

#map = affine_map<(d0, d1) -> (0, 0)>
module attributes {stable_mosaic.version = 14 : i64} {
  func.func @_k2_body(%arg0: i32, %arg1: i32, %arg2: memref<4096x2048xf32, #tpu.memory_space<hbm>>, %arg3: memref<256x16xi32, #tpu.memory_space<hbm>>, %arg4: memref<256x16xi32, #tpu.memory_space<hbm>>, %arg5: memref<10240x2048xf32, #tpu.memory_space<hbm>>, %arg6: memref<16x2048xf32, #tpu.memory_space<vmem>>, %arg7: memref<8x16xi32, #tpu.memory_space<vmem>>, %arg8: memref<8x16xi32, #tpu.memory_space<vmem>>, %arg9: memref<!tpu.dma_semaphore, #tpu.memory_space<semaphore_mem>>) attributes {dimension_semantics = [#tpu.dimension_semantics<core_parallel>, #tpu.dimension_semantics<subcore_parallel>], iteration_bounds = array<i64: 2, 16>, scalar_prefetch = 0 : i64, scratch_operands = 4 : i64, tpu.core_type = #tpu.core_type<sc_vector_subcore>, window_params = [{transform_indices = #map}, {transform_indices = #map}, {transform_indices = #map}, {transform_indices = #map}]} {
    %mul3A = arith.constant 2 : i32
    %mul3A_0 = arith.muli %arg1, %mul3A : i32
    %add3A = arith.addi %mul3A_0, %arg0 : i32
    %mul3A_1 = arith.constant 8 : i32
    %mul3A_2 = arith.muli %add3A, %mul3A_1 : i32
    "tpu.region"() ({
      %run_scoped3A = tpu.sem_alloc : memref<!tpu.dma_semaphore, #tpu.memory_space<semaphore_mem>>
      %dma_start3A_245 = arith.constant 0 : i32
      %dma_start3A_246 = tpu.memref_slice %arg3[%mul3A_2, %dma_start3A_245] : memref<256x16xi32, #tpu.memory_space<hbm>> -> memref<8x16xi32, #tpu.memory_space<hbm>>
      %dma_start3A_247 = arith.constant 0 : i32
      %dma_start3A_248 = tpu.memref_slice %arg3[%mul3A_2, %dma_start3A_247] : memref<256x16xi32, #tpu.memory_space<hbm>> -> memref<8x16xi32, #tpu.memory_space<hbm>>
      tpu.enqueue_dma source(%dma_start3A_248 : memref<8x16xi32, #tpu.memory_space<hbm>>) target(%arg7 : memref<8x16xi32, #tpu.memory_space<vmem>>) target_semaphore(%run_scoped3A : memref<!tpu.dma_semaphore, #tpu.memory_space<semaphore_mem>>)
      %dma_wait3A_249 = arith.constant 0 : i32
      %dma_wait3A_250 = tpu.memref_slice %arg3[%mul3A_2, %dma_wait3A_249] : memref<256x16xi32, #tpu.memory_space<hbm>> -> memref<8x16xi32, #tpu.memory_space<hbm>>
      %dma_wait3A_251 = arith.constant 0 : i32
      %dma_wait3A_252 = tpu.memref_slice %arg3[%mul3A_2, %dma_wait3A_251] : memref<256x16xi32, #tpu.memory_space<hbm>> -> memref<8x16xi32, #tpu.memory_space<hbm>>
      tpu.wait_dma2 semaphore(%run_scoped3A : memref<!tpu.dma_semaphore, #tpu.memory_space<semaphore_mem>>) src(%dma_wait3A_252 : memref<8x16xi32, #tpu.memory_space<hbm>>) dst(%arg7 : memref<8x16xi32, #tpu.memory_space<vmem>>)
      tpu.yield
    }) : () -> ()
    %mul3A_3 = arith.constant 8 : i32
    %mul3A_4 = arith.muli %add3A, %mul3A_3 : i32
    "tpu.region"() ({
      %run_scoped3A = tpu.sem_alloc : memref<!tpu.dma_semaphore, #tpu.memory_space<semaphore_mem>>
      %dma_start3A_245 = arith.constant 0 : i32
      %dma_start3A_246 = tpu.memref_slice %arg4[%mul3A_4, %dma_start3A_245] : memref<256x16xi32, #tpu.memory_space<hbm>> -> memref<8x16xi32, #tpu.memory_space<hbm>>
      %dma_start3A_247 = arith.constant 0 : i32
      %dma_start3A_248 = tpu.memref_slice %arg4[%mul3A_4, %dma_start3A_247] : memref<256x16xi32, #tpu.memory_space<hbm>> -> memref<8x16xi32, #tpu.memory_space<hbm>>
      tpu.enqueue_dma source(%dma_start3A_248 : memref<8x16xi32, #tpu.memory_space<hbm>>) target(%arg8 : memref<8x16xi32, #tpu.memory_space<vmem>>) target_semaphore(%run_scoped3A : memref<!tpu.dma_semaphore, #tpu.memory_space<semaphore_mem>>)
      %dma_wait3A_249 = arith.constant 0 : i32
      %dma_wait3A_250 = tpu.memref_slice %arg4[%mul3A_4, %dma_wait3A_249] : memref<256x16xi32, #tpu.memory_space<hbm>> -> memref<8x16xi32, #tpu.memory_space<hbm>>
      %dma_wait3A_251 = arith.constant 0 : i32
      %dma_wait3A_252 = tpu.memref_slice %arg4[%mul3A_4, %dma_wait3A_251] : memref<256x16xi32, #tpu.memory_space<hbm>> -> memref<8x16xi32, #tpu.memory_space<hbm>>
      tpu.wait_dma2 semaphore(%run_scoped3A : memref<!tpu.dma_semaphore, #tpu.memory_space<semaphore_mem>>) src(%dma_wait3A_252 : memref<8x16xi32, #tpu.memory_space<hbm>>) dst(%arg8 : memref<8x16xi32, #tpu.memory_space<vmem>>)
      tpu.yield
    }) : () -> ()
    %mul3A_5 = arith.constant 128 : i32
    %mul3A_6 = arith.muli %add3A, %mul3A_5 : i32
    %add3A_7 = arith.constant 0 : i32
    %add3A_8 = arith.addi %mul3A_6, %add3A_7 : i32
    "tpu.region"() ({
      %run_scoped3A = tpu.sem_alloc : memref<!tpu.dma_semaphore, #tpu.memory_space<semaphore_mem>>
      %dma_start3A_245 = arith.constant 0 : i32
      %dma_start3A_246 = tpu.memref_slice %arg2[%add3A_8, %dma_start3A_245] : memref<4096x2048xf32, #tpu.memory_space<hbm>> -> memref<16x2048xf32, #tpu.memory_space<hbm>>
      %dma_start3A_247 = arith.constant 0 : i32
      %dma_start3A_248 = tpu.memref_slice %arg2[%add3A_8, %dma_start3A_247] : memref<4096x2048xf32, #tpu.memory_space<hbm>> -> memref<16x2048xf32, #tpu.memory_space<hbm>>
      tpu.enqueue_dma source(%dma_start3A_248 : memref<16x2048xf32, #tpu.memory_space<hbm>>) target(%arg6 : memref<16x2048xf32, #tpu.memory_space<vmem>>) target_semaphore(%run_scoped3A : memref<!tpu.dma_semaphore, #tpu.memory_space<semaphore_mem>>)
      %dma_wait3A_249 = arith.constant 0 : i32
      %dma_wait3A_250 = tpu.memref_slice %arg2[%add3A_8, %dma_wait3A_249] : memref<4096x2048xf32, #tpu.memory_space<hbm>> -> memref<16x2048xf32, #tpu.memory_space<hbm>>
      %dma_wait3A_251 = arith.constant 0 : i32
      %dma_wait3A_252 = tpu.memref_slice %arg2[%add3A_8, %dma_wait3A_251] : memref<4096x2048xf32, #tpu.memory_space<hbm>> -> memref<16x2048xf32, #tpu.memory_space<hbm>>
      tpu.wait_dma2 semaphore(%run_scoped3A : memref<!tpu.dma_semaphore, #tpu.memory_space<semaphore_mem>>) src(%dma_wait3A_252 : memref<16x2048xf32, #tpu.memory_space<hbm>>) dst(%arg6 : memref<16x2048xf32, #tpu.memory_space<vmem>>)
      tpu.yield
    }) : () -> ()
    %dma_start3A = arith.constant 0 : i32
    %dma_start3A_9 = arith.constant 0 : i32
    %dma_start3A_10 = tpu.memref_slice %arg7[%dma_start3A, %dma_start3A_9] : memref<8x16xi32, #tpu.memory_space<vmem>> -> memref<1x16xi32, #tpu.memory_space<vmem>>
    %dma_start3A_11 = tpu.memref_squeeze %dma_start3A_10 : memref<1x16xi32, #tpu.memory_space<vmem>> -> memref<16xi32, #tpu.memory_space<vmem>>
    %dma_start3A_12 = arith.constant 0 : i32
    %dma_start3A_13 = arith.constant 0 : i32
    %dma_start3A_14 = tpu.memref_slice %arg5[%dma_start3A_12, %dma_start3A_13] : memref<10240x2048xf32, #tpu.memory_space<hbm>> -> memref<10240x2048xf32, #tpu.memory_space<hbm>>
    tpu.enqueue_indirect_dma source(%arg6 : memref<16x2048xf32, #tpu.memory_space<vmem>>) target(%dma_start3A_14 : memref<10240x2048xf32, #tpu.memory_space<hbm>>) offsets(%dma_start3A_11 : memref<16xi32, #tpu.memory_space<vmem>>) semaphore(%arg9 : memref<!tpu.dma_semaphore, #tpu.memory_space<semaphore_mem>>)
    %dma_start3A_15 = arith.constant 0 : i32
    %dma_start3A_16 = arith.constant 0 : i32
    %dma_start3A_17 = tpu.memref_slice %arg8[%dma_start3A_15, %dma_start3A_16] : memref<8x16xi32, #tpu.memory_space<vmem>> -> memref<1x16xi32, #tpu.memory_space<vmem>>
    %dma_start3A_18 = tpu.memref_squeeze %dma_start3A_17 : memref<1x16xi32, #tpu.memory_space<vmem>> -> memref<16xi32, #tpu.memory_space<vmem>>
    %dma_start3A_19 = arith.constant 0 : i32
    %dma_start3A_20 = arith.constant 0 : i32
    %dma_start3A_21 = tpu.memref_slice %arg5[%dma_start3A_19, %dma_start3A_20] : memref<10240x2048xf32, #tpu.memory_space<hbm>> -> memref<10240x2048xf32, #tpu.memory_space<hbm>>
    tpu.enqueue_indirect_dma source(%arg6 : memref<16x2048xf32, #tpu.memory_space<vmem>>) target(%dma_start3A_21 : memref<10240x2048xf32, #tpu.memory_space<hbm>>) offsets(%dma_start3A_18 : memref<16xi32, #tpu.memory_space<vmem>>) semaphore(%arg9 : memref<!tpu.dma_semaphore, #tpu.memory_space<semaphore_mem>>)
    %dma_wait3A = arith.constant 0 : i32
    %dma_wait3A_22 = arith.constant 0 : i32
    %dma_wait3A_23 = tpu.memref_slice %arg7[%dma_wait3A, %dma_wait3A_22] : memref<8x16xi32, #tpu.memory_space<vmem>> -> memref<1x16xi32, #tpu.memory_space<vmem>>
    %dma_wait3A_24 = tpu.memref_squeeze %dma_wait3A_23 : memref<1x16xi32, #tpu.memory_space<vmem>> -> memref<16xi32, #tpu.memory_space<vmem>>
    %dma_wait3A_25 = arith.constant 0 : i32
    %dma_wait3A_26 = arith.constant 0 : i32
    %dma_wait3A_27 = tpu.memref_slice %arg5[%dma_wait3A_25, %dma_wait3A_26] : memref<10240x2048xf32, #tpu.memory_space<hbm>> -> memref<10240x2048xf32, #tpu.memory_space<hbm>>
    tpu.wait_indirect_dma semaphore(%arg9 : memref<!tpu.dma_semaphore, #tpu.memory_space<semaphore_mem>>) src(%arg6 : memref<16x2048xf32, #tpu.memory_space<vmem>>) dst(%dma_wait3A_27 : memref<10240x2048xf32, #tpu.memory_space<hbm>>)
    %dma_wait3A_28 = arith.constant 0 : i32
    %dma_wait3A_29 = arith.constant 0 : i32
    %dma_wait3A_30 = tpu.memref_slice %arg8[%dma_wait3A_28, %dma_wait3A_29] : memref<8x16xi32, #tpu.memory_space<vmem>> -> memref<1x16xi32, #tpu.memory_space<vmem>>
    %dma_wait3A_31 = tpu.memref_squeeze %dma_wait3A_30 : memref<1x16xi32, #tpu.memory_space<vmem>> -> memref<16xi32, #tpu.memory_space<vmem>>
    %dma_wait3A_32 = arith.constant 0 : i32
    %dma_wait3A_33 = arith.constant 0 : i32
    %dma_wait3A_34 = tpu.memref_slice %arg5[%dma_wait3A_32, %dma_wait3A_33] : memref<10240x2048xf32, #tpu.memory_space<hbm>> -> memref<10240x2048xf32, #tpu.memory_space<hbm>>
    tpu.wait_indirect_dma semaphore(%arg9 : memref<!tpu.dma_semaphore, #tpu.memory_space<semaphore_mem>>) src(%arg6 : memref<16x2048xf32, #tpu.memory_space<vmem>>) dst(%dma_wait3A_34 : memref<10240x2048xf32, #tpu.memory_space<hbm>>)
    %add3A_35 = arith.constant 16 : i32
    %add3A_36 = arith.addi %mul3A_6, %add3A_35 : i32
    "tpu.region"() ({
      %run_scoped3A = tpu.sem_alloc : memref<!tpu.dma_semaphore, #tpu.memory_space<semaphore_mem>>
      %dma_start3A_245 = arith.constant 0 : i32
      %dma_start3A_246 = tpu.memref_slice %arg2[%add3A_36, %dma_start3A_245] : memref<4096x2048xf32, #tpu.memory_space<hbm>> -> memref<16x2048xf32, #tpu.memory_space<hbm>>
      %dma_start3A_247 = arith.constant 0 : i32
      %dma_start3A_248 = tpu.memref_slice %arg2[%add3A_36, %dma_start3A_247] : memref<4096x2048xf32, #tpu.memory_space<hbm>> -> memref<16x2048xf32, #tpu.memory_space<hbm>>
      tpu.enqueue_dma source(%dma_start3A_248 : memref<16x2048xf32, #tpu.memory_space<hbm>>) target(%arg6 : memref<16x2048xf32, #tpu.memory_space<vmem>>) target_semaphore(%run_scoped3A : memref<!tpu.dma_semaphore, #tpu.memory_space<semaphore_mem>>)
      %dma_wait3A_249 = arith.constant 0 : i32
      %dma_wait3A_250 = tpu.memref_slice %arg2[%add3A_36, %dma_wait3A_249] : memref<4096x2048xf32, #tpu.memory_space<hbm>> -> memref<16x2048xf32, #tpu.memory_space<hbm>>
      %dma_wait3A_251 = arith.constant 0 : i32
      %dma_wait3A_252 = tpu.memref_slice %arg2[%add3A_36, %dma_wait3A_251] : memref<4096x2048xf32, #tpu.memory_space<hbm>> -> memref<16x2048xf32, #tpu.memory_space<hbm>>
      tpu.wait_dma2 semaphore(%run_scoped3A : memref<!tpu.dma_semaphore, #tpu.memory_space<semaphore_mem>>) src(%dma_wait3A_252 : memref<16x2048xf32, #tpu.memory_space<hbm>>) dst(%arg6 : memref<16x2048xf32, #tpu.memory_space<vmem>>)
      tpu.yield
    }) : () -> ()
    %dma_start3A_37 = arith.constant 1 : i32
    %dma_start3A_38 = arith.constant 0 : i32
    %dma_start3A_39 = tpu.memref_slice %arg7[%dma_start3A_37, %dma_start3A_38] : memref<8x16xi32, #tpu.memory_space<vmem>> -> memref<1x16xi32, #tpu.memory_space<vmem>>
    %dma_start3A_40 = tpu.memref_squeeze %dma_start3A_39 : memref<1x16xi32, #tpu.memory_space<vmem>> -> memref<16xi32, #tpu.memory_space<vmem>>
    %dma_start3A_41 = arith.constant 0 : i32
    %dma_start3A_42 = arith.constant 0 : i32
    %dma_start3A_43 = tpu.memref_slice %arg5[%dma_start3A_41, %dma_start3A_42] : memref<10240x2048xf32, #tpu.memory_space<hbm>> -> memref<10240x2048xf32, #tpu.memory_space<hbm>>
    tpu.enqueue_indirect_dma source(%arg6 : memref<16x2048xf32, #tpu.memory_space<vmem>>) target(%dma_start3A_43 : memref<10240x2048xf32, #tpu.memory_space<hbm>>) offsets(%dma_start3A_40 : memref<16xi32, #tpu.memory_space<vmem>>) semaphore(%arg9 : memref<!tpu.dma_semaphore, #tpu.memory_space<semaphore_mem>>)
    %dma_start3A_44 = arith.constant 1 : i32
    %dma_start3A_45 = arith.constant 0 : i32
    %dma_start3A_46 = tpu.memref_slice %arg8[%dma_start3A_44, %dma_start3A_45] : memref<8x16xi32, #tpu.memory_space<vmem>> -> memref<1x16xi32, #tpu.memory_space<vmem>>
    %dma_start3A_47 = tpu.memref_squeeze %dma_start3A_46 : memref<1x16xi32, #tpu.memory_space<vmem>> -> memref<16xi32, #tpu.memory_space<vmem>>
    %dma_start3A_48 = arith.constant 0 : i32
    %dma_start3A_49 = arith.constant 0 : i32
    %dma_start3A_50 = tpu.memref_slice %arg5[%dma_start3A_48, %dma_start3A_49] : memref<10240x2048xf32, #tpu.memory_space<hbm>> -> memref<10240x2048xf32, #tpu.memory_space<hbm>>
    tpu.enqueue_indirect_dma source(%arg6 : memref<16x2048xf32, #tpu.memory_space<vmem>>) target(%dma_start3A_50 : memref<10240x2048xf32, #tpu.memory_space<hbm>>) offsets(%dma_start3A_47 : memref<16xi32, #tpu.memory_space<vmem>>) semaphore(%arg9 : memref<!tpu.dma_semaphore, #tpu.memory_space<semaphore_mem>>)
    %dma_wait3A_51 = arith.constant 1 : i32
    %dma_wait3A_52 = arith.constant 0 : i32
    %dma_wait3A_53 = tpu.memref_slice %arg7[%dma_wait3A_51, %dma_wait3A_52] : memref<8x16xi32, #tpu.memory_space<vmem>> -> memref<1x16xi32, #tpu.memory_space<vmem>>
    %dma_wait3A_54 = tpu.memref_squeeze %dma_wait3A_53 : memref<1x16xi32, #tpu.memory_space<vmem>> -> memref<16xi32, #tpu.memory_space<vmem>>
    %dma_wait3A_55 = arith.constant 0 : i32
    %dma_wait3A_56 = arith.constant 0 : i32
    %dma_wait3A_57 = tpu.memref_slice %arg5[%dma_wait3A_55, %dma_wait3A_56] : memref<10240x2048xf32, #tpu.memory_space<hbm>> -> memref<10240x2048xf32, #tpu.memory_space<hbm>>
    tpu.wait_indirect_dma semaphore(%arg9 : memref<!tpu.dma_semaphore, #tpu.memory_space<semaphore_mem>>) src(%arg6 : memref<16x2048xf32, #tpu.memory_space<vmem>>) dst(%dma_wait3A_57 : memref<10240x2048xf32, #tpu.memory_space<hbm>>)
    %dma_wait3A_58 = arith.constant 1 : i32
    %dma_wait3A_59 = arith.constant 0 : i32
    %dma_wait3A_60 = tpu.memref_slice %arg8[%dma_wait3A_58, %dma_wait3A_59] : memref<8x16xi32, #tpu.memory_space<vmem>> -> memref<1x16xi32, #tpu.memory_space<vmem>>
    %dma_wait3A_61 = tpu.memref_squeeze %dma_wait3A_60 : memref<1x16xi32, #tpu.memory_space<vmem>> -> memref<16xi32, #tpu.memory_space<vmem>>
    %dma_wait3A_62 = arith.constant 0 : i32
    %dma_wait3A_63 = arith.constant 0 : i32
    %dma_wait3A_64 = tpu.memref_slice %arg5[%dma_wait3A_62, %dma_wait3A_63] : memref<10240x2048xf32, #tpu.memory_space<hbm>> -> memref<10240x2048xf32, #tpu.memory_space<hbm>>
    tpu.wait_indirect_dma semaphore(%arg9 : memref<!tpu.dma_semaphore, #tpu.memory_space<semaphore_mem>>) src(%arg6 : memref<16x2048xf32, #tpu.memory_space<vmem>>) dst(%dma_wait3A_64 : memref<10240x2048xf32, #tpu.memory_space<hbm>>)
    %add3A_65 = arith.constant 32 : i32
    %add3A_66 = arith.addi %mul3A_6, %add3A_65 : i32
    "tpu.region"() ({
      %run_scoped3A = tpu.sem_alloc : memref<!tpu.dma_semaphore, #tpu.memory_space<semaphore_mem>>
      %dma_start3A_245 = arith.constant 0 : i32
      %dma_start3A_246 = tpu.memref_slice %arg2[%add3A_66, %dma_start3A_245] : memref<4096x2048xf32, #tpu.memory_space<hbm>> -> memref<16x2048xf32, #tpu.memory_space<hbm>>
      %dma_start3A_247 = arith.constant 0 : i32
      %dma_start3A_248 = tpu.memref_slice %arg2[%add3A_66, %dma_start3A_247] : memref<4096x2048xf32, #tpu.memory_space<hbm>> -> memref<16x2048xf32, #tpu.memory_space<hbm>>
      tpu.enqueue_dma source(%dma_start3A_248 : memref<16x2048xf32, #tpu.memory_space<hbm>>) target(%arg6 : memref<16x2048xf32, #tpu.memory_space<vmem>>) target_semaphore(%run_scoped3A : memref<!tpu.dma_semaphore, #tpu.memory_space<semaphore_mem>>)
      %dma_wait3A_249 = arith.constant 0 : i32
      %dma_wait3A_250 = tpu.memref_slice %arg2[%add3A_66, %dma_wait3A_249] : memref<4096x2048xf32, #tpu.memory_space<hbm>> -> memref<16x2048xf32, #tpu.memory_space<hbm>>
      %dma_wait3A_251 = arith.constant 0 : i32
      %dma_wait3A_252 = tpu.memref_slice %arg2[%add3A_66, %dma_wait3A_251] : memref<4096x2048xf32, #tpu.memory_space<hbm>> -> memref<16x2048xf32, #tpu.memory_space<hbm>>
      tpu.wait_dma2 semaphore(%run_scoped3A : memref<!tpu.dma_semaphore, #tpu.memory_space<semaphore_mem>>) src(%dma_wait3A_252 : memref<16x2048xf32, #tpu.memory_space<hbm>>) dst(%arg6 : memref<16x2048xf32, #tpu.memory_space<vmem>>)
      tpu.yield
    }) : () -> ()
    %dma_start3A_67 = arith.constant 2 : i32
    %dma_start3A_68 = arith.constant 0 : i32
    %dma_start3A_69 = tpu.memref_slice %arg7[%dma_start3A_67, %dma_start3A_68] : memref<8x16xi32, #tpu.memory_space<vmem>> -> memref<1x16xi32, #tpu.memory_space<vmem>>
    %dma_start3A_70 = tpu.memref_squeeze %dma_start3A_69 : memref<1x16xi32, #tpu.memory_space<vmem>> -> memref<16xi32, #tpu.memory_space<vmem>>
    %dma_start3A_71 = arith.constant 0 : i32
    %dma_start3A_72 = arith.constant 0 : i32
    %dma_start3A_73 = tpu.memref_slice %arg5[%dma_start3A_71, %dma_start3A_72] : memref<10240x2048xf32, #tpu.memory_space<hbm>> -> memref<10240x2048xf32, #tpu.memory_space<hbm>>
    tpu.enqueue_indirect_dma source(%arg6 : memref<16x2048xf32, #tpu.memory_space<vmem>>) target(%dma_start3A_73 : memref<10240x2048xf32, #tpu.memory_space<hbm>>) offsets(%dma_start3A_70 : memref<16xi32, #tpu.memory_space<vmem>>) semaphore(%arg9 : memref<!tpu.dma_semaphore, #tpu.memory_space<semaphore_mem>>)
    %dma_start3A_74 = arith.constant 2 : i32
    %dma_start3A_75 = arith.constant 0 : i32
    %dma_start3A_76 = tpu.memref_slice %arg8[%dma_start3A_74, %dma_start3A_75] : memref<8x16xi32, #tpu.memory_space<vmem>> -> memref<1x16xi32, #tpu.memory_space<vmem>>
    %dma_start3A_77 = tpu.memref_squeeze %dma_start3A_76 : memref<1x16xi32, #tpu.memory_space<vmem>> -> memref<16xi32, #tpu.memory_space<vmem>>
    %dma_start3A_78 = arith.constant 0 : i32
    %dma_start3A_79 = arith.constant 0 : i32
    %dma_start3A_80 = tpu.memref_slice %arg5[%dma_start3A_78, %dma_start3A_79] : memref<10240x2048xf32, #tpu.memory_space<hbm>> -> memref<10240x2048xf32, #tpu.memory_space<hbm>>
    tpu.enqueue_indirect_dma source(%arg6 : memref<16x2048xf32, #tpu.memory_space<vmem>>) target(%dma_start3A_80 : memref<10240x2048xf32, #tpu.memory_space<hbm>>) offsets(%dma_start3A_77 : memref<16xi32, #tpu.memory_space<vmem>>) semaphore(%arg9 : memref<!tpu.dma_semaphore, #tpu.memory_space<semaphore_mem>>)
    %dma_wait3A_81 = arith.constant 2 : i32
    %dma_wait3A_82 = arith.constant 0 : i32
    %dma_wait3A_83 = tpu.memref_slice %arg7[%dma_wait3A_81, %dma_wait3A_82] : memref<8x16xi32, #tpu.memory_space<vmem>> -> memref<1x16xi32, #tpu.memory_space<vmem>>
    %dma_wait3A_84 = tpu.memref_squeeze %dma_wait3A_83 : memref<1x16xi32, #tpu.memory_space<vmem>> -> memref<16xi32, #tpu.memory_space<vmem>>
    %dma_wait3A_85 = arith.constant 0 : i32
    %dma_wait3A_86 = arith.constant 0 : i32
    %dma_wait3A_87 = tpu.memref_slice %arg5[%dma_wait3A_85, %dma_wait3A_86] : memref<10240x2048xf32, #tpu.memory_space<hbm>> -> memref<10240x2048xf32, #tpu.memory_space<hbm>>
    tpu.wait_indirect_dma semaphore(%arg9 : memref<!tpu.dma_semaphore, #tpu.memory_space<semaphore_mem>>) src(%arg6 : memref<16x2048xf32, #tpu.memory_space<vmem>>) dst(%dma_wait3A_87 : memref<10240x2048xf32, #tpu.memory_space<hbm>>)
    %dma_wait3A_88 = arith.constant 2 : i32
    %dma_wait3A_89 = arith.constant 0 : i32
    %dma_wait3A_90 = tpu.memref_slice %arg8[%dma_wait3A_88, %dma_wait3A_89] : memref<8x16xi32, #tpu.memory_space<vmem>> -> memref<1x16xi32, #tpu.memory_space<vmem>>
    %dma_wait3A_91 = tpu.memref_squeeze %dma_wait3A_90 : memref<1x16xi32, #tpu.memory_space<vmem>> -> memref<16xi32, #tpu.memory_space<vmem>>
    %dma_wait3A_92 = arith.constant 0 : i32
    %dma_wait3A_93 = arith.constant 0 : i32
    %dma_wait3A_94 = tpu.memref_slice %arg5[%dma_wait3A_92, %dma_wait3A_93] : memref<10240x2048xf32, #tpu.memory_space<hbm>> -> memref<10240x2048xf32, #tpu.memory_space<hbm>>
    tpu.wait_indirect_dma semaphore(%arg9 : memref<!tpu.dma_semaphore, #tpu.memory_space<semaphore_mem>>) src(%arg6 : memref<16x2048xf32, #tpu.memory_space<vmem>>) dst(%dma_wait3A_94 : memref<10240x2048xf32, #tpu.memory_space<hbm>>)
    %add3A_95 = arith.constant 48 : i32
    %add3A_96 = arith.addi %mul3A_6, %add3A_95 : i32
    "tpu.region"() ({
      %run_scoped3A = tpu.sem_alloc : memref<!tpu.dma_semaphore, #tpu.memory_space<semaphore_mem>>
      %dma_start3A_245 = arith.constant 0 : i32
      %dma_start3A_246 = tpu.memref_slice %arg2[%add3A_96, %dma_start3A_245] : memref<4096x2048xf32, #tpu.memory_space<hbm>> -> memref<16x2048xf32, #tpu.memory_space<hbm>>
      %dma_start3A_247 = arith.constant 0 : i32
      %dma_start3A_248 = tpu.memref_slice %arg2[%add3A_96, %dma_start3A_247] : memref<4096x2048xf32, #tpu.memory_space<hbm>> -> memref<16x2048xf32, #tpu.memory_space<hbm>>
      tpu.enqueue_dma source(%dma_start3A_248 : memref<16x2048xf32, #tpu.memory_space<hbm>>) target(%arg6 : memref<16x2048xf32, #tpu.memory_space<vmem>>) target_semaphore(%run_scoped3A : memref<!tpu.dma_semaphore, #tpu.memory_space<semaphore_mem>>)
      %dma_wait3A_249 = arith.constant 0 : i32
      %dma_wait3A_250 = tpu.memref_slice %arg2[%add3A_96, %dma_wait3A_249] : memref<4096x2048xf32, #tpu.memory_space<hbm>> -> memref<16x2048xf32, #tpu.memory_space<hbm>>
      %dma_wait3A_251 = arith.constant 0 : i32
      %dma_wait3A_252 = tpu.memref_slice %arg2[%add3A_96, %dma_wait3A_251] : memref<4096x2048xf32, #tpu.memory_space<hbm>> -> memref<16x2048xf32, #tpu.memory_space<hbm>>
      tpu.wait_dma2 semaphore(%run_scoped3A : memref<!tpu.dma_semaphore, #tpu.memory_space<semaphore_mem>>) src(%dma_wait3A_252 : memref<16x2048xf32, #tpu.memory_space<hbm>>) dst(%arg6 : memref<16x2048xf32, #tpu.memory_space<vmem>>)
      tpu.yield
    }) : () -> ()
    %dma_start3A_97 = arith.constant 3 : i32
    %dma_start3A_98 = arith.constant 0 : i32
    %dma_start3A_99 = tpu.memref_slice %arg7[%dma_start3A_97, %dma_start3A_98] : memref<8x16xi32, #tpu.memory_space<vmem>> -> memref<1x16xi32, #tpu.memory_space<vmem>>
    %dma_start3A_100 = tpu.memref_squeeze %dma_start3A_99 : memref<1x16xi32, #tpu.memory_space<vmem>> -> memref<16xi32, #tpu.memory_space<vmem>>
    %dma_start3A_101 = arith.constant 0 : i32
    %dma_start3A_102 = arith.constant 0 : i32
    %dma_start3A_103 = tpu.memref_slice %arg5[%dma_start3A_101, %dma_start3A_102] : memref<10240x2048xf32, #tpu.memory_space<hbm>> -> memref<10240x2048xf32, #tpu.memory_space<hbm>>
    tpu.enqueue_indirect_dma source(%arg6 : memref<16x2048xf32, #tpu.memory_space<vmem>>) target(%dma_start3A_103 : memref<10240x2048xf32, #tpu.memory_space<hbm>>) offsets(%dma_start3A_100 : memref<16xi32, #tpu.memory_space<vmem>>) semaphore(%arg9 : memref<!tpu.dma_semaphore, #tpu.memory_space<semaphore_mem>>)
    %dma_start3A_104 = arith.constant 3 : i32
    %dma_start3A_105 = arith.constant 0 : i32
    %dma_start3A_106 = tpu.memref_slice %arg8[%dma_start3A_104, %dma_start3A_105] : memref<8x16xi32, #tpu.memory_space<vmem>> -> memref<1x16xi32, #tpu.memory_space<vmem>>
    %dma_start3A_107 = tpu.memref_squeeze %dma_start3A_106 : memref<1x16xi32, #tpu.memory_space<vmem>> -> memref<16xi32, #tpu.memory_space<vmem>>
    %dma_start3A_108 = arith.constant 0 : i32
    %dma_start3A_109 = arith.constant 0 : i32
    %dma_start3A_110 = tpu.memref_slice %arg5[%dma_start3A_108, %dma_start3A_109] : memref<10240x2048xf32, #tpu.memory_space<hbm>> -> memref<10240x2048xf32, #tpu.memory_space<hbm>>
    tpu.enqueue_indirect_dma source(%arg6 : memref<16x2048xf32, #tpu.memory_space<vmem>>) target(%dma_start3A_110 : memref<10240x2048xf32, #tpu.memory_space<hbm>>) offsets(%dma_start3A_107 : memref<16xi32, #tpu.memory_space<vmem>>) semaphore(%arg9 : memref<!tpu.dma_semaphore, #tpu.memory_space<semaphore_mem>>)
    %dma_wait3A_111 = arith.constant 3 : i32
    %dma_wait3A_112 = arith.constant 0 : i32
    %dma_wait3A_113 = tpu.memref_slice %arg7[%dma_wait3A_111, %dma_wait3A_112] : memref<8x16xi32, #tpu.memory_space<vmem>> -> memref<1x16xi32, #tpu.memory_space<vmem>>
    %dma_wait3A_114 = tpu.memref_squeeze %dma_wait3A_113 : memref<1x16xi32, #tpu.memory_space<vmem>> -> memref<16xi32, #tpu.memory_space<vmem>>
    %dma_wait3A_115 = arith.constant 0 : i32
    %dma_wait3A_116 = arith.constant 0 : i32
    %dma_wait3A_117 = tpu.memref_slice %arg5[%dma_wait3A_115, %dma_wait3A_116] : memref<10240x2048xf32, #tpu.memory_space<hbm>> -> memref<10240x2048xf32, #tpu.memory_space<hbm>>
    tpu.wait_indirect_dma semaphore(%arg9 : memref<!tpu.dma_semaphore, #tpu.memory_space<semaphore_mem>>) src(%arg6 : memref<16x2048xf32, #tpu.memory_space<vmem>>) dst(%dma_wait3A_117 : memref<10240x2048xf32, #tpu.memory_space<hbm>>)
    %dma_wait3A_118 = arith.constant 3 : i32
    %dma_wait3A_119 = arith.constant 0 : i32
    %dma_wait3A_120 = tpu.memref_slice %arg8[%dma_wait3A_118, %dma_wait3A_119] : memref<8x16xi32, #tpu.memory_space<vmem>> -> memref<1x16xi32, #tpu.memory_space<vmem>>
    %dma_wait3A_121 = tpu.memref_squeeze %dma_wait3A_120 : memref<1x16xi32, #tpu.memory_space<vmem>> -> memref<16xi32, #tpu.memory_space<vmem>>
    %dma_wait3A_122 = arith.constant 0 : i32
    %dma_wait3A_123 = arith.constant 0 : i32
    %dma_wait3A_124 = tpu.memref_slice %arg5[%dma_wait3A_122, %dma_wait3A_123] : memref<10240x2048xf32, #tpu.memory_space<hbm>> -> memref<10240x2048xf32, #tpu.memory_space<hbm>>
    tpu.wait_indirect_dma semaphore(%arg9 : memref<!tpu.dma_semaphore, #tpu.memory_space<semaphore_mem>>) src(%arg6 : memref<16x2048xf32, #tpu.memory_space<vmem>>) dst(%dma_wait3A_124 : memref<10240x2048xf32, #tpu.memory_space<hbm>>)
    %add3A_125 = arith.constant 64 : i32
    %add3A_126 = arith.addi %mul3A_6, %add3A_125 : i32
    "tpu.region"() ({
      %run_scoped3A = tpu.sem_alloc : memref<!tpu.dma_semaphore, #tpu.memory_space<semaphore_mem>>
      %dma_start3A_245 = arith.constant 0 : i32
      %dma_start3A_246 = tpu.memref_slice %arg2[%add3A_126, %dma_start3A_245] : memref<4096x2048xf32, #tpu.memory_space<hbm>> -> memref<16x2048xf32, #tpu.memory_space<hbm>>
      %dma_start3A_247 = arith.constant 0 : i32
      %dma_start3A_248 = tpu.memref_slice %arg2[%add3A_126, %dma_start3A_247] : memref<4096x2048xf32, #tpu.memory_space<hbm>> -> memref<16x2048xf32, #tpu.memory_space<hbm>>
      tpu.enqueue_dma source(%dma_start3A_248 : memref<16x2048xf32, #tpu.memory_space<hbm>>) target(%arg6 : memref<16x2048xf32, #tpu.memory_space<vmem>>) target_semaphore(%run_scoped3A : memref<!tpu.dma_semaphore, #tpu.memory_space<semaphore_mem>>)
      %dma_wait3A_249 = arith.constant 0 : i32
      %dma_wait3A_250 = tpu.memref_slice %arg2[%add3A_126, %dma_wait3A_249] : memref<4096x2048xf32, #tpu.memory_space<hbm>> -> memref<16x2048xf32, #tpu.memory_space<hbm>>
      %dma_wait3A_251 = arith.constant 0 : i32
      %dma_wait3A_252 = tpu.memref_slice %arg2[%add3A_126, %dma_wait3A_251] : memref<4096x2048xf32, #tpu.memory_space<hbm>> -> memref<16x2048xf32, #tpu.memory_space<hbm>>
      tpu.wait_dma2 semaphore(%run_scoped3A : memref<!tpu.dma_semaphore, #tpu.memory_space<semaphore_mem>>) src(%dma_wait3A_252 : memref<16x2048xf32, #tpu.memory_space<hbm>>) dst(%arg6 : memref<16x2048xf32, #tpu.memory_space<vmem>>)
      tpu.yield
    }) : () -> ()
    %dma_start3A_127 = arith.constant 4 : i32
    %dma_start3A_128 = arith.constant 0 : i32
    %dma_start3A_129 = tpu.memref_slice %arg7[%dma_start3A_127, %dma_start3A_128] : memref<8x16xi32, #tpu.memory_space<vmem>> -> memref<1x16xi32, #tpu.memory_space<vmem>>
    %dma_start3A_130 = tpu.memref_squeeze %dma_start3A_129 : memref<1x16xi32, #tpu.memory_space<vmem>> -> memref<16xi32, #tpu.memory_space<vmem>>
    %dma_start3A_131 = arith.constant 0 : i32
    %dma_start3A_132 = arith.constant 0 : i32
    %dma_start3A_133 = tpu.memref_slice %arg5[%dma_start3A_131, %dma_start3A_132] : memref<10240x2048xf32, #tpu.memory_space<hbm>> -> memref<10240x2048xf32, #tpu.memory_space<hbm>>
    tpu.enqueue_indirect_dma source(%arg6 : memref<16x2048xf32, #tpu.memory_space<vmem>>) target(%dma_start3A_133 : memref<10240x2048xf32, #tpu.memory_space<hbm>>) offsets(%dma_start3A_130 : memref<16xi32, #tpu.memory_space<vmem>>) semaphore(%arg9 : memref<!tpu.dma_semaphore, #tpu.memory_space<semaphore_mem>>)
    %dma_start3A_134 = arith.constant 4 : i32
    %dma_start3A_135 = arith.constant 0 : i32
    %dma_start3A_136 = tpu.memref_slice %arg8[%dma_start3A_134, %dma_start3A_135] : memref<8x16xi32, #tpu.memory_space<vmem>> -> memref<1x16xi32, #tpu.memory_space<vmem>>
    %dma_start3A_137 = tpu.memref_squeeze %dma_start3A_136 : memref<1x16xi32, #tpu.memory_space<vmem>> -> memref<16xi32, #tpu.memory_space<vmem>>
    %dma_start3A_138 = arith.constant 0 : i32
    %dma_start3A_139 = arith.constant 0 : i32
    %dma_start3A_140 = tpu.memref_slice %arg5[%dma_start3A_138, %dma_start3A_139] : memref<10240x2048xf32, #tpu.memory_space<hbm>> -> memref<10240x2048xf32, #tpu.memory_space<hbm>>
    tpu.enqueue_indirect_dma source(%arg6 : memref<16x2048xf32, #tpu.memory_space<vmem>>) target(%dma_start3A_140 : memref<10240x2048xf32, #tpu.memory_space<hbm>>) offsets(%dma_start3A_137 : memref<16xi32, #tpu.memory_space<vmem>>) semaphore(%arg9 : memref<!tpu.dma_semaphore, #tpu.memory_space<semaphore_mem>>)
    %dma_wait3A_141 = arith.constant 4 : i32
    %dma_wait3A_142 = arith.constant 0 : i32
    %dma_wait3A_143 = tpu.memref_slice %arg7[%dma_wait3A_141, %dma_wait3A_142] : memref<8x16xi32, #tpu.memory_space<vmem>> -> memref<1x16xi32, #tpu.memory_space<vmem>>
    %dma_wait3A_144 = tpu.memref_squeeze %dma_wait3A_143 : memref<1x16xi32, #tpu.memory_space<vmem>> -> memref<16xi32, #tpu.memory_space<vmem>>
    %dma_wait3A_145 = arith.constant 0 : i32
    %dma_wait3A_146 = arith.constant 0 : i32
    %dma_wait3A_147 = tpu.memref_slice %arg5[%dma_wait3A_145, %dma_wait3A_146] : memref<10240x2048xf32, #tpu.memory_space<hbm>> -> memref<10240x2048xf32, #tpu.memory_space<hbm>>
    tpu.wait_indirect_dma semaphore(%arg9 : memref<!tpu.dma_semaphore, #tpu.memory_space<semaphore_mem>>) src(%arg6 : memref<16x2048xf32, #tpu.memory_space<vmem>>) dst(%dma_wait3A_147 : memref<10240x2048xf32, #tpu.memory_space<hbm>>)
    %dma_wait3A_148 = arith.constant 4 : i32
    %dma_wait3A_149 = arith.constant 0 : i32
    %dma_wait3A_150 = tpu.memref_slice %arg8[%dma_wait3A_148, %dma_wait3A_149] : memref<8x16xi32, #tpu.memory_space<vmem>> -> memref<1x16xi32, #tpu.memory_space<vmem>>
    %dma_wait3A_151 = tpu.memref_squeeze %dma_wait3A_150 : memref<1x16xi32, #tpu.memory_space<vmem>> -> memref<16xi32, #tpu.memory_space<vmem>>
    %dma_wait3A_152 = arith.constant 0 : i32
    %dma_wait3A_153 = arith.constant 0 : i32
    %dma_wait3A_154 = tpu.memref_slice %arg5[%dma_wait3A_152, %dma_wait3A_153] : memref<10240x2048xf32, #tpu.memory_space<hbm>> -> memref<10240x2048xf32, #tpu.memory_space<hbm>>
    tpu.wait_indirect_dma semaphore(%arg9 : memref<!tpu.dma_semaphore, #tpu.memory_space<semaphore_mem>>) src(%arg6 : memref<16x2048xf32, #tpu.memory_space<vmem>>) dst(%dma_wait3A_154 : memref<10240x2048xf32, #tpu.memory_space<hbm>>)
    %add3A_155 = arith.constant 80 : i32
    %add3A_156 = arith.addi %mul3A_6, %add3A_155 : i32
    "tpu.region"() ({
      %run_scoped3A = tpu.sem_alloc : memref<!tpu.dma_semaphore, #tpu.memory_space<semaphore_mem>>
      %dma_start3A_245 = arith.constant 0 : i32
      %dma_start3A_246 = tpu.memref_slice %arg2[%add3A_156, %dma_start3A_245] : memref<4096x2048xf32, #tpu.memory_space<hbm>> -> memref<16x2048xf32, #tpu.memory_space<hbm>>
      %dma_start3A_247 = arith.constant 0 : i32
      %dma_start3A_248 = tpu.memref_slice %arg2[%add3A_156, %dma_start3A_247] : memref<4096x2048xf32, #tpu.memory_space<hbm>> -> memref<16x2048xf32, #tpu.memory_space<hbm>>
      tpu.enqueue_dma source(%dma_start3A_248 : memref<16x2048xf32, #tpu.memory_space<hbm>>) target(%arg6 : memref<16x2048xf32, #tpu.memory_space<vmem>>) target_semaphore(%run_scoped3A : memref<!tpu.dma_semaphore, #tpu.memory_space<semaphore_mem>>)
      %dma_wait3A_249 = arith.constant 0 : i32
      %dma_wait3A_250 = tpu.memref_slice %arg2[%add3A_156, %dma_wait3A_249] : memref<4096x2048xf32, #tpu.memory_space<hbm>> -> memref<16x2048xf32, #tpu.memory_space<hbm>>
      %dma_wait3A_251 = arith.constant 0 : i32
      %dma_wait3A_252 = tpu.memref_slice %arg2[%add3A_156, %dma_wait3A_251] : memref<4096x2048xf32, #tpu.memory_space<hbm>> -> memref<16x2048xf32, #tpu.memory_space<hbm>>
      tpu.wait_dma2 semaphore(%run_scoped3A : memref<!tpu.dma_semaphore, #tpu.memory_space<semaphore_mem>>) src(%dma_wait3A_252 : memref<16x2048xf32, #tpu.memory_space<hbm>>) dst(%arg6 : memref<16x2048xf32, #tpu.memory_space<vmem>>)
      tpu.yield
    }) : () -> ()
    %dma_start3A_157 = arith.constant 5 : i32
    %dma_start3A_158 = arith.constant 0 : i32
    %dma_start3A_159 = tpu.memref_slice %arg7[%dma_start3A_157, %dma_start3A_158] : memref<8x16xi32, #tpu.memory_space<vmem>> -> memref<1x16xi32, #tpu.memory_space<vmem>>
    %dma_start3A_160 = tpu.memref_squeeze %dma_start3A_159 : memref<1x16xi32, #tpu.memory_space<vmem>> -> memref<16xi32, #tpu.memory_space<vmem>>
    %dma_start3A_161 = arith.constant 0 : i32
    %dma_start3A_162 = arith.constant 0 : i32
    %dma_start3A_163 = tpu.memref_slice %arg5[%dma_start3A_161, %dma_start3A_162] : memref<10240x2048xf32, #tpu.memory_space<hbm>> -> memref<10240x2048xf32, #tpu.memory_space<hbm>>
    tpu.enqueue_indirect_dma source(%arg6 : memref<16x2048xf32, #tpu.memory_space<vmem>>) target(%dma_start3A_163 : memref<10240x2048xf32, #tpu.memory_space<hbm>>) offsets(%dma_start3A_160 : memref<16xi32, #tpu.memory_space<vmem>>) semaphore(%arg9 : memref<!tpu.dma_semaphore, #tpu.memory_space<semaphore_mem>>)
    %dma_start3A_164 = arith.constant 5 : i32
    %dma_start3A_165 = arith.constant 0 : i32
    %dma_start3A_166 = tpu.memref_slice %arg8[%dma_start3A_164, %dma_start3A_165] : memref<8x16xi32, #tpu.memory_space<vmem>> -> memref<1x16xi32, #tpu.memory_space<vmem>>
    %dma_start3A_167 = tpu.memref_squeeze %dma_start3A_166 : memref<1x16xi32, #tpu.memory_space<vmem>> -> memref<16xi32, #tpu.memory_space<vmem>>
    %dma_start3A_168 = arith.constant 0 : i32
    %dma_start3A_169 = arith.constant 0 : i32
    %dma_start3A_170 = tpu.memref_slice %arg5[%dma_start3A_168, %dma_start3A_169] : memref<10240x2048xf32, #tpu.memory_space<hbm>> -> memref<10240x2048xf32, #tpu.memory_space<hbm>>
    tpu.enqueue_indirect_dma source(%arg6 : memref<16x2048xf32, #tpu.memory_space<vmem>>) target(%dma_start3A_170 : memref<10240x2048xf32, #tpu.memory_space<hbm>>) offsets(%dma_start3A_167 : memref<16xi32, #tpu.memory_space<vmem>>) semaphore(%arg9 : memref<!tpu.dma_semaphore, #tpu.memory_space<semaphore_mem>>)
    %dma_wait3A_171 = arith.constant 5 : i32
    %dma_wait3A_172 = arith.constant 0 : i32
    %dma_wait3A_173 = tpu.memref_slice %arg7[%dma_wait3A_171, %dma_wait3A_172] : memref<8x16xi32, #tpu.memory_space<vmem>> -> memref<1x16xi32, #tpu.memory_space<vmem>>
    %dma_wait3A_174 = tpu.memref_squeeze %dma_wait3A_173 : memref<1x16xi32, #tpu.memory_space<vmem>> -> memref<16xi32, #tpu.memory_space<vmem>>
    %dma_wait3A_175 = arith.constant 0 : i32
    %dma_wait3A_176 = arith.constant 0 : i32
    %dma_wait3A_177 = tpu.memref_slice %arg5[%dma_wait3A_175, %dma_wait3A_176] : memref<10240x2048xf32, #tpu.memory_space<hbm>> -> memref<10240x2048xf32, #tpu.memory_space<hbm>>
    tpu.wait_indirect_dma semaphore(%arg9 : memref<!tpu.dma_semaphore, #tpu.memory_space<semaphore_mem>>) src(%arg6 : memref<16x2048xf32, #tpu.memory_space<vmem>>) dst(%dma_wait3A_177 : memref<10240x2048xf32, #tpu.memory_space<hbm>>)
    %dma_wait3A_178 = arith.constant 5 : i32
    %dma_wait3A_179 = arith.constant 0 : i32
    %dma_wait3A_180 = tpu.memref_slice %arg8[%dma_wait3A_178, %dma_wait3A_179] : memref<8x16xi32, #tpu.memory_space<vmem>> -> memref<1x16xi32, #tpu.memory_space<vmem>>
    %dma_wait3A_181 = tpu.memref_squeeze %dma_wait3A_180 : memref<1x16xi32, #tpu.memory_space<vmem>> -> memref<16xi32, #tpu.memory_space<vmem>>
    %dma_wait3A_182 = arith.constant 0 : i32
    %dma_wait3A_183 = arith.constant 0 : i32
    %dma_wait3A_184 = tpu.memref_slice %arg5[%dma_wait3A_182, %dma_wait3A_183] : memref<10240x2048xf32, #tpu.memory_space<hbm>> -> memref<10240x2048xf32, #tpu.memory_space<hbm>>
    tpu.wait_indirect_dma semaphore(%arg9 : memref<!tpu.dma_semaphore, #tpu.memory_space<semaphore_mem>>) src(%arg6 : memref<16x2048xf32, #tpu.memory_space<vmem>>) dst(%dma_wait3A_184 : memref<10240x2048xf32, #tpu.memory_space<hbm>>)
    %add3A_185 = arith.constant 96 : i32
    %add3A_186 = arith.addi %mul3A_6, %add3A_185 : i32
    "tpu.region"() ({
      %run_scoped3A = tpu.sem_alloc : memref<!tpu.dma_semaphore, #tpu.memory_space<semaphore_mem>>
      %dma_start3A_245 = arith.constant 0 : i32
      %dma_start3A_246 = tpu.memref_slice %arg2[%add3A_186, %dma_start3A_245] : memref<4096x2048xf32, #tpu.memory_space<hbm>> -> memref<16x2048xf32, #tpu.memory_space<hbm>>
      %dma_start3A_247 = arith.constant 0 : i32
      %dma_start3A_248 = tpu.memref_slice %arg2[%add3A_186, %dma_start3A_247] : memref<4096x2048xf32, #tpu.memory_space<hbm>> -> memref<16x2048xf32, #tpu.memory_space<hbm>>
      tpu.enqueue_dma source(%dma_start3A_248 : memref<16x2048xf32, #tpu.memory_space<hbm>>) target(%arg6 : memref<16x2048xf32, #tpu.memory_space<vmem>>) target_semaphore(%run_scoped3A : memref<!tpu.dma_semaphore, #tpu.memory_space<semaphore_mem>>)
      %dma_wait3A_249 = arith.constant 0 : i32
      %dma_wait3A_250 = tpu.memref_slice %arg2[%add3A_186, %dma_wait3A_249] : memref<4096x2048xf32, #tpu.memory_space<hbm>> -> memref<16x2048xf32, #tpu.memory_space<hbm>>
      %dma_wait3A_251 = arith.constant 0 : i32
      %dma_wait3A_252 = tpu.memref_slice %arg2[%add3A_186, %dma_wait3A_251] : memref<4096x2048xf32, #tpu.memory_space<hbm>> -> memref<16x2048xf32, #tpu.memory_space<hbm>>
      tpu.wait_dma2 semaphore(%run_scoped3A : memref<!tpu.dma_semaphore, #tpu.memory_space<semaphore_mem>>) src(%dma_wait3A_252 : memref<16x2048xf32, #tpu.memory_space<hbm>>) dst(%arg6 : memref<16x2048xf32, #tpu.memory_space<vmem>>)
      tpu.yield
    }) : () -> ()
    %dma_start3A_187 = arith.constant 6 : i32
    %dma_start3A_188 = arith.constant 0 : i32
    %dma_start3A_189 = tpu.memref_slice %arg7[%dma_start3A_187, %dma_start3A_188] : memref<8x16xi32, #tpu.memory_space<vmem>> -> memref<1x16xi32, #tpu.memory_space<vmem>>
    %dma_start3A_190 = tpu.memref_squeeze %dma_start3A_189 : memref<1x16xi32, #tpu.memory_space<vmem>> -> memref<16xi32, #tpu.memory_space<vmem>>
    %dma_start3A_191 = arith.constant 0 : i32
    %dma_start3A_192 = arith.constant 0 : i32
    %dma_start3A_193 = tpu.memref_slice %arg5[%dma_start3A_191, %dma_start3A_192] : memref<10240x2048xf32, #tpu.memory_space<hbm>> -> memref<10240x2048xf32, #tpu.memory_space<hbm>>
    tpu.enqueue_indirect_dma source(%arg6 : memref<16x2048xf32, #tpu.memory_space<vmem>>) target(%dma_start3A_193 : memref<10240x2048xf32, #tpu.memory_space<hbm>>) offsets(%dma_start3A_190 : memref<16xi32, #tpu.memory_space<vmem>>) semaphore(%arg9 : memref<!tpu.dma_semaphore, #tpu.memory_space<semaphore_mem>>)
    %dma_start3A_194 = arith.constant 6 : i32
    %dma_start3A_195 = arith.constant 0 : i32
    %dma_start3A_196 = tpu.memref_slice %arg8[%dma_start3A_194, %dma_start3A_195] : memref<8x16xi32, #tpu.memory_space<vmem>> -> memref<1x16xi32, #tpu.memory_space<vmem>>
    %dma_start3A_197 = tpu.memref_squeeze %dma_start3A_196 : memref<1x16xi32, #tpu.memory_space<vmem>> -> memref<16xi32, #tpu.memory_space<vmem>>
    %dma_start3A_198 = arith.constant 0 : i32
    %dma_start3A_199 = arith.constant 0 : i32
    %dma_start3A_200 = tpu.memref_slice %arg5[%dma_start3A_198, %dma_start3A_199] : memref<10240x2048xf32, #tpu.memory_space<hbm>> -> memref<10240x2048xf32, #tpu.memory_space<hbm>>
    tpu.enqueue_indirect_dma source(%arg6 : memref<16x2048xf32, #tpu.memory_space<vmem>>) target(%dma_start3A_200 : memref<10240x2048xf32, #tpu.memory_space<hbm>>) offsets(%dma_start3A_197 : memref<16xi32, #tpu.memory_space<vmem>>) semaphore(%arg9 : memref<!tpu.dma_semaphore, #tpu.memory_space<semaphore_mem>>)
    %dma_wait3A_201 = arith.constant 6 : i32
    %dma_wait3A_202 = arith.constant 0 : i32
    %dma_wait3A_203 = tpu.memref_slice %arg7[%dma_wait3A_201, %dma_wait3A_202] : memref<8x16xi32, #tpu.memory_space<vmem>> -> memref<1x16xi32, #tpu.memory_space<vmem>>
    %dma_wait3A_204 = tpu.memref_squeeze %dma_wait3A_203 : memref<1x16xi32, #tpu.memory_space<vmem>> -> memref<16xi32, #tpu.memory_space<vmem>>
    %dma_wait3A_205 = arith.constant 0 : i32
    %dma_wait3A_206 = arith.constant 0 : i32
    %dma_wait3A_207 = tpu.memref_slice %arg5[%dma_wait3A_205, %dma_wait3A_206] : memref<10240x2048xf32, #tpu.memory_space<hbm>> -> memref<10240x2048xf32, #tpu.memory_space<hbm>>
    tpu.wait_indirect_dma semaphore(%arg9 : memref<!tpu.dma_semaphore, #tpu.memory_space<semaphore_mem>>) src(%arg6 : memref<16x2048xf32, #tpu.memory_space<vmem>>) dst(%dma_wait3A_207 : memref<10240x2048xf32, #tpu.memory_space<hbm>>)
    %dma_wait3A_208 = arith.constant 6 : i32
    %dma_wait3A_209 = arith.constant 0 : i32
    %dma_wait3A_210 = tpu.memref_slice %arg8[%dma_wait3A_208, %dma_wait3A_209] : memref<8x16xi32, #tpu.memory_space<vmem>> -> memref<1x16xi32, #tpu.memory_space<vmem>>
    %dma_wait3A_211 = tpu.memref_squeeze %dma_wait3A_210 : memref<1x16xi32, #tpu.memory_space<vmem>> -> memref<16xi32, #tpu.memory_space<vmem>>
    %dma_wait3A_212 = arith.constant 0 : i32
    %dma_wait3A_213 = arith.constant 0 : i32
    %dma_wait3A_214 = tpu.memref_slice %arg5[%dma_wait3A_212, %dma_wait3A_213] : memref<10240x2048xf32, #tpu.memory_space<hbm>> -> memref<10240x2048xf32, #tpu.memory_space<hbm>>
    tpu.wait_indirect_dma semaphore(%arg9 : memref<!tpu.dma_semaphore, #tpu.memory_space<semaphore_mem>>) src(%arg6 : memref<16x2048xf32, #tpu.memory_space<vmem>>) dst(%dma_wait3A_214 : memref<10240x2048xf32, #tpu.memory_space<hbm>>)
    %add3A_215 = arith.constant 112 : i32
    %add3A_216 = arith.addi %mul3A_6, %add3A_215 : i32
    "tpu.region"() ({
      %run_scoped3A = tpu.sem_alloc : memref<!tpu.dma_semaphore, #tpu.memory_space<semaphore_mem>>
      %dma_start3A_245 = arith.constant 0 : i32
      %dma_start3A_246 = tpu.memref_slice %arg2[%add3A_216, %dma_start3A_245] : memref<4096x2048xf32, #tpu.memory_space<hbm>> -> memref<16x2048xf32, #tpu.memory_space<hbm>>
      %dma_start3A_247 = arith.constant 0 : i32
      %dma_start3A_248 = tpu.memref_slice %arg2[%add3A_216, %dma_start3A_247] : memref<4096x2048xf32, #tpu.memory_space<hbm>> -> memref<16x2048xf32, #tpu.memory_space<hbm>>
      tpu.enqueue_dma source(%dma_start3A_248 : memref<16x2048xf32, #tpu.memory_space<hbm>>) target(%arg6 : memref<16x2048xf32, #tpu.memory_space<vmem>>) target_semaphore(%run_scoped3A : memref<!tpu.dma_semaphore, #tpu.memory_space<semaphore_mem>>)
      %dma_wait3A_249 = arith.constant 0 : i32
      %dma_wait3A_250 = tpu.memref_slice %arg2[%add3A_216, %dma_wait3A_249] : memref<4096x2048xf32, #tpu.memory_space<hbm>> -> memref<16x2048xf32, #tpu.memory_space<hbm>>
      %dma_wait3A_251 = arith.constant 0 : i32
      %dma_wait3A_252 = tpu.memref_slice %arg2[%add3A_216, %dma_wait3A_251] : memref<4096x2048xf32, #tpu.memory_space<hbm>> -> memref<16x2048xf32, #tpu.memory_space<hbm>>
      tpu.wait_dma2 semaphore(%run_scoped3A : memref<!tpu.dma_semaphore, #tpu.memory_space<semaphore_mem>>) src(%dma_wait3A_252 : memref<16x2048xf32, #tpu.memory_space<hbm>>) dst(%arg6 : memref<16x2048xf32, #tpu.memory_space<vmem>>)
      tpu.yield
    }) : () -> ()
    %dma_start3A_217 = arith.constant 7 : i32
    %dma_start3A_218 = arith.constant 0 : i32
    %dma_start3A_219 = tpu.memref_slice %arg7[%dma_start3A_217, %dma_start3A_218] : memref<8x16xi32, #tpu.memory_space<vmem>> -> memref<1x16xi32, #tpu.memory_space<vmem>>
    %dma_start3A_220 = tpu.memref_squeeze %dma_start3A_219 : memref<1x16xi32, #tpu.memory_space<vmem>> -> memref<16xi32, #tpu.memory_space<vmem>>
    %dma_start3A_221 = arith.constant 0 : i32
    %dma_start3A_222 = arith.constant 0 : i32
    %dma_start3A_223 = tpu.memref_slice %arg5[%dma_start3A_221, %dma_start3A_222] : memref<10240x2048xf32, #tpu.memory_space<hbm>> -> memref<10240x2048xf32, #tpu.memory_space<hbm>>
    tpu.enqueue_indirect_dma source(%arg6 : memref<16x2048xf32, #tpu.memory_space<vmem>>) target(%dma_start3A_223 : memref<10240x2048xf32, #tpu.memory_space<hbm>>) offsets(%dma_start3A_220 : memref<16xi32, #tpu.memory_space<vmem>>) semaphore(%arg9 : memref<!tpu.dma_semaphore, #tpu.memory_space<semaphore_mem>>)
    %dma_start3A_224 = arith.constant 7 : i32
    %dma_start3A_225 = arith.constant 0 : i32
    %dma_start3A_226 = tpu.memref_slice %arg8[%dma_start3A_224, %dma_start3A_225] : memref<8x16xi32, #tpu.memory_space<vmem>> -> memref<1x16xi32, #tpu.memory_space<vmem>>
    %dma_start3A_227 = tpu.memref_squeeze %dma_start3A_226 : memref<1x16xi32, #tpu.memory_space<vmem>> -> memref<16xi32, #tpu.memory_space<vmem>>
    %dma_start3A_228 = arith.constant 0 : i32
    %dma_start3A_229 = arith.constant 0 : i32
    %dma_start3A_230 = tpu.memref_slice %arg5[%dma_start3A_228, %dma_start3A_229] : memref<10240x2048xf32, #tpu.memory_space<hbm>> -> memref<10240x2048xf32, #tpu.memory_space<hbm>>
    tpu.enqueue_indirect_dma source(%arg6 : memref<16x2048xf32, #tpu.memory_space<vmem>>) target(%dma_start3A_230 : memref<10240x2048xf32, #tpu.memory_space<hbm>>) offsets(%dma_start3A_227 : memref<16xi32, #tpu.memory_space<vmem>>) semaphore(%arg9 : memref<!tpu.dma_semaphore, #tpu.memory_space<semaphore_mem>>)
    %dma_wait3A_231 = arith.constant 7 : i32
    %dma_wait3A_232 = arith.constant 0 : i32
    %dma_wait3A_233 = tpu.memref_slice %arg7[%dma_wait3A_231, %dma_wait3A_232] : memref<8x16xi32, #tpu.memory_space<vmem>> -> memref<1x16xi32, #tpu.memory_space<vmem>>
    %dma_wait3A_234 = tpu.memref_squeeze %dma_wait3A_233 : memref<1x16xi32, #tpu.memory_space<vmem>> -> memref<16xi32, #tpu.memory_space<vmem>>
    %dma_wait3A_235 = arith.constant 0 : i32
    %dma_wait3A_236 = arith.constant 0 : i32
    %dma_wait3A_237 = tpu.memref_slice %arg5[%dma_wait3A_235, %dma_wait3A_236] : memref<10240x2048xf32, #tpu.memory_space<hbm>> -> memref<10240x2048xf32, #tpu.memory_space<hbm>>
    tpu.wait_indirect_dma semaphore(%arg9 : memref<!tpu.dma_semaphore, #tpu.memory_space<semaphore_mem>>) src(%arg6 : memref<16x2048xf32, #tpu.memory_space<vmem>>) dst(%dma_wait3A_237 : memref<10240x2048xf32, #tpu.memory_space<hbm>>)
    %dma_wait3A_238 = arith.constant 7 : i32
    %dma_wait3A_239 = arith.constant 0 : i32
    %dma_wait3A_240 = tpu.memref_slice %arg8[%dma_wait3A_238, %dma_wait3A_239] : memref<8x16xi32, #tpu.memory_space<vmem>> -> memref<1x16xi32, #tpu.memory_space<vmem>>
    %dma_wait3A_241 = tpu.memref_squeeze %dma_wait3A_240 : memref<1x16xi32, #tpu.memory_space<vmem>> -> memref<16xi32, #tpu.memory_space<vmem>>
    %dma_wait3A_242 = arith.constant 0 : i32
    %dma_wait3A_243 = arith.constant 0 : i32
    %dma_wait3A_244 = tpu.memref_slice %arg5[%dma_wait3A_242, %dma_wait3A_243] : memref<10240x2048xf32, #tpu.memory_space<hbm>> -> memref<10240x2048xf32, #tpu.memory_space<hbm>>
    tpu.wait_indirect_dma semaphore(%arg9 : memref<!tpu.dma_semaphore, #tpu.memory_space<semaphore_mem>>) src(%arg6 : memref<16x2048xf32, #tpu.memory_space<vmem>>) dst(%dma_wait3A_244 : memref<10240x2048xf32, #tpu.memory_space<hbm>>)
    return
  }
}

module attributes {stable_mosaic.version = 14 : i64} {
  func.func @_k3_body(%arg0: i32, %arg1: memref<40xi32, #tpu.memory_space<smem>>, %arg2: memref<256x2048xf32, #tpu.memory_space<vmem>>, %arg3: memref<1x2048x1024xf32, #tpu.memory_space<vmem>>, %arg4: memref<1x2048x1024xf32, #tpu.memory_space<vmem>>, %arg5: memref<1x1024x2048xf32, #tpu.memory_space<vmem>>, %arg6: memref<256x2048xf32, #tpu.memory_space<vmem>>) attributes {dimension_semantics = [#tpu.dimension_semantics<arbitrary>], iteration_bounds = array<i64: 40>, scalar_prefetch = 1 : i64, scratch_operands = 0 : i64, tpu.core_type = #tpu.core_type<tc>, window_params = [{transform_indices = @transform_0, window_bounds = array<i64: 256, 2048>}, {transform_indices = @transform_1, window_bounds = array<i64: 1, 2048, 1024>}, {transform_indices = @transform_2, window_bounds = array<i64: 1, 2048, 1024>}, {transform_indices = @transform_3, window_bounds = array<i64: 1, 1024, 2048>}, {transform_indices = @transform_4, window_bounds = array<i64: 256, 2048>}]} {
    %get3A = arith.constant 0 : index
    %get3A_0 = arith.constant 0 : index
    %get3A_1 = vector.load %arg2[%get3A, %get3A_0] : memref<256x2048xf32, #tpu.memory_space<vmem>>, vector<256x2048xf32>
    %get3A_2 = arith.constant 0 : index
    %get3A_3 = arith.constant 0 : index
    %get3A_4 = arith.constant 0 : index
    %get3A_5 = vector.load %arg3[%get3A_2, %get3A_3, %get3A_4] : memref<1x2048x1024xf32, #tpu.memory_space<vmem>>, vector<1x2048x1024xf32>
    %reshape3A = vector.shape_cast %get3A_5 : vector<1x2048x1024xf32> to vector<2048x1024xf32>
    %get3A_6 = arith.constant 0 : index
    %get3A_7 = arith.constant 0 : index
    %get3A_8 = arith.constant 0 : index
    %get3A_9 = vector.load %arg4[%get3A_6, %get3A_7, %get3A_8] : memref<1x2048x1024xf32, #tpu.memory_space<vmem>>, vector<1x2048x1024xf32>
    %reshape3A_10 = vector.shape_cast %get3A_9 : vector<1x2048x1024xf32> to vector<2048x1024xf32>
    %get3A_11 = arith.constant 0 : index
    %get3A_12 = arith.constant 0 : index
    %get3A_13 = arith.constant 0 : index
    %get3A_14 = vector.load %arg5[%get3A_11, %get3A_12, %get3A_13] : memref<1x1024x2048xf32, #tpu.memory_space<vmem>>, vector<1x1024x2048xf32>
    %reshape3A_15 = vector.shape_cast %get3A_14 : vector<1x1024x2048xf32> to vector<1024x2048xf32>
    %dot_general3A = arith.constant dense<0.000000e+00> : vector<256x1024xf32>
    %dot_general3A_16 = tpu.matmul %get3A_1, %reshape3A, %dot_general3A {dimension_numbers = #tpu.dot_dimension_numbers<[1], [0], [0], [1], [0, 0, 1, 1], [], []>, transpose_lhs_hint = false} : vector<256x2048xf32>, vector<2048x1024xf32>, vector<256x1024xf32> -> vector<256x1024xf32>
    %dot_general3A_17 = arith.constant dense<0.000000e+00> : vector<256x1024xf32>
    %dot_general3A_18 = tpu.matmul %get3A_1, %reshape3A_10, %dot_general3A_17 {dimension_numbers = #tpu.dot_dimension_numbers<[1], [0], [0], [1], [0, 0, 1, 1], [], []>, transpose_lhs_hint = false} : vector<256x2048xf32>, vector<2048x1024xf32>, vector<256x1024xf32> -> vector<256x1024xf32>
    %neg3A = arith.constant 0.000000e+00 : f32
    %neg3A_19 = vector.broadcast %neg3A : f32 to vector<256x1024xf32>
    %neg3A_20 = arith.subf %neg3A_19, %dot_general3A_16 : vector<256x1024xf32>
    %exp3A = math.exp %neg3A_20 : vector<256x1024xf32>
    %add3A = arith.constant 1.000000e+00 : f32
    %add3A_21 = vector.broadcast %add3A : f32 to vector<256x1024xf32>
    %add3A_22 = arith.addf %add3A_21, %exp3A : vector<256x1024xf32>
    %div3A = arith.constant 1.000000e+00 : f32
    %div3A_23 = vector.broadcast %div3A : f32 to vector<256x1024xf32>
    %div3A_24 = arith.divf %div3A_23, %add3A_22 : vector<256x1024xf32>
    %mul3A = arith.mulf %dot_general3A_16, %div3A_24 : vector<256x1024xf32>
    %mul3A_25 = arith.mulf %mul3A, %dot_general3A_18 : vector<256x1024xf32>
    %dot_general3A_26 = arith.constant dense<0.000000e+00> : vector<256x2048xf32>
    %dot_general3A_27 = tpu.matmul %mul3A_25, %reshape3A_15, %dot_general3A_26 {dimension_numbers = #tpu.dot_dimension_numbers<[1], [0], [0], [1], [0, 0, 1, 1], [], []>, transpose_lhs_hint = false} : vector<256x1024xf32>, vector<1024x2048xf32>, vector<256x2048xf32> -> vector<256x2048xf32>
    %swap3A = arith.constant 0 : index
    %swap3A_28 = arith.constant 0 : index
    %swap3A_29 = vector.load %arg6[%swap3A, %swap3A_28] : memref<256x2048xf32, #tpu.memory_space<vmem>>, vector<256x2048xf32>
    tpu.vector_store %arg6[%swap3A, %swap3A_28], %dot_general3A_27 {strides = array<i32>} : memref<256x2048xf32, #tpu.memory_space<vmem>>, vector<256x2048xf32>,
    return
  }
  func.func @transform_0(%arg0: i32, %arg1: memref<40xi32, #tpu.memory_space<smem>>) -> (i32, i32) {
    %c0_i32 = arith.constant 0 : i32
    %c0_i32_0 = arith.constant 0 : i32
    return %arg0, %c0_i32 : i32, i32
  }
  func.func @transform_1(%arg0: i32, %arg1: memref<40xi32, #tpu.memory_space<smem>>) -> (i32, i32, i32) {
    %get3A = arith.index_cast %arg0 : i32 to index
    %get3A_0 = memref.load %arg1[%get3A] : memref<40xi32, #tpu.memory_space<smem>>
    %c0_i32 = arith.constant 0 : i32
    %c0_i32_1 = arith.constant 0 : i32
    %c0_i32_2 = arith.constant 0 : i32
    return %get3A_0, %c0_i32, %c0_i32_1 : i32, i32, i32
  }
  func.func @transform_2(%arg0: i32, %arg1: memref<40xi32, #tpu.memory_space<smem>>) -> (i32, i32, i32) {
    %get3A = arith.index_cast %arg0 : i32 to index
    %get3A_0 = memref.load %arg1[%get3A] : memref<40xi32, #tpu.memory_space<smem>>
    %c0_i32 = arith.constant 0 : i32
    %c0_i32_1 = arith.constant 0 : i32
    %c0_i32_2 = arith.constant 0 : i32
    return %get3A_0, %c0_i32, %c0_i32_1 : i32, i32, i32
  }
  func.func @transform_3(%arg0: i32, %arg1: memref<40xi32, #tpu.memory_space<smem>>) -> (i32, i32, i32) {
    %get3A = arith.index_cast %arg0 : i32 to index
    %get3A_0 = memref.load %arg1[%get3A] : memref<40xi32, #tpu.memory_space<smem>>
    %c0_i32 = arith.constant 0 : i32
    %c0_i32_1 = arith.constant 0 : i32
    %c0_i32_2 = arith.constant 0 : i32
    return %get3A_0, %c0_i32, %c0_i32_1 : i32, i32, i32
  }
  func.func @transform_4(%arg0: i32, %arg1: memref<40xi32, #tpu.memory_space<smem>>) -> (i32, i32) {
    %c0_i32 = arith.constant 0 : i32
    %c0_i32_0 = arith.constant 0 : i32
    return %arg0, %c0_i32 : i32, i32
  }
}

module attributes {stable_mosaic.version = 14 : i64} {
  func.func @_k1_body(%arg0: memref<4096x2048xf32, #tpu.memory_space<vmem>>, %arg1: memref<2048x8xf32, #tpu.memory_space<vmem>>, %arg2: memref<4096x8xf32, #tpu.memory_space<vmem>>, %arg3: memref<8x8xf32, #tpu.memory_space<vmem>>, %arg4: memref<8x8xf32, #tpu.memory_space<vmem>>, %arg5: memref<4096x2xi32, #tpu.memory_space<vmem>>, %arg6: memref<4096x2xf32, #tpu.memory_space<vmem>>, %arg7: memref<4096x2xi32, #tpu.memory_space<vmem>>, %arg8: memref<40x1xi32, #tpu.memory_space<vmem>>) attributes {dimension_semantics = [], scalar_prefetch = 0 : i64, scratch_operands = 0 : i64, tpu.core_type = #tpu.core_type<tc>} {
    %get3A = arith.constant 0 : index
    %get3A_0 = arith.constant 0 : index
    %get3A_1 = vector.load %arg0[%get3A, %get3A_0] : memref<4096x2048xf32, #tpu.memory_space<vmem>>, vector<4096x2048xf32>
    %get3A_2 = arith.constant 0 : index
    %get3A_3 = arith.constant 0 : index
    %get3A_4 = vector.load %arg1[%get3A_2, %get3A_3] : memref<2048x8xf32, #tpu.memory_space<vmem>>, vector<2048x8xf32>
    %dot_general3A = arith.constant dense<0.000000e+00> : vector<4096x8xf32>
    %dot_general3A_5 = tpu.matmul %get3A_1, %get3A_4, %dot_general3A {dimension_numbers = #tpu.dot_dimension_numbers<[1], [0], [0], [1], [0, 0, 1, 1], [], []>, transpose_lhs_hint = false} : vector<4096x2048xf32>, vector<2048x8xf32>, vector<4096x8xf32> -> vector<4096x8xf32>
    %swap3A = arith.constant 0 : index
    %swap3A_6 = arith.constant 0 : index
    %swap3A_7 = vector.load %arg2[%swap3A, %swap3A_6] : memref<4096x8xf32, #tpu.memory_space<vmem>>, vector<4096x8xf32>
    tpu.vector_store %arg2[%swap3A, %swap3A_6], %dot_general3A_5 {strides = array<i32>} : memref<4096x8xf32, #tpu.memory_space<vmem>>, vector<4096x8xf32>,
    %iota3A = tpu.iota {dimensions = array<i32: 0>} : vector<8x8xi32>
    %iota3A_8 = tpu.iota {dimensions = array<i32: 1>} : vector<8x8xi32>
    %eq3A = arith.cmpi eq, %iota3A, %iota3A_8 : vector<8x8xi32>
    %convert_element_type3A = arith.extui %eq3A : vector<8x8xi1> to vector<8x8xi32>
    %convert_element_type3A_9 = arith.sitofp %convert_element_type3A : vector<8x8xi32> to vector<8x8xf32>
    %dot_general3A_10 = arith.constant dense<0.000000e+00> : vector<8x8xf32>
    %dot_general3A_11 = tpu.matmul %dot_general3A_5, %dot_general3A_5, %dot_general3A_10 {dimension_numbers = #tpu.dot_dimension_numbers<[0], [0], [1], [1], [0, 1, 1, 1], [], []>, precision = #tpu.contract_precision<fp32>, transpose_lhs_hint = false} : vector<4096x8xf32>, vector<4096x8xf32>, vector<8x8xf32> -> vector<8x8xf32>
    %mul3A = arith.mulf %dot_general3A_11, %convert_element_type3A_9 : vector<8x8xf32>
    %reduce_sum3A = arith.constant dense<0.000000e+00> : vector<8xf32>
    %reduce_sum3A_12 = vector.multi_reduction <add>, %mul3A, %reduce_sum3A [0] : vector<8x8xf32> to vector<8xf32>
    %broadcast_in_dim3A = vector.shape_cast %reduce_sum3A_12 : vector<8xf32> to vector<1x8xf32>
    %sqrt3A = math.sqrt %broadcast_in_dim3A : vector<1x8xf32>
    %dot_general3A_13 = arith.constant dense<0.000000e+00> : vector<8x8xf32>
    %dot_general3A_14 = tpu.matmul %sqrt3A, %sqrt3A, %dot_general3A_13 {dimension_numbers = #tpu.dot_dimension_numbers<[0], [0], [1], [1], [0, 1, 1, 1], [], []>, precision = #tpu.contract_precision<fp32>, transpose_lhs_hint = false} : vector<1x8xf32>, vector<1x8xf32>, vector<8x8xf32> -> vector<8x8xf32>
    %max3A = arith.constant 9.99999993E-9 : f32
    %max3A_15 = vector.broadcast %max3A : f32 to vector<8x8xf32>
    %max3A_16 = arith.maximumf %dot_general3A_14, %max3A_15 : vector<8x8xf32>
    %div3A = arith.divf %dot_general3A_11, %max3A_16 : vector<8x8xf32>
    %swap3A_17 = arith.constant 0 : index
    %swap3A_18 = arith.constant 0 : index
    %swap3A_19 = vector.load %arg3[%swap3A_17, %swap3A_18] : memref<8x8xf32, #tpu.memory_space<vmem>>, vector<8x8xf32>
    tpu.vector_store %arg3[%swap3A_17, %swap3A_18], %div3A {strides = array<i32>} : memref<8x8xf32, #tpu.memory_space<vmem>>, vector<8x8xf32>,
    %dot_general3A_20 = arith.constant dense<0.000000e+00> : vector<8x1xf32>
    %dot_general3A_21 = tpu.matmul %convert_element_type3A_9, %broadcast_in_dim3A, %dot_general3A_20 {dimension_numbers = #tpu.dot_dimension_numbers<[1], [1], [0], [0], [0, 0, 1, 0], [], []>, precision = #tpu.contract_precision<fp32>, transpose_lhs_hint = false} : vector<8x8xf32>, vector<1x8xf32>, vector<8x1xf32> -> vector<8x1xf32>
    %add3A = vector.broadcast %dot_general3A_21 : vector<8x1xf32> to vector<8x8xf32>
    %add3A_22 = vector.broadcast %broadcast_in_dim3A : vector<1x8xf32> to vector<8x8xf32>
    %add3A_23 = arith.addf %add3A, %add3A_22 : vector<8x8xf32>
    %mul3A_24 = arith.constant 2.000000e+00 : f32
    %mul3A_25 = vector.broadcast %mul3A_24 : f32 to vector<8x8xf32>
    %mul3A_26 = arith.mulf %mul3A_25, %dot_general3A_11 : vector<8x8xf32>
    %sub3A = arith.subf %add3A_23, %mul3A_26 : vector<8x8xf32>
    %max3A_27 = arith.constant 0.000000e+00 : f32
    %max3A_28 = vector.broadcast %max3A_27 : f32 to vector<8x8xf32>
    %max3A_29 = arith.maximumf %sub3A, %max3A_28 : vector<8x8xf32>
    %sqrt3A_30 = math.sqrt %max3A_29 : vector<8x8xf32>
    %swap3A_31 = arith.constant 0 : index
    %swap3A_32 = arith.constant 0 : index
    %swap3A_33 = vector.load %arg4[%swap3A_31, %swap3A_32] : memref<8x8xf32, #tpu.memory_space<vmem>>, vector<8x8xf32>
    tpu.vector_store %arg4[%swap3A_31, %swap3A_32], %sqrt3A_30 {strides = array<i32>} : memref<8x8xf32, #tpu.memory_space<vmem>>, vector<8x8xf32>,
    %reduce_max3A = arith.constant dense<0xFF800000> : vector<4096xf32>
    %reduce_max3A_34 = vector.multi_reduction <maximumf>, %dot_general3A_5, %reduce_max3A [1] : vector<4096x8xf32> to vector<4096xf32>
    %broadcast_in_dim3A_35 = vector.shape_cast %reduce_max3A_34 : vector<4096xf32> to vector<4096x1xf32>
    %sub3A_36 = vector.broadcast %broadcast_in_dim3A_35 : vector<4096x1xf32> to vector<4096x8xf32>
    %sub3A_37 = arith.subf %dot_general3A_5, %sub3A_36 : vector<4096x8xf32>
    %exp3A = math.exp %sub3A_37 : vector<4096x8xf32>
    %reduce_sum3A_38 = arith.constant dense<0.000000e+00> : vector<4096xf32>
    %reduce_sum3A_39 = vector.multi_reduction <add>, %exp3A, %reduce_sum3A_38 [1] : vector<4096x8xf32> to vector<4096xf32>
    %broadcast_in_dim3A_40 = vector.shape_cast %reduce_sum3A_39 : vector<4096xf32> to vector<4096x1xf32>
    %div3A_41 = vector.broadcast %broadcast_in_dim3A_40 : vector<4096x1xf32> to vector<4096x8xf32>
    %div3A_42 = arith.divf %exp3A, %div3A_41 : vector<4096x8xf32>
    %iota3A_43 = tpu.iota {dimensions = array<i32: 1>} : vector<4096x8xi32>
    %reduce_max3A_44 = arith.constant dense<0xFF800000> : vector<4096xf32>
    %reduce_max3A_45 = vector.multi_reduction <maximumf>, %div3A_42, %reduce_max3A_44 [1] : vector<4096x8xf32> to vector<4096xf32>
    %broadcast_in_dim3A_46 = vector.shape_cast %reduce_max3A_45 : vector<4096xf32> to vector<4096x1xf32>
    %eq3A_47 = vector.broadcast %broadcast_in_dim3A_46 : vector<4096x1xf32> to vector<4096x8xf32>
    %eq3A_48 = arith.cmpf oeq, %div3A_42, %eq3A_47 : vector<4096x8xf32>
    %jit3A = arith.constant 8 : i32
    %broadcast_in_dim3A_49 = vector.broadcast %jit3A : i32 to vector<4096x8xi32>
    %select_n3A = arith.select %eq3A_48, %iota3A_43, %broadcast_in_dim3A_49 : vector<4096x8xi1>, vector<4096x8xi32>
    %reduce_min3A = arith.constant dense<2147483647> : vector<4096xi32>
    %reduce_min3A_50 = vector.multi_reduction <minsi>, %select_n3A, %reduce_min3A [1] : vector<4096x8xi32> to vector<4096xi32>
    %broadcast_in_dim3A_51 = vector.shape_cast %reduce_min3A_50 : vector<4096xi32> to vector<4096x1xi32>
    %eq3A_52 = vector.broadcast %broadcast_in_dim3A_51 : vector<4096x1xi32> to vector<4096x8xi32>
    %eq3A_53 = arith.cmpi eq, %iota3A_43, %eq3A_52 : vector<4096x8xi32>
    %jit3A_54 = arith.constant 0xFF800000 : f32
    %broadcast_in_dim3A_55 = vector.broadcast %jit3A_54 : f32 to vector<4096x8xf32>
    %select_n3A_56 = arith.select %eq3A_53, %broadcast_in_dim3A_55, %div3A_42 : vector<4096x8xi1>, vector<4096x8xf32>
    %reduce_max3A_57 = arith.constant dense<0xFF800000> : vector<4096xf32>
    %reduce_max3A_58 = vector.multi_reduction <maximumf>, %select_n3A_56, %reduce_max3A_57 [1] : vector<4096x8xf32> to vector<4096xf32>
    %broadcast_in_dim3A_59 = vector.shape_cast %reduce_max3A_58 : vector<4096xf32> to vector<4096x1xf32>
    %eq3A_60 = vector.broadcast %broadcast_in_dim3A_59 : vector<4096x1xf32> to vector<4096x8xf32>
    %eq3A_61 = arith.cmpf oeq, %select_n3A_56, %eq3A_60 : vector<4096x8xf32>
    %jit3A_62 = arith.constant 8 : i32
    %broadcast_in_dim3A_63 = vector.broadcast %jit3A_62 : i32 to vector<4096x8xi32>
    %select_n3A_64 = arith.select %eq3A_61, %iota3A_43, %broadcast_in_dim3A_63 : vector<4096x8xi1>, vector<4096x8xi32>
    %reduce_min3A_65 = arith.constant dense<2147483647> : vector<4096xi32>
    %reduce_min3A_66 = vector.multi_reduction <minsi>, %select_n3A_64, %reduce_min3A_65 [1] : vector<4096x8xi32> to vector<4096xi32>
    %broadcast_in_dim3A_67 = vector.shape_cast %reduce_min3A_66 : vector<4096xi32> to vector<4096x1xi32>
    %swap3A_68 = arith.constant 0 : index
    %swap3A_69 = arith.constant 0 : index
    %swap3A_70 = vector.load %arg6[%swap3A_68, %swap3A_69] : memref<4096x2xf32, #tpu.memory_space<vmem>>, vector<4096x1xf32>
    tpu.vector_store %arg6[%swap3A_68, %swap3A_69], %broadcast_in_dim3A_46 {strides = array<i32>} : memref<4096x2xf32, #tpu.memory_space<vmem>>, vector<4096x1xf32>,
    %swap3A_71 = arith.constant 0 : index
    %swap3A_72 = arith.constant 1 : index
    %swap3A_73 = vector.load %arg6[%swap3A_71, %swap3A_72] : memref<4096x2xf32, #tpu.memory_space<vmem>>, vector<4096x1xf32>
    tpu.vector_store %arg6[%swap3A_71, %swap3A_72], %broadcast_in_dim3A_59 {strides = array<i32>} : memref<4096x2xf32, #tpu.memory_space<vmem>>, vector<4096x1xf32>,
    %swap3A_74 = arith.constant 0 : index
    %swap3A_75 = arith.constant 0 : index
    %swap3A_76 = vector.load %arg7[%swap3A_74, %swap3A_75] : memref<4096x2xi32, #tpu.memory_space<vmem>>, vector<4096x1xi32>
    tpu.vector_store %arg7[%swap3A_74, %swap3A_75], %broadcast_in_dim3A_51 {strides = array<i32>} : memref<4096x2xi32, #tpu.memory_space<vmem>>, vector<4096x1xi32>,
    %swap3A_77 = arith.constant 0 : index
    %swap3A_78 = arith.constant 1 : index
    %swap3A_79 = vector.load %arg7[%swap3A_77, %swap3A_78] : memref<4096x2xi32, #tpu.memory_space<vmem>>, vector<4096x1xi32>
    tpu.vector_store %arg7[%swap3A_77, %swap3A_78], %broadcast_in_dim3A_67 {strides = array<i32>} : memref<4096x2xi32, #tpu.memory_space<vmem>>, vector<4096x1xi32>,
    %eq3A_80 = vector.broadcast %broadcast_in_dim3A_51 : vector<4096x1xi32> to vector<4096x8xi32>
    %eq3A_81 = arith.cmpi eq, %iota3A_43, %eq3A_80 : vector<4096x8xi32>
    %convert_element_type3A_82 = arith.extui %eq3A_81 : vector<4096x8xi1> to vector<4096x8xi32>
    %convert_element_type3A_83 = arith.sitofp %convert_element_type3A_82 : vector<4096x8xi32> to vector<4096x8xf32>
    %eq3A_84 = vector.broadcast %broadcast_in_dim3A_67 : vector<4096x1xi32> to vector<4096x8xi32>
    %eq3A_85 = arith.cmpi eq, %iota3A_43, %eq3A_84 : vector<4096x8xi32>
    %convert_element_type3A_86 = arith.extui %eq3A_85 : vector<4096x8xi1> to vector<4096x8xi32>
    %convert_element_type3A_87 = arith.sitofp %convert_element_type3A_86 : vector<4096x8xi32> to vector<4096x8xf32>
    %add3A_88 = arith.addf %convert_element_type3A_83, %convert_element_type3A_87 : vector<4096x8xf32>
    %iota3A_89 = tpu.iota {dimensions = array<i32: 1>} : vector<256x256xi32>
    %iota3A_90 = tpu.iota {dimensions = array<i32: 0>} : vector<256x256xi32>
    %lt3A = arith.cmpi slt, %iota3A_89, %iota3A_90 : vector<256x256xi32>
    %convert_element_type3A_91 = arith.extui %lt3A : vector<256x256xi1> to vector<256x256xi32>
    %convert_element_type3A_92 = arith.sitofp %convert_element_type3A_91 : vector<256x256xi32> to vector<256x256xf32>
    %broadcast_in_dim3A_93 = arith.constant 0.000000e+00 : f32
    %broadcast_in_dim3A_94 = vector.broadcast %broadcast_in_dim3A_93 : f32 to vector<1x8xf32>
    %slice3A = vector.extract_strided_slice %add3A_88 {offsets = [0, 0], sizes = [256, 8], strides = [1, 1]} : vector<4096x8xf32> to vector<256x8xf32>
    %dot_general3A_95 = arith.constant dense<0.000000e+00> : vector<256x8xf32>
    %dot_general3A_96 = tpu.matmul %convert_element_type3A_92, %slice3A, %dot_general3A_95 {dimension_numbers = #tpu.dot_dimension_numbers<[1], [0], [0], [1], [0, 0, 1, 1], [], []>, precision = #tpu.contract_precision<fp32>, transpose_lhs_hint = false} : vector<256x256xf32>, vector<256x8xf32>, vector<256x8xf32> -> vector<256x8xf32>
    %add3A_97 = vector.broadcast %broadcast_in_dim3A_94 : vector<1x8xf32> to vector<256x8xf32>
    %add3A_98 = arith.addf %dot_general3A_96, %add3A_97 : vector<256x8xf32>
    %reduce_sum3A_99 = arith.constant dense<0.000000e+00> : vector<8xf32>
    %reduce_sum3A_100 = vector.multi_reduction <add>, %slice3A, %reduce_sum3A_99 [0] : vector<256x8xf32> to vector<8xf32>
    %broadcast_in_dim3A_101 = vector.shape_cast %reduce_sum3A_100 : vector<8xf32> to vector<1x8xf32>
    %add3A_102 = arith.addf %broadcast_in_dim3A_94, %broadcast_in_dim3A_101 : vector<1x8xf32>
    %slice3A_103 = vector.extract_strided_slice %add3A_88 {offsets = [256, 0], sizes = [256, 8], strides = [1, 1]} : vector<4096x8xf32> to vector<256x8xf32>
    %dot_general3A_104 = arith.constant dense<0.000000e+00> : vector<256x8xf32>
    %dot_general3A_105 = tpu.matmul %convert_element_type3A_92, %slice3A_103, %dot_general3A_104 {dimension_numbers = #tpu.dot_dimension_numbers<[1], [0], [0], [1], [0, 0, 1, 1], [], []>, precision = #tpu.contract_precision<fp32>, transpose_lhs_hint = false} : vector<256x256xf32>, vector<256x8xf32>, vector<256x8xf32> -> vector<256x8xf32>
    %add3A_106 = vector.broadcast %add3A_102 : vector<1x8xf32> to vector<256x8xf32>
    %add3A_107 = arith.addf %dot_general3A_105, %add3A_106 : vector<256x8xf32>
    %reduce_sum3A_108 = arith.constant dense<0.000000e+00> : vector<8xf32>
    %reduce_sum3A_109 = vector.multi_reduction <add>, %slice3A_103, %reduce_sum3A_108 [0] : vector<256x8xf32> to vector<8xf32>
    %broadcast_in_dim3A_110 = vector.shape_cast %reduce_sum3A_109 : vector<8xf32> to vector<1x8xf32>
    %add3A_111 = arith.addf %add3A_102, %broadcast_in_dim3A_110 : vector<1x8xf32>
    %slice3A_112 = vector.extract_strided_slice %add3A_88 {offsets = [512, 0], sizes = [256, 8], strides = [1, 1]} : vector<4096x8xf32> to vector<256x8xf32>
    %dot_general3A_113 = arith.constant dense<0.000000e+00> : vector<256x8xf32>
    %dot_general3A_114 = tpu.matmul %convert_element_type3A_92, %slice3A_112, %dot_general3A_113 {dimension_numbers = #tpu.dot_dimension_numbers<[1], [0], [0], [1], [0, 0, 1, 1], [], []>, precision = #tpu.contract_precision<fp32>, transpose_lhs_hint = false} : vector<256x256xf32>, vector<256x8xf32>, vector<256x8xf32> -> vector<256x8xf32>
    %add3A_115 = vector.broadcast %add3A_111 : vector<1x8xf32> to vector<256x8xf32>
    %add3A_116 = arith.addf %dot_general3A_114, %add3A_115 : vector<256x8xf32>
    %reduce_sum3A_117 = arith.constant dense<0.000000e+00> : vector<8xf32>
    %reduce_sum3A_118 = vector.multi_reduction <add>, %slice3A_112, %reduce_sum3A_117 [0] : vector<256x8xf32> to vector<8xf32>
    %broadcast_in_dim3A_119 = vector.shape_cast %reduce_sum3A_118 : vector<8xf32> to vector<1x8xf32>
    %add3A_120 = arith.addf %add3A_111, %broadcast_in_dim3A_119 : vector<1x8xf32>
    %slice3A_121 = vector.extract_strided_slice %add3A_88 {offsets = [768, 0], sizes = [256, 8], strides = [1, 1]} : vector<4096x8xf32> to vector<256x8xf32>
    %dot_general3A_122 = arith.constant dense<0.000000e+00> : vector<256x8xf32>
    %dot_general3A_123 = tpu.matmul %convert_element_type3A_92, %slice3A_121, %dot_general3A_122 {dimension_numbers = #tpu.dot_dimension_numbers<[1], [0], [0], [1], [0, 0, 1, 1], [], []>, precision = #tpu.contract_precision<fp32>, transpose_lhs_hint = false} : vector<256x256xf32>, vector<256x8xf32>, vector<256x8xf32> -> vector<256x8xf32>
    %add3A_124 = vector.broadcast %add3A_120 : vector<1x8xf32> to vector<256x8xf32>
    %add3A_125 = arith.addf %dot_general3A_123, %add3A_124 : vector<256x8xf32>
    %reduce_sum3A_126 = arith.constant dense<0.000000e+00> : vector<8xf32>
    %reduce_sum3A_127 = vector.multi_reduction <add>, %slice3A_121, %reduce_sum3A_126 [0] : vector<256x8xf32> to vector<8xf32>
    %broadcast_in_dim3A_128 = vector.shape_cast %reduce_sum3A_127 : vector<8xf32> to vector<1x8xf32>
    %add3A_129 = arith.addf %add3A_120, %broadcast_in_dim3A_128 : vector<1x8xf32>
    %slice3A_130 = vector.extract_strided_slice %add3A_88 {offsets = [1024, 0], sizes = [256, 8], strides = [1, 1]} : vector<4096x8xf32> to vector<256x8xf32>
    %dot_general3A_131 = arith.constant dense<0.000000e+00> : vector<256x8xf32>
    %dot_general3A_132 = tpu.matmul %convert_element_type3A_92, %slice3A_130, %dot_general3A_131 {dimension_numbers = #tpu.dot_dimension_numbers<[1], [0], [0], [1], [0, 0, 1, 1], [], []>, precision = #tpu.contract_precision<fp32>, transpose_lhs_hint = false} : vector<256x256xf32>, vector<256x8xf32>, vector<256x8xf32> -> vector<256x8xf32>
    %add3A_133 = vector.broadcast %add3A_129 : vector<1x8xf32> to vector<256x8xf32>
    %add3A_134 = arith.addf %dot_general3A_132, %add3A_133 : vector<256x8xf32>
    %reduce_sum3A_135 = arith.constant dense<0.000000e+00> : vector<8xf32>
    %reduce_sum3A_136 = vector.multi_reduction <add>, %slice3A_130, %reduce_sum3A_135 [0] : vector<256x8xf32> to vector<8xf32>
    %broadcast_in_dim3A_137 = vector.shape_cast %reduce_sum3A_136 : vector<8xf32> to vector<1x8xf32>
    %add3A_138 = arith.addf %add3A_129, %broadcast_in_dim3A_137 : vector<1x8xf32>
    %slice3A_139 = vector.extract_strided_slice %add3A_88 {offsets = [1280, 0], sizes = [256, 8], strides = [1, 1]} : vector<4096x8xf32> to vector<256x8xf32>
    %dot_general3A_140 = arith.constant dense<0.000000e+00> : vector<256x8xf32>
    %dot_general3A_141 = tpu.matmul %convert_element_type3A_92, %slice3A_139, %dot_general3A_140 {dimension_numbers = #tpu.dot_dimension_numbers<[1], [0], [0], [1], [0, 0, 1, 1], [], []>, precision = #tpu.contract_precision<fp32>, transpose_lhs_hint = false} : vector<256x256xf32>, vector<256x8xf32>, vector<256x8xf32> -> vector<256x8xf32>
    %add3A_142 = vector.broadcast %add3A_138 : vector<1x8xf32> to vector<256x8xf32>
    %add3A_143 = arith.addf %dot_general3A_141, %add3A_142 : vector<256x8xf32>
    %reduce_sum3A_144 = arith.constant dense<0.000000e+00> : vector<8xf32>
    %reduce_sum3A_145 = vector.multi_reduction <add>, %slice3A_139, %reduce_sum3A_144 [0] : vector<256x8xf32> to vector<8xf32>
    %broadcast_in_dim3A_146 = vector.shape_cast %reduce_sum3A_145 : vector<8xf32> to vector<1x8xf32>
    %add3A_147 = arith.addf %add3A_138, %broadcast_in_dim3A_146 : vector<1x8xf32>
    %slice3A_148 = vector.extract_strided_slice %add3A_88 {offsets = [1536, 0], sizes = [256, 8], strides = [1, 1]} : vector<4096x8xf32> to vector<256x8xf32>
    %dot_general3A_149 = arith.constant dense<0.000000e+00> : vector<256x8xf32>
    %dot_general3A_150 = tpu.matmul %convert_element_type3A_92, %slice3A_148, %dot_general3A_149 {dimension_numbers = #tpu.dot_dimension_numbers<[1], [0], [0], [1], [0, 0, 1, 1], [], []>, precision = #tpu.contract_precision<fp32>, transpose_lhs_hint = false} : vector<256x256xf32>, vector<256x8xf32>, vector<256x8xf32> -> vector<256x8xf32>
    %add3A_151 = vector.broadcast %add3A_147 : vector<1x8xf32> to vector<256x8xf32>
    %add3A_152 = arith.addf %dot_general3A_150, %add3A_151 : vector<256x8xf32>
    %reduce_sum3A_153 = arith.constant dense<0.000000e+00> : vector<8xf32>
    %reduce_sum3A_154 = vector.multi_reduction <add>, %slice3A_148, %reduce_sum3A_153 [0] : vector<256x8xf32> to vector<8xf32>
    %broadcast_in_dim3A_155 = vector.shape_cast %reduce_sum3A_154 : vector<8xf32> to vector<1x8xf32>
    %add3A_156 = arith.addf %add3A_147, %broadcast_in_dim3A_155 : vector<1x8xf32>
    %slice3A_157 = vector.extract_strided_slice %add3A_88 {offsets = [1792, 0], sizes = [256, 8], strides = [1, 1]} : vector<4096x8xf32> to vector<256x8xf32>
    %dot_general3A_158 = arith.constant dense<0.000000e+00> : vector<256x8xf32>
    %dot_general3A_159 = tpu.matmul %convert_element_type3A_92, %slice3A_157, %dot_general3A_158 {dimension_numbers = #tpu.dot_dimension_numbers<[1], [0], [0], [1], [0, 0, 1, 1], [], []>, precision = #tpu.contract_precision<fp32>, transpose_lhs_hint = false} : vector<256x256xf32>, vector<256x8xf32>, vector<256x8xf32> -> vector<256x8xf32>
    %add3A_160 = vector.broadcast %add3A_156 : vector<1x8xf32> to vector<256x8xf32>
    %add3A_161 = arith.addf %dot_general3A_159, %add3A_160 : vector<256x8xf32>
    %reduce_sum3A_162 = arith.constant dense<0.000000e+00> : vector<8xf32>
    %reduce_sum3A_163 = vector.multi_reduction <add>, %slice3A_157, %reduce_sum3A_162 [0] : vector<256x8xf32> to vector<8xf32>
    %broadcast_in_dim3A_164 = vector.shape_cast %reduce_sum3A_163 : vector<8xf32> to vector<1x8xf32>
    %add3A_165 = arith.addf %add3A_156, %broadcast_in_dim3A_164 : vector<1x8xf32>
    %slice3A_166 = vector.extract_strided_slice %add3A_88 {offsets = [2048, 0], sizes = [256, 8], strides = [1, 1]} : vector<4096x8xf32> to vector<256x8xf32>
    %dot_general3A_167 = arith.constant dense<0.000000e+00> : vector<256x8xf32>
    %dot_general3A_168 = tpu.matmul %convert_element_type3A_92, %slice3A_166, %dot_general3A_167 {dimension_numbers = #tpu.dot_dimension_numbers<[1], [0], [0], [1], [0, 0, 1, 1], [], []>, precision = #tpu.contract_precision<fp32>, transpose_lhs_hint = false} : vector<256x256xf32>, vector<256x8xf32>, vector<256x8xf32> -> vector<256x8xf32>
    %add3A_169 = vector.broadcast %add3A_165 : vector<1x8xf32> to vector<256x8xf32>
    %add3A_170 = arith.addf %dot_general3A_168, %add3A_169 : vector<256x8xf32>
    %reduce_sum3A_171 = arith.constant dense<0.000000e+00> : vector<8xf32>
    %reduce_sum3A_172 = vector.multi_reduction <add>, %slice3A_166, %reduce_sum3A_171 [0] : vector<256x8xf32> to vector<8xf32>
    %broadcast_in_dim3A_173 = vector.shape_cast %reduce_sum3A_172 : vector<8xf32> to vector<1x8xf32>
    %add3A_174 = arith.addf %add3A_165, %broadcast_in_dim3A_173 : vector<1x8xf32>
    %slice3A_175 = vector.extract_strided_slice %add3A_88 {offsets = [2304, 0], sizes = [256, 8], strides = [1, 1]} : vector<4096x8xf32> to vector<256x8xf32>
    %dot_general3A_176 = arith.constant dense<0.000000e+00> : vector<256x8xf32>
    %dot_general3A_177 = tpu.matmul %convert_element_type3A_92, %slice3A_175, %dot_general3A_176 {dimension_numbers = #tpu.dot_dimension_numbers<[1], [0], [0], [1], [0, 0, 1, 1], [], []>, precision = #tpu.contract_precision<fp32>, transpose_lhs_hint = false} : vector<256x256xf32>, vector<256x8xf32>, vector<256x8xf32> -> vector<256x8xf32>
    %add3A_178 = vector.broadcast %add3A_174 : vector<1x8xf32> to vector<256x8xf32>
    %add3A_179 = arith.addf %dot_general3A_177, %add3A_178 : vector<256x8xf32>
    %reduce_sum3A_180 = arith.constant dense<0.000000e+00> : vector<8xf32>
    %reduce_sum3A_181 = vector.multi_reduction <add>, %slice3A_175, %reduce_sum3A_180 [0] : vector<256x8xf32> to vector<8xf32>
    %broadcast_in_dim3A_182 = vector.shape_cast %reduce_sum3A_181 : vector<8xf32> to vector<1x8xf32>
    %add3A_183 = arith.addf %add3A_174, %broadcast_in_dim3A_182 : vector<1x8xf32>
    %slice3A_184 = vector.extract_strided_slice %add3A_88 {offsets = [2560, 0], sizes = [256, 8], strides = [1, 1]} : vector<4096x8xf32> to vector<256x8xf32>
    %dot_general3A_185 = arith.constant dense<0.000000e+00> : vector<256x8xf32>
    %dot_general3A_186 = tpu.matmul %convert_element_type3A_92, %slice3A_184, %dot_general3A_185 {dimension_numbers = #tpu.dot_dimension_numbers<[1], [0], [0], [1], [0, 0, 1, 1], [], []>, precision = #tpu.contract_precision<fp32>, transpose_lhs_hint = false} : vector<256x256xf32>, vector<256x8xf32>, vector<256x8xf32> -> vector<256x8xf32>
    %add3A_187 = vector.broadcast %add3A_183 : vector<1x8xf32> to vector<256x8xf32>
    %add3A_188 = arith.addf %dot_general3A_186, %add3A_187 : vector<256x8xf32>
    %reduce_sum3A_189 = arith.constant dense<0.000000e+00> : vector<8xf32>
    %reduce_sum3A_190 = vector.multi_reduction <add>, %slice3A_184, %reduce_sum3A_189 [0] : vector<256x8xf32> to vector<8xf32>
    %broadcast_in_dim3A_191 = vector.shape_cast %reduce_sum3A_190 : vector<8xf32> to vector<1x8xf32>
    %add3A_192 = arith.addf %add3A_183, %broadcast_in_dim3A_191 : vector<1x8xf32>
    %slice3A_193 = vector.extract_strided_slice %add3A_88 {offsets = [2816, 0], sizes = [256, 8], strides = [1, 1]} : vector<4096x8xf32> to vector<256x8xf32>
    %dot_general3A_194 = arith.constant dense<0.000000e+00> : vector<256x8xf32>
    %dot_general3A_195 = tpu.matmul %convert_element_type3A_92, %slice3A_193, %dot_general3A_194 {dimension_numbers = #tpu.dot_dimension_numbers<[1], [0], [0], [1], [0, 0, 1, 1], [], []>, precision = #tpu.contract_precision<fp32>, transpose_lhs_hint = false} : vector<256x256xf32>, vector<256x8xf32>, vector<256x8xf32> -> vector<256x8xf32>
    %add3A_196 = vector.broadcast %add3A_192 : vector<1x8xf32> to vector<256x8xf32>
    %add3A_197 = arith.addf %dot_general3A_195, %add3A_196 : vector<256x8xf32>
    %reduce_sum3A_198 = arith.constant dense<0.000000e+00> : vector<8xf32>
    %reduce_sum3A_199 = vector.multi_reduction <add>, %slice3A_193, %reduce_sum3A_198 [0] : vector<256x8xf32> to vector<8xf32>
    %broadcast_in_dim3A_200 = vector.shape_cast %reduce_sum3A_199 : vector<8xf32> to vector<1x8xf32>
    %add3A_201 = arith.addf %add3A_192, %broadcast_in_dim3A_200 : vector<1x8xf32>
    %slice3A_202 = vector.extract_strided_slice %add3A_88 {offsets = [3072, 0], sizes = [256, 8], strides = [1, 1]} : vector<4096x8xf32> to vector<256x8xf32>
    %dot_general3A_203 = arith.constant dense<0.000000e+00> : vector<256x8xf32>
    %dot_general3A_204 = tpu.matmul %convert_element_type3A_92, %slice3A_202, %dot_general3A_203 {dimension_numbers = #tpu.dot_dimension_numbers<[1], [0], [0], [1], [0, 0, 1, 1], [], []>, precision = #tpu.contract_precision<fp32>, transpose_lhs_hint = false} : vector<256x256xf32>, vector<256x8xf32>, vector<256x8xf32> -> vector<256x8xf32>
    %add3A_205 = vector.broadcast %add3A_201 : vector<1x8xf32> to vector<256x8xf32>
    %add3A_206 = arith.addf %dot_general3A_204, %add3A_205 : vector<256x8xf32>
    %reduce_sum3A_207 = arith.constant dense<0.000000e+00> : vector<8xf32>
    %reduce_sum3A_208 = vector.multi_reduction <add>, %slice3A_202, %reduce_sum3A_207 [0] : vector<256x8xf32> to vector<8xf32>
    %broadcast_in_dim3A_209 = vector.shape_cast %reduce_sum3A_208 : vector<8xf32> to vector<1x8xf32>
    %add3A_210 = arith.addf %add3A_201, %broadcast_in_dim3A_209 : vector<1x8xf32>
    %slice3A_211 = vector.extract_strided_slice %add3A_88 {offsets = [3328, 0], sizes = [256, 8], strides = [1, 1]} : vector<4096x8xf32> to vector<256x8xf32>
    %dot_general3A_212 = arith.constant dense<0.000000e+00> : vector<256x8xf32>
    %dot_general3A_213 = tpu.matmul %convert_element_type3A_92, %slice3A_211, %dot_general3A_212 {dimension_numbers = #tpu.dot_dimension_numbers<[1], [0], [0], [1], [0, 0, 1, 1], [], []>, precision = #tpu.contract_precision<fp32>, transpose_lhs_hint = false} : vector<256x256xf32>, vector<256x8xf32>, vector<256x8xf32> -> vector<256x8xf32>
    %add3A_214 = vector.broadcast %add3A_210 : vector<1x8xf32> to vector<256x8xf32>
    %add3A_215 = arith.addf %dot_general3A_213, %add3A_214 : vector<256x8xf32>
    %reduce_sum3A_216 = arith.constant dense<0.000000e+00> : vector<8xf32>
    %reduce_sum3A_217 = vector.multi_reduction <add>, %slice3A_211, %reduce_sum3A_216 [0] : vector<256x8xf32> to vector<8xf32>
    %broadcast_in_dim3A_218 = vector.shape_cast %reduce_sum3A_217 : vector<8xf32> to vector<1x8xf32>
    %add3A_219 = arith.addf %add3A_210, %broadcast_in_dim3A_218 : vector<1x8xf32>
    %slice3A_220 = vector.extract_strided_slice %add3A_88 {offsets = [3584, 0], sizes = [256, 8], strides = [1, 1]} : vector<4096x8xf32> to vector<256x8xf32>
    %dot_general3A_221 = arith.constant dense<0.000000e+00> : vector<256x8xf32>
    %dot_general3A_222 = tpu.matmul %convert_element_type3A_92, %slice3A_220, %dot_general3A_221 {dimension_numbers = #tpu.dot_dimension_numbers<[1], [0], [0], [1], [0, 0, 1, 1], [], []>, precision = #tpu.contract_precision<fp32>, transpose_lhs_hint = false} : vector<256x256xf32>, vector<256x8xf32>, vector<256x8xf32> -> vector<256x8xf32>
    %add3A_223 = vector.broadcast %add3A_219 : vector<1x8xf32> to vector<256x8xf32>
    %add3A_224 = arith.addf %dot_general3A_222, %add3A_223 : vector<256x8xf32>
    %reduce_sum3A_225 = arith.constant dense<0.000000e+00> : vector<8xf32>
    %reduce_sum3A_226 = vector.multi_reduction <add>, %slice3A_220, %reduce_sum3A_225 [0] : vector<256x8xf32> to vector<8xf32>
    %broadcast_in_dim3A_227 = vector.shape_cast %reduce_sum3A_226 : vector<8xf32> to vector<1x8xf32>
    %add3A_228 = arith.addf %add3A_219, %broadcast_in_dim3A_227 : vector<1x8xf32>
    %slice3A_229 = vector.extract_strided_slice %add3A_88 {offsets = [3840, 0], sizes = [256, 8], strides = [1, 1]} : vector<4096x8xf32> to vector<256x8xf32>
    %dot_general3A_230 = arith.constant dense<0.000000e+00> : vector<256x8xf32>
    %dot_general3A_231 = tpu.matmul %convert_element_type3A_92, %slice3A_229, %dot_general3A_230 {dimension_numbers = #tpu.dot_dimension_numbers<[1], [0], [0], [1], [0, 0, 1, 1], [], []>, precision = #tpu.contract_precision<fp32>, transpose_lhs_hint = false} : vector<256x256xf32>, vector<256x8xf32>, vector<256x8xf32> -> vector<256x8xf32>
    %add3A_232 = vector.broadcast %add3A_228 : vector<1x8xf32> to vector<256x8xf32>
    %add3A_233 = arith.addf %dot_general3A_231, %add3A_232 : vector<256x8xf32>
    %reduce_sum3A_234 = arith.constant dense<0.000000e+00> : vector<8xf32>
    %reduce_sum3A_235 = vector.multi_reduction <add>, %slice3A_229, %reduce_sum3A_234 [0] : vector<256x8xf32> to vector<8xf32>
    %broadcast_in_dim3A_236 = vector.shape_cast %reduce_sum3A_235 : vector<8xf32> to vector<1x8xf32>
    %add3A_237 = arith.addf %add3A_228, %broadcast_in_dim3A_236 : vector<1x8xf32>
    %concatenate3A = tpu.concatenate %add3A_98, %add3A_107, %add3A_116, %add3A_125, %add3A_134, %add3A_143, %add3A_152, %add3A_161, %add3A_170, %add3A_179, %add3A_188, %add3A_197, %add3A_206, %add3A_215, %add3A_224, %add3A_233 in 0 : vector<256x8xf32>, vector<256x8xf32>, vector<256x8xf32>, vector<256x8xf32>, vector<256x8xf32>, vector<256x8xf32>, vector<256x8xf32>, vector<256x8xf32>, vector<256x8xf32>, vector<256x8xf32>, vector<256x8xf32>, vector<256x8xf32>, vector<256x8xf32>, vector<256x8xf32>, vector<256x8xf32>, vector<256x8xf32> -> vector<4096x8xf32>
    %div3A_238 = arith.constant 2.560000e+02 : f32
    %div3A_239 = vector.broadcast %div3A_238 : f32 to vector<1x8xf32>
    %div3A_240 = arith.divf %add3A_237, %div3A_239 : vector<1x8xf32>
    %ceil3A = math.ceil %div3A_240 : vector<1x8xf32>
    %mul3A_241 = arith.constant 2.560000e+02 : f32
    %mul3A_242 = vector.broadcast %mul3A_241 : f32 to vector<1x8xf32>
    %mul3A_243 = arith.mulf %ceil3A, %mul3A_242 : vector<1x8xf32>
    %iota3A_244 = tpu.iota {dimensions = array<i32: 0>} : vector<8x8xi32>
    %iota3A_245 = tpu.iota {dimensions = array<i32: 1>} : vector<8x8xi32>
    %lt3A_246 = arith.cmpi slt, %iota3A_244, %iota3A_245 : vector<8x8xi32>
    %convert_element_type3A_247 = arith.extui %lt3A_246 : vector<8x8xi1> to vector<8x8xi32>
    %convert_element_type3A_248 = arith.sitofp %convert_element_type3A_247 : vector<8x8xi32> to vector<8x8xf32>
    %dot_general3A_249 = arith.constant dense<0.000000e+00> : vector<1x8xf32>
    %dot_general3A_250 = tpu.matmul %mul3A_243, %convert_element_type3A_248, %dot_general3A_249 {dimension_numbers = #tpu.dot_dimension_numbers<[1], [0], [0], [1], [0, 0, 1, 1], [], []>, precision = #tpu.contract_precision<fp32>, transpose_lhs_hint = false} : vector<1x8xf32>, vector<8x8xf32>, vector<1x8xf32> -> vector<1x8xf32>
    %mul3A_251 = arith.mulf %concatenate3A, %convert_element_type3A_83 : vector<4096x8xf32>
    %reduce_sum3A_252 = arith.constant dense<0.000000e+00> : vector<4096xf32>
    %reduce_sum3A_253 = vector.multi_reduction <add>, %mul3A_251, %reduce_sum3A_252 [1] : vector<4096x8xf32> to vector<4096xf32>
    %broadcast_in_dim3A_254 = vector.shape_cast %reduce_sum3A_253 : vector<4096xf32> to vector<4096x1xf32>
    %mul3A_255 = arith.mulf %concatenate3A, %convert_element_type3A_87 : vector<4096x8xf32>
    %reduce_sum3A_256 = arith.constant dense<0.000000e+00> : vector<4096xf32>
    %reduce_sum3A_257 = vector.multi_reduction <add>, %mul3A_255, %reduce_sum3A_256 [1] : vector<4096x8xf32> to vector<4096xf32>
    %broadcast_in_dim3A_258 = vector.shape_cast %reduce_sum3A_257 : vector<4096xf32> to vector<4096x1xf32>
    %mul3A_259 = vector.broadcast %dot_general3A_250 : vector<1x8xf32> to vector<4096x8xf32>
    %mul3A_260 = arith.mulf %mul3A_259, %convert_element_type3A_83 : vector<4096x8xf32>
    %reduce_sum3A_261 = arith.constant dense<0.000000e+00> : vector<4096xf32>
    %reduce_sum3A_262 = vector.multi_reduction <add>, %mul3A_260, %reduce_sum3A_261 [1] : vector<4096x8xf32> to vector<4096xf32>
    %broadcast_in_dim3A_263 = vector.shape_cast %reduce_sum3A_262 : vector<4096xf32> to vector<4096x1xf32>
    %mul3A_264 = vector.broadcast %dot_general3A_250 : vector<1x8xf32> to vector<4096x8xf32>
    %mul3A_265 = arith.mulf %mul3A_264, %convert_element_type3A_87 : vector<4096x8xf32>
    %reduce_sum3A_266 = arith.constant dense<0.000000e+00> : vector<4096xf32>
    %reduce_sum3A_267 = vector.multi_reduction <add>, %mul3A_265, %reduce_sum3A_266 [1] : vector<4096x8xf32> to vector<4096xf32>
    %broadcast_in_dim3A_268 = vector.shape_cast %reduce_sum3A_267 : vector<4096xf32> to vector<4096x1xf32>
    %add3A_269 = arith.addf %broadcast_in_dim3A_263, %broadcast_in_dim3A_254 : vector<4096x1xf32>
    %convert_element_type3A_270 = arith.fptosi %add3A_269 : vector<4096x1xf32> to vector<4096x1xi32>
    %swap3A_271 = arith.constant 0 : index
    %swap3A_272 = arith.constant 0 : index
    %swap3A_273 = vector.load %arg5[%swap3A_271, %swap3A_272] : memref<4096x2xi32, #tpu.memory_space<vmem>>, vector<4096x1xi32>
    tpu.vector_store %arg5[%swap3A_271, %swap3A_272], %convert_element_type3A_270 {strides = array<i32>} : memref<4096x2xi32, #tpu.memory_space<vmem>>, vector<4096x1xi32>,
    %add3A_274 = arith.addf %broadcast_in_dim3A_268, %broadcast_in_dim3A_258 : vector<4096x1xf32>
    %convert_element_type3A_275 = arith.fptosi %add3A_274 : vector<4096x1xf32> to vector<4096x1xi32>
    %swap3A_276 = arith.constant 0 : index
    %swap3A_277 = arith.constant 1 : index
    %swap3A_278 = vector.load %arg5[%swap3A_276, %swap3A_277] : memref<4096x2xi32, #tpu.memory_space<vmem>>, vector<4096x1xi32>
    tpu.vector_store %arg5[%swap3A_276, %swap3A_277], %convert_element_type3A_275 {strides = array<i32>} : memref<4096x2xi32, #tpu.memory_space<vmem>>, vector<4096x1xi32>,
    %add3A_279 = arith.addf %dot_general3A_250, %mul3A_243 : vector<1x8xf32>
    %iota3A_280 = tpu.iota {dimensions = array<i32: 0>} : vector<40x1xi32>
    %mul3A_281 = arith.constant 256 : i32
    %mul3A_282 = vector.broadcast %mul3A_281 : i32 to vector<40x1xi32>
    %mul3A_283 = arith.muli %iota3A_280, %mul3A_282 : vector<40x1xi32>
    %convert_element_type3A_284 = arith.sitofp %mul3A_283 : vector<40x1xi32> to vector<40x1xf32>
    %ge3A = vector.broadcast %convert_element_type3A_284 : vector<40x1xf32> to vector<40x8xf32>
    %ge3A_285 = vector.broadcast %add3A_279 : vector<1x8xf32> to vector<40x8xf32>
    %ge3A_286 = arith.cmpf oge, %ge3A, %ge3A_285 : vector<40x8xf32>
    %convert_element_type3A_287 = arith.extui %ge3A_286 : vector<40x8xi1> to vector<40x8xi32>
    %convert_element_type3A_288 = arith.sitofp %convert_element_type3A_287 : vector<40x8xi32> to vector<40x8xf32>
    %reduce_sum3A_289 = arith.constant dense<0.000000e+00> : vector<40xf32>
    %reduce_sum3A_290 = vector.multi_reduction <add>, %convert_element_type3A_288, %reduce_sum3A_289 [1] : vector<40x8xf32> to vector<40xf32>
    %broadcast_in_dim3A_291 = vector.shape_cast %reduce_sum3A_290 : vector<40xf32> to vector<40x1xf32>
    %min3A = arith.constant 7.000000e+00 : f32
    %min3A_292 = vector.broadcast %min3A : f32 to vector<40x1xf32>
    %min3A_293 = arith.minimumf %broadcast_in_dim3A_291, %min3A_292 : vector<40x1xf32>
    %convert_element_type3A_294 = arith.fptosi %min3A_293 : vector<40x1xf32> to vector<40x1xi32>
    %swap3A_295 = arith.constant 0 : index
    %swap3A_296 = arith.constant 0 : index
    %swap3A_297 = vector.load %arg8[%swap3A_295, %swap3A_296] : memref<40x1xi32, #tpu.memory_space<vmem>>, vector<40x1xi32>
    tpu.vector_store %arg8[%swap3A_295, %swap3A_296], %convert_element_type3A_294 {strides = array<i32>} : memref<40x1xi32, #tpu.memory_space<vmem>>, vector<40x1xi32>,
    return
  }
}

module attributes {stable_mosaic.version = 14 : i64} {
  func.func @_k5_body(%arg0: i32, %arg1: memref<512x2048xf32, #tpu.memory_space<vmem>>, %arg2: memref<512x2048xf32, #tpu.memory_space<vmem>>, %arg3: memref<1x512x1xf32, #tpu.memory_space<vmem>>, %arg4: memref<1x512x1xf32, #tpu.memory_space<vmem>>, %arg5: memref<1x512x1xi32, #tpu.memory_space<vmem>>, %arg6: memref<1x512x1xi32, #tpu.memory_space<vmem>>, %arg7: memref<512x2048xf32, #tpu.memory_space<vmem>>, %arg8: memref<8x8xf32, #tpu.memory_space<vmem>>, %arg9: memref<8x8xf32, #tpu.memory_space<vmem>>, %arg10: memref<8x8xf32, #tpu.memory_space<vmem>>, %arg11: memref<1x8xf32, #tpu.memory_space<vmem>>) attributes {dimension_semantics = [#tpu.dimension_semantics<arbitrary>], iteration_bounds = array<i64: 8>, scalar_prefetch = 0 : i64, scratch_operands = 2 : i64, tpu.core_type = #tpu.core_type<tc>, window_params = [{transform_indices = @transform_0, window_bounds = array<i64: 512, 2048>}, {transform_indices = @transform_1, window_bounds = array<i64: 512, 2048>}, {transform_indices = @transform_2, window_bounds = array<i64: 1, 512, 1>}, {transform_indices = @transform_3, window_bounds = array<i64: 1, 512, 1>}, {transform_indices = @transform_4, window_bounds = array<i64: 1, 512, 1>}, {transform_indices = @transform_5, window_bounds = array<i64: 1, 512, 1>}, {transform_indices = @transform_6, window_bounds = array<i64: 512, 2048>}, {pipeline_mode = #tpu.pipeline_mode<synchronous>, transform_indices = @transform_7, window_bounds = array<i64: 8, 8>}, {pipeline_mode = #tpu.pipeline_mode<synchronous>, transform_indices = @transform_8, window_bounds = array<i64: 8, 8>}]} {
    %eq3A = arith.constant 0 : i32
    %eq3A_0 = arith.cmpi eq, %arg0, %eq3A : i32
    %convert_element_type3A = arith.extui %eq3A_0 : i1 to i32
    %cond3A = arith.constant 0 : i32
    %cond3A_1 = arith.cmpi ne, %convert_element_type3A, %cond3A : i32
    scf.if %cond3A_1 {
      %broadcast_in_dim3A_100 = arith.constant 0.000000e+00 : f32
      %broadcast_in_dim3A_101 = vector.broadcast %broadcast_in_dim3A_100 : f32 to vector<8x8xf32>
      %swap3A_102 = arith.constant 0 : index
      %swap3A_103 = arith.constant 0 : index
      %swap3A_104 = vector.load %arg10[%swap3A_102, %swap3A_103] : memref<8x8xf32, #tpu.memory_space<vmem>>, vector<8x8xf32>
      tpu.vector_store %arg10[%swap3A_102, %swap3A_103], %broadcast_in_dim3A_101 {strides = array<i32>} : memref<8x8xf32, #tpu.memory_space<vmem>>, vector<8x8xf32>,
      %broadcast_in_dim3A_105 = arith.constant 0.000000e+00 : f32
      %broadcast_in_dim3A_106 = vector.broadcast %broadcast_in_dim3A_105 : f32 to vector<1x8xf32>
      %swap3A_107 = arith.constant 0 : index
      %swap3A_108 = arith.constant 0 : index
      %swap3A_109 = vector.load %arg11[%swap3A_107, %swap3A_108] : memref<1x8xf32, #tpu.memory_space<vmem>>, vector<1x8xf32>
      tpu.vector_store %arg11[%swap3A_107, %swap3A_108], %broadcast_in_dim3A_106 {strides = array<i32>} : memref<1x8xf32, #tpu.memory_space<vmem>>, vector<1x8xf32>,
    } else {
    }
    %get3A = arith.constant 0 : index
    %get3A_2 = arith.constant 0 : index
    %get3A_3 = arith.constant 0 : index
    %get3A_4 = vector.load %arg3[%get3A, %get3A_2, %get3A_3] : memref<1x512x1xf32, #tpu.memory_space<vmem>>, vector<1x512x1xf32>
    %reshape3A = vector.shape_cast %get3A_4 : vector<1x512x1xf32> to vector<512x1xf32>
    %get3A_5 = arith.constant 0 : index
    %get3A_6 = arith.constant 0 : index
    %get3A_7 = arith.constant 0 : index
    %get3A_8 = vector.load %arg4[%get3A_5, %get3A_6, %get3A_7] : memref<1x512x1xf32, #tpu.memory_space<vmem>>, vector<1x512x1xf32>
    %reshape3A_9 = vector.shape_cast %get3A_8 : vector<1x512x1xf32> to vector<512x1xf32>
    %get3A_10 = arith.constant 0 : index
    %get3A_11 = arith.constant 0 : index
    %get3A_12 = vector.load %arg1[%get3A_10, %get3A_11] : memref<512x2048xf32, #tpu.memory_space<vmem>>, vector<512x2048xf32>
    %mul3A = vector.broadcast %reshape3A : vector<512x1xf32> to vector<512x2048xf32>
    %mul3A_13 = arith.mulf %get3A_12, %mul3A : vector<512x2048xf32>
    %get3A_14 = arith.constant 0 : index
    %get3A_15 = arith.constant 0 : index
    %get3A_16 = vector.load %arg2[%get3A_14, %get3A_15] : memref<512x2048xf32, #tpu.memory_space<vmem>>, vector<512x2048xf32>
    %mul3A_17 = vector.broadcast %reshape3A_9 : vector<512x1xf32> to vector<512x2048xf32>
    %mul3A_18 = arith.mulf %get3A_16, %mul3A_17 : vector<512x2048xf32>
    %add3A = arith.addf %mul3A_13, %mul3A_18 : vector<512x2048xf32>
    %swap3A = arith.constant 0 : index
    %swap3A_19 = arith.constant 0 : index
    %swap3A_20 = vector.load %arg7[%swap3A, %swap3A_19] : memref<512x2048xf32, #tpu.memory_space<vmem>>, vector<512x2048xf32>
    tpu.vector_store %arg7[%swap3A, %swap3A_19], %add3A {strides = array<i32>} : memref<512x2048xf32, #tpu.memory_space<vmem>>, vector<512x2048xf32>,
    %mul3A_21 = arith.mulf %mul3A_13, %mul3A_18 : vector<512x2048xf32>
    %reduce_sum3A = arith.constant dense<0.000000e+00> : vector<512xf32>
    %reduce_sum3A_22 = vector.multi_reduction <add>, %mul3A_21, %reduce_sum3A [1] : vector<512x2048xf32> to vector<512xf32>
    %broadcast_in_dim3A = vector.shape_cast %reduce_sum3A_22 : vector<512xf32> to vector<512x1xf32>
    %mul3A_23 = arith.mulf %mul3A_13, %mul3A_13 : vector<512x2048xf32>
    %reduce_sum3A_24 = arith.constant dense<0.000000e+00> : vector<512xf32>
    %reduce_sum3A_25 = vector.multi_reduction <add>, %mul3A_23, %reduce_sum3A_24 [1] : vector<512x2048xf32> to vector<512xf32>
    %broadcast_in_dim3A_26 = vector.shape_cast %reduce_sum3A_25 : vector<512xf32> to vector<512x1xf32>
    %mul3A_27 = arith.mulf %mul3A_18, %mul3A_18 : vector<512x2048xf32>
    %reduce_sum3A_28 = arith.constant dense<0.000000e+00> : vector<512xf32>
    %reduce_sum3A_29 = vector.multi_reduction <add>, %mul3A_27, %reduce_sum3A_28 [1] : vector<512x2048xf32> to vector<512xf32>
    %broadcast_in_dim3A_30 = vector.shape_cast %reduce_sum3A_29 : vector<512xf32> to vector<512x1xf32>
    %reduce_sum3A_31 = arith.constant dense<0.000000e+00> : vector<512xf32>
    %reduce_sum3A_32 = vector.multi_reduction <add>, %mul3A_13, %reduce_sum3A_31 [1] : vector<512x2048xf32> to vector<512xf32>
    %broadcast_in_dim3A_33 = vector.shape_cast %reduce_sum3A_32 : vector<512xf32> to vector<512x1xf32>
    %reduce_sum3A_34 = arith.constant dense<0.000000e+00> : vector<512xf32>
    %reduce_sum3A_35 = vector.multi_reduction <add>, %mul3A_18, %reduce_sum3A_34 [1] : vector<512x2048xf32> to vector<512xf32>
    %broadcast_in_dim3A_36 = vector.shape_cast %reduce_sum3A_35 : vector<512xf32> to vector<512x1xf32>
    %iota3A = tpu.iota {dimensions = array<i32: 1>} : vector<512x8xi32>
    %get3A_37 = arith.constant 0 : index
    %get3A_38 = arith.constant 0 : index
    %get3A_39 = arith.constant 0 : index
    %get3A_40 = vector.load %arg5[%get3A_37, %get3A_38, %get3A_39] : memref<1x512x1xi32, #tpu.memory_space<vmem>>, vector<1x512x1xi32>
    %reshape3A_41 = vector.shape_cast %get3A_40 : vector<1x512x1xi32> to vector<512x1xi32>
    %eq3A_42 = vector.broadcast %reshape3A_41 : vector<512x1xi32> to vector<512x8xi32>
    %eq3A_43 = arith.cmpi eq, %eq3A_42, %iota3A : vector<512x8xi32>
    %convert_element_type3A_44 = arith.extui %eq3A_43 : vector<512x8xi1> to vector<512x8xi32>
    %convert_element_type3A_45 = arith.sitofp %convert_element_type3A_44 : vector<512x8xi32> to vector<512x8xf32>
    %get3A_46 = arith.constant 0 : index
    %get3A_47 = arith.constant 0 : index
    %get3A_48 = arith.constant 0 : index
    %get3A_49 = vector.load %arg6[%get3A_46, %get3A_47, %get3A_48] : memref<1x512x1xi32, #tpu.memory_space<vmem>>, vector<1x512x1xi32>
    %reshape3A_50 = vector.shape_cast %get3A_49 : vector<1x512x1xi32> to vector<512x1xi32>
    %eq3A_51 = vector.broadcast %reshape3A_50 : vector<512x1xi32> to vector<512x8xi32>
    %eq3A_52 = arith.cmpi eq, %eq3A_51, %iota3A : vector<512x8xi32>
    %convert_element_type3A_53 = arith.extui %eq3A_52 : vector<512x8xi1> to vector<512x8xi32>
    %convert_element_type3A_54 = arith.sitofp %convert_element_type3A_53 : vector<512x8xi32> to vector<512x8xf32>
    %dot_general3A = arith.constant dense<0.000000e+00> : vector<1x8xf32>
    %dot_general3A_55 = tpu.matmul %broadcast_in_dim3A_33, %convert_element_type3A_45, %dot_general3A {dimension_numbers = #tpu.dot_dimension_numbers<[0], [0], [1], [1], [0, 1, 1, 1], [], []>, precision = #tpu.contract_precision<fp32>, transpose_lhs_hint = false} : vector<512x1xf32>, vector<512x8xf32>, vector<1x8xf32> -> vector<1x8xf32>
    %dot_general3A_56 = arith.constant dense<0.000000e+00> : vector<1x8xf32>
    %dot_general3A_57 = tpu.matmul %broadcast_in_dim3A_36, %convert_element_type3A_54, %dot_general3A_56 {dimension_numbers = #tpu.dot_dimension_numbers<[0], [0], [1], [1], [0, 1, 1, 1], [], []>, precision = #tpu.contract_precision<fp32>, transpose_lhs_hint = false} : vector<512x1xf32>, vector<512x8xf32>, vector<1x8xf32> -> vector<1x8xf32>
    %add3A_58 = arith.addf %dot_general3A_55, %dot_general3A_57 : vector<1x8xf32>
    %dot_general3A_59 = arith.constant dense<0.000000e+00> : vector<1x8xf32>
    %dot_general3A_60 = tpu.matmul %broadcast_in_dim3A_26, %convert_element_type3A_45, %dot_general3A_59 {dimension_numbers = #tpu.dot_dimension_numbers<[0], [0], [1], [1], [0, 1, 1, 1], [], []>, precision = #tpu.contract_precision<fp32>, transpose_lhs_hint = false} : vector<512x1xf32>, vector<512x8xf32>, vector<1x8xf32> -> vector<1x8xf32>
    %dot_general3A_61 = arith.constant dense<0.000000e+00> : vector<1x8xf32>
    %dot_general3A_62 = tpu.matmul %broadcast_in_dim3A_30, %convert_element_type3A_54, %dot_general3A_61 {dimension_numbers = #tpu.dot_dimension_numbers<[0], [0], [1], [1], [0, 1, 1, 1], [], []>, precision = #tpu.contract_precision<fp32>, transpose_lhs_hint = false} : vector<512x1xf32>, vector<512x8xf32>, vector<1x8xf32> -> vector<1x8xf32>
    %add3A_63 = arith.addf %dot_general3A_60, %dot_general3A_62 : vector<1x8xf32>
    %mul3A_64 = vector.broadcast %broadcast_in_dim3A : vector<512x1xf32> to vector<512x8xf32>
    %mul3A_65 = arith.mulf %mul3A_64, %convert_element_type3A_54 : vector<512x8xf32>
    %dot_general3A_66 = arith.constant dense<0.000000e+00> : vector<8x8xf32>
    %dot_general3A_67 = tpu.matmul %convert_element_type3A_45, %mul3A_65, %dot_general3A_66 {dimension_numbers = #tpu.dot_dimension_numbers<[0], [0], [1], [1], [0, 1, 1, 1], [], []>, precision = #tpu.contract_precision<fp32>, transpose_lhs_hint = false} : vector<512x8xf32>, vector<512x8xf32>, vector<8x8xf32> -> vector<8x8xf32>
    %mul3A_68 = vector.broadcast %broadcast_in_dim3A : vector<512x1xf32> to vector<512x8xf32>
    %mul3A_69 = arith.mulf %mul3A_68, %convert_element_type3A_45 : vector<512x8xf32>
    %dot_general3A_70 = arith.constant dense<0.000000e+00> : vector<8x8xf32>
    %dot_general3A_71 = tpu.matmul %convert_element_type3A_54, %mul3A_69, %dot_general3A_70 {dimension_numbers = #tpu.dot_dimension_numbers<[0], [0], [1], [1], [0, 1, 1, 1], [], []>, precision = #tpu.contract_precision<fp32>, transpose_lhs_hint = false} : vector<512x8xf32>, vector<512x8xf32>, vector<8x8xf32> -> vector<8x8xf32>
    %iota3A_72 = tpu.iota {dimensions = array<i32: 0>} : vector<8x8xi32>
    %iota3A_73 = tpu.iota {dimensions = array<i32: 1>} : vector<8x8xi32>
    %eq3A_74 = arith.cmpi eq, %iota3A_72, %iota3A_73 : vector<8x8xi32>
    %convert_element_type3A_75 = arith.extui %eq3A_74 : vector<8x8xi1> to vector<8x8xi32>
    %convert_element_type3A_76 = arith.sitofp %convert_element_type3A_75 : vector<8x8xi32> to vector<8x8xf32>
    %get3A_77 = arith.constant 0 : index
    %get3A_78 = arith.constant 0 : index
    %get3A_79 = vector.load %arg10[%get3A_77, %get3A_78] : memref<8x8xf32, #tpu.memory_space<vmem>>, vector<8x8xf32>
    %add3A_80 = arith.addf %dot_general3A_67, %dot_general3A_71 : vector<8x8xf32>
    %mul3A_81 = vector.broadcast %add3A_63 : vector<1x8xf32> to vector<8x8xf32>
    %mul3A_82 = arith.mulf %convert_element_type3A_76, %mul3A_81 : vector<8x8xf32>
    %add3A_83 = arith.addf %add3A_80, %mul3A_82 : vector<8x8xf32>
    %add3A_84 = arith.addf %get3A_79, %add3A_83 : vector<8x8xf32>
    %swap3A_85 = arith.constant 0 : index
    %swap3A_86 = arith.constant 0 : index
    %swap3A_87 = vector.load %arg10[%swap3A_85, %swap3A_86] : memref<8x8xf32, #tpu.memory_space<vmem>>, vector<8x8xf32>
    tpu.vector_store %arg10[%swap3A_85, %swap3A_86], %add3A_84 {strides = array<i32>} : memref<8x8xf32, #tpu.memory_space<vmem>>, vector<8x8xf32>,
    %get3A_88 = arith.constant 0 : index
    %get3A_89 = arith.constant 0 : index
    %get3A_90 = vector.load %arg11[%get3A_88, %get3A_89] : memref<1x8xf32, #tpu.memory_space<vmem>>, vector<1x8xf32>
    %add3A_91 = arith.addf %get3A_90, %add3A_58 : vector<1x8xf32>
    %swap3A_92 = arith.constant 0 : index
    %swap3A_93 = arith.constant 0 : index
    %swap3A_94 = vector.load %arg11[%swap3A_92, %swap3A_93] : memref<1x8xf32, #tpu.memory_space<vmem>>, vector<1x8xf32>
    tpu.vector_store %arg11[%swap3A_92, %swap3A_93], %add3A_91 {strides = array<i32>} : memref<1x8xf32, #tpu.memory_space<vmem>>, vector<1x8xf32>,
    %eq3A_95 = arith.constant 7 : i32
    %eq3A_96 = arith.cmpi eq, %arg0, %eq3A_95 : i32
    %convert_element_type3A_97 = arith.extui %eq3A_96 : i1 to i32
    %cond3A_98 = arith.constant 0 : i32
    %cond3A_99 = arith.cmpi ne, %convert_element_type3A_97, %cond3A_98 : i32
    scf.if %cond3A_99 {
      %get3A_100 = arith.constant 0 : index
      %get3A_101 = arith.constant 0 : index
      %get3A_102 = vector.load %arg10[%get3A_100, %get3A_101] : memref<8x8xf32, #tpu.memory_space<vmem>>, vector<8x8xf32>
      %get3A_103 = arith.constant 0 : index
      %get3A_104 = arith.constant 0 : index
      %get3A_105 = vector.load %arg11[%get3A_103, %get3A_104] : memref<1x8xf32, #tpu.memory_space<vmem>>, vector<1x8xf32>
      %dot_general3A_106 = arith.constant dense<0.000000e+00> : vector<8x8xf32>
      %dot_general3A_107 = tpu.matmul %get3A_105, %get3A_105, %dot_general3A_106 {dimension_numbers = #tpu.dot_dimension_numbers<[0], [0], [1], [1], [0, 1, 1, 1], [], []>, precision = #tpu.contract_precision<fp32>, transpose_lhs_hint = false} : vector<1x8xf32>, vector<1x8xf32>, vector<8x8xf32> -> vector<8x8xf32>
      %div3A = arith.constant 0x4B000000 : f32
      %div3A_108 = vector.broadcast %div3A : f32 to vector<8x8xf32>
      %div3A_109 = arith.divf %dot_general3A_107, %div3A_108 : vector<8x8xf32>
      %sub3A = arith.subf %get3A_102, %div3A_109 : vector<8x8xf32>
      %mul3A_110 = arith.mulf %sub3A, %convert_element_type3A_76 : vector<8x8xf32>
      %reduce_sum3A_111 = arith.constant dense<0.000000e+00> : vector<8xf32>
      %reduce_sum3A_112 = vector.multi_reduction <add>, %mul3A_110, %reduce_sum3A_111 [0] : vector<8x8xf32> to vector<8xf32>
      %broadcast_in_dim3A_113 = vector.shape_cast %reduce_sum3A_112 : vector<8xf32> to vector<1x8xf32>
      %max3A = arith.constant 0.000000e+00 : f32
      %max3A_114 = vector.broadcast %max3A : f32 to vector<1x8xf32>
      %max3A_115 = arith.maximumf %broadcast_in_dim3A_113, %max3A_114 : vector<1x8xf32>
      %sqrt3A = math.sqrt %max3A_115 : vector<1x8xf32>
      %max3A_116 = arith.constant 9.99999996E-13 : f32
      %max3A_117 = vector.broadcast %max3A_116 : f32 to vector<1x8xf32>
      %max3A_118 = arith.maximumf %sqrt3A, %max3A_117 : vector<1x8xf32>
      %dot_general3A_119 = arith.constant dense<0.000000e+00> : vector<8x8xf32>
      %dot_general3A_120 = tpu.matmul %max3A_118, %max3A_118, %dot_general3A_119 {dimension_numbers = #tpu.dot_dimension_numbers<[0], [0], [1], [1], [0, 1, 1, 1], [], []>, precision = #tpu.contract_precision<fp32>, transpose_lhs_hint = false} : vector<1x8xf32>, vector<1x8xf32>, vector<8x8xf32> -> vector<8x8xf32>
      %div3A_121 = arith.divf %sub3A, %dot_general3A_120 : vector<8x8xf32>
      %swap3A_122 = arith.constant 0 : index
      %swap3A_123 = arith.constant 0 : index
      %swap3A_124 = vector.load %arg8[%swap3A_122, %swap3A_123] : memref<8x8xf32, #tpu.memory_space<vmem>>, vector<8x8xf32>
      tpu.vector_store %arg8[%swap3A_122, %swap3A_123], %div3A_121 {strides = array<i32>} : memref<8x8xf32, #tpu.memory_space<vmem>>, vector<8x8xf32>,
      %mul3A_125 = arith.mulf %div3A_121, %convert_element_type3A_76 : vector<8x8xf32>
      %reduce_sum3A_126 = arith.constant dense<0.000000e+00> : vector<8xf32>
      %reduce_sum3A_127 = vector.multi_reduction <add>, %mul3A_125, %reduce_sum3A_126 [0] : vector<8x8xf32> to vector<8xf32>
      %broadcast_in_dim3A_128 = vector.shape_cast %reduce_sum3A_127 : vector<8xf32> to vector<1x8xf32>
      %dot_general3A_129 = arith.constant dense<0.000000e+00> : vector<8x1xf32>
      %dot_general3A_130 = tpu.matmul %convert_element_type3A_76, %broadcast_in_dim3A_128, %dot_general3A_129 {dimension_numbers = #tpu.dot_dimension_numbers<[1], [1], [0], [0], [0, 0, 1, 0], [], []>, precision = #tpu.contract_precision<fp32>, transpose_lhs_hint = false} : vector<8x8xf32>, vector<1x8xf32>, vector<8x1xf32> -> vector<8x1xf32>
      %add3A_131 = vector.broadcast %dot_general3A_130 : vector<8x1xf32> to vector<8x8xf32>
      %add3A_132 = vector.broadcast %broadcast_in_dim3A_128 : vector<1x8xf32> to vector<8x8xf32>
      %add3A_133 = arith.addf %add3A_131, %add3A_132 : vector<8x8xf32>
      %mul3A_134 = arith.constant 2.000000e+00 : f32
      %mul3A_135 = vector.broadcast %mul3A_134 : f32 to vector<8x8xf32>
      %mul3A_136 = arith.mulf %mul3A_135, %div3A_121 : vector<8x8xf32>
      %sub3A_137 = arith.subf %add3A_133, %mul3A_136 : vector<8x8xf32>
      %max3A_138 = arith.constant 0.000000e+00 : f32
      %max3A_139 = vector.broadcast %max3A_138 : f32 to vector<8x8xf32>
      %max3A_140 = arith.maximumf %sub3A_137, %max3A_139 : vector<8x8xf32>
      %sqrt3A_141 = math.sqrt %max3A_140 : vector<8x8xf32>
      %swap3A_142 = arith.constant 0 : index
      %swap3A_143 = arith.constant 0 : index
      %swap3A_144 = vector.load %arg9[%swap3A_142, %swap3A_143] : memref<8x8xf32, #tpu.memory_space<vmem>>, vector<8x8xf32>
      tpu.vector_store %arg9[%swap3A_142, %swap3A_143], %sqrt3A_141 {strides = array<i32>} : memref<8x8xf32, #tpu.memory_space<vmem>>, vector<8x8xf32>,
    } else {
    }
    return
  }
  func.func @transform_0(%arg0: i32) -> (i32, i32) {
    %c0_i32 = arith.constant 0 : i32
    %c0_i32_0 = arith.constant 0 : i32
    return %arg0, %c0_i32 : i32, i32
  }
  func.func @transform_1(%arg0: i32) -> (i32, i32) {
    %c0_i32 = arith.constant 0 : i32
    %c0_i32_0 = arith.constant 0 : i32
    return %arg0, %c0_i32 : i32, i32
  }
  func.func @transform_2(%arg0: i32) -> (i32, i32, i32) {
    %c0_i32 = arith.constant 0 : i32
    %c0_i32_0 = arith.constant 0 : i32
    %c0_i32_1 = arith.constant 0 : i32
    return %arg0, %c0_i32, %c0_i32_0 : i32, i32, i32
  }
  func.func @transform_3(%arg0: i32) -> (i32, i32, i32) {
    %c0_i32 = arith.constant 0 : i32
    %c0_i32_0 = arith.constant 0 : i32
    %c0_i32_1 = arith.constant 0 : i32
    return %arg0, %c0_i32, %c0_i32_0 : i32, i32, i32
  }
  func.func @transform_4(%arg0: i32) -> (i32, i32, i32) {
    %c0_i32 = arith.constant 0 : i32
    %c0_i32_0 = arith.constant 0 : i32
    %c0_i32_1 = arith.constant 0 : i32
    return %arg0, %c0_i32, %c0_i32_0 : i32, i32, i32
  }
  func.func @transform_5(%arg0: i32) -> (i32, i32, i32) {
    %c0_i32 = arith.constant 0 : i32
    %c0_i32_0 = arith.constant 0 : i32
    %c0_i32_1 = arith.constant 0 : i32
    return %arg0, %c0_i32, %c0_i32_0 : i32, i32, i32
  }
  func.func @transform_6(%arg0: i32) -> (i32, i32) {
    %c0_i32 = arith.constant 0 : i32
    %c0_i32_0 = arith.constant 0 : i32
    return %arg0, %c0_i32 : i32, i32
  }
  func.func @transform_7(%arg0: i32) -> (i32, i32) {
    %c0_i32 = arith.constant 0 : i32
    %c0_i32_0 = arith.constant 0 : i32
    %c0_i32_1 = arith.constant 0 : i32
    return %c0_i32, %c0_i32_0 : i32, i32
  }
  func.func @transform_8(%arg0: i32) -> (i32, i32) {
    %c0_i32 = arith.constant 0 : i32
    %c0_i32_0 = arith.constant 0 : i32
    %c0_i32_1 = arith.constant 0 : i32
    return %c0_i32, %c0_i32_0 : i32, i32
  }
}

</mosaic_0001>

<sc_bundles>
// kernel: kernel.10.cloned.1.call-start
scs
__scs_entry_jumppad:
0x0: {  	(pc) =	sbr.rel $0x88, $3  }
0x1: {  	(tag) =	ssettag $0x0;
	lr =	simm.s32 $0x1  }
0x2: {  	[smem:$0x3F9C] =	sst lr;
	_ =	strace $0xD0000000  }
0x3: {  	_ = 	snop  }
0x4: {  	_ = 	snop  }
0x5: {  	_ = 	snop  }
0x6: {  	_ = 	snop  }
0x7: {  	_ = 	snop  }
__scs_overlays_trampoline_lowered:
0x8: {  	[smem:$0x3FAB] =	sst s0  }
0x9: {  	[smem:$0x3FAC] =	sst s1  }
0xa: {  	[smem:$0x3FAD] =	sst s2  }
0xb: {  	[smem:$0x3FAE] =	sst s3  }
0xc: {  	[smem:$0x3FAF] =	sst s4  }
0xd: {  	[smem:$0x3FB0] =	sst s5  }
0xe: {  	[smem:$0x3FB1] =	sst s6  }
0xf: {  	[smem:$0x3FB2] =	sst s7  }
0x10: {  	[smem:$0x3FB3] =	sst s8  }
0x11: {  	[smem:$0x3FB4] =	sst s9;
	s0 =	simm.s32 @!p0 $0x0  }
0x12: {  	s1 =	sld [smem:$0x3F9A];
	s0 =	simm.s32 @p0 $0x1  }
0x13: {  	[smem:$0x3FB5] =	sst s0;
	s0 =	simm.s32 @!p1 $0x0  }
0x14: {  	s2 =	sld [smem:$0x3F99];
	s0 =	simm.s32 @p1 $0x1  }
0x15: {  	[smem:$0x3FB6] =	sst s0;
	s0 =	simm.s32 @!p2 $0x0  }
0x16: {  	s3 =	sld [smem:$0x3FDB];
	s0 =	simm.s32 @p2 $0x1  }
0x17: {  	s4 =	simm.s32 $0x1BF5;
	[smem:$0x3FB8] =	sst s0  }
0x18: {  	s0 =	sld [smem:$0x3F9B];
	_ =	swait.ge [sflag:s4], $0x0  }
0x19: {  	s7 =	sld [smem:$0x3F9C]  }
0x1a: {  	s8 =	sadd.s32 $0xFFFFE003, lr  }
0x1b: {  	s9 =	sadd.s32 $0xFFFFFEF7, lr;
	s5 =	simm.s32 $0xFFFFFFFF;
	p2 =	slt.u32 s8, $0xFFFFF086  }
0x1c: {  	p1 =	slt.u32 s9, $0xF7A;
	s5 =	simm.s32 @!p2 $0x0  }
0x1d: {  	s5 =	simm.s32 @p1 $0x1;
	p0 =	seq.s32 s7, s2  }
0x1e: {  	s7 =	smul.u32 @!p0 $0xF7A, s2;
	p2 =	seq.s32 @!p0 s5, $0x0  }
0x1f: {  	s9 =	smul.u32 $0xF7A, s1;
	s8 =	simm.s32 @!p0 $0x1BF5;
	p2 =	por !p2, p0  }
0x20: {  	[sflag:s8] =	ssyncset.s32 @!p0 $0xFFFFF086;
	s6 =	sadd.s32 @!p0 s3, s7;
	s7 =	simm.s32 @!p0 $0x108  }
0x21: {  	s3 =	sadd.s32 s3, s9;
	s6 =	sadd.s32 @!p0 $0x88, s6;
	s7 =	simm.s32 @p2 $0x1082  }
0x22: {  	[simem:s7], [sflag:s8] =	dma.local @!p0 [hbm:s6], $0xF7A  }
0x23: {  	s9 =	sor.u32 $0xD0000000, s2;
	s6 =	simm.s32 $0x108;
	_ =	swait.ge @!p0 [sflag:s8], $0x0  }
0x24: {  	s3 =	sadd.s32 $0x88, s3;
	s6 =	simm.s32 @!p1 $0x1082;
	[sflag:s4] =	ssyncset.s32 $0xFFFFF086  }
0x25: {  	[simem:s6], [sflag:s4] =	dma.local [hbm:s3], $0xF7A  }
0x26: {  	[smem:$0x3F9C] =	sst s1;
	(tag) =	ssettag s2;
	_ =	strace s9  }
0x27: {  	s1 =	sld [smem:$0x3FAC]  }
0x28: {  	s2 =	sld [smem:$0x3FAD]  }
0x29: {  	s4 =	sld [smem:$0x3FAF]  }
0x2a: {  	p0 =	seq.s32 s5, $0x0;
	s5 =	sld [smem:$0x3FB0]  }
0x2b: {  	s6 =	sld [smem:$0x3FB1]  }
0x2c: {  	s7 =	sld [smem:$0x3FB2]  }
0x2d: {  	s3 =	simm.s32 $0x108;
	s8 =	sld [smem:$0x3FB3]  }
0x2e: {  	s3 =	simm.s32 @!p0 $0x1082;
	s9 =	sld [smem:$0x3FB4]  }
0x2f: {  	lr =	sadd.s32 s0, s3;
	s0 =	sld [smem:$0x3FAB]  }
0x30: {  	s3 =	sld [smem:$0x3FAE]  }
0x31: {  	[smem:$0x3FB7] =	sst s10  }
0x32: {  	s10 =	sld [smem:$0x3FB5];
	_ =	sdelay $0x3  }
0x33: {  	p0 =	seq.s32 s10, $0x1;
	s10 =	sld [smem:$0x3FB7];
	_ =	sdelay $0x3  }
0x34: {  	[smem:$0x3FB7] =	sst s10  }
0x35: {  	s10 =	sld [smem:$0x3FB6];
	_ =	sdelay $0x3  }
0x36: {  	p1 =	seq.s32 s10, $0x1;
	s10 =	sld [smem:$0x3FB7];
	_ =	sdelay $0x3  }
0x37: {  	[smem:$0x3FB7] =	sst s10  }
0x38: {  	s10 =	sld [smem:$0x3FB8]  }
0x39: {  	_ = 	snop;
	(pc) =	sbr.ind lr, $3  }
0x3a: {  	_ = 	snop  }
0x3b: {  	_ = 	snop  }
0x3c: {  	p2 =	seq.s32 s10, $0x1;
	s10 =	sld [smem:$0x3FB7]  }
0x3d: {  	_ =	shalt  }
0x3e: {  	_ =	shalt  }
0x3f: {  	_ =	shalt  }
0x40: {  	_ =	shalt  }
0x41: {  	_ =	shalt  }
0x42: {  	_ =	shalt  }
0x43: {  	_ =	shalt  }
0x44: {  	_ =	shalt  }
0x45: {  	_ =	shalt  }
0x46: {  	_ =	shalt  }
0x47: {  	_ =	shalt  }
0x48: {  	_ =	shalt  }
0x49: {  	_ =	shalt  }
0x4a: {  	_ =	shalt  }
0x4b: {  	_ =	shalt  }
0x4c: {  	_ =	shalt  }
0x4d: {  	_ =	shalt  }
0x4e: {  	_ =	shalt  }
0x4f: {  	_ =	shalt  }
0x50: {  	_ =	shalt  }
0x51: {  	_ =	shalt  }
0x52: {  	_ =	shalt  }
0x53: {  	_ =	shalt  }
0x54: {  	_ =	shalt  }
0x55: {  	_ =	shalt  }
0x56: {  	_ =	shalt  }
0x57: {  	_ =	shalt  }
0x58: {  	_ =	shalt  }
0x59: {  	_ =	shalt  }
0x5a: {  	_ =	shalt  }
0x5b: {  	_ =	shalt  }
0x5c: {  	_ =	shalt  }
0x5d: {  	_ =	shalt  }
0x5e: {  	_ =	shalt  }
0x5f: {  	_ =	shalt  }
0x60: {  	_ =	shalt  }
0x61: {  	_ =	shalt  }
0x62: {  	_ =	shalt  }
0x63: {  	_ =	shalt  }
0x64: {  	_ =	shalt  }
0x65: {  	_ =	shalt  }
0x66: {  	_ =	shalt  }
0x67: {  	_ =	shalt  }
0x68: {  	_ =	shalt  }
0x69: {  	_ =	shalt  }
0x6a: {  	_ =	shalt  }
0x6b: {  	_ =	shalt  }
0x6c: {  	_ =	shalt  }
0x6d: {  	_ =	shalt  }
0x6e: {  	_ =	shalt  }
0x6f: {  	_ =	shalt  }
0x70: {  	_ =	shalt  }
0x71: {  	_ =	shalt  }
0x72: {  	_ =	shalt  }
0x73: {  	_ =	shalt  }
0x74: {  	_ =	shalt  }
0x75: {  	_ =	shalt  }
0x76: {  	_ =	shalt  }
0x77: {  	_ =	shalt  }
0x78: {  	_ =	shalt  }
0x79: {  	_ =	shalt  }
0x7a: {  	_ =	shalt  }
0x7b: {  	_ =	shalt  }
0x7c: {  	_ =	shalt  }
0x7d: {  	_ =	shalt  }
0x7e: {  	_ =	shalt  }
0x7f: {  	_ =	shalt  }
0x80: {  	_ =	shalt  }
0x81: {  	_ =	shalt  }
0x82: {  	_ =	shalt  }
0x83: {  	_ =	shalt  }
0x84: {  	_ =	shalt  }
0x85: {  	_ =	shalt  }
0x86: {  	_ =	shalt  }
0x87: {  	_ =	shalt  }
.Lfunc_end0:
.L_simem_size_0:
called_computation.1_lowered:
.L_overlay_start_0:
0x88: {  	s2 =	sld [smem:$0x3FD9]  }
0x89: {  	s3 =	sld [smem:$0x3FFE];
	_ =	sdelay $0x1  }
0x8a: {  	s1 =	srdreg.scid  }
0x8b: {  	s0 =	sand.u32 $0x1, s1  }
0x8c: {  	s16 =	sshll.u32 s0, $0xA;
	s2 =	sadd.s32 s3, s2  }
0x8d: {  	s2 =	sadd.s32 s2, s16  }
0x8e: {  	[smem:$0x3FC3] =	sst s2  }
0x8f: {  	_ = 	snop  }
0x90: {  	(tm) =	ssettm $0x1  }
0x91: {  	s17 =	sld [smem:$0x3FFB];
	_ =	sdelay $0x3  }
0x92: {  	_ =	strace s17  }
0x93: {  	s2 =	sld [smem:$0x3FFC];
	_ =	sdelay $0x3  }
0x94: {  	_ =	strace s2  }
0x95: {  	s2 =	sld [smem:$0x3FFD];
	_ =	sdelay $0x3  }
0x96: {  	_ =	strace s2  }
0x97: {  	_ =	strace $0x8FFFFFFF  }
0x98: {  	s18 =	sld [smem:$0x3FDB];
	_ =	sdelay $0x1  }
0x99: {  	s19 =	simm.s32 $_scs_section_size  }
0x9a: {  	s4 =	simm.s32 $_size__tile_overlayer_lowered;
	s5 =	simm.s32 $_tile_overlayer_lowered  }
0x9b: {  	s22 =	simm.s32 $0x1BFF;
	s21 =	sshll.u32 s5, $0x1;
	s2 =	sadd.s32 s19, s18  }
0x9c: {  	s6 =	simm.s32 $0x0;
	s20 =	sshll.u32 s4, $0x1;
	s4 =	sadd.s32 s21, s2  }
0x9d: {  	[timem:s6], [sflag:s22] =	dma.local [hbm:s4], s20  }
0x9e: {  	_ =	swait.ge [sflag:s22], s20  }
0x9f: {  	s3 =	ssub.s32 $0x0, s20;
	[sflag:s22] =	ssyncset.done $0x0  }
0xa0: {  	[sflag:s22] =	ssyncadd.s32 s3;
	_ =	sdelay $0x1  }
0xa1: {  	s23 =	simm.s32 $0x1B8B  }
0xa2: {  	_ =	swait.ge [sflag:s23], $0x1  }
0xa3: {  	[sflag:s23] =	ssyncset.done $0x0  }
0xa4: {  	s25 =	simm.s32 $0x1B8E;
	s24 =	sld [smem:$0x3FFE];
	[sflag:s23] =	ssyncadd.s32 $0xFFFFFFFF  }
0xa5: {  	s26 =	simm.s32 $execute0_lowered;
	[smem:$0x3FD2] =	sst s25  }
0xa6: {  	s4 =	sshll.u32 s26, $0x1;
	_ =	strace $0x80000049;
	[dreg:$0x1] =	wrdreg $0xFFFFFFFF  }
0xa7: {  	s28 =	simm.s32 $_size_execute0_lowered;
	s2 =	sadd.s32 s2, s4;
	[dreg:$0x0] =	wrdreg $0x0  }
0xa8: {  	s4 =	sshll.u32 s28, $0x1;
	[dreg:$0x2] =	wrdreg s2  }
0xa9: {  	[dreg:$0x3] =	wrdreg s4  }
0xaa: {  	[dreg:$0x4] =	wrdreg $0xC0  }
0xab: {  	_ =	task [dreg:s6], $0x5FFFF  }
0xac: {  	[dreg:$0x1] =	wrdreg $0xFFFFFFFF  }
0xad: {  	[dreg:$0x0] =	wrdreg $0x60  }
0xae: {  	[dreg:$0x2] =	wrdreg s24  }
0xaf: {  	[dreg:$0x3] =	wrdreg $0x9  }
0xb0: {  	_ =	task.clear_ibuf [dreg:s6], $0x4FFFF;
	_ =	strace $0x90000049  }
0xb1: {  	s29 =	simm.s32 $0x9;
	_ =	strace $0x8000004B  }
0xb2: {  	_ =	swait.ge [sflag:s29], $0x1  }
0xb3: {  	[sflag:s29] =	ssyncadd.s32 $0xFFFFFFFF  }
0xb4: {  	_ =	strace $0x9000004B  }
0xb5: {  	_ =	sfence  }
0xb6: {  	s30 =	sld [smem:$0x0];
	_ =	sdelay $0x2  }
0xb7: {  	s31 =	sshll.u32 s1, $0xD;
	s1 =	sshrl.u32 s1, $0x2  }
0xb8: {  	s3 =	sand.u32 $0x4000, s31;
	s1 =	sadd.s32 s1, s30  }
0xb9: {  	s0 =	sor.u32 s3, s0;
	s1 =	sshll.u32 s1, $0x11  }
0xba: {  	s0 =	sor.u32 s1, s0  }
0xbb: {  	s0 =	sadd.s32 $0x8F2B, s0  }
0xbc: {  	[sflag:s0] =	ssyncadd.remote.s32 $0x1  }
0xbd: {  	_ =	sfence.sel $0xFFFF  }
0xbe: {  	[dreg:$0x0] =	wrdreg $0xFFFFFFFF;
	(pc) =	sbr.abs _section_cstart, $3  }
0xbf: {  	[dreg:$0x1] =	wrdreg $0xFFFFFFFF  }
0xc0: {  	_ =	task.clear_ibuf [dreg:s6], $0x2FFFF;
	_ =	strace $0x9FFFFFFF  }
0xc1: {  	(tm) =	ssettm $0x7FFFFFFF  }
tec
execute0_lowered:
.L_overlay_start_1:
0x0: {  	(tag) =	ssettag $0x1  }
0x1: {  	s1 =	srdreg.scid;
	s2 =	stileid.u32  }
0x2: {  	s0 =	rddreg [dreg:$0x0];
	s28 =	simm.s32 $0x10000;
	s31 =	simm.s32 $0x10400  }
0x3: {  	s29 =	simm.s32 $0x8000;
	s1 =	sand.u32 $0x1, s1;
	s3 =	sshll.u32 s2, $0x1  }
0x4: {  	s2 =	simm.s32 $0x0;
	s8 =	sadd.s32 $0x58A00, s0;
	s9 =	sadd.s32 $0x158A00, s0  }
0x5: {  	s4 =	sor.u32 s1, s3;
	[smem:$0x7FF] =	sst s2;
	s1 =	ssub.s32 $0x2, s1  }
0x6: {  	s3 =	sshll.u32 s4, $0x7;
	_ =	strace $0x8000004A;
	[dreg:$0x14] =	wrdreg s28  }
0x7: {  	s7 =	sshll.u32 s4, $0xF;
	s14 =	sshrl.u32 s1, $0x1;
	[dreg:$0x15] =	wrdreg s31  }
0x8: {  	s5 =	sadd.s32 s3, s0;
	s3 =	sadd.s32 $0x2D8A00, s0;
	s4 =	sadd.s32 s8, s7  }
0x9: {  	s10 =	sor.u32 $0x1000, s7;
	s6 =	sadd.s32 $0xA00, s5;
	[dreg:$0x4] =	wrdreg s4  }
0xa: {  	s13 =	sor.u32 $0x2000, s7;
	s5 =	sadd.s32 $0x1A00, s5;
	[dreg:$0x2] =	wrdreg s6  }
0xb: {  	s17 =	sor.u32 $0x3000, s7;
	s11 =	sadd.s32 s8, s10;
	[dreg:$0x3] =	wrdreg s5  }
0xc: {  	s1 =	ssub.s32 s1, s14;
	s12 =	sadd.s32 s9, s10;
	[dreg:$0x6] =	wrdreg s11  }
0xd: {  	s19 =	sor.u32 $0x4000, s7;
	s15 =	sadd.s32 s8, s13;
	[dreg:$0x7] =	wrdreg s12  }
0xe: {  	s24 =	sor.u32 $0x7000, s7;
	s16 =	sadd.s32 s9, s13;
	[dreg:$0x8] =	wrdreg s15  }
0xf: {  	s18 =	sadd.s32 s8, s17;
	s4 =	sadd.s32 $0x2D8B00, s0;
	[dreg:$0x9] =	wrdreg s16  }
0x10: {  	s20 =	sadd.s32 s8, s19;
	s10 =	sor.u32 $0x5000, s7;
	[dreg:$0xa] =	wrdreg s18  }
0x11: {  	s25 =	sadd.s32 s8, s24;
	s26 =	sadd.s32 s9, s24;
	[dreg:$0xc] =	wrdreg s20  }
0x12: {  	s30 =	smax.u32 s1, $0x1;
	s24 =	simm.s32 $0x1;
	[dreg:$0x12] =	wrdreg s25  }
0x13: {  	s6 =	sadd.s32 s9, s7;
	s5 =	sadd.s32 s9, s17;
	[dreg:$0x13] =	wrdreg s26  }
0x14: {  	s21 =	sadd.s32 s8, s10;
	s10 =	sadd.s32 s9, s10;
	[dreg:$0x5] =	wrdreg s6  }
0x15: {  	s11 =	sor.u32 $0x6000, s7;
	s7 =	sadd.s32 $0x2D8E00, s0;
	[dreg:$0xb] =	wrdreg s5  }
0x16: {  	s12 =	simm.s32 $0x3;
	s25 =	simm.s32 $0x2;
	[dreg:$0xe] =	wrdreg s21  }
0x17: {  	s6 =	sadd.s32 s9, s19;
	s5 =	sadd.s32 $0x2D8C00, s0;
	[dreg:$0xf] =	wrdreg s10  }
0x18: {  	v2 =	vlaneseq.u32;
	s22 =	sadd.s32 s8, s11;
	s23 =	sadd.s32 s9, s11;
	[dreg:$0xd] =	wrdreg s6  }
0x19: {  	vm0 =	vmmov $0xffff;
	v1 =	vshrl.u32 v2, $0x3;
	s8 =	sadd.s32 $0x2D8F00, s0;
	s9 =	sadd.s32 $0x2D9000, s0;
	[dreg:$0x10] =	wrdreg s22  }
0x1a: {  	v0 =	vand.u32 $0x7, v2;
	v2 =	vor.u32 $0x8, v2;
	v1 =	vmul.u32 $0x8, v1;
	s10 =	sadd.s32 $0x2D9100, s0;
	s6 =	sadd.s32 $0x2D8D00, s0;
	[dreg:$0x11] =	wrdreg s23  }
.LBB2_1:
0x1b: {  	s26 =	rddreg [dreg:$0x2]  }
0x1c: {  	s28 =	rddreg [dreg:$0x14]  }
0x1d: {  	[tilespmem:s28], [sflag:$0x3] =	stream.linear.gather [hbm4b:s26+s2], $0x400, $0x38;
	[tilespmem:$0x10800] =	vst v63  }
0x1e: {  	_ =	swait.ge [sflag:s12], $0x400  }
0x1f: {  	s11 =	rddreg [dreg:$0x3];
	[sflag:s12] =	ssyncset.done $0x0  }
0x20: {  	s13 =	rddreg [dreg:$0x15];
	[sflag:s12] =	ssyncadd.s32 $0xFFFFFC00  }
0x21: {  	[tilespmem:s13], [sflag:$0x3] =	stream.linear.gather [hbm4b:s11+s2], $0x400, $0x38;
	[tilespmem:$0x10800] =	vst v63  }
0x22: {  	_ =	swait.ge [sflag:s12], $0x400  }
0x23: {  	[sflag:s12] =	ssyncset.done $0x0  }
0x24: {  	[sflag:s12] =	ssyncadd.s32 $0xFFFFFC00  }
0x25: {  	v3 =	vld [tilespmem:$0x10000];
	_ =	sdelay $0x4  }
0x26: {  	v4 =	vshll.u32 v3, $0x4  }
0x27: {  	v3 =	vand.u32 $0x7, v3;
	v4 =	vand.u32 $0xFFFFFF80, v4  }
0x28: {  	v3 =	vor.u32 v3, v4  }
0x29: {  	v4 =	vperm.xlane v3, v0;
	_ =	sdelay $0x1  }
0x2a: {  	v4 =	vadd.s32 v1, v4;
	_ =	sdelay $0x4  }
0x2b: {  	[tilespmem:s2], [sflag:$0x1] =	stream.indirect_vreg.gather [hbm4b:s3+s2], $0x80, v4, vm0, $0xb8;
	[tilespmem:$0x10800] =	vst v63  }
0x2c: {  	s0 =	simm.s32 $0x800  }
0x2d: {  	[tilespmem:s0], [sflag:$0x1] =	stream.indirect_vreg.gather [hbm4b:s4+s2], $0x80, v4, vm0, $0xb8;
	[tilespmem:$0x10800] =	vst v63  }
0x2e: {  	s14 =	simm.s32 $0x1000  }
0x2f: {  	[tilespmem:s14], [sflag:$0x1] =	stream.indirect_vreg.gather [hbm4b:s5+s2], $0x80, v4, vm0, $0xb8;
	[tilespmem:$0x10800] =	vst v63  }
0x30: {  	s15 =	simm.s32 $0x1800  }
0x31: {  	[tilespmem:s15], [sflag:$0x1] =	stream.indirect_vreg.gather [hbm4b:s6+s2], $0x80, v4, vm0, $0xb8;
	[tilespmem:$0x10800] =	vst v63  }
0x32: {  	s16 =	simm.s32 $0x2000  }
0x33: {  	[tilespmem:s16], [sflag:$0x1] =	stream.indirect_vreg.gather [hbm4b:s7+s2], $0x80, v4, vm0, $0xb8;
	[tilespmem:$0x10800] =	vst v63  }
0x34: {  	s17 =	simm.s32 $0x2800;
	v3 =	vperm.xlane v3, v2  }
0x35: {  	[tilespmem:s17], [sflag:$0x1] =	stream.indirect_vreg.gather [hbm4b:s8+s2], $0x80, v4, vm0, $0xb8;
	[tilespmem:$0x10800] =	vst v63  }
0x36: {  	s18 =	simm.s32 $0x3000;
	v3 =	vadd.s32 v1, v3  }
0x37: {  	[tilespmem:s18], [sflag:$0x1] =	stream.indirect_vreg.gather [hbm4b:s9+s2], $0x80, v4, vm0, $0xb8;
	[tilespmem:$0x10800] =	vst v63  }
0x38: {  	s19 =	simm.s32 $0x3800  }
0x39: {  	[tilespmem:s19], [sflag:$0x1] =	stream.indirect_vreg.gather [hbm4b:s10+s2], $0x80, v4, vm0, $0xb8;
	[tilespmem:$0x10800] =	vst v63  }
0x3a: {  	s20 =	simm.s32 $0x4000  }
0x3b: {  	[tilespmem:s20], [sflag:$0x1] =	stream.indirect_vreg.gather [hbm4b:s3+s2], $0x80, v3, vm0, $0xb8;
	[tilespmem:$0x10800] =	vst v63  }
0x3c: {  	s21 =	simm.s32 $0x4800  }
0x3d: {  	[tilespmem:s21], [sflag:$0x1] =	stream.indirect_vreg.gather [hbm4b:s4+s2], $0x80, v3, vm0, $0xb8;
	[tilespmem:$0x10800] =	vst v63  }
0x3e: {  	s22 =	simm.s32 $0x5000  }
0x3f: {  	[tilespmem:s22], [sflag:$0x1] =	stream.indirect_vreg.gather [hbm4b:s5+s2], $0x80, v3, vm0, $0xb8;
	[tilespmem:$0x10800] =	vst v63  }
0x40: {  	s23 =	simm.s32 $0x5800  }
0x41: {  	[tilespmem:s23], [sflag:$0x1] =	stream.indirect_vreg.gather [hbm4b:s6+s2], $0x80, v3, vm0, $0xb8;
	[tilespmem:$0x10800] =	vst v63  }
0x42: {  	s26 =	simm.s32 $0x6000  }
0x43: {  	[tilespmem:s26], [sflag:$0x1] =	stream.indirect_vreg.gather [hbm4b:s7+s2], $0x80, v3, vm0, $0xb8;
	[tilespmem:$0x10800] =	vst v63  }
0x44: {  	s28 =	simm.s32 $0x6800  }
0x45: {  	[tilespmem:s28], [sflag:$0x1] =	stream.indirect_vreg.gather [hbm4b:s8+s2], $0x80, v3, vm0, $0xb8;
	[tilespmem:$0x10800] =	vst v63  }
0x46: {  	s31 =	simm.s32 $0x7000  }
0x47: {  	[tilespmem:s31], [sflag:$0x1] =	stream.indirect_vreg.gather [hbm4b:s9+s2], $0x80, v3, vm0, $0xb8;
	[tilespmem:$0x10800] =	vst v63  }
0x48: {  	s16 =	simm.s32 $0x7800  }
0x49: {  	[tilespmem:s16], [sflag:$0x1] =	stream.indirect_vreg.gather [hbm4b:s10+s2], $0x80, v3, vm0, $0xb8;
	[tilespmem:$0x10800] =	vst v63  }
0x4a: {  	v3 =	vld [tilespmem:$0x10400];
	_ =	sdelay $0x4  }
0x4b: {  	v49 =	vshll.u32 v3, $0x4  }
0x4c: {  	v3 =	vand.u32 $0x7, v3;
	v4 =	vand.u32 $0xFFFFFF80, v49  }
0x4d: {  	v3 =	vor.u32 v3, v4  }
0x4e: {  	v4 =	vperm.xlane v3, v0;
	_ =	sdelay $0x1  }
0x4f: {  	v4 =	vadd.s32 v1, v4;
	_ =	sdelay $0x4  }
0x50: {  	[tilespmem:s29], [sflag:$0x2] =	stream.indirect_vreg.gather [hbm4b:s3+s2], $0x80, v4, vm0, $0xb8;
	[tilespmem:$0x10800] =	vst v63  }
0x51: {  	s17 =	simm.s32 $0x8800  }
0x52: {  	[tilespmem:s17], [sflag:$0x2] =	stream.indirect_vreg.gather [hbm4b:s4+s2], $0x80, v4, vm0, $0xb8;
	[tilespmem:$0x10800] =	vst v63  }
0x53: {  	s18 =	simm.s32 $0x9000  }
0x54: {  	[tilespmem:s18], [sflag:$0x2] =	stream.indirect_vreg.gather [hbm4b:s5+s2], $0x80, v4, vm0, $0xb8;
	[tilespmem:$0x10800] =	vst v63  }
0x55: {  	s19 =	simm.s32 $0x9800  }
0x56: {  	[tilespmem:s19], [sflag:$0x2] =	stream.indirect_vreg.gather [hbm4b:s6+s2], $0x80, v4, vm0, $0xb8;
	[tilespmem:$0x10800] =	vst v63  }
0x57: {  	s20 =	simm.s32 $0xA000  }
0x58: {  	[tilespmem:s20], [sflag:$0x2] =	stream.indirect_vreg.gather [hbm4b:s7+s2], $0x80, v4, vm0, $0xb8;
	[tilespmem:$0x10800] =	vst v63  }
0x59: {  	s21 =	simm.s32 $0xA800;
	v3 =	vperm.xlane v3, v2  }
0x5a: {  	[tilespmem:s21], [sflag:$0x2] =	stream.indirect_vreg.gather [hbm4b:s8+s2], $0x80, v4, vm0, $0xb8;
	[tilespmem:$0x10800] =	vst v63  }
0x5b: {  	s31 =	simm.s32 $0xB000;
	v3 =	vadd.s32 v1, v3  }
0x5c: {  	[tilespmem:s31], [sflag:$0x2] =	stream.indirect_vreg.gather [hbm4b:s9+s2], $0x80, v4, vm0, $0xb8;
	[tilespmem:$0x10800] =	vst v63  }
0x5d: {  	s0 =	simm.s32 $0xB800  }
0x5e: {  	[tilespmem:s0], [sflag:$0x2] =	stream.indirect_vreg.gather [hbm4b:s10+s2], $0x80, v4, vm0, $0xb8;
	[tilespmem:$0x10800] =	vst v63  }
0x5f: {  	s16 =	simm.s32 $0xC000  }
0x60: {  	[tilespmem:s16], [sflag:$0x2] =	stream.indirect_vreg.gather [hbm4b:s3+s2], $0x80, v3, vm0, $0xb8;
	[tilespmem:$0x10800] =	vst v63  }
0x61: {  	s17 =	simm.s32 $0xC800  }
0x62: {  	[tilespmem:s17], [sflag:$0x2] =	stream.indirect_vreg.gather [hbm4b:s4+s2], $0x80, v3, vm0, $0xb8;
	[tilespmem:$0x10800] =	vst v63  }
0x63: {  	s18 =	simm.s32 $0xD000  }
0x64: {  	[tilespmem:s18], [sflag:$0x2] =	stream.indirect_vreg.gather [hbm4b:s5+s2], $0x80, v3, vm0, $0xb8;
	[tilespmem:$0x10800] =	vst v63  }
0x65: {  	s19 =	simm.s32 $0xD800  }
0x66: {  	[tilespmem:s19], [sflag:$0x2] =	stream.indirect_vreg.gather [hbm4b:s6+s2], $0x80, v3, vm0, $0xb8;
	[tilespmem:$0x10800] =	vst v63  }
0x67: {  	s21 =	simm.s32 $0xE000  }
0x68: {  	[tilespmem:s21], [sflag:$0x2] =	stream.indirect_vreg.gather [hbm4b:s7+s2], $0x80, v3, vm0, $0xb8;
	[tilespmem:$0x10800] =	vst v63  }
0x69: {  	s0 =	simm.s32 $0xE800  }
0x6a: {  	[tilespmem:s0], [sflag:$0x2] =	stream.indirect_vreg.gather [hbm4b:s8+s2], $0x80, v3, vm0, $0xb8;
	[tilespmem:$0x10800] =	vst v63  }
0x6b: {  	s16 =	simm.s32 $0xF000  }
0x6c: {  	[tilespmem:s16], [sflag:$0x2] =	stream.indirect_vreg.gather [hbm4b:s9+s2], $0x80, v3, vm0, $0xb8;
	[tilespmem:$0x10800] =	vst v63  }
0x6d: {  	s17 =	simm.s32 $0xF800  }
0x6e: {  	[tilespmem:s17], [sflag:$0x2] =	stream.indirect_vreg.gather [hbm4b:s10+s2], $0x80, v3, vm0, $0xb8;
	[tilespmem:$0x10800] =	vst v63  }
0x6f: {  	_ =	swait.ge [sflag:s24], $0x8000  }
0x70: {  	[sflag:s24] =	ssyncset.done $0x0  }
0x71: {  	s18 =	rddreg [dreg:$0x4];
	[sflag:s24] =	ssyncadd.s32 $0xFFFF8000  }
0x72: {  	[hbm4b:s18+s2] =	stream.linear.scatter [tilespmem:s2], [sflag:$0x3], $0x8000, $0x38;
	[tilespmem:$0x10800] =	vst v63  }
0x73: {  	_ =	swait.ge [sflag:s12], $0x8000  }
0x74: {  	[sflag:s12] =	ssyncset.done $0x0  }
0x75: {  	[sflag:s12] =	ssyncadd.s32 $0xFFFF8000  }
0x76: {  	_ =	swait.ge [sflag:s25], $0x8000  }
0x77: {  	[sflag:s25] =	ssyncset.done $0x0  }
0x78: {  	s19 =	rddreg [dreg:$0x5];
	[sflag:s25] =	ssyncadd.s32 $0xFFFF8000  }
0x79: {  	[hbm4b:s19+s2] =	stream.linear.scatter [tilespmem:s29], [sflag:$0x3], $0x8000, $0x38;
	[tilespmem:$0x10800] =	vst v63  }
0x7a: {  	_ =	swait.ge [sflag:s12], $0x8000  }
0x7b: {  	[sflag:s12] =	ssyncset.done $0x0  }
0x7c: {  	[sflag:s12] =	ssyncadd.s32 $0xFFFF8000  }
0x7d: {  	v3 =	vld [tilespmem:$0x10080];
	_ =	sdelay $0x4  }
0x7e: {  	v50 =	vshll.u32 v3, $0x4  }
0x7f: {  	v3 =	vand.u32 $0x7, v3;
	v4 =	vand.u32 $0xFFFFFF80, v50  }
0x80: {  	v3 =	vor.u32 v3, v4  }
0x81: {  	v4 =	vperm.xlane v3, v0;
	_ =	sdelay $0x1  }
0x82: {  	v4 =	vadd.s32 v1, v4;
	_ =	sdelay $0x4  }
0x83: {  	[tilespmem:s2], [sflag:$0x1] =	stream.indirect_vreg.gather [hbm4b:s3+s2], $0x80, v4, vm0, $0xb8;
	[tilespmem:$0x10800] =	vst v63  }
0x84: {  	s11 =	simm.s32 $0x800  }
0x85: {  	[tilespmem:s11], [sflag:$0x1] =	stream.indirect_vreg.gather [hbm4b:s4+s2], $0x80, v4, vm0, $0xb8;
	[tilespmem:$0x10800] =	vst v63  }
0x86: {  	s1 =	simm.s32 $0x1000  }
0x87: {  	[tilespmem:s1], [sflag:$0x1] =	stream.indirect_vreg.gather [hbm4b:s5+s2], $0x80, v4, vm0, $0xb8;
	[tilespmem:$0x10800] =	vst v63  }
0x88: {  	s13 =	simm.s32 $0x1800  }
0x89: {  	[tilespmem:s13], [sflag:$0x1] =	stream.indirect_vreg.gather [hbm4b:s6+s2], $0x80, v4, vm0, $0xb8;
	[tilespmem:$0x10800] =	vst v63  }
0x8a: {  	s15 =	simm.s32 $0x2000  }
0x8b: {  	[tilespmem:s15], [sflag:$0x1] =	stream.indirect_vreg.gather [hbm4b:s7+s2], $0x80, v4, vm0, $0xb8;
	[tilespmem:$0x10800] =	vst v63  }
0x8c: {  	s14 =	simm.s32 $0x2800;
	v3 =	vperm.xlane v3, v2  }
0x8d: {  	[tilespmem:s14], [sflag:$0x1] =	stream.indirect_vreg.gather [hbm4b:s8+s2], $0x80, v4, vm0, $0xb8;
	[tilespmem:$0x10800] =	vst v63  }
0x8e: {  	s0 =	simm.s32 $0x3000;
	v3 =	vadd.s32 v1, v3  }
0x8f: {  	[tilespmem:s0], [sflag:$0x1] =	stream.indirect_vreg.gather [hbm4b:s9+s2], $0x80, v4, vm0, $0xb8;
	[tilespmem:$0x10800] =	vst v63  }
0x90: {  	s1 =	simm.s32 $0x3800  }
0x91: {  	[tilespmem:s1], [sflag:$0x1] =	stream.indirect_vreg.gather [hbm4b:s10+s2], $0x80, v4, vm0, $0xb8;
	[tilespmem:$0x10800] =	vst v63  }
0x92: {  	s11 =	simm.s32 $0x4000  }
0x93: {  	[tilespmem:s11], [sflag:$0x1] =	stream.indirect_vreg.gather [hbm4b:s3+s2], $0x80, v3, vm0, $0xb8;
	[tilespmem:$0x10800] =	vst v63  }
0x94: {  	s13 =	simm.s32 $0x4800  }
0x95: {  	[tilespmem:s13], [sflag:$0x1] =	stream.indirect_vreg.gather [hbm4b:s4+s2], $0x80, v3, vm0, $0xb8;
	[tilespmem:$0x10800] =	vst v63  }
0x96: {  	s14 =	simm.s32 $0x5000  }
0x97: {  	[tilespmem:s14], [sflag:$0x1] =	stream.indirect_vreg.gather [hbm4b:s5+s2], $0x80, v3, vm0, $0xb8;
	[tilespmem:$0x10800] =	vst v63  }
0x98: {  	s15 =	simm.s32 $0x5800  }
0x99: {  	[tilespmem:s15], [sflag:$0x1] =	stream.indirect_vreg.gather [hbm4b:s6+s2], $0x80, v3, vm0, $0xb8;
	[tilespmem:$0x10800] =	vst v63  }
0x9a: {  	s16 =	simm.s32 $0x6000  }
0x9b: {  	[tilespmem:s16], [sflag:$0x1] =	stream.indirect_vreg.gather [hbm4b:s7+s2], $0x80, v3, vm0, $0xb8;
	[tilespmem:$0x10800] =	vst v63  }
0x9c: {  	s17 =	simm.s32 $0x6800  }
0x9d: {  	[tilespmem:s17], [sflag:$0x1] =	stream.indirect_vreg.gather [hbm4b:s8+s2], $0x80, v3, vm0, $0xb8;
	[tilespmem:$0x10800] =	vst v63  }
0x9e: {  	s18 =	simm.s32 $0x7000  }
0x9f: {  	[tilespmem:s18], [sflag:$0x1] =	stream.indirect_vreg.gather [hbm4b:s9+s2], $0x80, v3, vm0, $0xb8;
	[tilespmem:$0x10800] =	vst v63  }
0xa0: {  	s19 =	simm.s32 $0x7800  }
0xa1: {  	[tilespmem:s19], [sflag:$0x1] =	stream.indirect_vreg.gather [hbm4b:s10+s2], $0x80, v3, vm0, $0xb8;
	[tilespmem:$0x10800] =	vst v63  }
0xa2: {  	v3 =	vld [tilespmem:$0x10480];
	_ =	sdelay $0x4  }
0xa3: {  	v51 =	vshll.u32 v3, $0x4  }
0xa4: {  	v3 =	vand.u32 $0x7, v3;
	v4 =	vand.u32 $0xFFFFFF80, v51  }
0xa5: {  	v3 =	vor.u32 v3, v4  }
0xa6: {  	v4 =	vperm.xlane v3, v0;
	_ =	sdelay $0x1  }
0xa7: {  	v4 =	vadd.s32 v1, v4;
	_ =	sdelay $0x4  }
0xa8: {  	[tilespmem:s29], [sflag:$0x2] =	stream.indirect_vreg.gather [hbm4b:s3+s2], $0x80, v4, vm0, $0xb8;
	[tilespmem:$0x10800] =	vst v63  }
0xa9: {  	s26 =	simm.s32 $0x8800  }
0xaa: {  	[tilespmem:s26], [sflag:$0x2] =	stream.indirect_vreg.gather [hbm4b:s4+s2], $0x80, v4, vm0, $0xb8;
	[tilespmem:$0x10800] =	vst v63  }
0xab: {  	s23 =	simm.s32 $0x9000  }
0xac: {  	[tilespmem:s23], [sflag:$0x2] =	stream.indirect_vreg.gather [hbm4b:s5+s2], $0x80, v4, vm0, $0xb8;
	[tilespmem:$0x10800] =	vst v63  }
0xad: {  	s28 =	simm.s32 $0x9800  }
0xae: {  	[tilespmem:s28], [sflag:$0x2] =	stream.indirect_vreg.gather [hbm4b:s6+s2], $0x80, v4, vm0, $0xb8;
	[tilespmem:$0x10800] =	vst v63  }
0xaf: {  	s22 =	simm.s32 $0xA000  }
0xb0: {  	[tilespmem:s22], [sflag:$0x2] =	stream.indirect_vreg.gather [hbm4b:s7+s2], $0x80, v4, vm0, $0xb8;
	[tilespmem:$0x10800] =	vst v63  }
0xb1: {  	s20 =	simm.s32 $0xA800;
	v3 =	vperm.xlane v3, v2  }
0xb2: {  	[tilespmem:s20], [sflag:$0x2] =	stream.indirect_vreg.gather [hbm4b:s8+s2], $0x80, v4, vm0, $0xb8;
	[tilespmem:$0x10800] =	vst v63  }
0xb3: {  	s31 =	simm.s32 $0xB000;
	v3 =	vadd.s32 v1, v3  }
0xb4: {  	[tilespmem:s31], [sflag:$0x2] =	stream.indirect_vreg.gather [hbm4b:s9+s2], $0x80, v4, vm0, $0xb8;
	[tilespmem:$0x10800] =	vst v63  }
0xb5: {  	s22 =	simm.s32 $0xB800  }
0xb6: {  	[tilespmem:s22], [sflag:$0x2] =	stream.indirect_vreg.gather [hbm4b:s10+s2], $0x80, v4, vm0, $0xb8;
	[tilespmem:$0x10800] =	vst v63  }
0xb7: {  	s26 =	simm.s32 $0xC000  }
0xb8: {  	[tilespmem:s26], [sflag:$0x2] =	stream.indirect_vreg.gather [hbm4b:s3+s2], $0x80, v3, vm0, $0xb8;
	[tilespmem:$0x10800] =	vst v63  }
0xb9: {  	s26 =	simm.s32 $0xC800  }
0xba: {  	[tilespmem:s26], [sflag:$0x2] =	stream.indirect_vreg.gather [hbm4b:s4+s2], $0x80, v3, vm0, $0xb8;
	[tilespmem:$0x10800] =	vst v63  }
0xbb: {  	s26 =	simm.s32 $0xD000  }
0xbc: {  	[tilespmem:s26], [sflag:$0x2] =	stream.indirect_vreg.gather [hbm4b:s5+s2], $0x80, v3, vm0, $0xb8;
	[tilespmem:$0x10800] =	vst v63  }
0xbd: {  	s26 =	simm.s32 $0xD800  }
0xbe: {  	[tilespmem:s26], [sflag:$0x2] =	stream.indirect_vreg.gather [hbm4b:s6+s2], $0x80, v3, vm0, $0xb8;
	[tilespmem:$0x10800] =	vst v63  }
0xbf: {  	s26 =	simm.s32 $0xE000  }
0xc0: {  	[tilespmem:s26], [sflag:$0x2] =	stream.indirect_vreg.gather [hbm4b:s7+s2], $0x80, v3, vm0, $0xb8;
	[tilespmem:$0x10800] =	vst v63  }
0xc1: {  	s26 =	simm.s32 $0xE800  }
0xc2: {  	[tilespmem:s26], [sflag:$0x2] =	stream.indirect_vreg.gather [hbm4b:s8+s2], $0x80, v3, vm0, $0xb8;
	[tilespmem:$0x10800] =	vst v63  }
0xc3: {  	s26 =	simm.s32 $0xF000  }
0xc4: {  	[tilespmem:s26], [sflag:$0x2] =	stream.indirect_vreg.gather [hbm4b:s9+s2], $0x80, v3, vm0, $0xb8;
	[tilespmem:$0x10800] =	vst v63  }
0xc5: {  	s21 =	simm.s32 $0xF800  }
0xc6: {  	[tilespmem:s21], [sflag:$0x2] =	stream.indirect_vreg.gather [hbm4b:s10+s2], $0x80, v3, vm0, $0xb8;
	[tilespmem:$0x10800] =	vst v63  }
0xc7: {  	_ =	swait.ge [sflag:s24], $0x8000  }
0xc8: {  	[sflag:s24] =	ssyncset.done $0x0  }
0xc9: {  	s26 =	rddreg [dreg:$0x6];
	[sflag:s24] =	ssyncadd.s32 $0xFFFF8000  }
0xca: {  	[hbm4b:s26+s2] =	stream.linear.scatter [tilespmem:s2], [sflag:$0x3], $0x8000, $0x38;
	[tilespmem:$0x10800] =	vst v63  }
0xcb: {  	_ =	swait.ge [sflag:s12], $0x8000  }
0xcc: {  	[sflag:s12] =	ssyncset.done $0x0  }
0xcd: {  	[sflag:s12] =	ssyncadd.s32 $0xFFFF8000  }
0xce: {  	_ =	swait.ge [sflag:s25], $0x8000  }
0xcf: {  	[sflag:s25] =	ssyncset.done $0x0  }
0xd0: {  	s26 =	rddreg [dreg:$0x7];
	[sflag:s25] =	ssyncadd.s32 $0xFFFF8000  }
0xd1: {  	[hbm4b:s26+s2] =	stream.linear.scatter [tilespmem:s29], [sflag:$0x3], $0x8000, $0x38;
	[tilespmem:$0x10800] =	vst v63  }
0xd2: {  	_ =	swait.ge [sflag:s12], $0x8000  }
0xd3: {  	[sflag:s12] =	ssyncset.done $0x0  }
0xd4: {  	[sflag:s12] =	ssyncadd.s32 $0xFFFF8000  }
0xd5: {  	v3 =	vld [tilespmem:$0x10100];
	_ =	sdelay $0x4  }
0xd6: {  	v52 =	vshll.u32 v3, $0x4  }
0xd7: {  	v3 =	vand.u32 $0x7, v3;
	v4 =	vand.u32 $0xFFFFFF80, v52  }
0xd8: {  	v3 =	vor.u32 v3, v4  }
0xd9: {  	v4 =	vperm.xlane v3, v0;
	_ =	sdelay $0x1  }
0xda: {  	v4 =	vadd.s32 v1, v4;
	_ =	sdelay $0x4  }
0xdb: {  	[tilespmem:s2], [sflag:$0x1] =	stream.indirect_vreg.gather [hbm4b:s3+s2], $0x80, v4, vm0, $0xb8;
	[tilespmem:$0x10800] =	vst v63  }
0xdc: {  	s26 =	simm.s32 $0x800  }
0xdd: {  	[tilespmem:s26], [sflag:$0x1] =	stream.indirect_vreg.gather [hbm4b:s4+s2], $0x80, v4, vm0, $0xb8;
	[tilespmem:$0x10800] =	vst v63  }
0xde: {  	s26 =	simm.s32 $0x1000  }
0xdf: {  	[tilespmem:s26], [sflag:$0x1] =	stream.indirect_vreg.gather [hbm4b:s5+s2], $0x80, v4, vm0, $0xb8;
	[tilespmem:$0x10800] =	vst v63  }
0xe0: {  	s26 =	simm.s32 $0x1800  }
0xe1: {  	[tilespmem:s26], [sflag:$0x1] =	stream.indirect_vreg.gather [hbm4b:s6+s2], $0x80, v4, vm0, $0xb8;
	[tilespmem:$0x10800] =	vst v63  }
0xe2: {  	s26 =	simm.s32 $0x2000  }
0xe3: {  	[tilespmem:s26], [sflag:$0x1] =	stream.indirect_vreg.gather [hbm4b:s7+s2], $0x80, v4, vm0, $0xb8;
	[tilespmem:$0x10800] =	vst v63  }
0xe4: {  	v3 =	vperm.xlane v3, v2;
	s26 =	simm.s32 $0x2800  }
0xe5: {  	[tilespmem:s26], [sflag:$0x1] =	stream.indirect_vreg.gather [hbm4b:s8+s2], $0x80, v4, vm0, $0xb8;
	[tilespmem:$0x10800] =	vst v63  }
0xe6: {  	v3 =	vadd.s32 v1, v3  }
0xe7: {  	[tilespmem:s0], [sflag:$0x1] =	stream.indirect_vreg.gather [hbm4b:s9+s2], $0x80, v4, vm0, $0xb8;
	[tilespmem:$0x10800] =	vst v63  }
0xe8: {  	_ = 	snop  }
0xe9: {  	[tilespmem:s1], [sflag:$0x1] =	stream.indirect_vreg.gather [hbm4b:s10+s2], $0x80, v4, vm0, $0xb8;
	[tilespmem:$0x10800] =	vst v63  }
0xea: {  	_ = 	snop  }
0xeb: {  	[tilespmem:s11], [sflag:$0x1] =	stream.indirect_vreg.gather [hbm4b:s3+s2], $0x80, v3, vm0, $0xb8;
	[tilespmem:$0x10800] =	vst v63  }
0xec: {  	_ = 	snop  }
0xed: {  	[tilespmem:s13], [sflag:$0x1] =	stream.indirect_vreg.gather [hbm4b:s4+s2], $0x80, v3, vm0, $0xb8;
	[tilespmem:$0x10800] =	vst v63  }
0xee: {  	_ = 	snop  }
0xef: {  	[tilespmem:s14], [sflag:$0x1] =	stream.indirect_vreg.gather [hbm4b:s5+s2], $0x80, v3, vm0, $0xb8;
	[tilespmem:$0x10800] =	vst v63  }
0xf0: {  	_ = 	snop  }
0xf1: {  	[tilespmem:s15], [sflag:$0x1] =	stream.indirect_vreg.gather [hbm4b:s6+s2], $0x80, v3, vm0, $0xb8;
	[tilespmem:$0x10800] =	vst v63  }
0xf2: {  	_ = 	snop  }
0xf3: {  	[tilespmem:s16], [sflag:$0x1] =	stream.indirect_vreg.gather [hbm4b:s7+s2], $0x80, v3, vm0, $0xb8;
	[tilespmem:$0x10800] =	vst v63  }
0xf4: {  	_ = 	snop  }
0xf5: {  	[tilespmem:s17], [sflag:$0x1] =	stream.indirect_vreg.gather [hbm4b:s8+s2], $0x80, v3, vm0, $0xb8;
	[tilespmem:$0x10800] =	vst v63  }
0xf6: {  	_ = 	snop  }
0xf7: {  	[tilespmem:s18], [sflag:$0x1] =	stream.indirect_vreg.gather [hbm4b:s9+s2], $0x80, v3, vm0, $0xb8;
	[tilespmem:$0x10800] =	vst v63  }
0xf8: {  	_ = 	snop  }
0xf9: {  	[tilespmem:s19], [sflag:$0x1] =	stream.indirect_vreg.gather [hbm4b:s10+s2], $0x80, v3, vm0, $0xb8;
	[tilespmem:$0x10800] =	vst v63  }
0xfa: {  	v3 =	vld [tilespmem:$0x10500];
	_ =	sdelay $0x4  }
0xfb: {  	v53 =	vshll.u32 v3, $0x4  }
0xfc: {  	v3 =	vand.u32 $0x7, v3;
	v4 =	vand.u32 $0xFFFFFF80, v53  }
0xfd: {  	v3 =	vor.u32 v3, v4  }
0xfe: {  	v4 =	vperm.xlane v3, v0;
	_ =	sdelay $0x1  }
0xff: {  	v4 =	vadd.s32 v1, v4;
	_ =	sdelay $0x4  }
0x100: {  	[tilespmem:s29], [sflag:$0x2] =	stream.indirect_vreg.gather [hbm4b:s3+s2], $0x80, v4, vm0, $0xb8;
	[tilespmem:$0x10800] =	vst v63  }
0x101: {  	s26 =	simm.s32 $0x8800  }
0x102: {  	[tilespmem:s26], [sflag:$0x2] =	stream.indirect_vreg.gather [hbm4b:s4+s2], $0x80, v4, vm0, $0xb8;
	[tilespmem:$0x10800] =	vst v63  }
0x103: {  	s23 =	simm.s32 $0x9000  }
0x104: {  	[tilespmem:s23], [sflag:$0x2] =	stream.indirect_vreg.gather [hbm4b:s5+s2], $0x80, v4, vm0, $0xb8;
	[tilespmem:$0x10800] =	vst v63  }
0x105: {  	s28 =	simm.s32 $0x9800  }
0x106: {  	[tilespmem:s28], [sflag:$0x2] =	stream.indirect_vreg.gather [hbm4b:s6+s2], $0x80, v4, vm0, $0xb8;
	[tilespmem:$0x10800] =	vst v63  }
0x107: {  	s26 =	simm.s32 $0xA000  }
0x108: {  	[tilespmem:s26], [sflag:$0x2] =	stream.indirect_vreg.gather [hbm4b:s7+s2], $0x80, v4, vm0, $0xb8;
	[tilespmem:$0x10800] =	vst v63  }
0x109: {  	v3 =	vperm.xlane v3, v2;
	s26 =	simm.s32 $0xA800  }
0x10a: {  	[tilespmem:s26], [sflag:$0x2] =	stream.indirect_vreg.gather [hbm4b:s8+s2], $0x80, v4, vm0, $0xb8;
	[tilespmem:$0x10800] =	vst v63  }
0x10b: {  	s31 =	simm.s32 $0xB000;
	v3 =	vadd.s32 v1, v3  }
0x10c: {  	[tilespmem:s31], [sflag:$0x2] =	stream.indirect_vreg.gather [hbm4b:s9+s2], $0x80, v4, vm0, $0xb8;
	[tilespmem:$0x10800] =	vst v63  }
0x10d: {  	s20 =	simm.s32 $0xB800  }
0x10e: {  	[tilespmem:s20], [sflag:$0x2] =	stream.indirect_vreg.gather [hbm4b:s10+s2], $0x80, v4, vm0, $0xb8;
	[tilespmem:$0x10800] =	vst v63  }
0x10f: {  	s22 =	simm.s32 $0xC000  }
0x110: {  	[tilespmem:s22], [sflag:$0x2] =	stream.indirect_vreg.gather [hbm4b:s3+s2], $0x80, v3, vm0, $0xb8;
	[tilespmem:$0x10800] =	vst v63  }
0x111: {  	s31 =	simm.s32 $0xC800  }
0x112: {  	[tilespmem:s31], [sflag:$0x2] =	stream.indirect_vreg.gather [hbm4b:s4+s2], $0x80, v3, vm0, $0xb8;
	[tilespmem:$0x10800] =	vst v63  }
0x113: {  	s26 =	simm.s32 $0xD000  }
0x114: {  	[tilespmem:s26], [sflag:$0x2] =	stream.indirect_vreg.gather [hbm4b:s5+s2], $0x80, v3, vm0, $0xb8;
	[tilespmem:$0x10800] =	vst v63  }
0x115: {  	s26 =	simm.s32 $0xD800  }
0x116: {  	[tilespmem:s26], [sflag:$0x2] =	stream.indirect_vreg.gather [hbm4b:s6+s2], $0x80, v3, vm0, $0xb8;
	[tilespmem:$0x10800] =	vst v63  }
0x117: {  	s26 =	simm.s32 $0xE000  }
0x118: {  	[tilespmem:s26], [sflag:$0x2] =	stream.indirect_vreg.gather [hbm4b:s7+s2], $0x80, v3, vm0, $0xb8;
	[tilespmem:$0x10800] =	vst v63  }
0x119: {  	s26 =	simm.s32 $0xE800  }
0x11a: {  	[tilespmem:s26], [sflag:$0x2] =	stream.indirect_vreg.gather [hbm4b:s8+s2], $0x80, v3, vm0, $0xb8;
	[tilespmem:$0x10800] =	vst v63  }
0x11b: {  	s26 =	simm.s32 $0xF000  }
0x11c: {  	[tilespmem:s26], [sflag:$0x2] =	stream.indirect_vreg.gather [hbm4b:s9+s2], $0x80, v3, vm0, $0xb8;
	[tilespmem:$0x10800] =	vst v63  }
0x11d: {  	s21 =	simm.s32 $0xF800  }
0x11e: {  	[tilespmem:s21], [sflag:$0x2] =	stream.indirect_vreg.gather [hbm4b:s10+s2], $0x80, v3, vm0, $0xb8;
	[tilespmem:$0x10800] =	vst v63  }
0x11f: {  	_ =	swait.ge [sflag:s24], $0x8000  }
0x120: {  	[sflag:s24] =	ssyncset.done $0x0  }
0x121: {  	s26 =	rddreg [dreg:$0x8];
	[sflag:s24] =	ssyncadd.s32 $0xFFFF8000  }
0x122: {  	[hbm4b:s26+s2] =	stream.linear.scatter [tilespmem:s2], [sflag:$0x3], $0x8000, $0x38;
	[tilespmem:$0x10800] =	vst v63  }
0x123: {  	_ =	swait.ge [sflag:s12], $0x8000  }
0x124: {  	[sflag:s12] =	ssyncset.done $0x0  }
0x125: {  	[sflag:s12] =	ssyncadd.s32 $0xFFFF8000  }
0x126: {  	_ =	swait.ge [sflag:s25], $0x8000  }
0x127: {  	[sflag:s25] =	ssyncset.done $0x0  }
0x128: {  	s26 =	rddreg [dreg:$0x9];
	[sflag:s25] =	ssyncadd.s32 $0xFFFF8000  }
0x129: {  	[hbm4b:s26+s2] =	stream.linear.scatter [tilespmem:s29], [sflag:$0x3], $0x8000, $0x38;
	[tilespmem:$0x10800] =	vst v63  }
0x12a: {  	_ =	swait.ge [sflag:s12], $0x8000  }
0x12b: {  	[sflag:s12] =	ssyncset.done $0x0  }
0x12c: {  	[sflag:s12] =	ssyncadd.s32 $0xFFFF8000  }
0x12d: {  	v3 =	vld [tilespmem:$0x10180];
	_ =	sdelay $0x4  }
0x12e: {  	v54 =	vshll.u32 v3, $0x4  }
0x12f: {  	v3 =	vand.u32 $0x7, v3;
	v4 =	vand.u32 $0xFFFFFF80, v54  }
0x130: {  	v3 =	vor.u32 v3, v4  }
0x131: {  	v4 =	vperm.xlane v3, v0;
	_ =	sdelay $0x1  }
0x132: {  	v4 =	vadd.s32 v1, v4;
	_ =	sdelay $0x4  }
0x133: {  	[tilespmem:s2], [sflag:$0x1] =	stream.indirect_vreg.gather [hbm4b:s3+s2], $0x80, v4, vm0, $0xb8;
	[tilespmem:$0x10800] =	vst v63  }
0x134: {  	s26 =	simm.s32 $0x800  }
0x135: {  	[tilespmem:s26], [sflag:$0x1] =	stream.indirect_vreg.gather [hbm4b:s4+s2], $0x80, v4, vm0, $0xb8;
	[tilespmem:$0x10800] =	vst v63  }
0x136: {  	s26 =	simm.s32 $0x1000  }
0x137: {  	[tilespmem:s26], [sflag:$0x1] =	stream.indirect_vreg.gather [hbm4b:s5+s2], $0x80, v4, vm0, $0xb8;
	[tilespmem:$0x10800] =	vst v63  }
0x138: {  	s26 =	simm.s32 $0x1800  }
0x139: {  	[tilespmem:s26], [sflag:$0x1] =	stream.indirect_vreg.gather [hbm4b:s6+s2], $0x80, v4, vm0, $0xb8;
	[tilespmem:$0x10800] =	vst v63  }
0x13a: {  	s26 =	simm.s32 $0x2000  }
0x13b: {  	[tilespmem:s26], [sflag:$0x1] =	stream.indirect_vreg.gather [hbm4b:s7+s2], $0x80, v4, vm0, $0xb8;
	[tilespmem:$0x10800] =	vst v63  }
0x13c: {  	v3 =	vperm.xlane v3, v2;
	s26 =	simm.s32 $0x2800  }
0x13d: {  	[tilespmem:s26], [sflag:$0x1] =	stream.indirect_vreg.gather [hbm4b:s8+s2], $0x80, v4, vm0, $0xb8;
	[tilespmem:$0x10800] =	vst v63  }
0x13e: {  	s0 =	simm.s32 $0x3000;
	v3 =	vadd.s32 v1, v3  }
0x13f: {  	[tilespmem:s0], [sflag:$0x1] =	stream.indirect_vreg.gather [hbm4b:s9+s2], $0x80, v4, vm0, $0xb8;
	[tilespmem:$0x10800] =	vst v63  }
0x140: {  	s1 =	simm.s32 $0x3800  }
0x141: {  	[tilespmem:s1], [sflag:$0x1] =	stream.indirect_vreg.gather [hbm4b:s10+s2], $0x80, v4, vm0, $0xb8;
	[tilespmem:$0x10800] =	vst v63  }
0x142: {  	s11 =	simm.s32 $0x4000  }
0x143: {  	[tilespmem:s11], [sflag:$0x1] =	stream.indirect_vreg.gather [hbm4b:s3+s2], $0x80, v3, vm0, $0xb8;
	[tilespmem:$0x10800] =	vst v63  }
0x144: {  	s13 =	simm.s32 $0x4800  }
0x145: {  	[tilespmem:s13], [sflag:$0x1] =	stream.indirect_vreg.gather [hbm4b:s4+s2], $0x80, v3, vm0, $0xb8;
	[tilespmem:$0x10800] =	vst v63  }
0x146: {  	s14 =	simm.s32 $0x5000  }
0x147: {  	[tilespmem:s14], [sflag:$0x1] =	stream.indirect_vreg.gather [hbm4b:s5+s2], $0x80, v3, vm0, $0xb8;
	[tilespmem:$0x10800] =	vst v63  }
0x148: {  	s15 =	simm.s32 $0x5800  }
0x149: {  	[tilespmem:s15], [sflag:$0x1] =	stream.indirect_vreg.gather [hbm4b:s6+s2], $0x80, v3, vm0, $0xb8;
	[tilespmem:$0x10800] =	vst v63  }
0x14a: {  	s16 =	simm.s32 $0x6000  }
0x14b: {  	[tilespmem:s16], [sflag:$0x1] =	stream.indirect_vreg.gather [hbm4b:s7+s2], $0x80, v3, vm0, $0xb8;
	[tilespmem:$0x10800] =	vst v63  }
0x14c: {  	s17 =	simm.s32 $0x6800  }
0x14d: {  	[tilespmem:s17], [sflag:$0x1] =	stream.indirect_vreg.gather [hbm4b:s8+s2], $0x80, v3, vm0, $0xb8;
	[tilespmem:$0x10800] =	vst v63  }
0x14e: {  	s18 =	simm.s32 $0x7000  }
0x14f: {  	[tilespmem:s18], [sflag:$0x1] =	stream.indirect_vreg.gather [hbm4b:s9+s2], $0x80, v3, vm0, $0xb8;
	[tilespmem:$0x10800] =	vst v63  }
0x150: {  	s19 =	simm.s32 $0x7800  }
0x151: {  	[tilespmem:s19], [sflag:$0x1] =	stream.indirect_vreg.gather [hbm4b:s10+s2], $0x80, v3, vm0, $0xb8;
	[tilespmem:$0x10800] =	vst v63  }
0x152: {  	v3 =	vld [tilespmem:$0x10580];
	_ =	sdelay $0x4  }
0x153: {  	v55 =	vshll.u32 v3, $0x4  }
0x154: {  	v3 =	vand.u32 $0x7, v3;
	v4 =	vand.u32 $0xFFFFFF80, v55  }
0x155: {  	v3 =	vor.u32 v3, v4  }
0x156: {  	v4 =	vperm.xlane v3, v0;
	_ =	sdelay $0x1  }
0x157: {  	v4 =	vadd.s32 v1, v4;
	_ =	sdelay $0x4  }
0x158: {  	[tilespmem:s29], [sflag:$0x2] =	stream.indirect_vreg.gather [hbm4b:s3+s2], $0x80, v4, vm0, $0xb8;
	[tilespmem:$0x10800] =	vst v63  }
0x159: {  	s26 =	simm.s32 $0x8800  }
0x15a: {  	[tilespmem:s26], [sflag:$0x2] =	stream.indirect_vreg.gather [hbm4b:s4+s2], $0x80, v4, vm0, $0xb8;
	[tilespmem:$0x10800] =	vst v63  }
0x15b: {  	s23 =	simm.s32 $0x9000  }
0x15c: {  	[tilespmem:s23], [sflag:$0x2] =	stream.indirect_vreg.gather [hbm4b:s5+s2], $0x80, v4, vm0, $0xb8;
	[tilespmem:$0x10800] =	vst v63  }
0x15d: {  	s28 =	simm.s32 $0x9800  }
0x15e: {  	[tilespmem:s28], [sflag:$0x2] =	stream.indirect_vreg.gather [hbm4b:s6+s2], $0x80, v4, vm0, $0xb8;
	[tilespmem:$0x10800] =	vst v63  }
0x15f: {  	s26 =	simm.s32 $0xA000  }
0x160: {  	[tilespmem:s26], [sflag:$0x2] =	stream.indirect_vreg.gather [hbm4b:s7+s2], $0x80, v4, vm0, $0xb8;
	[tilespmem:$0x10800] =	vst v63  }
0x161: {  	v3 =	vperm.xlane v3, v2;
	s26 =	simm.s32 $0xA800  }
0x162: {  	[tilespmem:s26], [sflag:$0x2] =	stream.indirect_vreg.gather [hbm4b:s8+s2], $0x80, v4, vm0, $0xb8;
	[tilespmem:$0x10800] =	vst v63  }
0x163: {  	v3 =	vadd.s32 v1, v3;
	s26 =	simm.s32 $0xB000  }
0x164: {  	[tilespmem:s26], [sflag:$0x2] =	stream.indirect_vreg.gather [hbm4b:s9+s2], $0x80, v4, vm0, $0xb8;
	[tilespmem:$0x10800] =	vst v63  }
0x165: {  	s20 =	simm.s32 $0xB800  }
0x166: {  	[tilespmem:s20], [sflag:$0x2] =	stream.indirect_vreg.gather [hbm4b:s10+s2], $0x80, v4, vm0, $0xb8;
	[tilespmem:$0x10800] =	vst v63  }
0x167: {  	s22 =	simm.s32 $0xC000  }
0x168: {  	[tilespmem:s22], [sflag:$0x2] =	stream.indirect_vreg.gather [hbm4b:s3+s2], $0x80, v3, vm0, $0xb8;
	[tilespmem:$0x10800] =	vst v63  }
0x169: {  	s31 =	simm.s32 $0xC800  }
0x16a: {  	[tilespmem:s31], [sflag:$0x2] =	stream.indirect_vreg.gather [hbm4b:s4+s2], $0x80, v3, vm0, $0xb8;
	[tilespmem:$0x10800] =	vst v63  }
0x16b: {  	s26 =	simm.s32 $0xD000  }
0x16c: {  	[tilespmem:s26], [sflag:$0x2] =	stream.indirect_vreg.gather [hbm4b:s5+s2], $0x80, v3, vm0, $0xb8;
	[tilespmem:$0x10800] =	vst v63  }
0x16d: {  	s26 =	simm.s32 $0xD800  }
0x16e: {  	[tilespmem:s26], [sflag:$0x2] =	stream.indirect_vreg.gather [hbm4b:s6+s2], $0x80, v3, vm0, $0xb8;
	[tilespmem:$0x10800] =	vst v63  }
0x16f: {  	s26 =	simm.s32 $0xE000  }
0x170: {  	[tilespmem:s26], [sflag:$0x2] =	stream.indirect_vreg.gather [hbm4b:s7+s2], $0x80, v3, vm0, $0xb8;
	[tilespmem:$0x10800] =	vst v63  }
0x171: {  	s26 =	simm.s32 $0xE800  }
0x172: {  	[tilespmem:s26], [sflag:$0x2] =	stream.indirect_vreg.gather [hbm4b:s8+s2], $0x80, v3, vm0, $0xb8;
	[tilespmem:$0x10800] =	vst v63  }
0x173: {  	s26 =	simm.s32 $0xF000  }
0x174: {  	[tilespmem:s26], [sflag:$0x2] =	stream.indirect_vreg.gather [hbm4b:s9+s2], $0x80, v3, vm0, $0xb8;
	[tilespmem:$0x10800] =	vst v63  }
0x175: {  	s21 =	simm.s32 $0xF800  }
0x176: {  	[tilespmem:s21], [sflag:$0x2] =	stream.indirect_vreg.gather [hbm4b:s10+s2], $0x80, v3, vm0, $0xb8;
	[tilespmem:$0x10800] =	vst v63  }
0x177: {  	_ =	swait.ge [sflag:s24], $0x8000  }
0x178: {  	[sflag:s24] =	ssyncset.done $0x0  }
0x179: {  	s26 =	rddreg [dreg:$0xa];
	[sflag:s24] =	ssyncadd.s32 $0xFFFF8000  }
0x17a: {  	[hbm4b:s26+s2] =	stream.linear.scatter [tilespmem:s2], [sflag:$0x3], $0x8000, $0x38;
	[tilespmem:$0x10800] =	vst v63  }
0x17b: {  	_ =	swait.ge [sflag:s12], $0x8000  }
0x17c: {  	[sflag:s12] =	ssyncset.done $0x0  }
0x17d: {  	[sflag:s12] =	ssyncadd.s32 $0xFFFF8000  }
0x17e: {  	_ =	swait.ge [sflag:s25], $0x8000  }
0x17f: {  	[sflag:s25] =	ssyncset.done $0x0  }
0x180: {  	s26 =	rddreg [dreg:$0xb];
	[sflag:s25] =	ssyncadd.s32 $0xFFFF8000  }
0x181: {  	[hbm4b:s26+s2] =	stream.linear.scatter [tilespmem:s29], [sflag:$0x3], $0x8000, $0x38;
	[tilespmem:$0x10800] =	vst v63  }
0x182: {  	_ =	swait.ge [sflag:s12], $0x8000  }
0x183: {  	[sflag:s12] =	ssyncset.done $0x0  }
0x184: {  	[sflag:s12] =	ssyncadd.s32 $0xFFFF8000  }
0x185: {  	v3 =	vld [tilespmem:$0x10200];
	_ =	sdelay $0x4  }
0x186: {  	v56 =	vshll.u32 v3, $0x4  }
0x187: {  	v3 =	vand.u32 $0x7, v3;
	v4 =	vand.u32 $0xFFFFFF80, v56  }
0x188: {  	v3 =	vor.u32 v3, v4  }
0x189: {  	v4 =	vperm.xlane v3, v0;
	_ =	sdelay $0x1  }
0x18a: {  	v4 =	vadd.s32 v1, v4;
	_ =	sdelay $0x4  }
0x18b: {  	[tilespmem:s2], [sflag:$0x1] =	stream.indirect_vreg.gather [hbm4b:s3+s2], $0x80, v4, vm0, $0xb8;
	[tilespmem:$0x10800] =	vst v63  }
0x18c: {  	s26 =	simm.s32 $0x800  }
0x18d: {  	[tilespmem:s26], [sflag:$0x1] =	stream.indirect_vreg.gather [hbm4b:s4+s2], $0x80, v4, vm0, $0xb8;
	[tilespmem:$0x10800] =	vst v63  }
0x18e: {  	s26 =	simm.s32 $0x1000  }
0x18f: {  	[tilespmem:s26], [sflag:$0x1] =	stream.indirect_vreg.gather [hbm4b:s5+s2], $0x80, v4, vm0, $0xb8;
	[tilespmem:$0x10800] =	vst v63  }
0x190: {  	s26 =	simm.s32 $0x1800  }
0x191: {  	[tilespmem:s26], [sflag:$0x1] =	stream.indirect_vreg.gather [hbm4b:s6+s2], $0x80, v4, vm0, $0xb8;
	[tilespmem:$0x10800] =	vst v63  }
0x192: {  	s26 =	simm.s32 $0x2000  }
0x193: {  	[tilespmem:s26], [sflag:$0x1] =	stream.indirect_vreg.gather [hbm4b:s7+s2], $0x80, v4, vm0, $0xb8;
	[tilespmem:$0x10800] =	vst v63  }
0x194: {  	v3 =	vperm.xlane v3, v2;
	s26 =	simm.s32 $0x2800  }
0x195: {  	[tilespmem:s26], [sflag:$0x1] =	stream.indirect_vreg.gather [hbm4b:s8+s2], $0x80, v4, vm0, $0xb8;
	[tilespmem:$0x10800] =	vst v63  }
0x196: {  	s0 =	simm.s32 $0x3000;
	v3 =	vadd.s32 v1, v3  }
0x197: {  	[tilespmem:s0], [sflag:$0x1] =	stream.indirect_vreg.gather [hbm4b:s9+s2], $0x80, v4, vm0, $0xb8;
	[tilespmem:$0x10800] =	vst v63  }
0x198: {  	s1 =	simm.s32 $0x3800  }
0x199: {  	[tilespmem:s1], [sflag:$0x1] =	stream.indirect_vreg.gather [hbm4b:s10+s2], $0x80, v4, vm0, $0xb8;
	[tilespmem:$0x10800] =	vst v63  }
0x19a: {  	s11 =	simm.s32 $0x4000  }
0x19b: {  	[tilespmem:s11], [sflag:$0x1] =	stream.indirect_vreg.gather [hbm4b:s3+s2], $0x80, v3, vm0, $0xb8;
	[tilespmem:$0x10800] =	vst v63  }
0x19c: {  	s13 =	simm.s32 $0x4800  }
0x19d: {  	[tilespmem:s13], [sflag:$0x1] =	stream.indirect_vreg.gather [hbm4b:s4+s2], $0x80, v3, vm0, $0xb8;
	[tilespmem:$0x10800] =	vst v63  }
0x19e: {  	s14 =	simm.s32 $0x5000  }
0x19f: {  	[tilespmem:s14], [sflag:$0x1] =	stream.indirect_vreg.gather [hbm4b:s5+s2], $0x80, v3, vm0, $0xb8;
	[tilespmem:$0x10800] =	vst v63  }
0x1a0: {  	s15 =	simm.s32 $0x5800  }
0x1a1: {  	[tilespmem:s15], [sflag:$0x1] =	stream.indirect_vreg.gather [hbm4b:s6+s2], $0x80, v3, vm0, $0xb8;
	[tilespmem:$0x10800] =	vst v63  }
0x1a2: {  	s16 =	simm.s32 $0x6000  }
0x1a3: {  	[tilespmem:s16], [sflag:$0x1] =	stream.indirect_vreg.gather [hbm4b:s7+s2], $0x80, v3, vm0, $0xb8;
	[tilespmem:$0x10800] =	vst v63  }
0x1a4: {  	s17 =	simm.s32 $0x6800  }
0x1a5: {  	[tilespmem:s17], [sflag:$0x1] =	stream.indirect_vreg.gather [hbm4b:s8+s2], $0x80, v3, vm0, $0xb8;
	[tilespmem:$0x10800] =	vst v63  }
0x1a6: {  	s18 =	simm.s32 $0x7000  }
0x1a7: {  	[tilespmem:s18], [sflag:$0x1] =	stream.indirect_vreg.gather [hbm4b:s9+s2], $0x80, v3, vm0, $0xb8;
	[tilespmem:$0x10800] =	vst v63  }
0x1a8: {  	s19 =	simm.s32 $0x7800  }
0x1a9: {  	[tilespmem:s19], [sflag:$0x1] =	stream.indirect_vreg.gather [hbm4b:s10+s2], $0x80, v3, vm0, $0xb8;
	[tilespmem:$0x10800] =	vst v63  }
0x1aa: {  	v3 =	vld [tilespmem:$0x10600];
	_ =	sdelay $0x4  }
0x1ab: {  	v57 =	vshll.u32 v3, $0x4  }
0x1ac: {  	v3 =	vand.u32 $0x7, v3;
	v4 =	vand.u32 $0xFFFFFF80, v57  }
0x1ad: {  	v3 =	vor.u32 v3, v4  }
0x1ae: {  	v4 =	vperm.xlane v3, v0;
	_ =	sdelay $0x1  }
0x1af: {  	v4 =	vadd.s32 v1, v4;
	_ =	sdelay $0x4  }
0x1b0: {  	[tilespmem:s29], [sflag:$0x2] =	stream.indirect_vreg.gather [hbm4b:s3+s2], $0x80, v4, vm0, $0xb8;
	[tilespmem:$0x10800] =	vst v63  }
0x1b1: {  	s26 =	simm.s32 $0x8800  }
0x1b2: {  	[tilespmem:s26], [sflag:$0x2] =	stream.indirect_vreg.gather [hbm4b:s4+s2], $0x80, v4, vm0, $0xb8;
	[tilespmem:$0x10800] =	vst v63  }
0x1b3: {  	s23 =	simm.s32 $0x9000  }
0x1b4: {  	[tilespmem:s23], [sflag:$0x2] =	stream.indirect_vreg.gather [hbm4b:s5+s2], $0x80, v4, vm0, $0xb8;
	[tilespmem:$0x10800] =	vst v63  }
0x1b5: {  	s28 =	simm.s32 $0x9800  }
0x1b6: {  	[tilespmem:s28], [sflag:$0x2] =	stream.indirect_vreg.gather [hbm4b:s6+s2], $0x80, v4, vm0, $0xb8;
	[tilespmem:$0x10800] =	vst v63  }
0x1b7: {  	s26 =	simm.s32 $0xA000  }
0x1b8: {  	[tilespmem:s26], [sflag:$0x2] =	stream.indirect_vreg.gather [hbm4b:s7+s2], $0x80, v4, vm0, $0xb8;
	[tilespmem:$0x10800] =	vst v63  }
0x1b9: {  	v3 =	vperm.xlane v3, v2;
	s26 =	simm.s32 $0xA800  }
0x1ba: {  	[tilespmem:s26], [sflag:$0x2] =	stream.indirect_vreg.gather [hbm4b:s8+s2], $0x80, v4, vm0, $0xb8;
	[tilespmem:$0x10800] =	vst v63  }
0x1bb: {  	v3 =	vadd.s32 v1, v3;
	s26 =	simm.s32 $0xB000  }
0x1bc: {  	[tilespmem:s26], [sflag:$0x2] =	stream.indirect_vreg.gather [hbm4b:s9+s2], $0x80, v4, vm0, $0xb8;
	[tilespmem:$0x10800] =	vst v63  }
0x1bd: {  	s20 =	simm.s32 $0xB800  }
0x1be: {  	[tilespmem:s20], [sflag:$0x2] =	stream.indirect_vreg.gather [hbm4b:s10+s2], $0x80, v4, vm0, $0xb8;
	[tilespmem:$0x10800] =	vst v63  }
0x1bf: {  	s22 =	simm.s32 $0xC000  }
0x1c0: {  	[tilespmem:s22], [sflag:$0x2] =	stream.indirect_vreg.gather [hbm4b:s3+s2], $0x80, v3, vm0, $0xb8;
	[tilespmem:$0x10800] =	vst v63  }
0x1c1: {  	s31 =	simm.s32 $0xC800  }
0x1c2: {  	[tilespmem:s31], [sflag:$0x2] =	stream.indirect_vreg.gather [hbm4b:s4+s2], $0x80, v3, vm0, $0xb8;
	[tilespmem:$0x10800] =	vst v63  }
0x1c3: {  	s26 =	simm.s32 $0xD000  }
0x1c4: {  	[tilespmem:s26], [sflag:$0x2] =	stream.indirect_vreg.gather [hbm4b:s5+s2], $0x80, v3, vm0, $0xb8;
	[tilespmem:$0x10800] =	vst v63  }
0x1c5: {  	s26 =	simm.s32 $0xD800  }
0x1c6: {  	[tilespmem:s26], [sflag:$0x2] =	stream.indirect_vreg.gather [hbm4b:s6+s2], $0x80, v3, vm0, $0xb8;
	[tilespmem:$0x10800] =	vst v63  }
0x1c7: {  	s26 =	simm.s32 $0xE000  }
0x1c8: {  	[tilespmem:s26], [sflag:$0x2] =	stream.indirect_vreg.gather [hbm4b:s7+s2], $0x80, v3, vm0, $0xb8;
	[tilespmem:$0x10800] =	vst v63  }
0x1c9: {  	s26 =	simm.s32 $0xE800  }
0x1ca: {  	[tilespmem:s26], [sflag:$0x2] =	stream.indirect_vreg.gather [hbm4b:s8+s2], $0x80, v3, vm0, $0xb8;
	[tilespmem:$0x10800] =	vst v63  }
0x1cb: {  	s26 =	simm.s32 $0xF000  }
0x1cc: {  	[tilespmem:s26], [sflag:$0x2] =	stream.indirect_vreg.gather [hbm4b:s9+s2], $0x80, v3, vm0, $0xb8;
	[tilespmem:$0x10800] =	vst v63  }
0x1cd: {  	s21 =	simm.s32 $0xF800  }
0x1ce: {  	[tilespmem:s21], [sflag:$0x2] =	stream.indirect_vreg.gather [hbm4b:s10+s2], $0x80, v3, vm0, $0xb8;
	[tilespmem:$0x10800] =	vst v63  }
0x1cf: {  	_ =	swait.ge [sflag:s24], $0x8000  }
0x1d0: {  	[sflag:s24] =	ssyncset.done $0x0  }
0x1d1: {  	s26 =	rddreg [dreg:$0xc];
	[sflag:s24] =	ssyncadd.s32 $0xFFFF8000  }
0x1d2: {  	[hbm4b:s26+s2] =	stream.linear.scatter [tilespmem:s2], [sflag:$0x3], $0x8000, $0x38;
	[tilespmem:$0x10800] =	vst v63  }
0x1d3: {  	_ =	swait.ge [sflag:s12], $0x8000  }
0x1d4: {  	[sflag:s12] =	ssyncset.done $0x0  }
0x1d5: {  	[sflag:s12] =	ssyncadd.s32 $0xFFFF8000  }
0x1d6: {  	_ =	swait.ge [sflag:s25], $0x8000  }
0x1d7: {  	[sflag:s25] =	ssyncset.done $0x0  }
0x1d8: {  	s26 =	rddreg [dreg:$0xd];
	[sflag:s25] =	ssyncadd.s32 $0xFFFF8000  }
0x1d9: {  	[hbm4b:s26+s2] =	stream.linear.scatter [tilespmem:s29], [sflag:$0x3], $0x8000, $0x38;
	[tilespmem:$0x10800] =	vst v63  }
0x1da: {  	_ =	swait.ge [sflag:s12], $0x8000  }
0x1db: {  	[sflag:s12] =	ssyncset.done $0x0  }
0x1dc: {  	[sflag:s12] =	ssyncadd.s32 $0xFFFF8000  }
0x1dd: {  	v3 =	vld [tilespmem:$0x10280];
	_ =	sdelay $0x4  }
0x1de: {  	v58 =	vshll.u32 v3, $0x4  }
0x1df: {  	v3 =	vand.u32 $0x7, v3;
	v4 =	vand.u32 $0xFFFFFF80, v58  }
0x1e0: {  	v3 =	vor.u32 v3, v4  }
0x1e1: {  	v4 =	vperm.xlane v3, v0;
	_ =	sdelay $0x1  }
0x1e2: {  	v4 =	vadd.s32 v1, v4;
	_ =	sdelay $0x4  }
0x1e3: {  	[tilespmem:s2], [sflag:$0x1] =	stream.indirect_vreg.gather [hbm4b:s3+s2], $0x80, v4, vm0, $0xb8;
	[tilespmem:$0x10800] =	vst v63  }
0x1e4: {  	s26 =	simm.s32 $0x800  }
0x1e5: {  	[tilespmem:s26], [sflag:$0x1] =	stream.indirect_vreg.gather [hbm4b:s4+s2], $0x80, v4, vm0, $0xb8;
	[tilespmem:$0x10800] =	vst v63  }
0x1e6: {  	s26 =	simm.s32 $0x1000  }
0x1e7: {  	[tilespmem:s26], [sflag:$0x1] =	stream.indirect_vreg.gather [hbm4b:s5+s2], $0x80, v4, vm0, $0xb8;
	[tilespmem:$0x10800] =	vst v63  }
0x1e8: {  	s26 =	simm.s32 $0x1800  }
0x1e9: {  	[tilespmem:s26], [sflag:$0x1] =	stream.indirect_vreg.gather [hbm4b:s6+s2], $0x80, v4, vm0, $0xb8;
	[tilespmem:$0x10800] =	vst v63  }
0x1ea: {  	s26 =	simm.s32 $0x2000  }
0x1eb: {  	[tilespmem:s26], [sflag:$0x1] =	stream.indirect_vreg.gather [hbm4b:s7+s2], $0x80, v4, vm0, $0xb8;
	[tilespmem:$0x10800] =	vst v63  }
0x1ec: {  	v3 =	vperm.xlane v3, v2;
	s26 =	simm.s32 $0x2800  }
0x1ed: {  	[tilespmem:s26], [sflag:$0x1] =	stream.indirect_vreg.gather [hbm4b:s8+s2], $0x80, v4, vm0, $0xb8;
	[tilespmem:$0x10800] =	vst v63  }
0x1ee: {  	s0 =	simm.s32 $0x3000;
	v3 =	vadd.s32 v1, v3  }
0x1ef: {  	[tilespmem:s0], [sflag:$0x1] =	stream.indirect_vreg.gather [hbm4b:s9+s2], $0x80, v4, vm0, $0xb8;
	[tilespmem:$0x10800] =	vst v63  }
0x1f0: {  	s1 =	simm.s32 $0x3800  }
0x1f1: {  	[tilespmem:s1], [sflag:$0x1] =	stream.indirect_vreg.gather [hbm4b:s10+s2], $0x80, v4, vm0, $0xb8;
	[tilespmem:$0x10800] =	vst v63  }
0x1f2: {  	s11 =	simm.s32 $0x4000  }
0x1f3: {  	[tilespmem:s11], [sflag:$0x1] =	stream.indirect_vreg.gather [hbm4b:s3+s2], $0x80, v3, vm0, $0xb8;
	[tilespmem:$0x10800] =	vst v63  }
0x1f4: {  	s13 =	simm.s32 $0x4800  }
0x1f5: {  	[tilespmem:s13], [sflag:$0x1] =	stream.indirect_vreg.gather [hbm4b:s4+s2], $0x80, v3, vm0, $0xb8;
	[tilespmem:$0x10800] =	vst v63  }
0x1f6: {  	s14 =	simm.s32 $0x5000  }
0x1f7: {  	[tilespmem:s14], [sflag:$0x1] =	stream.indirect_vreg.gather [hbm4b:s5+s2], $0x80, v3, vm0, $0xb8;
	[tilespmem:$0x10800] =	vst v63  }
0x1f8: {  	s15 =	simm.s32 $0x5800  }
0x1f9: {  	[tilespmem:s15], [sflag:$0x1] =	stream.indirect_vreg.gather [hbm4b:s6+s2], $0x80, v3, vm0, $0xb8;
	[tilespmem:$0x10800] =	vst v63  }
0x1fa: {  	s16 =	simm.s32 $0x6000  }
0x1fb: {  	[tilespmem:s16], [sflag:$0x1] =	stream.indirect_vreg.gather [hbm4b:s7+s2], $0x80, v3, vm0, $0xb8;
	[tilespmem:$0x10800] =	vst v63  }
0x1fc: {  	s17 =	simm.s32 $0x6800  }
0x1fd: {  	[tilespmem:s17], [sflag:$0x1] =	stream.indirect_vreg.gather [hbm4b:s8+s2], $0x80, v3, vm0, $0xb8;
	[tilespmem:$0x10800] =	vst v63  }
0x1fe: {  	s18 =	simm.s32 $0x7000  }
0x1ff: {  	[tilespmem:s18], [sflag:$0x1] =	stream.indirect_vreg.gather [hbm4b:s9+s2], $0x80, v3, vm0, $0xb8;
	[tilespmem:$0x10800] =	vst v63  }
0x200: {  	s19 =	simm.s32 $0x7800  }
0x201: {  	[tilespmem:s19], [sflag:$0x1] =	stream.indirect_vreg.gather [hbm4b:s10+s2], $0x80, v3, vm0, $0xb8;
	[tilespmem:$0x10800] =	vst v63  }
0x202: {  	v3 =	vld [tilespmem:$0x10680];
	_ =	sdelay $0x4  }
0x203: {  	v59 =	vshll.u32 v3, $0x4  }
0x204: {  	v3 =	vand.u32 $0x7, v3;
	v4 =	vand.u32 $0xFFFFFF80, v59  }
0x205: {  	v3 =	vor.u32 v3, v4  }
0x206: {  	v4 =	vperm.xlane v3, v0;
	_ =	sdelay $0x1  }
0x207: {  	v4 =	vadd.s32 v1, v4;
	_ =	sdelay $0x4  }
0x208: {  	[tilespmem:s29], [sflag:$0x2] =	stream.indirect_vreg.gather [hbm4b:s3+s2], $0x80, v4, vm0, $0xb8;
	[tilespmem:$0x10800] =	vst v63  }
0x209: {  	s26 =	simm.s32 $0x8800  }
0x20a: {  	[tilespmem:s26], [sflag:$0x2] =	stream.indirect_vreg.gather [hbm4b:s4+s2], $0x80, v4, vm0, $0xb8;
	[tilespmem:$0x10800] =	vst v63  }
0x20b: {  	s23 =	simm.s32 $0x9000  }
0x20c: {  	[tilespmem:s23], [sflag:$0x2] =	stream.indirect_vreg.gather [hbm4b:s5+s2], $0x80, v4, vm0, $0xb8;
	[tilespmem:$0x10800] =	vst v63  }
0x20d: {  	s28 =	simm.s32 $0x9800  }
0x20e: {  	[tilespmem:s28], [sflag:$0x2] =	stream.indirect_vreg.gather [hbm4b:s6+s2], $0x80, v4, vm0, $0xb8;
	[tilespmem:$0x10800] =	vst v63  }
0x20f: {  	s26 =	simm.s32 $0xA000  }
0x210: {  	[tilespmem:s26], [sflag:$0x2] =	stream.indirect_vreg.gather [hbm4b:s7+s2], $0x80, v4, vm0, $0xb8;
	[tilespmem:$0x10800] =	vst v63  }
0x211: {  	v3 =	vperm.xlane v3, v2;
	s26 =	simm.s32 $0xA800  }
0x212: {  	[tilespmem:s26], [sflag:$0x2] =	stream.indirect_vreg.gather [hbm4b:s8+s2], $0x80, v4, vm0, $0xb8;
	[tilespmem:$0x10800] =	vst v63  }
0x213: {  	v3 =	vadd.s32 v1, v3;
	s26 =	simm.s32 $0xB000  }
0x214: {  	[tilespmem:s26], [sflag:$0x2] =	stream.indirect_vreg.gather [hbm4b:s9+s2], $0x80, v4, vm0, $0xb8;
	[tilespmem:$0x10800] =	vst v63  }
0x215: {  	s20 =	simm.s32 $0xB800  }
0x216: {  	[tilespmem:s20], [sflag:$0x2] =	stream.indirect_vreg.gather [hbm4b:s10+s2], $0x80, v4, vm0, $0xb8;
	[tilespmem:$0x10800] =	vst v63  }
0x217: {  	s22 =	simm.s32 $0xC000  }
0x218: {  	[tilespmem:s22], [sflag:$0x2] =	stream.indirect_vreg.gather [hbm4b:s3+s2], $0x80, v3, vm0, $0xb8;
	[tilespmem:$0x10800] =	vst v63  }
0x219: {  	s31 =	simm.s32 $0xC800  }
0x21a: {  	[tilespmem:s31], [sflag:$0x2] =	stream.indirect_vreg.gather [hbm4b:s4+s2], $0x80, v3, vm0, $0xb8;
	[tilespmem:$0x10800] =	vst v63  }
0x21b: {  	s26 =	simm.s32 $0xD000  }
0x21c: {  	[tilespmem:s26], [sflag:$0x2] =	stream.indirect_vreg.gather [hbm4b:s5+s2], $0x80, v3, vm0, $0xb8;
	[tilespmem:$0x10800] =	vst v63  }
0x21d: {  	s26 =	simm.s32 $0xD800  }
0x21e: {  	[tilespmem:s26], [sflag:$0x2] =	stream.indirect_vreg.gather [hbm4b:s6+s2], $0x80, v3, vm0, $0xb8;
	[tilespmem:$0x10800] =	vst v63  }
0x21f: {  	s26 =	simm.s32 $0xE000  }
0x220: {  	[tilespmem:s26], [sflag:$0x2] =	stream.indirect_vreg.gather [hbm4b:s7+s2], $0x80, v3, vm0, $0xb8;
	[tilespmem:$0x10800] =	vst v63  }
0x221: {  	s26 =	simm.s32 $0xE800  }
0x222: {  	[tilespmem:s26], [sflag:$0x2] =	stream.indirect_vreg.gather [hbm4b:s8+s2], $0x80, v3, vm0, $0xb8;
	[tilespmem:$0x10800] =	vst v63  }
0x223: {  	s26 =	simm.s32 $0xF000  }
0x224: {  	[tilespmem:s26], [sflag:$0x2] =	stream.indirect_vreg.gather [hbm4b:s9+s2], $0x80, v3, vm0, $0xb8;
	[tilespmem:$0x10800] =	vst v63  }
0x225: {  	s21 =	simm.s32 $0xF800  }
0x226: {  	[tilespmem:s21], [sflag:$0x2] =	stream.indirect_vreg.gather [hbm4b:s10+s2], $0x80, v3, vm0, $0xb8;
	[tilespmem:$0x10800] =	vst v63  }
0x227: {  	_ =	swait.ge [sflag:s24], $0x8000  }
0x228: {  	[sflag:s24] =	ssyncset.done $0x0  }
0x229: {  	s21 =	rddreg [dreg:$0xe];
	[sflag:s24] =	ssyncadd.s32 $0xFFFF8000  }
0x22a: {  	[hbm4b:s21+s2] =	stream.linear.scatter [tilespmem:s2], [sflag:$0x3], $0x8000, $0x38;
	[tilespmem:$0x10800] =	vst v63  }
0x22b: {  	_ =	swait.ge [sflag:s12], $0x8000  }
0x22c: {  	[sflag:s12] =	ssyncset.done $0x0  }
0x22d: {  	[sflag:s12] =	ssyncadd.s32 $0xFFFF8000  }
0x22e: {  	_ =	swait.ge [sflag:s25], $0x8000  }
0x22f: {  	[sflag:s25] =	ssyncset.done $0x0  }
0x230: {  	s21 =	rddreg [dreg:$0xf];
	[sflag:s25] =	ssyncadd.s32 $0xFFFF8000  }
0x231: {  	[hbm4b:s21+s2] =	stream.linear.scatter [tilespmem:s29], [sflag:$0x3], $0x8000, $0x38;
	[tilespmem:$0x10800] =	vst v63  }
0x232: {  	_ =	swait.ge [sflag:s12], $0x8000  }
0x233: {  	[sflag:s12] =	ssyncset.done $0x0  }
0x234: {  	[sflag:s12] =	ssyncadd.s32 $0xFFFF8000  }
0x235: {  	v3 =	vld [tilespmem:$0x10300];
	_ =	sdelay $0x4  }
0x236: {  	v60 =	vshll.u32 v3, $0x4  }
0x237: {  	v3 =	vand.u32 $0x7, v3;
	v4 =	vand.u32 $0xFFFFFF80, v60  }
0x238: {  	v3 =	vor.u32 v3, v4  }
0x239: {  	v4 =	vperm.xlane v3, v0;
	_ =	sdelay $0x1  }
0x23a: {  	v4 =	vadd.s32 v1, v4;
	_ =	sdelay $0x4  }
0x23b: {  	[tilespmem:s2], [sflag:$0x1] =	stream.indirect_vreg.gather [hbm4b:s3+s2], $0x80, v4, vm0, $0xb8;
	[tilespmem:$0x10800] =	vst v63  }
0x23c: {  	s26 =	simm.s32 $0x800  }
0x23d: {  	[tilespmem:s26], [sflag:$0x1] =	stream.indirect_vreg.gather [hbm4b:s4+s2], $0x80, v4, vm0, $0xb8;
	[tilespmem:$0x10800] =	vst v63  }
0x23e: {  	s26 =	simm.s32 $0x1000  }
0x23f: {  	[tilespmem:s26], [sflag:$0x1] =	stream.indirect_vreg.gather [hbm4b:s5+s2], $0x80, v4, vm0, $0xb8;
	[tilespmem:$0x10800] =	vst v63  }
0x240: {  	s26 =	simm.s32 $0x1800  }
0x241: {  	[tilespmem:s26], [sflag:$0x1] =	stream.indirect_vreg.gather [hbm4b:s6+s2], $0x80, v4, vm0, $0xb8;
	[tilespmem:$0x10800] =	vst v63  }
0x242: {  	s26 =	simm.s32 $0x2000  }
0x243: {  	[tilespmem:s26], [sflag:$0x1] =	stream.indirect_vreg.gather [hbm4b:s7+s2], $0x80, v4, vm0, $0xb8;
	[tilespmem:$0x10800] =	vst v63  }
0x244: {  	v3 =	vperm.xlane v3, v2;
	s26 =	simm.s32 $0x2800  }
0x245: {  	[tilespmem:s26], [sflag:$0x1] =	stream.indirect_vreg.gather [hbm4b:s8+s2], $0x80, v4, vm0, $0xb8;
	[tilespmem:$0x10800] =	vst v63  }
0x246: {  	s0 =	simm.s32 $0x3000;
	v3 =	vadd.s32 v1, v3  }
0x247: {  	[tilespmem:s0], [sflag:$0x1] =	stream.indirect_vreg.gather [hbm4b:s9+s2], $0x80, v4, vm0, $0xb8;
	[tilespmem:$0x10800] =	vst v63  }
0x248: {  	s1 =	simm.s32 $0x3800  }
0x249: {  	[tilespmem:s1], [sflag:$0x1] =	stream.indirect_vreg.gather [hbm4b:s10+s2], $0x80, v4, vm0, $0xb8;
	[tilespmem:$0x10800] =	vst v63  }
0x24a: {  	s11 =	simm.s32 $0x4000  }
0x24b: {  	[tilespmem:s11], [sflag:$0x1] =	stream.indirect_vreg.gather [hbm4b:s3+s2], $0x80, v3, vm0, $0xb8;
	[tilespmem:$0x10800] =	vst v63  }
0x24c: {  	s13 =	simm.s32 $0x4800  }
0x24d: {  	[tilespmem:s13], [sflag:$0x1] =	stream.indirect_vreg.gather [hbm4b:s4+s2], $0x80, v3, vm0, $0xb8;
	[tilespmem:$0x10800] =	vst v63  }
0x24e: {  	s14 =	simm.s32 $0x5000  }
0x24f: {  	[tilespmem:s14], [sflag:$0x1] =	stream.indirect_vreg.gather [hbm4b:s5+s2], $0x80, v3, vm0, $0xb8;
	[tilespmem:$0x10800] =	vst v63  }
0x250: {  	s15 =	simm.s32 $0x5800  }
0x251: {  	[tilespmem:s15], [sflag:$0x1] =	stream.indirect_vreg.gather [hbm4b:s6+s2], $0x80, v3, vm0, $0xb8;
	[tilespmem:$0x10800] =	vst v63  }
0x252: {  	s16 =	simm.s32 $0x6000  }
0x253: {  	[tilespmem:s16], [sflag:$0x1] =	stream.indirect_vreg.gather [hbm4b:s7+s2], $0x80, v3, vm0, $0xb8;
	[tilespmem:$0x10800] =	vst v63  }
0x254: {  	s17 =	simm.s32 $0x6800  }
0x255: {  	[tilespmem:s17], [sflag:$0x1] =	stream.indirect_vreg.gather [hbm4b:s8+s2], $0x80, v3, vm0, $0xb8;
	[tilespmem:$0x10800] =	vst v63  }
0x256: {  	s18 =	simm.s32 $0x7000  }
0x257: {  	[tilespmem:s18], [sflag:$0x1] =	stream.indirect_vreg.gather [hbm4b:s9+s2], $0x80, v3, vm0, $0xb8;
	[tilespmem:$0x10800] =	vst v63  }
0x258: {  	s19 =	simm.s32 $0x7800  }
0x259: {  	[tilespmem:s19], [sflag:$0x1] =	stream.indirect_vreg.gather [hbm4b:s10+s2], $0x80, v3, vm0, $0xb8;
	[tilespmem:$0x10800] =	vst v63  }
0x25a: {  	v3 =	vld [tilespmem:$0x10700];
	_ =	sdelay $0x4  }
0x25b: {  	v61 =	vshll.u32 v3, $0x4  }
0x25c: {  	v3 =	vand.u32 $0x7, v3;
	v4 =	vand.u32 $0xFFFFFF80, v61  }
0x25d: {  	v3 =	vor.u32 v3, v4  }
0x25e: {  	v4 =	vperm.xlane v3, v0;
	_ =	sdelay $0x1  }
0x25f: {  	v4 =	vadd.s32 v1, v4;
	_ =	sdelay $0x4  }
0x260: {  	[tilespmem:s29], [sflag:$0x2] =	stream.indirect_vreg.gather [hbm4b:s3+s2], $0x80, v4, vm0, $0xb8;
	[tilespmem:$0x10800] =	vst v63  }
0x261: {  	s26 =	simm.s32 $0x8800  }
0x262: {  	[tilespmem:s26], [sflag:$0x2] =	stream.indirect_vreg.gather [hbm4b:s4+s2], $0x80, v4, vm0, $0xb8;
	[tilespmem:$0x10800] =	vst v63  }
0x263: {  	s23 =	simm.s32 $0x9000  }
0x264: {  	[tilespmem:s23], [sflag:$0x2] =	stream.indirect_vreg.gather [hbm4b:s5+s2], $0x80, v4, vm0, $0xb8;
	[tilespmem:$0x10800] =	vst v63  }
0x265: {  	s28 =	simm.s32 $0x9800  }
0x266: {  	[tilespmem:s28], [sflag:$0x2] =	stream.indirect_vreg.gather [hbm4b:s6+s2], $0x80, v4, vm0, $0xb8;
	[tilespmem:$0x10800] =	vst v63  }
0x267: {  	s28 =	simm.s32 $0xA000  }
0x268: {  	[tilespmem:s28], [sflag:$0x2] =	stream.indirect_vreg.gather [hbm4b:s7+s2], $0x80, v4, vm0, $0xb8;
	[tilespmem:$0x10800] =	vst v63  }
0x269: {  	v3 =	vperm.xlane v3, v2;
	s28 =	simm.s32 $0xA800  }
0x26a: {  	[tilespmem:s28], [sflag:$0x2] =	stream.indirect_vreg.gather [hbm4b:s8+s2], $0x80, v4, vm0, $0xb8;
	[tilespmem:$0x10800] =	vst v63  }
0x26b: {  	v3 =	vadd.s32 v1, v3;
	s28 =	simm.s32 $0xB000  }
0x26c: {  	[tilespmem:s28], [sflag:$0x2] =	stream.indirect_vreg.gather [hbm4b:s9+s2], $0x80, v4, vm0, $0xb8;
	[tilespmem:$0x10800] =	vst v63  }
0x26d: {  	s20 =	simm.s32 $0xB800  }
0x26e: {  	[tilespmem:s20], [sflag:$0x2] =	stream.indirect_vreg.gather [hbm4b:s10+s2], $0x80, v4, vm0, $0xb8;
	[tilespmem:$0x10800] =	vst v63  }
0x26f: {  	s22 =	simm.s32 $0xC000  }
0x270: {  	[tilespmem:s22], [sflag:$0x2] =	stream.indirect_vreg.gather [hbm4b:s3+s2], $0x80, v3, vm0, $0xb8;
	[tilespmem:$0x10800] =	vst v63  }
0x271: {  	s31 =	simm.s32 $0xC800  }
0x272: {  	[tilespmem:s31], [sflag:$0x2] =	stream.indirect_vreg.gather [hbm4b:s4+s2], $0x80, v3, vm0, $0xb8;
	[tilespmem:$0x10800] =	vst v63  }
0x273: {  	s31 =	simm.s32 $0xD000  }
0x274: {  	[tilespmem:s31], [sflag:$0x2] =	stream.indirect_vreg.gather [hbm4b:s5+s2], $0x80, v3, vm0, $0xb8;
	[tilespmem:$0x10800] =	vst v63  }
0x275: {  	s26 =	simm.s32 $0xD800  }
0x276: {  	[tilespmem:s26], [sflag:$0x2] =	stream.indirect_vreg.gather [hbm4b:s6+s2], $0x80, v3, vm0, $0xb8;
	[tilespmem:$0x10800] =	vst v63  }
0x277: {  	s26 =	simm.s32 $0xE000  }
0x278: {  	[tilespmem:s26], [sflag:$0x2] =	stream.indirect_vreg.gather [hbm4b:s7+s2], $0x80, v3, vm0, $0xb8;
	[tilespmem:$0x10800] =	vst v63  }
0x279: {  	s26 =	simm.s32 $0xE800  }
0x27a: {  	[tilespmem:s26], [sflag:$0x2] =	stream.indirect_vreg.gather [hbm4b:s8+s2], $0x80, v3, vm0, $0xb8;
	[tilespmem:$0x10800] =	vst v63  }
0x27b: {  	s26 =	simm.s32 $0xF000  }
0x27c: {  	[tilespmem:s26], [sflag:$0x2] =	stream.indirect_vreg.gather [hbm4b:s9+s2], $0x80, v3, vm0, $0xb8;
	[tilespmem:$0x10800] =	vst v63  }
0x27d: {  	s26 =	simm.s32 $0xF800  }
0x27e: {  	[tilespmem:s26], [sflag:$0x2] =	stream.indirect_vreg.gather [hbm4b:s10+s2], $0x80, v3, vm0, $0xb8;
	[tilespmem:$0x10800] =	vst v63  }
0x27f: {  	_ =	swait.ge [sflag:s24], $0x8000  }
0x280: {  	[sflag:s24] =	ssyncset.done $0x0  }
0x281: {  	s26 =	rddreg [dreg:$0x10];
	[sflag:s24] =	ssyncadd.s32 $0xFFFF8000  }
0x282: {  	[hbm4b:s26+s2] =	stream.linear.scatter [tilespmem:s2], [sflag:$0x3], $0x8000, $0x38;
	[tilespmem:$0x10800] =	vst v63  }
0x283: {  	_ =	swait.ge [sflag:s12], $0x8000  }
0x284: {  	[sflag:s12] =	ssyncset.done $0x0  }
0x285: {  	[sflag:s12] =	ssyncadd.s32 $0xFFFF8000  }
0x286: {  	_ =	swait.ge [sflag:s25], $0x8000  }
0x287: {  	[sflag:s25] =	ssyncset.done $0x0  }
0x288: {  	s26 =	rddreg [dreg:$0x11];
	[sflag:s25] =	ssyncadd.s32 $0xFFFF8000  }
0x289: {  	[hbm4b:s26+s2] =	stream.linear.scatter [tilespmem:s29], [sflag:$0x3], $0x8000, $0x38;
	[tilespmem:$0x10800] =	vst v63  }
0x28a: {  	_ =	swait.ge [sflag:s12], $0x8000  }
0x28b: {  	[sflag:s12] =	ssyncset.done $0x0  }
0x28c: {  	[sflag:s12] =	ssyncadd.s32 $0xFFFF8000  }
0x28d: {  	v3 =	vld [tilespmem:$0x10380];
	_ =	sdelay $0x4  }
0x28e: {  	v62 =	vshll.u32 v3, $0x4  }
0x28f: {  	v3 =	vand.u32 $0x7, v3;
	v4 =	vand.u32 $0xFFFFFF80, v62  }
0x290: {  	v3 =	vor.u32 v3, v4  }
0x291: {  	v4 =	vperm.xlane v3, v0;
	_ =	sdelay $0x1  }
0x292: {  	v4 =	vadd.s32 v1, v4;
	_ =	sdelay $0x4  }
0x293: {  	[tilespmem:s2], [sflag:$0x1] =	stream.indirect_vreg.gather [hbm4b:s3+s2], $0x80, v4, vm0, $0xb8;
	[tilespmem:$0x10800] =	vst v63  }
0x294: {  	s26 =	simm.s32 $0x800  }
0x295: {  	[tilespmem:s26], [sflag:$0x1] =	stream.indirect_vreg.gather [hbm4b:s4+s2], $0x80, v4, vm0, $0xb8;
	[tilespmem:$0x10800] =	vst v63  }
0x296: {  	s26 =	simm.s32 $0x1000  }
0x297: {  	[tilespmem:s26], [sflag:$0x1] =	stream.indirect_vreg.gather [hbm4b:s5+s2], $0x80, v4, vm0, $0xb8;
	[tilespmem:$0x10800] =	vst v63  }
0x298: {  	s26 =	simm.s32 $0x1800  }
0x299: {  	[tilespmem:s26], [sflag:$0x1] =	stream.indirect_vreg.gather [hbm4b:s6+s2], $0x80, v4, vm0, $0xb8;
	[tilespmem:$0x10800] =	vst v63  }
0x29a: {  	s26 =	simm.s32 $0x2000  }
0x29b: {  	[tilespmem:s26], [sflag:$0x1] =	stream.indirect_vreg.gather [hbm4b:s7+s2], $0x80, v4, vm0, $0xb8;
	[tilespmem:$0x10800] =	vst v63  }
0x29c: {  	v3 =	vperm.xlane v3, v2;
	s26 =	simm.s32 $0x2800  }
0x29d: {  	[tilespmem:s26], [sflag:$0x1] =	stream.indirect_vreg.gather [hbm4b:s8+s2], $0x80, v4, vm0, $0xb8;
	[tilespmem:$0x10800] =	vst v63  }
0x29e: {  	s21 =	simm.s32 $0x3000;
	v3 =	vadd.s32 v1, v3  }
0x29f: {  	[tilespmem:s21], [sflag:$0x1] =	stream.indirect_vreg.gather [hbm4b:s9+s2], $0x80, v4, vm0, $0xb8;
	[tilespmem:$0x10800] =	vst v63  }
0x2a0: {  	s0 =	simm.s32 $0x3800  }
0x2a1: {  	[tilespmem:s0], [sflag:$0x1] =	stream.indirect_vreg.gather [hbm4b:s10+s2], $0x80, v4, vm0, $0xb8;
	[tilespmem:$0x10800] =	vst v63  }
0x2a2: {  	s1 =	simm.s32 $0x4000  }
0x2a3: {  	[tilespmem:s1], [sflag:$0x1] =	stream.indirect_vreg.gather [hbm4b:s3+s2], $0x80, v3, vm0, $0xb8;
	[tilespmem:$0x10800] =	vst v63  }
0x2a4: {  	s11 =	simm.s32 $0x4800  }
0x2a5: {  	[tilespmem:s11], [sflag:$0x1] =	stream.indirect_vreg.gather [hbm4b:s4+s2], $0x80, v3, vm0, $0xb8;
	[tilespmem:$0x10800] =	vst v63  }
0x2a6: {  	s13 =	simm.s32 $0x5000  }
0x2a7: {  	[tilespmem:s13], [sflag:$0x1] =	stream.indirect_vreg.gather [hbm4b:s5+s2], $0x80, v3, vm0, $0xb8;
	[tilespmem:$0x10800] =	vst v63  }
0x2a8: {  	s14 =	simm.s32 $0x5800  }
0x2a9: {  	[tilespmem:s14], [sflag:$0x1] =	stream.indirect_vreg.gather [hbm4b:s6+s2], $0x80, v3, vm0, $0xb8;
	[tilespmem:$0x10800] =	vst v63  }
0x2aa: {  	s15 =	simm.s32 $0x6000  }
0x2ab: {  	[tilespmem:s15], [sflag:$0x1] =	stream.indirect_vreg.gather [hbm4b:s7+s2], $0x80, v3, vm0, $0xb8;
	[tilespmem:$0x10800] =	vst v63  }
0x2ac: {  	s16 =	simm.s32 $0x6800  }
0x2ad: {  	[tilespmem:s16], [sflag:$0x1] =	stream.indirect_vreg.gather [hbm4b:s8+s2], $0x80, v3, vm0, $0xb8;
	[tilespmem:$0x10800] =	vst v63  }
0x2ae: {  	s17 =	simm.s32 $0x7000  }
0x2af: {  	[tilespmem:s17], [sflag:$0x1] =	stream.indirect_vreg.gather [hbm4b:s9+s2], $0x80, v3, vm0, $0xb8;
	[tilespmem:$0x10800] =	vst v63  }
0x2b0: {  	s18 =	simm.s32 $0x7800  }
0x2b1: {  	[tilespmem:s18], [sflag:$0x1] =	stream.indirect_vreg.gather [hbm4b:s10+s2], $0x80, v3, vm0, $0xb8;
	[tilespmem:$0x10800] =	vst v63  }
0x2b2: {  	v3 =	vld [tilespmem:$0x10780];
	_ =	sdelay $0x4  }
0x2b3: {  	v63 =	vshll.u32 v3, $0x4  }
0x2b4: {  	v3 =	vand.u32 $0x7, v3;
	v4 =	vand.u32 $0xFFFFFF80, v63  }
0x2b5: {  	v3 =	vor.u32 v3, v4  }
0x2b6: {  	v4 =	vperm.xlane v3, v0;
	_ =	sdelay $0x1  }
0x2b7: {  	v4 =	vadd.s32 v1, v4;
	_ =	sdelay $0x4  }
0x2b8: {  	[tilespmem:s29], [sflag:$0x2] =	stream.indirect_vreg.gather [hbm4b:s3+s2], $0x80, v4, vm0, $0xb8;
	[tilespmem:$0x10800] =	vst v63  }
0x2b9: {  	s16 =	simm.s32 $0x8800  }
0x2ba: {  	[tilespmem:s16], [sflag:$0x2] =	stream.indirect_vreg.gather [hbm4b:s4+s2], $0x80, v4, vm0, $0xb8;
	[tilespmem:$0x10800] =	vst v63  }
0x2bb: {  	s19 =	simm.s32 $0x9000  }
0x2bc: {  	[tilespmem:s19], [sflag:$0x2] =	stream.indirect_vreg.gather [hbm4b:s5+s2], $0x80, v4, vm0, $0xb8;
	[tilespmem:$0x10800] =	vst v63  }
0x2bd: {  	s23 =	simm.s32 $0x9800  }
0x2be: {  	[tilespmem:s23], [sflag:$0x2] =	stream.indirect_vreg.gather [hbm4b:s6+s2], $0x80, v4, vm0, $0xb8;
	[tilespmem:$0x10800] =	vst v63  }
0x2bf: {  	s17 =	simm.s32 $0xA000  }
0x2c0: {  	[tilespmem:s17], [sflag:$0x2] =	stream.indirect_vreg.gather [hbm4b:s7+s2], $0x80, v4, vm0, $0xb8;
	[tilespmem:$0x10800] =	vst v63  }
0x2c1: {  	s18 =	simm.s32 $0xA800;
	v3 =	vperm.xlane v3, v2  }
0x2c2: {  	[tilespmem:s18], [sflag:$0x2] =	stream.indirect_vreg.gather [hbm4b:s8+s2], $0x80, v4, vm0, $0xb8;
	[tilespmem:$0x10800] =	vst v63  }
0x2c3: {  	v3 =	vadd.s32 v1, v3;
	s19 =	simm.s32 $0xB000  }
0x2c4: {  	[tilespmem:s19], [sflag:$0x2] =	stream.indirect_vreg.gather [hbm4b:s9+s2], $0x80, v4, vm0, $0xb8;
	[tilespmem:$0x10800] =	vst v63  }
0x2c5: {  	s28 =	simm.s32 $0xB800  }
0x2c6: {  	[tilespmem:s28], [sflag:$0x2] =	stream.indirect_vreg.gather [hbm4b:s10+s2], $0x80, v4, vm0, $0xb8;
	[tilespmem:$0x10800] =	vst v63  }
0x2c7: {  	s20 =	simm.s32 $0xC000  }
0x2c8: {  	[tilespmem:s20], [sflag:$0x2] =	stream.indirect_vreg.gather [hbm4b:s3+s2], $0x80, v3, vm0, $0xb8;
	[tilespmem:$0x10800] =	vst v63  }
0x2c9: {  	s22 =	simm.s32 $0xC800  }
0x2ca: {  	[tilespmem:s22], [sflag:$0x2] =	stream.indirect_vreg.gather [hbm4b:s4+s2], $0x80, v3, vm0, $0xb8;
	[tilespmem:$0x10800] =	vst v63  }
0x2cb: {  	s31 =	simm.s32 $0xD000  }
0x2cc: {  	[tilespmem:s31], [sflag:$0x2] =	stream.indirect_vreg.gather [hbm4b:s5+s2], $0x80, v3, vm0, $0xb8;
	[tilespmem:$0x10800] =	vst v63  }
0x2cd: {  	s20 =	simm.s32 $0xD800  }
0x2ce: {  	[tilespmem:s20], [sflag:$0x2] =	stream.indirect_vreg.gather [hbm4b:s6+s2], $0x80, v3, vm0, $0xb8;
	[tilespmem:$0x10800] =	vst v63  }
0x2cf: {  	s21 =	simm.s32 $0xE000  }
0x2d0: {  	[tilespmem:s21], [sflag:$0x2] =	stream.indirect_vreg.gather [hbm4b:s7+s2], $0x80, v3, vm0, $0xb8;
	[tilespmem:$0x10800] =	vst v63  }
0x2d1: {  	s22 =	simm.s32 $0xE800  }
0x2d2: {  	[tilespmem:s22], [sflag:$0x2] =	stream.indirect_vreg.gather [hbm4b:s8+s2], $0x80, v3, vm0, $0xb8;
	[tilespmem:$0x10800] =	vst v63  }
0x2d3: {  	s23 =	simm.s32 $0xF000  }
0x2d4: {  	[tilespmem:s23], [sflag:$0x2] =	stream.indirect_vreg.gather [hbm4b:s9+s2], $0x80, v3, vm0, $0xb8;
	[tilespmem:$0x10800] =	vst v63  }
0x2d5: {  	s26 =	simm.s32 $0xF800  }
0x2d6: {  	[tilespmem:s26], [sflag:$0x2] =	stream.indirect_vreg.gather [hbm4b:s10+s2], $0x80, v3, vm0, $0xb8;
	[tilespmem:$0x10800] =	vst v63  }
0x2d7: {  	_ =	swait.ge [sflag:s24], $0x8000  }
0x2d8: {  	[sflag:s24] =	ssyncset.done $0x0  }
0x2d9: {  	s28 =	rddreg [dreg:$0x12];
	[sflag:s24] =	ssyncadd.s32 $0xFFFF8000  }
0x2da: {  	[hbm4b:s28+s2] =	stream.linear.scatter [tilespmem:s2], [sflag:$0x3], $0x8000, $0x38;
	[tilespmem:$0x10800] =	vst v63  }
0x2db: {  	_ =	swait.ge [sflag:s12], $0x8000  }
0x2dc: {  	[sflag:s12] =	ssyncset.done $0x0  }
0x2dd: {  	[sflag:s12] =	ssyncadd.s32 $0xFFFF8000  }
0x2de: {  	_ =	swait.ge [sflag:s25], $0x8000  }
0x2df: {  	p0 =	sne.s32 s30, $0x1;
	[sflag:s25] =	ssyncset.done $0x0  }
.Ltmp0:
0x2e0: {  	s31 =	rddreg [dreg:$0x13];
	[sflag:s25] =	ssyncadd.s32 $0xFFFF8000;
	(pc) =	sbr.rel @p0 .LBB2_1-.Ltmp0, $4  }
0x2e1: {  	[hbm4b:s31+s2] =	stream.linear.scatter [tilespmem:s29], [sflag:$0x3], $0x8000, $0x38;
	[tilespmem:$0x10800] =	vst v63  }
0x2e2: {  	_ =	swait.ge [sflag:s12], $0x8000  }
0x2e3: {  	[sflag:s12] =	ssyncset.done $0x0  }
0x2e4: {  	s30 =	sadd.s32 $0xFFFFFFFF, s30;
	[sflag:s12] =	ssyncadd.s32 $0xFFFF8000  }
0x2e5: {  	_ =	sfence.sel $0x180000  }
0x2e6: {  	[bflag:$0x0] =	sbarrier.arrive $0xFFFF  }
0x2e7: {  	_ =	strace $0x9000004A  }
0x2e8: {  	s0 =	stileid.u32;
	[bflag:$0x2] =	sbarrier.arrive $0xFFFF  }
0x2e9: {  	p0 =	sne.s32 s0, $0x0;
	s0 =	rddreg [dreg:$0x1]  }
0x2ea: {  	s0 =	sadd.s32 @!p0 $0x100000, s0  }
0x2eb: {  	[sflag:s0] =	ssyncadd.tile.s32 @!p0 $0x1;
	_ =	shalt  }
.Lfunc_end2:
_tile_overlayer_lowered:
.L_overlay_start_2:
0x2ec: {  	(tag) =	ssettag $0x2  }
0x2ed: {  	s0 =	rddreg [dreg:$0x0];
	s2 =	stileid.u32  }
0x2ee: {  	s1 =	rddreg [dreg:$0x1];
	p0 =	sne.s32 s2, $0x0  }
0x2ef: {  	s3 =	rddreg [dreg:$0x2];
	[bflag:$0x3] =	sbarrier.arrive $0xFFFF;
	s2 =	simm.s32 @!p0 $0x1C03  }
0x2f0: {  	[timem:s3], [sflag:s2] =	dma.local @!p0 [hbm:s0], s1  }
0x2f1: {  	s0 =	simm.s32 @!p0 $0x3  }
0x2f2: {  	_ =	swait.ge @!p0 [sflag:s0], s1  }
0x2f3: {  	s1 =	ssub.s32 @!p0 $0x0, s1;
	[sflag:s0] =	ssyncset.done @!p0 $0x0  }
0x2f4: {  	[sflag:s0] =	ssyncadd.s32 @!p0 s1  }
0x2f5: {  	[bflag:$0x3] =	sbarrier.arrive $0xFFFF  }
0x2f6: {  	_ =	shalt  }

// kernel: kernel.7.cloned.1.call-start
scs
__scs_entry_jumppad:
0x0: {  	(pc) =	sbr.rel $0x88, $3  }
0x1: {  	(tag) =	ssettag $0x0;
	lr =	simm.s32 $0x1  }
0x2: {  	[smem:$0x3F9C] =	sst lr;
	_ =	strace $0xD0000000  }
0x3: {  	_ = 	snop  }
0x4: {  	_ = 	snop  }
0x5: {  	_ = 	snop  }
0x6: {  	_ = 	snop  }
0x7: {  	_ = 	snop  }
__scs_overlays_trampoline_lowered:
0x8: {  	[smem:$0x3FAB] =	sst s0  }
0x9: {  	[smem:$0x3FAC] =	sst s1  }
0xa: {  	[smem:$0x3FAD] =	sst s2  }
0xb: {  	[smem:$0x3FAE] =	sst s3  }
0xc: {  	[smem:$0x3FAF] =	sst s4  }
0xd: {  	[smem:$0x3FB0] =	sst s5  }
0xe: {  	[smem:$0x3FB1] =	sst s6  }
0xf: {  	[smem:$0x3FB2] =	sst s7  }
0x10: {  	[smem:$0x3FB3] =	sst s8  }
0x11: {  	[smem:$0x3FB4] =	sst s9;
	s0 =	simm.s32 @!p0 $0x0  }
0x12: {  	s1 =	sld [smem:$0x3F9A];
	s0 =	simm.s32 @p0 $0x1  }
0x13: {  	[smem:$0x3FB5] =	sst s0;
	s0 =	simm.s32 @!p1 $0x0  }
0x14: {  	s2 =	sld [smem:$0x3F99];
	s0 =	simm.s32 @p1 $0x1  }
0x15: {  	[smem:$0x3FB6] =	sst s0;
	s0 =	simm.s32 @!p2 $0x0  }
0x16: {  	s3 =	sld [smem:$0x3FDB];
	s0 =	simm.s32 @p2 $0x1  }
0x17: {  	s4 =	simm.s32 $0x1BF5;
	[smem:$0x3FB8] =	sst s0  }
0x18: {  	s0 =	sld [smem:$0x3F9B];
	_ =	swait.ge [sflag:s4], $0x0  }
0x19: {  	s7 =	sld [smem:$0x3F9C]  }
0x1a: {  	s8 =	sadd.s32 $0xFFFFE003, lr  }
0x1b: {  	s9 =	sadd.s32 $0xFFFFFEF7, lr;
	s5 =	simm.s32 $0xFFFFFFFF;
	p2 =	slt.u32 s8, $0xFFFFF086  }
0x1c: {  	p1 =	slt.u32 s9, $0xF7A;
	s5 =	simm.s32 @!p2 $0x0  }
0x1d: {  	s5 =	simm.s32 @p1 $0x1;
	p0 =	seq.s32 s7, s2  }
0x1e: {  	s7 =	smul.u32 @!p0 $0xF7A, s2;
	p2 =	seq.s32 @!p0 s5, $0x0  }
0x1f: {  	s9 =	smul.u32 $0xF7A, s1;
	s8 =	simm.s32 @!p0 $0x1BF5;
	p2 =	por !p2, p0  }
0x20: {  	[sflag:s8] =	ssyncset.s32 @!p0 $0xFFFFF086;
	s6 =	sadd.s32 @!p0 s3, s7;
	s7 =	simm.s32 @!p0 $0x108  }
0x21: {  	s3 =	sadd.s32 s3, s9;
	s6 =	sadd.s32 @!p0 $0x88, s6;
	s7 =	simm.s32 @p2 $0x1082  }
0x22: {  	[simem:s7], [sflag:s8] =	dma.local @!p0 [hbm:s6], $0xF7A  }
0x23: {  	s9 =	sor.u32 $0xD0000000, s2;
	s6 =	simm.s32 $0x108;
	_ =	swait.ge @!p0 [sflag:s8], $0x0  }
0x24: {  	s3 =	sadd.s32 $0x88, s3;
	s6 =	simm.s32 @!p1 $0x1082;
	[sflag:s4] =	ssyncset.s32 $0xFFFFF086  }
0x25: {  	[simem:s6], [sflag:s4] =	dma.local [hbm:s3], $0xF7A  }
0x26: {  	[smem:$0x3F9C] =	sst s1;
	(tag) =	ssettag s2;
	_ =	strace s9  }
0x27: {  	s1 =	sld [smem:$0x3FAC]  }
0x28: {  	s2 =	sld [smem:$0x3FAD]  }
0x29: {  	s4 =	sld [smem:$0x3FAF]  }
0x2a: {  	p0 =	seq.s32 s5, $0x0;
	s5 =	sld [smem:$0x3FB0]  }
0x2b: {  	s6 =	sld [smem:$0x3FB1]  }
0x2c: {  	s7 =	sld [smem:$0x3FB2]  }
0x2d: {  	s3 =	simm.s32 $0x108;
	s8 =	sld [smem:$0x3FB3]  }
0x2e: {  	s3 =	simm.s32 @!p0 $0x1082;
	s9 =	sld [smem:$0x3FB4]  }
0x2f: {  	lr =	sadd.s32 s0, s3;
	s0 =	sld [smem:$0x3FAB]  }
0x30: {  	s3 =	sld [smem:$0x3FAE]  }
0x31: {  	[smem:$0x3FB7] =	sst s10  }
0x32: {  	s10 =	sld [smem:$0x3FB5];
	_ =	sdelay $0x3  }
0x33: {  	p0 =	seq.s32 s10, $0x1;
	s10 =	sld [smem:$0x3FB7];
	_ =	sdelay $0x3  }
0x34: {  	[smem:$0x3FB7] =	sst s10  }
0x35: {  	s10 =	sld [smem:$0x3FB6];
	_ =	sdelay $0x3  }
0x36: {  	p1 =	seq.s32 s10, $0x1;
	s10 =	sld [smem:$0x3FB7];
	_ =	sdelay $0x3  }
0x37: {  	[smem:$0x3FB7] =	sst s10  }
0x38: {  	s10 =	sld [smem:$0x3FB8]  }
0x39: {  	_ = 	snop;
	(pc) =	sbr.ind lr, $3  }
0x3a: {  	_ = 	snop  }
0x3b: {  	_ = 	snop  }
0x3c: {  	p2 =	seq.s32 s10, $0x1;
	s10 =	sld [smem:$0x3FB7]  }
0x3d: {  	_ =	shalt  }
0x3e: {  	_ =	shalt  }
0x3f: {  	_ =	shalt  }
0x40: {  	_ =	shalt  }
0x41: {  	_ =	shalt  }
0x42: {  	_ =	shalt  }
0x43: {  	_ =	shalt  }
0x44: {  	_ =	shalt  }
0x45: {  	_ =	shalt  }
0x46: {  	_ =	shalt  }
0x47: {  	_ =	shalt  }
0x48: {  	_ =	shalt  }
0x49: {  	_ =	shalt  }
0x4a: {  	_ =	shalt  }
0x4b: {  	_ =	shalt  }
0x4c: {  	_ =	shalt  }
0x4d: {  	_ =	shalt  }
0x4e: {  	_ =	shalt  }
0x4f: {  	_ =	shalt  }
0x50: {  	_ =	shalt  }
0x51: {  	_ =	shalt  }
0x52: {  	_ =	shalt  }
0x53: {  	_ =	shalt  }
0x54: {  	_ =	shalt  }
0x55: {  	_ =	shalt  }
0x56: {  	_ =	shalt  }
0x57: {  	_ =	shalt  }
0x58: {  	_ =	shalt  }
0x59: {  	_ =	shalt  }
0x5a: {  	_ =	shalt  }
0x5b: {  	_ =	shalt  }
0x5c: {  	_ =	shalt  }
0x5d: {  	_ =	shalt  }
0x5e: {  	_ =	shalt  }
0x5f: {  	_ =	shalt  }
0x60: {  	_ =	shalt  }
0x61: {  	_ =	shalt  }
0x62: {  	_ =	shalt  }
0x63: {  	_ =	shalt  }
0x64: {  	_ =	shalt  }
0x65: {  	_ =	shalt  }
0x66: {  	_ =	shalt  }
0x67: {  	_ =	shalt  }
0x68: {  	_ =	shalt  }
0x69: {  	_ =	shalt  }
0x6a: {  	_ =	shalt  }
0x6b: {  	_ =	shalt  }
0x6c: {  	_ =	shalt  }
0x6d: {  	_ =	shalt  }
0x6e: {  	_ =	shalt  }
0x6f: {  	_ =	shalt  }
0x70: {  	_ =	shalt  }
0x71: {  	_ =	shalt  }
0x72: {  	_ =	shalt  }
0x73: {  	_ =	shalt  }
0x74: {  	_ =	shalt  }
0x75: {  	_ =	shalt  }
0x76: {  	_ =	shalt  }
0x77: {  	_ =	shalt  }
0x78: {  	_ =	shalt  }
0x79: {  	_ =	shalt  }
0x7a: {  	_ =	shalt  }
0x7b: {  	_ =	shalt  }
0x7c: {  	_ =	shalt  }
0x7d: {  	_ =	shalt  }
0x7e: {  	_ =	shalt  }
0x7f: {  	_ =	shalt  }
0x80: {  	_ =	shalt  }
0x81: {  	_ =	shalt  }
0x82: {  	_ =	shalt  }
0x83: {  	_ =	shalt  }
0x84: {  	_ =	shalt  }
0x85: {  	_ =	shalt  }
0x86: {  	_ =	shalt  }
0x87: {  	_ =	shalt  }
.Lfunc_end0:
.L_simem_size_0:
called_computation_lowered:
.L_overlay_start_0:
0x88: {  	s2 =	sld [smem:$0x3FD9]  }
0x89: {  	s3 =	sld [smem:$0x3FFE];
	_ =	sdelay $0x1  }
0x8a: {  	s1 =	srdreg.scid  }
0x8b: {  	s0 =	sand.u32 $0x1, s1  }
0x8c: {  	s17 =	sshll.u32 s0, $0xA;
	s2 =	sadd.s32 s3, s2  }
0x8d: {  	s2 =	sadd.s32 s2, s17  }
0x8e: {  	[smem:$0x3FC3] =	sst s2  }
0x8f: {  	_ = 	snop  }
0x90: {  	s2 =	sld [smem:$0x3FC9];
	(tm) =	ssettm $0x1  }
0x91: {  	s18 =	sld [smem:$0x3FFB];
	_ =	sdelay $0x3  }
0x92: {  	_ =	strace s18  }
0x93: {  	s3 =	sld [smem:$0x3FFC];
	_ =	sdelay $0x3  }
0x94: {  	_ =	strace s3  }
0x95: {  	s3 =	sld [smem:$0x3FFD];
	_ =	sdelay $0x3  }
0x96: {  	_ =	strace s3  }
0x97: {  	_ =	strace $0x8FFFFFFF  }
0x98: {  	s19 =	sld [smem:$0x3FDB];
	_ =	sdelay $0x1  }
0x99: {  	s4 =	simm.s32 $_scs_section_size  }
0x9a: {  	s5 =	simm.s32 $_size__tile_overlayer_lowered;
	s6 =	simm.s32 $_tile_overlayer_lowered  }
0x9b: {  	s22 =	simm.s32 $0x1BFF;
	s21 =	sshll.u32 s6, $0x1;
	s3 =	sadd.s32 s4, s19  }
0x9c: {  	s7 =	simm.s32 $0x0;
	s20 =	sshll.u32 s5, $0x1;
	s5 =	sadd.s32 s21, s3  }
0x9d: {  	[timem:s7], [sflag:s22] =	dma.local [hbm:s5], s20  }
0x9e: {  	_ =	swait.ge [sflag:s22], s20  }
0x9f: {  	s4 =	ssub.s32 $0x0, s20;
	[sflag:s22] =	ssyncset.done $0x0  }
0xa0: {  	[sflag:s22] =	ssyncadd.s32 s4;
	_ =	sdelay $0x1  }
0xa1: {  	s23 =	simm.s32 $0x1B8B  }
0xa2: {  	_ =	swait.ge [sflag:s23], $0x1  }
0xa3: {  	[sflag:s23] =	ssyncset.done $0x0  }
0xa4: {  	s25 =	simm.s32 $0x1B8E;
	s24 =	sld [smem:$0x3FFE];
	[sflag:s23] =	ssyncadd.s32 $0xFFFFFFFF  }
0xa5: {  	s26 =	simm.s32 $execute0_lowered;
	[smem:$0x3FD2] =	sst s25  }
0xa6: {  	s5 =	sshll.u32 s26, $0x1;
	_ =	strace $0x80000046;
	[dreg:$0x1] =	wrdreg $0xFFFFFFFF  }
0xa7: {  	s28 =	simm.s32 $_size_execute0_lowered;
	s3 =	sadd.s32 s3, s5;
	[dreg:$0x0] =	wrdreg $0x0  }
0xa8: {  	s5 =	sshll.u32 s28, $0x1;
	[dreg:$0x2] =	wrdreg s3  }
0xa9: {  	[dreg:$0x3] =	wrdreg s5  }
0xaa: {  	[dreg:$0x4] =	wrdreg $0xC0  }
0xab: {  	_ =	task [dreg:s7], $0x5FFFF  }
0xac: {  	[dreg:$0x1] =	wrdreg $0xFFFFFFFF  }
0xad: {  	[dreg:$0x0] =	wrdreg $0x60  }
0xae: {  	[dreg:$0x2] =	wrdreg s2  }
0xaf: {  	[dreg:$0x3] =	wrdreg s24  }
0xb0: {  	[dreg:$0x4] =	wrdreg $0x9  }
0xb1: {  	_ =	task.clear_ibuf [dreg:s7], $0x5FFFF;
	_ =	strace $0x90000046  }
0xb2: {  	s29 =	simm.s32 $0x9;
	_ =	strace $0x80000048  }
0xb3: {  	_ =	swait.ge [sflag:s29], $0x1  }
0xb4: {  	[sflag:s29] =	ssyncadd.s32 $0xFFFFFFFF  }
0xb5: {  	_ =	strace $0x90000048  }
0xb6: {  	_ =	sfence  }
0xb7: {  	s30 =	sld [smem:$0x0];
	_ =	sdelay $0x2  }
0xb8: {  	s31 =	sshll.u32 s1, $0xD;
	s1 =	sshrl.u32 s1, $0x2  }
0xb9: {  	s3 =	sand.u32 $0x4000, s31;
	s1 =	sadd.s32 s1, s30  }
0xba: {  	s0 =	sor.u32 s3, s0;
	s1 =	sshll.u32 s1, $0x11  }
0xbb: {  	s0 =	sor.u32 s1, s0  }
0xbc: {  	s0 =	sadd.s32 $0x8F2B, s0  }
0xbd: {  	[sflag:s0] =	ssyncadd.remote.s32 $0x1  }
0xbe: {  	_ =	sfence.sel $0xFFFF  }
0xbf: {  	[dreg:$0x0] =	wrdreg $0xFFFFFFFF;
	(pc) =	sbr.abs _section_cstart, $3  }
0xc0: {  	[dreg:$0x1] =	wrdreg $0xFFFFFFFF  }
0xc1: {  	_ =	task.clear_ibuf [dreg:s7], $0x2FFFF;
	_ =	strace $0x9FFFFFFF  }
0xc2: {  	(tm) =	ssettm $0x7FFFFFFF  }
0xc3: {  	_ =	shalt  }
tec
execute0_lowered:
.L_overlay_start_1:
0x0: {  	(tag) =	ssettag $0x1  }
0x1: {  	s0 =	rddreg [dreg:$0x0]  }
0x2: {  	s11 =	rddreg [dreg:$0x1];
	s3 =	srdreg.scid  }
0x3: {  	s1 =	stileid.u32;
	s2 =	simm.s32 $0x0;
	s13 =	simm.s32 $0x8000  }
0x4: {  	s14 =	simm.s32 $0x2;
	s15 =	simm.s32 $0x8400;
	s16 =	simm.s32 $0x800  }
0x5: {  	s17 =	simm.s32 $0x1000;
	s18 =	simm.s32 $0x1800;
	s19 =	simm.s32 $0x2000  }
0x6: {  	s28 =	simm.s32 $0x6000;
	s29 =	simm.s32 $0x6800;
	s30 =	simm.s32 $0x7000  }
0x7: {  	s31 =	simm.s32 $0x7800;
	s3 =	sand.u32 $0x1, s3;
	s4 =	sshll.u32 s1, $0x1  }
0x8: {  	[smem:$0x7FF] =	sst s2;
	s8 =	sadd.s32 $0x58E00, s11;
	s4 =	sor.u32 s3, s4  }
0x9: {  	s9 =	sadd.s32 $0x58F00, s11;
	s10 =	sadd.s32 $0x59000, s11;
	s5 =	sshll.u32 s4, $0x7  }
0xa: {  	_ =	strace $0x80000047;
	s6 =	ssub.s32 $0x2, s3;
	s5 =	sadd.s32 s5, s11  }
0xb: {  	s3 =	sadd.s32 $0x58A00, s11;
	s4 =	sshll.u32 s4, $0xF;
	s20 =	sadd.s32 $0xA00, s5  }
0xc: {  	s4 =	sadd.s32 s0, s4;
	s5 =	sadd.s32 $0x1A00, s5;
	[dreg:$0x3] =	wrdreg s20  }
0xd: {  	s7 =	sshrl.u32 s6, $0x1;
	s0 =	sadd.s32 $0x1000, s4;
	[dreg:$0x4] =	wrdreg s5  }
0xe: {  	s12 =	ssub.s32 s6, s7;
	s21 =	sadd.s32 $0x2000, s4;
	[dreg:$0x5] =	wrdreg s0  }
0xf: {  	s6 =	sadd.s32 $0x58C00, s11;
	s22 =	sadd.s32 $0x3000, s4;
	[dreg:$0x6] =	wrdreg s21  }
0x10: {  	s7 =	sadd.s32 $0x58D00, s11;
	s23 =	sadd.s32 $0x4000, s4;
	[dreg:$0x7] =	wrdreg s22  }
0x11: {  	s24 =	sadd.s32 $0x5000, s4;
	s25 =	sadd.s32 $0x6000, s4;
	[dreg:$0x8] =	wrdreg s23  }
0x12: {  	s26 =	sadd.s32 $0x7000, s4;
	s12 =	smax.u32 s12, $0x1;
	[dreg:$0x9] =	wrdreg s24  }
0x13: {  	s5 =	sadd.s32 $0x58B00, s11;
	s11 =	sadd.s32 $0x59100, s11;
	[dreg:$0xa] =	wrdreg s25  }
0x14: {  	v2 =	vlaneseq.u32;
	[dreg:$0xb] =	wrdreg s26;
	s20 =	simm.s32 $0x2800;
	s21 =	simm.s32 $0x3000  }
0x15: {  	vm0 =	vmmov $0xffff;
	v1 =	vshrl.u32 v2, $0x3;
	s22 =	simm.s32 $0x3800;
	s23 =	simm.s32 $0x4000;
	s24 =	simm.s32 $0x4800  }
0x16: {  	v0 =	vand.u32 $0x7, v2;
	v2 =	vor.u32 $0x8, v2;
	v1 =	vmul.u32 $0x8, v1;
	s25 =	simm.s32 $0x5000;
	s26 =	simm.s32 $0x5800;
	s0 =	simm.s32 $0x1  }
.LBB2_1:
0x17: {  	s1 =	rddreg [dreg:$0x3]  }
0x18: {  	[tilespmem:s13], [sflag:$0x2] =	stream.linear.gather [hbm4b:s1+s2], $0x400, $0x38;
	[tilespmem:$0x8800] =	vst v63  }
0x19: {  	_ =	swait.ge [sflag:s14], $0x400  }
0x1a: {  	[sflag:s14] =	ssyncset.done $0x0  }
0x1b: {  	s1 =	rddreg [dreg:$0x4];
	[sflag:s14] =	ssyncadd.s32 $0xFFFFFC00  }
0x1c: {  	[tilespmem:s15], [sflag:$0x2] =	stream.linear.gather [hbm4b:s1+s2], $0x400, $0x38;
	[tilespmem:$0x8800] =	vst v63  }
0x1d: {  	_ =	swait.ge [sflag:s14], $0x400  }
0x1e: {  	[sflag:s14] =	ssyncset.done $0x0  }
0x1f: {  	[sflag:s14] =	ssyncadd.s32 $0xFFFFFC00  }
0x20: {  	[tilespmem:s2], [sflag:$0x2] =	stream.linear.gather [hbm4b:s4+s2], $0x8000, $0x38;
	[tilespmem:$0x8800] =	vst v63  }
0x21: {  	_ =	swait.ge [sflag:s14], $0x8000  }
0x22: {  	[sflag:s14] =	ssyncset.done $0x0  }
0x23: {  	[sflag:s14] =	ssyncadd.s32 $0xFFFF8000  }
0x24: {  	v3 =	vld [tilespmem:$0x8000];
	_ =	sdelay $0x4  }
0x25: {  	v4 =	vshll.u32 v3, $0x4  }
0x26: {  	v3 =	vand.u32 $0x7, v3;
	v4 =	vand.u32 $0xFFFFFF80, v4  }
0x27: {  	v3 =	vor.u32 v3, v4  }
0x28: {  	v4 =	vperm.xlane v3, v0;
	_ =	sdelay $0x1  }
0x29: {  	v4 =	vadd.s32 v1, v4;
	_ =	sdelay $0x4  }
0x2a: {  	[hbm4b:s3+s2] =	stream.indirect_vreg.scatter [tilespmem:s2], [sflag:$0x1], $0x80, v4, vm0, $0xb8;
	[tilespmem:$0x8800] =	vst v63  }
0x2b: {  	_ = 	snop  }
0x2c: {  	[hbm4b:s5+s2] =	stream.indirect_vreg.scatter [tilespmem:s16], [sflag:$0x1], $0x80, v4, vm0, $0xb8;
	[tilespmem:$0x8800] =	vst v63  }
0x2d: {  	_ = 	snop  }
0x2e: {  	[hbm4b:s6+s2] =	stream.indirect_vreg.scatter [tilespmem:s17], [sflag:$0x1], $0x80, v4, vm0, $0xb8;
	[tilespmem:$0x8800] =	vst v63  }
0x2f: {  	_ = 	snop  }
0x30: {  	[hbm4b:s7+s2] =	stream.indirect_vreg.scatter [tilespmem:s18], [sflag:$0x1], $0x80, v4, vm0, $0xb8;
	[tilespmem:$0x8800] =	vst v63  }
0x31: {  	_ = 	snop  }
0x32: {  	[hbm4b:s8+s2] =	stream.indirect_vreg.scatter [tilespmem:s19], [sflag:$0x1], $0x80, v4, vm0, $0xb8;
	[tilespmem:$0x8800] =	vst v63  }
0x33: {  	v3 =	vperm.xlane v3, v2  }
0x34: {  	[hbm4b:s9+s2] =	stream.indirect_vreg.scatter [tilespmem:s20], [sflag:$0x1], $0x80, v4, vm0, $0xb8;
	[tilespmem:$0x8800] =	vst v63  }
0x35: {  	v3 =	vadd.s32 v1, v3  }
0x36: {  	[hbm4b:s10+s2] =	stream.indirect_vreg.scatter [tilespmem:s21], [sflag:$0x1], $0x80, v4, vm0, $0xb8;
	[tilespmem:$0x8800] =	vst v63  }
0x37: {  	_ = 	snop  }
0x38: {  	[hbm4b:s11+s2] =	stream.indirect_vreg.scatter [tilespmem:s22], [sflag:$0x1], $0x80, v4, vm0, $0xb8;
	[tilespmem:$0x8800] =	vst v63  }
0x39: {  	_ = 	snop  }
0x3a: {  	[hbm4b:s3+s2] =	stream.indirect_vreg.scatter [tilespmem:s23], [sflag:$0x1], $0x80, v3, vm0, $0xb8;
	[tilespmem:$0x8800] =	vst v63  }
0x3b: {  	_ = 	snop  }
0x3c: {  	[hbm4b:s5+s2] =	stream.indirect_vreg.scatter [tilespmem:s24], [sflag:$0x1], $0x80, v3, vm0, $0xb8;
	[tilespmem:$0x8800] =	vst v63  }
0x3d: {  	_ = 	snop  }
0x3e: {  	[hbm4b:s6+s2] =	stream.indirect_vreg.scatter [tilespmem:s25], [sflag:$0x1], $0x80, v3, vm0, $0xb8;
	[tilespmem:$0x8800] =	vst v63  }
0x3f: {  	_ = 	snop  }
0x40: {  	[hbm4b:s7+s2] =	stream.indirect_vreg.scatter [tilespmem:s26], [sflag:$0x1], $0x80, v3, vm0, $0xb8;
	[tilespmem:$0x8800] =	vst v63  }
0x41: {  	_ = 	snop  }
0x42: {  	[hbm4b:s8+s2] =	stream.indirect_vreg.scatter [tilespmem:s28], [sflag:$0x1], $0x80, v3, vm0, $0xb8;
	[tilespmem:$0x8800] =	vst v63  }
0x43: {  	_ = 	snop  }
0x44: {  	[hbm4b:s9+s2] =	stream.indirect_vreg.scatter [tilespmem:s29], [sflag:$0x1], $0x80, v3, vm0, $0xb8;
	[tilespmem:$0x8800] =	vst v63  }
0x45: {  	_ = 	snop  }
0x46: {  	[hbm4b:s10+s2] =	stream.indirect_vreg.scatter [tilespmem:s30], [sflag:$0x1], $0x80, v3, vm0, $0xb8;
	[tilespmem:$0x8800] =	vst v63  }
0x47: {  	_ = 	snop  }
0x48: {  	[hbm4b:s11+s2] =	stream.indirect_vreg.scatter [tilespmem:s31], [sflag:$0x1], $0x80, v3, vm0, $0xb8;
	[tilespmem:$0x8800] =	vst v63  }
0x49: {  	v3 =	vld [tilespmem:$0x8400];
	_ =	sdelay $0x4  }
0x4a: {  	v49 =	vshll.u32 v3, $0x4  }
0x4b: {  	v3 =	vand.u32 $0x7, v3;
	v4 =	vand.u32 $0xFFFFFF80, v49  }
0x4c: {  	v3 =	vor.u32 v3, v4  }
0x4d: {  	v4 =	vperm.xlane v3, v0;
	_ =	sdelay $0x1  }
0x4e: {  	v4 =	vadd.s32 v1, v4;
	_ =	sdelay $0x4  }
0x4f: {  	[hbm4b:s3+s2] =	stream.indirect_vreg.scatter [tilespmem:s2], [sflag:$0x1], $0x80, v4, vm0, $0xb8;
	[tilespmem:$0x8800] =	vst v63  }
0x50: {  	_ = 	snop  }
0x51: {  	[hbm4b:s5+s2] =	stream.indirect_vreg.scatter [tilespmem:s16], [sflag:$0x1], $0x80, v4, vm0, $0xb8;
	[tilespmem:$0x8800] =	vst v63  }
0x52: {  	_ = 	snop  }
0x53: {  	[hbm4b:s6+s2] =	stream.indirect_vreg.scatter [tilespmem:s17], [sflag:$0x1], $0x80, v4, vm0, $0xb8;
	[tilespmem:$0x8800] =	vst v63  }
0x54: {  	_ = 	snop  }
0x55: {  	[hbm4b:s7+s2] =	stream.indirect_vreg.scatter [tilespmem:s18], [sflag:$0x1], $0x80, v4, vm0, $0xb8;
	[tilespmem:$0x8800] =	vst v63  }
0x56: {  	_ = 	snop  }
0x57: {  	[hbm4b:s8+s2] =	stream.indirect_vreg.scatter [tilespmem:s19], [sflag:$0x1], $0x80, v4, vm0, $0xb8;
	[tilespmem:$0x8800] =	vst v63  }
0x58: {  	v3 =	vperm.xlane v3, v2  }
0x59: {  	[hbm4b:s9+s2] =	stream.indirect_vreg.scatter [tilespmem:s20], [sflag:$0x1], $0x80, v4, vm0, $0xb8;
	[tilespmem:$0x8800] =	vst v63  }
0x5a: {  	v3 =	vadd.s32 v1, v3  }
0x5b: {  	[hbm4b:s10+s2] =	stream.indirect_vreg.scatter [tilespmem:s21], [sflag:$0x1], $0x80, v4, vm0, $0xb8;
	[tilespmem:$0x8800] =	vst v63  }
0x5c: {  	_ = 	snop  }
0x5d: {  	[hbm4b:s11+s2] =	stream.indirect_vreg.scatter [tilespmem:s22], [sflag:$0x1], $0x80, v4, vm0, $0xb8;
	[tilespmem:$0x8800] =	vst v63  }
0x5e: {  	_ = 	snop  }
0x5f: {  	[hbm4b:s3+s2] =	stream.indirect_vreg.scatter [tilespmem:s23], [sflag:$0x1], $0x80, v3, vm0, $0xb8;
	[tilespmem:$0x8800] =	vst v63  }
0x60: {  	_ = 	snop  }
0x61: {  	[hbm4b:s5+s2] =	stream.indirect_vreg.scatter [tilespmem:s24], [sflag:$0x1], $0x80, v3, vm0, $0xb8;
	[tilespmem:$0x8800] =	vst v63  }
0x62: {  	_ = 	snop  }
0x63: {  	[hbm4b:s6+s2] =	stream.indirect_vreg.scatter [tilespmem:s25], [sflag:$0x1], $0x80, v3, vm0, $0xb8;
	[tilespmem:$0x8800] =	vst v63  }
0x64: {  	_ = 	snop  }
0x65: {  	[hbm4b:s7+s2] =	stream.indirect_vreg.scatter [tilespmem:s26], [sflag:$0x1], $0x80, v3, vm0, $0xb8;
	[tilespmem:$0x8800] =	vst v63  }
0x66: {  	_ = 	snop  }
0x67: {  	[hbm4b:s8+s2] =	stream.indirect_vreg.scatter [tilespmem:s28], [sflag:$0x1], $0x80, v3, vm0, $0xb8;
	[tilespmem:$0x8800] =	vst v63  }
0x68: {  	_ = 	snop  }
0x69: {  	[hbm4b:s9+s2] =	stream.indirect_vreg.scatter [tilespmem:s29], [sflag:$0x1], $0x80, v3, vm0, $0xb8;
	[tilespmem:$0x8800] =	vst v63  }
0x6a: {  	_ = 	snop  }
0x6b: {  	[hbm4b:s10+s2] =	stream.indirect_vreg.scatter [tilespmem:s30], [sflag:$0x1], $0x80, v3, vm0, $0xb8;
	[tilespmem:$0x8800] =	vst v63  }
0x6c: {  	_ = 	snop  }
0x6d: {  	[hbm4b:s11+s2] =	stream.indirect_vreg.scatter [tilespmem:s31], [sflag:$0x1], $0x80, v3, vm0, $0xb8;
	[tilespmem:$0x8800] =	vst v63  }
0x6e: {  	_ =	swait.ge [sflag:s0], $0x8000  }
0x6f: {  	[sflag:s0] =	ssyncset.done $0x0  }
0x70: {  	[sflag:s0] =	ssyncadd.s32 $0xFFFF8000  }
0x71: {  	_ =	swait.ge [sflag:s0], $0x8000  }
0x72: {  	[sflag:s0] =	ssyncset.done $0x0  }
0x73: {  	s1 =	rddreg [dreg:$0x5];
	[sflag:s0] =	ssyncadd.s32 $0xFFFF8000  }
0x74: {  	[tilespmem:s2], [sflag:$0x2] =	stream.linear.gather [hbm4b:s1+s2], $0x8000, $0x38;
	[tilespmem:$0x8800] =	vst v63  }
0x75: {  	_ =	swait.ge [sflag:s14], $0x8000  }
0x76: {  	[sflag:s14] =	ssyncset.done $0x0  }
0x77: {  	[sflag:s14] =	ssyncadd.s32 $0xFFFF8000  }
0x78: {  	v3 =	vld [tilespmem:$0x8080];
	_ =	sdelay $0x4  }
0x79: {  	v50 =	vshll.u32 v3, $0x4  }
0x7a: {  	v3 =	vand.u32 $0x7, v3;
	v4 =	vand.u32 $0xFFFFFF80, v50  }
0x7b: {  	v3 =	vor.u32 v3, v4  }
0x7c: {  	v4 =	vperm.xlane v3, v0;
	_ =	sdelay $0x1  }
0x7d: {  	v4 =	vadd.s32 v1, v4;
	_ =	sdelay $0x4  }
0x7e: {  	[hbm4b:s3+s2] =	stream.indirect_vreg.scatter [tilespmem:s2], [sflag:$0x1], $0x80, v4, vm0, $0xb8;
	[tilespmem:$0x8800] =	vst v63  }
0x7f: {  	_ = 	snop  }
0x80: {  	[hbm4b:s5+s2] =	stream.indirect_vreg.scatter [tilespmem:s16], [sflag:$0x1], $0x80, v4, vm0, $0xb8;
	[tilespmem:$0x8800] =	vst v63  }
0x81: {  	_ = 	snop  }
0x82: {  	[hbm4b:s6+s2] =	stream.indirect_vreg.scatter [tilespmem:s17], [sflag:$0x1], $0x80, v4, vm0, $0xb8;
	[tilespmem:$0x8800] =	vst v63  }
0x83: {  	_ = 	snop  }
0x84: {  	[hbm4b:s7+s2] =	stream.indirect_vreg.scatter [tilespmem:s18], [sflag:$0x1], $0x80, v4, vm0, $0xb8;
	[tilespmem:$0x8800] =	vst v63  }
0x85: {  	_ = 	snop  }
0x86: {  	[hbm4b:s8+s2] =	stream.indirect_vreg.scatter [tilespmem:s19], [sflag:$0x1], $0x80, v4, vm0, $0xb8;
	[tilespmem:$0x8800] =	vst v63  }
0x87: {  	v3 =	vperm.xlane v3, v2  }
0x88: {  	[hbm4b:s9+s2] =	stream.indirect_vreg.scatter [tilespmem:s20], [sflag:$0x1], $0x80, v4, vm0, $0xb8;
	[tilespmem:$0x8800] =	vst v63  }
0x89: {  	v3 =	vadd.s32 v1, v3  }
0x8a: {  	[hbm4b:s10+s2] =	stream.indirect_vreg.scatter [tilespmem:s21], [sflag:$0x1], $0x80, v4, vm0, $0xb8;
	[tilespmem:$0x8800] =	vst v63  }
0x8b: {  	_ = 	snop  }
0x8c: {  	[hbm4b:s11+s2] =	stream.indirect_vreg.scatter [tilespmem:s22], [sflag:$0x1], $0x80, v4, vm0, $0xb8;
	[tilespmem:$0x8800] =	vst v63  }
0x8d: {  	_ = 	snop  }
0x8e: {  	[hbm4b:s3+s2] =	stream.indirect_vreg.scatter [tilespmem:s23], [sflag:$0x1], $0x80, v3, vm0, $0xb8;
	[tilespmem:$0x8800] =	vst v63  }
0x8f: {  	_ = 	snop  }
0x90: {  	[hbm4b:s5+s2] =	stream.indirect_vreg.scatter [tilespmem:s24], [sflag:$0x1], $0x80, v3, vm0, $0xb8;
	[tilespmem:$0x8800] =	vst v63  }
0x91: {  	_ = 	snop  }
0x92: {  	[hbm4b:s6+s2] =	stream.indirect_vreg.scatter [tilespmem:s25], [sflag:$0x1], $0x80, v3, vm0, $0xb8;
	[tilespmem:$0x8800] =	vst v63  }
0x93: {  	_ = 	snop  }
0x94: {  	[hbm4b:s7+s2] =	stream.indirect_vreg.scatter [tilespmem:s26], [sflag:$0x1], $0x80, v3, vm0, $0xb8;
	[tilespmem:$0x8800] =	vst v63  }
0x95: {  	_ = 	snop  }
0x96: {  	[hbm4b:s8+s2] =	stream.indirect_vreg.scatter [tilespmem:s28], [sflag:$0x1], $0x80, v3, vm0, $0xb8;
	[tilespmem:$0x8800] =	vst v63  }
0x97: {  	_ = 	snop  }
0x98: {  	[hbm4b:s9+s2] =	stream.indirect_vreg.scatter [tilespmem:s29], [sflag:$0x1], $0x80, v3, vm0, $0xb8;
	[tilespmem:$0x8800] =	vst v63  }
0x99: {  	_ = 	snop  }
0x9a: {  	[hbm4b:s10+s2] =	stream.indirect_vreg.scatter [tilespmem:s30], [sflag:$0x1], $0x80, v3, vm0, $0xb8;
	[tilespmem:$0x8800] =	vst v63  }
0x9b: {  	_ = 	snop  }
0x9c: {  	[hbm4b:s11+s2] =	stream.indirect_vreg.scatter [tilespmem:s31], [sflag:$0x1], $0x80, v3, vm0, $0xb8;
	[tilespmem:$0x8800] =	vst v63  }
0x9d: {  	v3 =	vld [tilespmem:$0x8480];
	_ =	sdelay $0x4  }
0x9e: {  	v51 =	vshll.u32 v3, $0x4  }
0x9f: {  	v3 =	vand.u32 $0x7, v3;
	v4 =	vand.u32 $0xFFFFFF80, v51  }
0xa0: {  	v3 =	vor.u32 v3, v4  }
0xa1: {  	v4 =	vperm.xlane v3, v0;
	_ =	sdelay $0x1  }
0xa2: {  	v4 =	vadd.s32 v1, v4;
	_ =	sdelay $0x4  }
0xa3: {  	[hbm4b:s3+s2] =	stream.indirect_vreg.scatter [tilespmem:s2], [sflag:$0x1], $0x80, v4, vm0, $0xb8;
	[tilespmem:$0x8800] =	vst v63  }
0xa4: {  	_ = 	snop  }
0xa5: {  	[hbm4b:s5+s2] =	stream.indirect_vreg.scatter [tilespmem:s16], [sflag:$0x1], $0x80, v4, vm0, $0xb8;
	[tilespmem:$0x8800] =	vst v63  }
0xa6: {  	_ = 	snop  }
0xa7: {  	[hbm4b:s6+s2] =	stream.indirect_vreg.scatter [tilespmem:s17], [sflag:$0x1], $0x80, v4, vm0, $0xb8;
	[tilespmem:$0x8800] =	vst v63  }
0xa8: {  	_ = 	snop  }
0xa9: {  	[hbm4b:s7+s2] =	stream.indirect_vreg.scatter [tilespmem:s18], [sflag:$0x1], $0x80, v4, vm0, $0xb8;
	[tilespmem:$0x8800] =	vst v63  }
0xaa: {  	_ = 	snop  }
0xab: {  	[hbm4b:s8+s2] =	stream.indirect_vreg.scatter [tilespmem:s19], [sflag:$0x1], $0x80, v4, vm0, $0xb8;
	[tilespmem:$0x8800] =	vst v63  }
0xac: {  	v3 =	vperm.xlane v3, v2  }
0xad: {  	[hbm4b:s9+s2] =	stream.indirect_vreg.scatter [tilespmem:s20], [sflag:$0x1], $0x80, v4, vm0, $0xb8;
	[tilespmem:$0x8800] =	vst v63  }
0xae: {  	v3 =	vadd.s32 v1, v3  }
0xaf: {  	[hbm4b:s10+s2] =	stream.indirect_vreg.scatter [tilespmem:s21], [sflag:$0x1], $0x80, v4, vm0, $0xb8;
	[tilespmem:$0x8800] =	vst v63  }
0xb0: {  	_ = 	snop  }
0xb1: {  	[hbm4b:s11+s2] =	stream.indirect_vreg.scatter [tilespmem:s22], [sflag:$0x1], $0x80, v4, vm0, $0xb8;
	[tilespmem:$0x8800] =	vst v63  }
0xb2: {  	_ = 	snop  }
0xb3: {  	[hbm4b:s3+s2] =	stream.indirect_vreg.scatter [tilespmem:s23], [sflag:$0x1], $0x80, v3, vm0, $0xb8;
	[tilespmem:$0x8800] =	vst v63  }
0xb4: {  	_ = 	snop  }
0xb5: {  	[hbm4b:s5+s2] =	stream.indirect_vreg.scatter [tilespmem:s24], [sflag:$0x1], $0x80, v3, vm0, $0xb8;
	[tilespmem:$0x8800] =	vst v63  }
0xb6: {  	_ = 	snop  }
0xb7: {  	[hbm4b:s6+s2] =	stream.indirect_vreg.scatter [tilespmem:s25], [sflag:$0x1], $0x80, v3, vm0, $0xb8;
	[tilespmem:$0x8800] =	vst v63  }
0xb8: {  	_ = 	snop  }
0xb9: {  	[hbm4b:s7+s2] =	stream.indirect_vreg.scatter [tilespmem:s26], [sflag:$0x1], $0x80, v3, vm0, $0xb8;
	[tilespmem:$0x8800] =	vst v63  }
0xba: {  	_ = 	snop  }
0xbb: {  	[hbm4b:s8+s2] =	stream.indirect_vreg.scatter [tilespmem:s28], [sflag:$0x1], $0x80, v3, vm0, $0xb8;
	[tilespmem:$0x8800] =	vst v63  }
0xbc: {  	_ = 	snop  }
0xbd: {  	[hbm4b:s9+s2] =	stream.indirect_vreg.scatter [tilespmem:s29], [sflag:$0x1], $0x80, v3, vm0, $0xb8;
	[tilespmem:$0x8800] =	vst v63  }
0xbe: {  	_ = 	snop  }
0xbf: {  	[hbm4b:s10+s2] =	stream.indirect_vreg.scatter [tilespmem:s30], [sflag:$0x1], $0x80, v3, vm0, $0xb8;
	[tilespmem:$0x8800] =	vst v63  }
0xc0: {  	_ = 	snop  }
0xc1: {  	[hbm4b:s11+s2] =	stream.indirect_vreg.scatter [tilespmem:s31], [sflag:$0x1], $0x80, v3, vm0, $0xb8;
	[tilespmem:$0x8800] =	vst v63  }
0xc2: {  	_ =	swait.ge [sflag:s0], $0x8000  }
0xc3: {  	[sflag:s0] =	ssyncset.done $0x0  }
0xc4: {  	[sflag:s0] =	ssyncadd.s32 $0xFFFF8000  }
0xc5: {  	_ =	swait.ge [sflag:s0], $0x8000  }
0xc6: {  	[sflag:s0] =	ssyncset.done $0x0  }
0xc7: {  	s1 =	rddreg [dreg:$0x6];
	[sflag:s0] =	ssyncadd.s32 $0xFFFF8000  }
0xc8: {  	[tilespmem:s2], [sflag:$0x2] =	stream.linear.gather [hbm4b:s1+s2], $0x8000, $0x38;
	[tilespmem:$0x8800] =	vst v63  }
0xc9: {  	_ =	swait.ge [sflag:s14], $0x8000  }
0xca: {  	[sflag:s14] =	ssyncset.done $0x0  }
0xcb: {  	[sflag:s14] =	ssyncadd.s32 $0xFFFF8000  }
0xcc: {  	v3 =	vld [tilespmem:$0x8100];
	_ =	sdelay $0x4  }
0xcd: {  	v52 =	vshll.u32 v3, $0x4  }
0xce: {  	v3 =	vand.u32 $0x7, v3;
	v4 =	vand.u32 $0xFFFFFF80, v52  }
0xcf: {  	v3 =	vor.u32 v3, v4  }
0xd0: {  	v4 =	vperm.xlane v3, v0;
	_ =	sdelay $0x1  }
0xd1: {  	v4 =	vadd.s32 v1, v4;
	_ =	sdelay $0x4  }
0xd2: {  	[hbm4b:s3+s2] =	stream.indirect_vreg.scatter [tilespmem:s2], [sflag:$0x1], $0x80, v4, vm0, $0xb8;
	[tilespmem:$0x8800] =	vst v63  }
0xd3: {  	_ = 	snop  }
0xd4: {  	[hbm4b:s5+s2] =	stream.indirect_vreg.scatter [tilespmem:s16], [sflag:$0x1], $0x80, v4, vm0, $0xb8;
	[tilespmem:$0x8800] =	vst v63  }
0xd5: {  	_ = 	snop  }
0xd6: {  	[hbm4b:s6+s2] =	stream.indirect_vreg.scatter [tilespmem:s17], [sflag:$0x1], $0x80, v4, vm0, $0xb8;
	[tilespmem:$0x8800] =	vst v63  }
0xd7: {  	_ = 	snop  }
0xd8: {  	[hbm4b:s7+s2] =	stream.indirect_vreg.scatter [tilespmem:s18], [sflag:$0x1], $0x80, v4, vm0, $0xb8;
	[tilespmem:$0x8800] =	vst v63  }
0xd9: {  	_ = 	snop  }
0xda: {  	[hbm4b:s8+s2] =	stream.indirect_vreg.scatter [tilespmem:s19], [sflag:$0x1], $0x80, v4, vm0, $0xb8;
	[tilespmem:$0x8800] =	vst v63  }
0xdb: {  	v3 =	vperm.xlane v3, v2  }
0xdc: {  	[hbm4b:s9+s2] =	stream.indirect_vreg.scatter [tilespmem:s20], [sflag:$0x1], $0x80, v4, vm0, $0xb8;
	[tilespmem:$0x8800] =	vst v63  }
0xdd: {  	v3 =	vadd.s32 v1, v3  }
0xde: {  	[hbm4b:s10+s2] =	stream.indirect_vreg.scatter [tilespmem:s21], [sflag:$0x1], $0x80, v4, vm0, $0xb8;
	[tilespmem:$0x8800] =	vst v63  }
0xdf: {  	_ = 	snop  }
0xe0: {  	[hbm4b:s11+s2] =	stream.indirect_vreg.scatter [tilespmem:s22], [sflag:$0x1], $0x80, v4, vm0, $0xb8;
	[tilespmem:$0x8800] =	vst v63  }
0xe1: {  	_ = 	snop  }
0xe2: {  	[hbm4b:s3+s2] =	stream.indirect_vreg.scatter [tilespmem:s23], [sflag:$0x1], $0x80, v3, vm0, $0xb8;
	[tilespmem:$0x8800] =	vst v63  }
0xe3: {  	_ = 	snop  }
0xe4: {  	[hbm4b:s5+s2] =	stream.indirect_vreg.scatter [tilespmem:s24], [sflag:$0x1], $0x80, v3, vm0, $0xb8;
	[tilespmem:$0x8800] =	vst v63  }
0xe5: {  	_ = 	snop  }
0xe6: {  	[hbm4b:s6+s2] =	stream.indirect_vreg.scatter [tilespmem:s25], [sflag:$0x1], $0x80, v3, vm0, $0xb8;
	[tilespmem:$0x8800] =	vst v63  }
0xe7: {  	_ = 	snop  }
0xe8: {  	[hbm4b:s7+s2] =	stream.indirect_vreg.scatter [tilespmem:s26], [sflag:$0x1], $0x80, v3, vm0, $0xb8;
	[tilespmem:$0x8800] =	vst v63  }
0xe9: {  	_ = 	snop  }
0xea: {  	[hbm4b:s8+s2] =	stream.indirect_vreg.scatter [tilespmem:s28], [sflag:$0x1], $0x80, v3, vm0, $0xb8;
	[tilespmem:$0x8800] =	vst v63  }
0xeb: {  	_ = 	snop  }
0xec: {  	[hbm4b:s9+s2] =	stream.indirect_vreg.scatter [tilespmem:s29], [sflag:$0x1], $0x80, v3, vm0, $0xb8;
	[tilespmem:$0x8800] =	vst v63  }
0xed: {  	_ = 	snop  }
0xee: {  	[hbm4b:s10+s2] =	stream.indirect_vreg.scatter [tilespmem:s30], [sflag:$0x1], $0x80, v3, vm0, $0xb8;
	[tilespmem:$0x8800] =	vst v63  }
0xef: {  	_ = 	snop  }
0xf0: {  	[hbm4b:s11+s2] =	stream.indirect_vreg.scatter [tilespmem:s31], [sflag:$0x1], $0x80, v3, vm0, $0xb8;
	[tilespmem:$0x8800] =	vst v63  }
0xf1: {  	v3 =	vld [tilespmem:$0x8500];
	_ =	sdelay $0x4  }
0xf2: {  	v53 =	vshll.u32 v3, $0x4  }
0xf3: {  	v3 =	vand.u32 $0x7, v3;
	v4 =	vand.u32 $0xFFFFFF80, v53  }
0xf4: {  	v3 =	vor.u32 v3, v4  }
0xf5: {  	v4 =	vperm.xlane v3, v0;
	_ =	sdelay $0x1  }
0xf6: {  	v4 =	vadd.s32 v1, v4;
	_ =	sdelay $0x4  }
0xf7: {  	[hbm4b:s3+s2] =	stream.indirect_vreg.scatter [tilespmem:s2], [sflag:$0x1], $0x80, v4, vm0, $0xb8;
	[tilespmem:$0x8800] =	vst v63  }
0xf8: {  	_ = 	snop  }
0xf9: {  	[hbm4b:s5+s2] =	stream.indirect_vreg.scatter [tilespmem:s16], [sflag:$0x1], $0x80, v4, vm0, $0xb8;
	[tilespmem:$0x8800] =	vst v63  }
0xfa: {  	_ = 	snop  }
0xfb: {  	[hbm4b:s6+s2] =	stream.indirect_vreg.scatter [tilespmem:s17], [sflag:$0x1], $0x80, v4, vm0, $0xb8;
	[tilespmem:$0x8800] =	vst v63  }
0xfc: {  	_ = 	snop  }
0xfd: {  	[hbm4b:s7+s2] =	stream.indirect_vreg.scatter [tilespmem:s18], [sflag:$0x1], $0x80, v4, vm0, $0xb8;
	[tilespmem:$0x8800] =	vst v63  }
0xfe: {  	_ = 	snop  }
0xff: {  	[hbm4b:s8+s2] =	stream.indirect_vreg.scatter [tilespmem:s19], [sflag:$0x1], $0x80, v4, vm0, $0xb8;
	[tilespmem:$0x8800] =	vst v63  }
0x100: {  	v3 =	vperm.xlane v3, v2  }
0x101: {  	[hbm4b:s9+s2] =	stream.indirect_vreg.scatter [tilespmem:s20], [sflag:$0x1], $0x80, v4, vm0, $0xb8;
	[tilespmem:$0x8800] =	vst v63  }
0x102: {  	v3 =	vadd.s32 v1, v3  }
0x103: {  	[hbm4b:s10+s2] =	stream.indirect_vreg.scatter [tilespmem:s21], [sflag:$0x1], $0x80, v4, vm0, $0xb8;
	[tilespmem:$0x8800] =	vst v63  }
0x104: {  	_ = 	snop  }
0x105: {  	[hbm4b:s11+s2] =	stream.indirect_vreg.scatter [tilespmem:s22], [sflag:$0x1], $0x80, v4, vm0, $0xb8;
	[tilespmem:$0x8800] =	vst v63  }
0x106: {  	_ = 	snop  }
0x107: {  	[hbm4b:s3+s2] =	stream.indirect_vreg.scatter [tilespmem:s23], [sflag:$0x1], $0x80, v3, vm0, $0xb8;
	[tilespmem:$0x8800] =	vst v63  }
0x108: {  	_ = 	snop  }
0x109: {  	[hbm4b:s5+s2] =	stream.indirect_vreg.scatter [tilespmem:s24], [sflag:$0x1], $0x80, v3, vm0, $0xb8;
	[tilespmem:$0x8800] =	vst v63  }
0x10a: {  	_ = 	snop  }
0x10b: {  	[hbm4b:s6+s2] =	stream.indirect_vreg.scatter [tilespmem:s25], [sflag:$0x1], $0x80, v3, vm0, $0xb8;
	[tilespmem:$0x8800] =	vst v63  }
0x10c: {  	_ = 	snop  }
0x10d: {  	[hbm4b:s7+s2] =	stream.indirect_vreg.scatter [tilespmem:s26], [sflag:$0x1], $0x80, v3, vm0, $0xb8;
	[tilespmem:$0x8800] =	vst v63  }
0x10e: {  	_ = 	snop  }
0x10f: {  	[hbm4b:s8+s2] =	stream.indirect_vreg.scatter [tilespmem:s28], [sflag:$0x1], $0x80, v3, vm0, $0xb8;
	[tilespmem:$0x8800] =	vst v63  }
0x110: {  	_ = 	snop  }
0x111: {  	[hbm4b:s9+s2] =	stream.indirect_vreg.scatter [tilespmem:s29], [sflag:$0x1], $0x80, v3, vm0, $0xb8;
	[tilespmem:$0x8800] =	vst v63  }
0x112: {  	_ = 	snop  }
0x113: {  	[hbm4b:s10+s2] =	stream.indirect_vreg.scatter [tilespmem:s30], [sflag:$0x1], $0x80, v3, vm0, $0xb8;
	[tilespmem:$0x8800] =	vst v63  }
0x114: {  	_ = 	snop  }
0x115: {  	[hbm4b:s11+s2] =	stream.indirect_vreg.scatter [tilespmem:s31], [sflag:$0x1], $0x80, v3, vm0, $0xb8;
	[tilespmem:$0x8800] =	vst v63  }
0x116: {  	_ =	swait.ge [sflag:s0], $0x8000  }
0x117: {  	[sflag:s0] =	ssyncset.done $0x0  }
0x118: {  	[sflag:s0] =	ssyncadd.s32 $0xFFFF8000  }
0x119: {  	_ =	swait.ge [sflag:s0], $0x8000  }
0x11a: {  	[sflag:s0] =	ssyncset.done $0x0  }
0x11b: {  	s1 =	rddreg [dreg:$0x7];
	[sflag:s0] =	ssyncadd.s32 $0xFFFF8000  }
0x11c: {  	[tilespmem:s2], [sflag:$0x2] =	stream.linear.gather [hbm4b:s1+s2], $0x8000, $0x38;
	[tilespmem:$0x8800] =	vst v63  }
0x11d: {  	_ =	swait.ge [sflag:s14], $0x8000  }
0x11e: {  	[sflag:s14] =	ssyncset.done $0x0  }
0x11f: {  	[sflag:s14] =	ssyncadd.s32 $0xFFFF8000  }
0x120: {  	v3 =	vld [tilespmem:$0x8180];
	_ =	sdelay $0x4  }
0x121: {  	v54 =	vshll.u32 v3, $0x4  }
0x122: {  	v3 =	vand.u32 $0x7, v3;
	v4 =	vand.u32 $0xFFFFFF80, v54  }
0x123: {  	v3 =	vor.u32 v3, v4  }
0x124: {  	v4 =	vperm.xlane v3, v0;
	_ =	sdelay $0x1  }
0x125: {  	v4 =	vadd.s32 v1, v4;
	_ =	sdelay $0x4  }
0x126: {  	[hbm4b:s3+s2] =	stream.indirect_vreg.scatter [tilespmem:s2], [sflag:$0x1], $0x80, v4, vm0, $0xb8;
	[tilespmem:$0x8800] =	vst v63  }
0x127: {  	_ = 	snop  }
0x128: {  	[hbm4b:s5+s2] =	stream.indirect_vreg.scatter [tilespmem:s16], [sflag:$0x1], $0x80, v4, vm0, $0xb8;
	[tilespmem:$0x8800] =	vst v63  }
0x129: {  	_ = 	snop  }
0x12a: {  	[hbm4b:s6+s2] =	stream.indirect_vreg.scatter [tilespmem:s17], [sflag:$0x1], $0x80, v4, vm0, $0xb8;
	[tilespmem:$0x8800] =	vst v63  }
0x12b: {  	_ = 	snop  }
0x12c: {  	[hbm4b:s7+s2] =	stream.indirect_vreg.scatter [tilespmem:s18], [sflag:$0x1], $0x80, v4, vm0, $0xb8;
	[tilespmem:$0x8800] =	vst v63  }
0x12d: {  	_ = 	snop  }
0x12e: {  	[hbm4b:s8+s2] =	stream.indirect_vreg.scatter [tilespmem:s19], [sflag:$0x1], $0x80, v4, vm0, $0xb8;
	[tilespmem:$0x8800] =	vst v63  }
0x12f: {  	v3 =	vperm.xlane v3, v2  }
0x130: {  	[hbm4b:s9+s2] =	stream.indirect_vreg.scatter [tilespmem:s20], [sflag:$0x1], $0x80, v4, vm0, $0xb8;
	[tilespmem:$0x8800] =	vst v63  }
0x131: {  	v3 =	vadd.s32 v1, v3  }
0x132: {  	[hbm4b:s10+s2] =	stream.indirect_vreg.scatter [tilespmem:s21], [sflag:$0x1], $0x80, v4, vm0, $0xb8;
	[tilespmem:$0x8800] =	vst v63  }
0x133: {  	_ = 	snop  }
0x134: {  	[hbm4b:s11+s2] =	stream.indirect_vreg.scatter [tilespmem:s22], [sflag:$0x1], $0x80, v4, vm0, $0xb8;
	[tilespmem:$0x8800] =	vst v63  }
0x135: {  	_ = 	snop  }
0x136: {  	[hbm4b:s3+s2] =	stream.indirect_vreg.scatter [tilespmem:s23], [sflag:$0x1], $0x80, v3, vm0, $0xb8;
	[tilespmem:$0x8800] =	vst v63  }
0x137: {  	_ = 	snop  }
0x138: {  	[hbm4b:s5+s2] =	stream.indirect_vreg.scatter [tilespmem:s24], [sflag:$0x1], $0x80, v3, vm0, $0xb8;
	[tilespmem:$0x8800] =	vst v63  }
0x139: {  	_ = 	snop  }
0x13a: {  	[hbm4b:s6+s2] =	stream.indirect_vreg.scatter [tilespmem:s25], [sflag:$0x1], $0x80, v3, vm0, $0xb8;
	[tilespmem:$0x8800] =	vst v63  }
0x13b: {  	_ = 	snop  }
0x13c: {  	[hbm4b:s7+s2] =	stream.indirect_vreg.scatter [tilespmem:s26], [sflag:$0x1], $0x80, v3, vm0, $0xb8;
	[tilespmem:$0x8800] =	vst v63  }
0x13d: {  	_ = 	snop  }
0x13e: {  	[hbm4b:s8+s2] =	stream.indirect_vreg.scatter [tilespmem:s28], [sflag:$0x1], $0x80, v3, vm0, $0xb8;
	[tilespmem:$0x8800] =	vst v63  }
0x13f: {  	_ = 	snop  }
0x140: {  	[hbm4b:s9+s2] =	stream.indirect_vreg.scatter [tilespmem:s29], [sflag:$0x1], $0x80, v3, vm0, $0xb8;
	[tilespmem:$0x8800] =	vst v63  }
0x141: {  	_ = 	snop  }
0x142: {  	[hbm4b:s10+s2] =	stream.indirect_vreg.scatter [tilespmem:s30], [sflag:$0x1], $0x80, v3, vm0, $0xb8;
	[tilespmem:$0x8800] =	vst v63  }
0x143: {  	_ = 	snop  }
0x144: {  	[hbm4b:s11+s2] =	stream.indirect_vreg.scatter [tilespmem:s31], [sflag:$0x1], $0x80, v3, vm0, $0xb8;
	[tilespmem:$0x8800] =	vst v63  }
0x145: {  	v3 =	vld [tilespmem:$0x8580];
	_ =	sdelay $0x4  }
0x146: {  	v55 =	vshll.u32 v3, $0x4  }
0x147: {  	v3 =	vand.u32 $0x7, v3;
	v4 =	vand.u32 $0xFFFFFF80, v55  }
0x148: {  	v3 =	vor.u32 v3, v4  }
0x149: {  	v4 =	vperm.xlane v3, v0;
	_ =	sdelay $0x1  }
0x14a: {  	v4 =	vadd.s32 v1, v4;
	_ =	sdelay $0x4  }
0x14b: {  	[hbm4b:s3+s2] =	stream.indirect_vreg.scatter [tilespmem:s2], [sflag:$0x1], $0x80, v4, vm0, $0xb8;
	[tilespmem:$0x8800] =	vst v63  }
0x14c: {  	_ = 	snop  }
0x14d: {  	[hbm4b:s5+s2] =	stream.indirect_vreg.scatter [tilespmem:s16], [sflag:$0x1], $0x80, v4, vm0, $0xb8;
	[tilespmem:$0x8800] =	vst v63  }
0x14e: {  	_ = 	snop  }
0x14f: {  	[hbm4b:s6+s2] =	stream.indirect_vreg.scatter [tilespmem:s17], [sflag:$0x1], $0x80, v4, vm0, $0xb8;
	[tilespmem:$0x8800] =	vst v63  }
0x150: {  	_ = 	snop  }
0x151: {  	[hbm4b:s7+s2] =	stream.indirect_vreg.scatter [tilespmem:s18], [sflag:$0x1], $0x80, v4, vm0, $0xb8;
	[tilespmem:$0x8800] =	vst v63  }
0x152: {  	_ = 	snop  }
0x153: {  	[hbm4b:s8+s2] =	stream.indirect_vreg.scatter [tilespmem:s19], [sflag:$0x1], $0x80, v4, vm0, $0xb8;
	[tilespmem:$0x8800] =	vst v63  }
0x154: {  	v3 =	vperm.xlane v3, v2  }
0x155: {  	[hbm4b:s9+s2] =	stream.indirect_vreg.scatter [tilespmem:s20], [sflag:$0x1], $0x80, v4, vm0, $0xb8;
	[tilespmem:$0x8800] =	vst v63  }
0x156: {  	v3 =	vadd.s32 v1, v3  }
0x157: {  	[hbm4b:s10+s2] =	stream.indirect_vreg.scatter [tilespmem:s21], [sflag:$0x1], $0x80, v4, vm0, $0xb8;
	[tilespmem:$0x8800] =	vst v63  }
0x158: {  	_ = 	snop  }
0x159: {  	[hbm4b:s11+s2] =	stream.indirect_vreg.scatter [tilespmem:s22], [sflag:$0x1], $0x80, v4, vm0, $0xb8;
	[tilespmem:$0x8800] =	vst v63  }
0x15a: {  	_ = 	snop  }
0x15b: {  	[hbm4b:s3+s2] =	stream.indirect_vreg.scatter [tilespmem:s23], [sflag:$0x1], $0x80, v3, vm0, $0xb8;
	[tilespmem:$0x8800] =	vst v63  }
0x15c: {  	_ = 	snop  }
0x15d: {  	[hbm4b:s5+s2] =	stream.indirect_vreg.scatter [tilespmem:s24], [sflag:$0x1], $0x80, v3, vm0, $0xb8;
	[tilespmem:$0x8800] =	vst v63  }
0x15e: {  	_ = 	snop  }
0x15f: {  	[hbm4b:s6+s2] =	stream.indirect_vreg.scatter [tilespmem:s25], [sflag:$0x1], $0x80, v3, vm0, $0xb8;
	[tilespmem:$0x8800] =	vst v63  }
0x160: {  	_ = 	snop  }
0x161: {  	[hbm4b:s7+s2] =	stream.indirect_vreg.scatter [tilespmem:s26], [sflag:$0x1], $0x80, v3, vm0, $0xb8;
	[tilespmem:$0x8800] =	vst v63  }
0x162: {  	_ = 	snop  }
0x163: {  	[hbm4b:s8+s2] =	stream.indirect_vreg.scatter [tilespmem:s28], [sflag:$0x1], $0x80, v3, vm0, $0xb8;
	[tilespmem:$0x8800] =	vst v63  }
0x164: {  	_ = 	snop  }
0x165: {  	[hbm4b:s9+s2] =	stream.indirect_vreg.scatter [tilespmem:s29], [sflag:$0x1], $0x80, v3, vm0, $0xb8;
	[tilespmem:$0x8800] =	vst v63  }
0x166: {  	_ = 	snop  }
0x167: {  	[hbm4b:s10+s2] =	stream.indirect_vreg.scatter [tilespmem:s30], [sflag:$0x1], $0x80, v3, vm0, $0xb8;
	[tilespmem:$0x8800] =	vst v63  }
0x168: {  	_ = 	snop  }
0x169: {  	[hbm4b:s11+s2] =	stream.indirect_vreg.scatter [tilespmem:s31], [sflag:$0x1], $0x80, v3, vm0, $0xb8;
	[tilespmem:$0x8800] =	vst v63  }
0x16a: {  	_ =	swait.ge [sflag:s0], $0x8000  }
0x16b: {  	[sflag:s0] =	ssyncset.done $0x0  }
0x16c: {  	[sflag:s0] =	ssyncadd.s32 $0xFFFF8000  }
0x16d: {  	_ =	swait.ge [sflag:s0], $0x8000  }
0x16e: {  	[sflag:s0] =	ssyncset.done $0x0  }
0x16f: {  	s1 =	rddreg [dreg:$0x8];
	[sflag:s0] =	ssyncadd.s32 $0xFFFF8000  }
0x170: {  	[tilespmem:s2], [sflag:$0x2] =	stream.linear.gather [hbm4b:s1+s2], $0x8000, $0x38;
	[tilespmem:$0x8800] =	vst v63  }
0x171: {  	_ =	swait.ge [sflag:s14], $0x8000  }
0x172: {  	[sflag:s14] =	ssyncset.done $0x0  }
0x173: {  	[sflag:s14] =	ssyncadd.s32 $0xFFFF8000  }
0x174: {  	v3 =	vld [tilespmem:$0x8200];
	_ =	sdelay $0x4  }
0x175: {  	v56 =	vshll.u32 v3, $0x4  }
0x176: {  	v3 =	vand.u32 $0x7, v3;
	v4 =	vand.u32 $0xFFFFFF80, v56  }
0x177: {  	v3 =	vor.u32 v3, v4  }
0x178: {  	v4 =	vperm.xlane v3, v0;
	_ =	sdelay $0x1  }
0x179: {  	v4 =	vadd.s32 v1, v4;
	_ =	sdelay $0x4  }
0x17a: {  	[hbm4b:s3+s2] =	stream.indirect_vreg.scatter [tilespmem:s2], [sflag:$0x1], $0x80, v4, vm0, $0xb8;
	[tilespmem:$0x8800] =	vst v63  }
0x17b: {  	_ = 	snop  }
0x17c: {  	[hbm4b:s5+s2] =	stream.indirect_vreg.scatter [tilespmem:s16], [sflag:$0x1], $0x80, v4, vm0, $0xb8;
	[tilespmem:$0x8800] =	vst v63  }
0x17d: {  	_ = 	snop  }
0x17e: {  	[hbm4b:s6+s2] =	stream.indirect_vreg.scatter [tilespmem:s17], [sflag:$0x1], $0x80, v4, vm0, $0xb8;
	[tilespmem:$0x8800] =	vst v63  }
0x17f: {  	_ = 	snop  }
0x180: {  	[hbm4b:s7+s2] =	stream.indirect_vreg.scatter [tilespmem:s18], [sflag:$0x1], $0x80, v4, vm0, $0xb8;
	[tilespmem:$0x8800] =	vst v63  }
0x181: {  	_ = 	snop  }
0x182: {  	[hbm4b:s8+s2] =	stream.indirect_vreg.scatter [tilespmem:s19], [sflag:$0x1], $0x80, v4, vm0, $0xb8;
	[tilespmem:$0x8800] =	vst v63  }
0x183: {  	v3 =	vperm.xlane v3, v2  }
0x184: {  	[hbm4b:s9+s2] =	stream.indirect_vreg.scatter [tilespmem:s20], [sflag:$0x1], $0x80, v4, vm0, $0xb8;
	[tilespmem:$0x8800] =	vst v63  }
0x185: {  	v3 =	vadd.s32 v1, v3  }
0x186: {  	[hbm4b:s10+s2] =	stream.indirect_vreg.scatter [tilespmem:s21], [sflag:$0x1], $0x80, v4, vm0, $0xb8;
	[tilespmem:$0x8800] =	vst v63  }
0x187: {  	_ = 	snop  }
0x188: {  	[hbm4b:s11+s2] =	stream.indirect_vreg.scatter [tilespmem:s22], [sflag:$0x1], $0x80, v4, vm0, $0xb8;
	[tilespmem:$0x8800] =	vst v63  }
0x189: {  	_ = 	snop  }
0x18a: {  	[hbm4b:s3+s2] =	stream.indirect_vreg.scatter [tilespmem:s23], [sflag:$0x1], $0x80, v3, vm0, $0xb8;
	[tilespmem:$0x8800] =	vst v63  }
0x18b: {  	_ = 	snop  }
0x18c: {  	[hbm4b:s5+s2] =	stream.indirect_vreg.scatter [tilespmem:s24], [sflag:$0x1], $0x80, v3, vm0, $0xb8;
	[tilespmem:$0x8800] =	vst v63  }
0x18d: {  	_ = 	snop  }
0x18e: {  	[hbm4b:s6+s2] =	stream.indirect_vreg.scatter [tilespmem:s25], [sflag:$0x1], $0x80, v3, vm0, $0xb8;
	[tilespmem:$0x8800] =	vst v63  }
0x18f: {  	_ = 	snop  }
0x190: {  	[hbm4b:s7+s2] =	stream.indirect_vreg.scatter [tilespmem:s26], [sflag:$0x1], $0x80, v3, vm0, $0xb8;
	[tilespmem:$0x8800] =	vst v63  }
0x191: {  	_ = 	snop  }
0x192: {  	[hbm4b:s8+s2] =	stream.indirect_vreg.scatter [tilespmem:s28], [sflag:$0x1], $0x80, v3, vm0, $0xb8;
	[tilespmem:$0x8800] =	vst v63  }
0x193: {  	_ = 	snop  }
0x194: {  	[hbm4b:s9+s2] =	stream.indirect_vreg.scatter [tilespmem:s29], [sflag:$0x1], $0x80, v3, vm0, $0xb8;
	[tilespmem:$0x8800] =	vst v63  }
0x195: {  	_ = 	snop  }
0x196: {  	[hbm4b:s10+s2] =	stream.indirect_vreg.scatter [tilespmem:s30], [sflag:$0x1], $0x80, v3, vm0, $0xb8;
	[tilespmem:$0x8800] =	vst v63  }
0x197: {  	_ = 	snop  }
0x198: {  	[hbm4b:s11+s2] =	stream.indirect_vreg.scatter [tilespmem:s31], [sflag:$0x1], $0x80, v3, vm0, $0xb8;
	[tilespmem:$0x8800] =	vst v63  }
0x199: {  	v3 =	vld [tilespmem:$0x8600];
	_ =	sdelay $0x4  }
0x19a: {  	v57 =	vshll.u32 v3, $0x4  }
0x19b: {  	v3 =	vand.u32 $0x7, v3;
	v4 =	vand.u32 $0xFFFFFF80, v57  }
0x19c: {  	v3 =	vor.u32 v3, v4  }
0x19d: {  	v4 =	vperm.xlane v3, v0;
	_ =	sdelay $0x1  }
0x19e: {  	v4 =	vadd.s32 v1, v4;
	_ =	sdelay $0x4  }
0x19f: {  	[hbm4b:s3+s2] =	stream.indirect_vreg.scatter [tilespmem:s2], [sflag:$0x1], $0x80, v4, vm0, $0xb8;
	[tilespmem:$0x8800] =	vst v63  }
0x1a0: {  	_ = 	snop  }
0x1a1: {  	[hbm4b:s5+s2] =	stream.indirect_vreg.scatter [tilespmem:s16], [sflag:$0x1], $0x80, v4, vm0, $0xb8;
	[tilespmem:$0x8800] =	vst v63  }
0x1a2: {  	_ = 	snop  }
0x1a3: {  	[hbm4b:s6+s2] =	stream.indirect_vreg.scatter [tilespmem:s17], [sflag:$0x1], $0x80, v4, vm0, $0xb8;
	[tilespmem:$0x8800] =	vst v63  }
0x1a4: {  	_ = 	snop  }
0x1a5: {  	[hbm4b:s7+s2] =	stream.indirect_vreg.scatter [tilespmem:s18], [sflag:$0x1], $0x80, v4, vm0, $0xb8;
	[tilespmem:$0x8800] =	vst v63  }
0x1a6: {  	_ = 	snop  }
0x1a7: {  	[hbm4b:s8+s2] =	stream.indirect_vreg.scatter [tilespmem:s19], [sflag:$0x1], $0x80, v4, vm0, $0xb8;
	[tilespmem:$0x8800] =	vst v63  }
0x1a8: {  	v3 =	vperm.xlane v3, v2  }
0x1a9: {  	[hbm4b:s9+s2] =	stream.indirect_vreg.scatter [tilespmem:s20], [sflag:$0x1], $0x80, v4, vm0, $0xb8;
	[tilespmem:$0x8800] =	vst v63  }
0x1aa: {  	v3 =	vadd.s32 v1, v3  }
0x1ab: {  	[hbm4b:s10+s2] =	stream.indirect_vreg.scatter [tilespmem:s21], [sflag:$0x1], $0x80, v4, vm0, $0xb8;
	[tilespmem:$0x8800] =	vst v63  }
0x1ac: {  	_ = 	snop  }
0x1ad: {  	[hbm4b:s11+s2] =	stream.indirect_vreg.scatter [tilespmem:s22], [sflag:$0x1], $0x80, v4, vm0, $0xb8;
	[tilespmem:$0x8800] =	vst v63  }
0x1ae: {  	_ = 	snop  }
0x1af: {  	[hbm4b:s3+s2] =	stream.indirect_vreg.scatter [tilespmem:s23], [sflag:$0x1], $0x80, v3, vm0, $0xb8;
	[tilespmem:$0x8800] =	vst v63  }
0x1b0: {  	_ = 	snop  }
0x1b1: {  	[hbm4b:s5+s2] =	stream.indirect_vreg.scatter [tilespmem:s24], [sflag:$0x1], $0x80, v3, vm0, $0xb8;
	[tilespmem:$0x8800] =	vst v63  }
0x1b2: {  	_ = 	snop  }
0x1b3: {  	[hbm4b:s6+s2] =	stream.indirect_vreg.scatter [tilespmem:s25], [sflag:$0x1], $0x80, v3, vm0, $0xb8;
	[tilespmem:$0x8800] =	vst v63  }
0x1b4: {  	_ = 	snop  }
0x1b5: {  	[hbm4b:s7+s2] =	stream.indirect_vreg.scatter [tilespmem:s26], [sflag:$0x1], $0x80, v3, vm0, $0xb8;
	[tilespmem:$0x8800] =	vst v63  }
0x1b6: {  	_ = 	snop  }
0x1b7: {  	[hbm4b:s8+s2] =	stream.indirect_vreg.scatter [tilespmem:s28], [sflag:$0x1], $0x80, v3, vm0, $0xb8;
	[tilespmem:$0x8800] =	vst v63  }
0x1b8: {  	_ = 	snop  }
0x1b9: {  	[hbm4b:s9+s2] =	stream.indirect_vreg.scatter [tilespmem:s29], [sflag:$0x1], $0x80, v3, vm0, $0xb8;
	[tilespmem:$0x8800] =	vst v63  }
0x1ba: {  	_ = 	snop  }
0x1bb: {  	[hbm4b:s10+s2] =	stream.indirect_vreg.scatter [tilespmem:s30], [sflag:$0x1], $0x80, v3, vm0, $0xb8;
	[tilespmem:$0x8800] =	vst v63  }
0x1bc: {  	_ = 	snop  }
0x1bd: {  	[hbm4b:s11+s2] =	stream.indirect_vreg.scatter [tilespmem:s31], [sflag:$0x1], $0x80, v3, vm0, $0xb8;
	[tilespmem:$0x8800] =	vst v63  }
0x1be: {  	_ =	swait.ge [sflag:s0], $0x8000  }
0x1bf: {  	[sflag:s0] =	ssyncset.done $0x0  }
0x1c0: {  	[sflag:s0] =	ssyncadd.s32 $0xFFFF8000  }
0x1c1: {  	_ =	swait.ge [sflag:s0], $0x8000  }
0x1c2: {  	[sflag:s0] =	ssyncset.done $0x0  }
0x1c3: {  	s1 =	rddreg [dreg:$0x9];
	[sflag:s0] =	ssyncadd.s32 $0xFFFF8000  }
0x1c4: {  	[tilespmem:s2], [sflag:$0x2] =	stream.linear.gather [hbm4b:s1+s2], $0x8000, $0x38;
	[tilespmem:$0x8800] =	vst v63  }
0x1c5: {  	_ =	swait.ge [sflag:s14], $0x8000  }
0x1c6: {  	[sflag:s14] =	ssyncset.done $0x0  }
0x1c7: {  	[sflag:s14] =	ssyncadd.s32 $0xFFFF8000  }
0x1c8: {  	v3 =	vld [tilespmem:$0x8280];
	_ =	sdelay $0x4  }
0x1c9: {  	v58 =	vshll.u32 v3, $0x4  }
0x1ca: {  	v3 =	vand.u32 $0x7, v3;
	v4 =	vand.u32 $0xFFFFFF80, v58  }
0x1cb: {  	v3 =	vor.u32 v3, v4  }
0x1cc: {  	v4 =	vperm.xlane v3, v0;
	_ =	sdelay $0x1  }
0x1cd: {  	v4 =	vadd.s32 v1, v4;
	_ =	sdelay $0x4  }
0x1ce: {  	[hbm4b:s3+s2] =	stream.indirect_vreg.scatter [tilespmem:s2], [sflag:$0x1], $0x80, v4, vm0, $0xb8;
	[tilespmem:$0x8800] =	vst v63  }
0x1cf: {  	_ = 	snop  }
0x1d0: {  	[hbm4b:s5+s2] =	stream.indirect_vreg.scatter [tilespmem:s16], [sflag:$0x1], $0x80, v4, vm0, $0xb8;
	[tilespmem:$0x8800] =	vst v63  }
0x1d1: {  	_ = 	snop  }
0x1d2: {  	[hbm4b:s6+s2] =	stream.indirect_vreg.scatter [tilespmem:s17], [sflag:$0x1], $0x80, v4, vm0, $0xb8;
	[tilespmem:$0x8800] =	vst v63  }
0x1d3: {  	_ = 	snop  }
0x1d4: {  	[hbm4b:s7+s2] =	stream.indirect_vreg.scatter [tilespmem:s18], [sflag:$0x1], $0x80, v4, vm0, $0xb8;
	[tilespmem:$0x8800] =	vst v63  }
0x1d5: {  	_ = 	snop  }
0x1d6: {  	[hbm4b:s8+s2] =	stream.indirect_vreg.scatter [tilespmem:s19], [sflag:$0x1], $0x80, v4, vm0, $0xb8;
	[tilespmem:$0x8800] =	vst v63  }
0x1d7: {  	v3 =	vperm.xlane v3, v2  }
0x1d8: {  	[hbm4b:s9+s2] =	stream.indirect_vreg.scatter [tilespmem:s20], [sflag:$0x1], $0x80, v4, vm0, $0xb8;
	[tilespmem:$0x8800] =	vst v63  }
0x1d9: {  	v3 =	vadd.s32 v1, v3  }
0x1da: {  	[hbm4b:s10+s2] =	stream.indirect_vreg.scatter [tilespmem:s21], [sflag:$0x1], $0x80, v4, vm0, $0xb8;
	[tilespmem:$0x8800] =	vst v63  }
0x1db: {  	_ = 	snop  }
0x1dc: {  	[hbm4b:s11+s2] =	stream.indirect_vreg.scatter [tilespmem:s22], [sflag:$0x1], $0x80, v4, vm0, $0xb8;
	[tilespmem:$0x8800] =	vst v63  }
0x1dd: {  	_ = 	snop  }
0x1de: {  	[hbm4b:s3+s2] =	stream.indirect_vreg.scatter [tilespmem:s23], [sflag:$0x1], $0x80, v3, vm0, $0xb8;
	[tilespmem:$0x8800] =	vst v63  }
0x1df: {  	_ = 	snop  }
0x1e0: {  	[hbm4b:s5+s2] =	stream.indirect_vreg.scatter [tilespmem:s24], [sflag:$0x1], $0x80, v3, vm0, $0xb8;
	[tilespmem:$0x8800] =	vst v63  }
0x1e1: {  	_ = 	snop  }
0x1e2: {  	[hbm4b:s6+s2] =	stream.indirect_vreg.scatter [tilespmem:s25], [sflag:$0x1], $0x80, v3, vm0, $0xb8;
	[tilespmem:$0x8800] =	vst v63  }
0x1e3: {  	_ = 	snop  }
0x1e4: {  	[hbm4b:s7+s2] =	stream.indirect_vreg.scatter [tilespmem:s26], [sflag:$0x1], $0x80, v3, vm0, $0xb8;
	[tilespmem:$0x8800] =	vst v63  }
0x1e5: {  	_ = 	snop  }
0x1e6: {  	[hbm4b:s8+s2] =	stream.indirect_vreg.scatter [tilespmem:s28], [sflag:$0x1], $0x80, v3, vm0, $0xb8;
	[tilespmem:$0x8800] =	vst v63  }
0x1e7: {  	_ = 	snop  }
0x1e8: {  	[hbm4b:s9+s2] =	stream.indirect_vreg.scatter [tilespmem:s29], [sflag:$0x1], $0x80, v3, vm0, $0xb8;
	[tilespmem:$0x8800] =	vst v63  }
0x1e9: {  	_ = 	snop  }
0x1ea: {  	[hbm4b:s10+s2] =	stream.indirect_vreg.scatter [tilespmem:s30], [sflag:$0x1], $0x80, v3, vm0, $0xb8;
	[tilespmem:$0x8800] =	vst v63  }
0x1eb: {  	_ = 	snop  }
0x1ec: {  	[hbm4b:s11+s2] =	stream.indirect_vreg.scatter [tilespmem:s31], [sflag:$0x1], $0x80, v3, vm0, $0xb8;
	[tilespmem:$0x8800] =	vst v63  }
0x1ed: {  	v3 =	vld [tilespmem:$0x8680];
	_ =	sdelay $0x4  }
0x1ee: {  	v59 =	vshll.u32 v3, $0x4  }
0x1ef: {  	v3 =	vand.u32 $0x7, v3;
	v4 =	vand.u32 $0xFFFFFF80, v59  }
0x1f0: {  	v3 =	vor.u32 v3, v4  }
0x1f1: {  	v4 =	vperm.xlane v3, v0;
	_ =	sdelay $0x1  }
0x1f2: {  	v4 =	vadd.s32 v1, v4;
	_ =	sdelay $0x4  }
0x1f3: {  	[hbm4b:s3+s2] =	stream.indirect_vreg.scatter [tilespmem:s2], [sflag:$0x1], $0x80, v4, vm0, $0xb8;
	[tilespmem:$0x8800] =	vst v63  }
0x1f4: {  	_ = 	snop  }
0x1f5: {  	[hbm4b:s5+s2] =	stream.indirect_vreg.scatter [tilespmem:s16], [sflag:$0x1], $0x80, v4, vm0, $0xb8;
	[tilespmem:$0x8800] =	vst v63  }
0x1f6: {  	_ = 	snop  }
0x1f7: {  	[hbm4b:s6+s2] =	stream.indirect_vreg.scatter [tilespmem:s17], [sflag:$0x1], $0x80, v4, vm0, $0xb8;
	[tilespmem:$0x8800] =	vst v63  }
0x1f8: {  	_ = 	snop  }
0x1f9: {  	[hbm4b:s7+s2] =	stream.indirect_vreg.scatter [tilespmem:s18], [sflag:$0x1], $0x80, v4, vm0, $0xb8;
	[tilespmem:$0x8800] =	vst v63  }
0x1fa: {  	_ = 	snop  }
0x1fb: {  	[hbm4b:s8+s2] =	stream.indirect_vreg.scatter [tilespmem:s19], [sflag:$0x1], $0x80, v4, vm0, $0xb8;
	[tilespmem:$0x8800] =	vst v63  }
0x1fc: {  	v3 =	vperm.xlane v3, v2  }
0x1fd: {  	[hbm4b:s9+s2] =	stream.indirect_vreg.scatter [tilespmem:s20], [sflag:$0x1], $0x80, v4, vm0, $0xb8;
	[tilespmem:$0x8800] =	vst v63  }
0x1fe: {  	v3 =	vadd.s32 v1, v3  }
0x1ff: {  	[hbm4b:s10+s2] =	stream.indirect_vreg.scatter [tilespmem:s21], [sflag:$0x1], $0x80, v4, vm0, $0xb8;
	[tilespmem:$0x8800] =	vst v63  }
0x200: {  	_ = 	snop  }
0x201: {  	[hbm4b:s11+s2] =	stream.indirect_vreg.scatter [tilespmem:s22], [sflag:$0x1], $0x80, v4, vm0, $0xb8;
	[tilespmem:$0x8800] =	vst v63  }
0x202: {  	_ = 	snop  }
0x203: {  	[hbm4b:s3+s2] =	stream.indirect_vreg.scatter [tilespmem:s23], [sflag:$0x1], $0x80, v3, vm0, $0xb8;
	[tilespmem:$0x8800] =	vst v63  }
0x204: {  	_ = 	snop  }
0x205: {  	[hbm4b:s5+s2] =	stream.indirect_vreg.scatter [tilespmem:s24], [sflag:$0x1], $0x80, v3, vm0, $0xb8;
	[tilespmem:$0x8800] =	vst v63  }
0x206: {  	_ = 	snop  }
0x207: {  	[hbm4b:s6+s2] =	stream.indirect_vreg.scatter [tilespmem:s25], [sflag:$0x1], $0x80, v3, vm0, $0xb8;
	[tilespmem:$0x8800] =	vst v63  }
0x208: {  	_ = 	snop  }
0x209: {  	[hbm4b:s7+s2] =	stream.indirect_vreg.scatter [tilespmem:s26], [sflag:$0x1], $0x80, v3, vm0, $0xb8;
	[tilespmem:$0x8800] =	vst v63  }
0x20a: {  	_ = 	snop  }
0x20b: {  	[hbm4b:s8+s2] =	stream.indirect_vreg.scatter [tilespmem:s28], [sflag:$0x1], $0x80, v3, vm0, $0xb8;
	[tilespmem:$0x8800] =	vst v63  }
0x20c: {  	_ = 	snop  }
0x20d: {  	[hbm4b:s9+s2] =	stream.indirect_vreg.scatter [tilespmem:s29], [sflag:$0x1], $0x80, v3, vm0, $0xb8;
	[tilespmem:$0x8800] =	vst v63  }
0x20e: {  	_ = 	snop  }
0x20f: {  	[hbm4b:s10+s2] =	stream.indirect_vreg.scatter [tilespmem:s30], [sflag:$0x1], $0x80, v3, vm0, $0xb8;
	[tilespmem:$0x8800] =	vst v63  }
0x210: {  	_ = 	snop  }
0x211: {  	[hbm4b:s11+s2] =	stream.indirect_vreg.scatter [tilespmem:s31], [sflag:$0x1], $0x80, v3, vm0, $0xb8;
	[tilespmem:$0x8800] =	vst v63  }
0x212: {  	_ =	swait.ge [sflag:s0], $0x8000  }
0x213: {  	[sflag:s0] =	ssyncset.done $0x0  }
0x214: {  	[sflag:s0] =	ssyncadd.s32 $0xFFFF8000  }
0x215: {  	_ =	swait.ge [sflag:s0], $0x8000  }
0x216: {  	[sflag:s0] =	ssyncset.done $0x0  }
0x217: {  	s1 =	rddreg [dreg:$0xa];
	[sflag:s0] =	ssyncadd.s32 $0xFFFF8000  }
0x218: {  	[tilespmem:s2], [sflag:$0x2] =	stream.linear.gather [hbm4b:s1+s2], $0x8000, $0x38;
	[tilespmem:$0x8800] =	vst v63  }
0x219: {  	_ =	swait.ge [sflag:s14], $0x8000  }
0x21a: {  	[sflag:s14] =	ssyncset.done $0x0  }
0x21b: {  	[sflag:s14] =	ssyncadd.s32 $0xFFFF8000  }
0x21c: {  	v3 =	vld [tilespmem:$0x8300];
	_ =	sdelay $0x4  }
0x21d: {  	v60 =	vshll.u32 v3, $0x4  }
0x21e: {  	v3 =	vand.u32 $0x7, v3;
	v4 =	vand.u32 $0xFFFFFF80, v60  }
0x21f: {  	v3 =	vor.u32 v3, v4  }
0x220: {  	v4 =	vperm.xlane v3, v0;
	_ =	sdelay $0x1  }
0x221: {  	v4 =	vadd.s32 v1, v4;
	_ =	sdelay $0x4  }
0x222: {  	[hbm4b:s3+s2] =	stream.indirect_vreg.scatter [tilespmem:s2], [sflag:$0x1], $0x80, v4, vm0, $0xb8;
	[tilespmem:$0x8800] =	vst v63  }
0x223: {  	_ = 	snop  }
0x224: {  	[hbm4b:s5+s2] =	stream.indirect_vreg.scatter [tilespmem:s16], [sflag:$0x1], $0x80, v4, vm0, $0xb8;
	[tilespmem:$0x8800] =	vst v63  }
0x225: {  	_ = 	snop  }
0x226: {  	[hbm4b:s6+s2] =	stream.indirect_vreg.scatter [tilespmem:s17], [sflag:$0x1], $0x80, v4, vm0, $0xb8;
	[tilespmem:$0x8800] =	vst v63  }
0x227: {  	_ = 	snop  }
0x228: {  	[hbm4b:s7+s2] =	stream.indirect_vreg.scatter [tilespmem:s18], [sflag:$0x1], $0x80, v4, vm0, $0xb8;
	[tilespmem:$0x8800] =	vst v63  }
0x229: {  	_ = 	snop  }
0x22a: {  	[hbm4b:s8+s2] =	stream.indirect_vreg.scatter [tilespmem:s19], [sflag:$0x1], $0x80, v4, vm0, $0xb8;
	[tilespmem:$0x8800] =	vst v63  }
0x22b: {  	v3 =	vperm.xlane v3, v2  }
0x22c: {  	[hbm4b:s9+s2] =	stream.indirect_vreg.scatter [tilespmem:s20], [sflag:$0x1], $0x80, v4, vm0, $0xb8;
	[tilespmem:$0x8800] =	vst v63  }
0x22d: {  	v3 =	vadd.s32 v1, v3  }
0x22e: {  	[hbm4b:s10+s2] =	stream.indirect_vreg.scatter [tilespmem:s21], [sflag:$0x1], $0x80, v4, vm0, $0xb8;
	[tilespmem:$0x8800] =	vst v63  }
0x22f: {  	_ = 	snop  }
0x230: {  	[hbm4b:s11+s2] =	stream.indirect_vreg.scatter [tilespmem:s22], [sflag:$0x1], $0x80, v4, vm0, $0xb8;
	[tilespmem:$0x8800] =	vst v63  }
0x231: {  	_ = 	snop  }
0x232: {  	[hbm4b:s3+s2] =	stream.indirect_vreg.scatter [tilespmem:s23], [sflag:$0x1], $0x80, v3, vm0, $0xb8;
	[tilespmem:$0x8800] =	vst v63  }
0x233: {  	_ = 	snop  }
0x234: {  	[hbm4b:s5+s2] =	stream.indirect_vreg.scatter [tilespmem:s24], [sflag:$0x1], $0x80, v3, vm0, $0xb8;
	[tilespmem:$0x8800] =	vst v63  }
0x235: {  	_ = 	snop  }
0x236: {  	[hbm4b:s6+s2] =	stream.indirect_vreg.scatter [tilespmem:s25], [sflag:$0x1], $0x80, v3, vm0, $0xb8;
	[tilespmem:$0x8800] =	vst v63  }
0x237: {  	_ = 	snop  }
0x238: {  	[hbm4b:s7+s2] =	stream.indirect_vreg.scatter [tilespmem:s26], [sflag:$0x1], $0x80, v3, vm0, $0xb8;
	[tilespmem:$0x8800] =	vst v63  }
0x239: {  	_ = 	snop  }
0x23a: {  	[hbm4b:s8+s2] =	stream.indirect_vreg.scatter [tilespmem:s28], [sflag:$0x1], $0x80, v3, vm0, $0xb8;
	[tilespmem:$0x8800] =	vst v63  }
0x23b: {  	_ = 	snop  }
0x23c: {  	[hbm4b:s9+s2] =	stream.indirect_vreg.scatter [tilespmem:s29], [sflag:$0x1], $0x80, v3, vm0, $0xb8;
	[tilespmem:$0x8800] =	vst v63  }
0x23d: {  	_ = 	snop  }
0x23e: {  	[hbm4b:s10+s2] =	stream.indirect_vreg.scatter [tilespmem:s30], [sflag:$0x1], $0x80, v3, vm0, $0xb8;
	[tilespmem:$0x8800] =	vst v63  }
0x23f: {  	_ = 	snop  }
0x240: {  	[hbm4b:s11+s2] =	stream.indirect_vreg.scatter [tilespmem:s31], [sflag:$0x1], $0x80, v3, vm0, $0xb8;
	[tilespmem:$0x8800] =	vst v63  }
0x241: {  	v3 =	vld [tilespmem:$0x8700];
	_ =	sdelay $0x4  }
0x242: {  	v61 =	vshll.u32 v3, $0x4  }
0x243: {  	v3 =	vand.u32 $0x7, v3;
	v4 =	vand.u32 $0xFFFFFF80, v61  }
0x244: {  	v3 =	vor.u32 v3, v4  }
0x245: {  	v4 =	vperm.xlane v3, v0;
	_ =	sdelay $0x1  }
0x246: {  	v4 =	vadd.s32 v1, v4;
	_ =	sdelay $0x4  }
0x247: {  	[hbm4b:s3+s2] =	stream.indirect_vreg.scatter [tilespmem:s2], [sflag:$0x1], $0x80, v4, vm0, $0xb8;
	[tilespmem:$0x8800] =	vst v63  }
0x248: {  	_ = 	snop  }
0x249: {  	[hbm4b:s5+s2] =	stream.indirect_vreg.scatter [tilespmem:s16], [sflag:$0x1], $0x80, v4, vm0, $0xb8;
	[tilespmem:$0x8800] =	vst v63  }
0x24a: {  	_ = 	snop  }
0x24b: {  	[hbm4b:s6+s2] =	stream.indirect_vreg.scatter [tilespmem:s17], [sflag:$0x1], $0x80, v4, vm0, $0xb8;
	[tilespmem:$0x8800] =	vst v63  }
0x24c: {  	_ = 	snop  }
0x24d: {  	[hbm4b:s7+s2] =	stream.indirect_vreg.scatter [tilespmem:s18], [sflag:$0x1], $0x80, v4, vm0, $0xb8;
	[tilespmem:$0x8800] =	vst v63  }
0x24e: {  	_ = 	snop  }
0x24f: {  	[hbm4b:s8+s2] =	stream.indirect_vreg.scatter [tilespmem:s19], [sflag:$0x1], $0x80, v4, vm0, $0xb8;
	[tilespmem:$0x8800] =	vst v63  }
0x250: {  	v3 =	vperm.xlane v3, v2  }
0x251: {  	[hbm4b:s9+s2] =	stream.indirect_vreg.scatter [tilespmem:s20], [sflag:$0x1], $0x80, v4, vm0, $0xb8;
	[tilespmem:$0x8800] =	vst v63  }
0x252: {  	v3 =	vadd.s32 v1, v3  }
0x253: {  	[hbm4b:s10+s2] =	stream.indirect_vreg.scatter [tilespmem:s21], [sflag:$0x1], $0x80, v4, vm0, $0xb8;
	[tilespmem:$0x8800] =	vst v63  }
0x254: {  	_ = 	snop  }
0x255: {  	[hbm4b:s11+s2] =	stream.indirect_vreg.scatter [tilespmem:s22], [sflag:$0x1], $0x80, v4, vm0, $0xb8;
	[tilespmem:$0x8800] =	vst v63  }
0x256: {  	_ = 	snop  }
0x257: {  	[hbm4b:s3+s2] =	stream.indirect_vreg.scatter [tilespmem:s23], [sflag:$0x1], $0x80, v3, vm0, $0xb8;
	[tilespmem:$0x8800] =	vst v63  }
0x258: {  	_ = 	snop  }
0x259: {  	[hbm4b:s5+s2] =	stream.indirect_vreg.scatter [tilespmem:s24], [sflag:$0x1], $0x80, v3, vm0, $0xb8;
	[tilespmem:$0x8800] =	vst v63  }
0x25a: {  	_ = 	snop  }
0x25b: {  	[hbm4b:s6+s2] =	stream.indirect_vreg.scatter [tilespmem:s25], [sflag:$0x1], $0x80, v3, vm0, $0xb8;
	[tilespmem:$0x8800] =	vst v63  }
0x25c: {  	_ = 	snop  }
0x25d: {  	[hbm4b:s7+s2] =	stream.indirect_vreg.scatter [tilespmem:s26], [sflag:$0x1], $0x80, v3, vm0, $0xb8;
	[tilespmem:$0x8800] =	vst v63  }
0x25e: {  	_ = 	snop  }
0x25f: {  	[hbm4b:s8+s2] =	stream.indirect_vreg.scatter [tilespmem:s28], [sflag:$0x1], $0x80, v3, vm0, $0xb8;
	[tilespmem:$0x8800] =	vst v63  }
0x260: {  	_ = 	snop  }
0x261: {  	[hbm4b:s9+s2] =	stream.indirect_vreg.scatter [tilespmem:s29], [sflag:$0x1], $0x80, v3, vm0, $0xb8;
	[tilespmem:$0x8800] =	vst v63  }
0x262: {  	_ = 	snop  }
0x263: {  	[hbm4b:s10+s2] =	stream.indirect_vreg.scatter [tilespmem:s30], [sflag:$0x1], $0x80, v3, vm0, $0xb8;
	[tilespmem:$0x8800] =	vst v63  }
0x264: {  	_ = 	snop  }
0x265: {  	[hbm4b:s11+s2] =	stream.indirect_vreg.scatter [tilespmem:s31], [sflag:$0x1], $0x80, v3, vm0, $0xb8;
	[tilespmem:$0x8800] =	vst v63  }
0x266: {  	_ =	swait.ge [sflag:s0], $0x8000  }
0x267: {  	[sflag:s0] =	ssyncset.done $0x0  }
0x268: {  	[sflag:s0] =	ssyncadd.s32 $0xFFFF8000  }
0x269: {  	_ =	swait.ge [sflag:s0], $0x8000  }
0x26a: {  	[sflag:s0] =	ssyncset.done $0x0  }
0x26b: {  	s1 =	rddreg [dreg:$0xb];
	[sflag:s0] =	ssyncadd.s32 $0xFFFF8000  }
0x26c: {  	[tilespmem:s2], [sflag:$0x2] =	stream.linear.gather [hbm4b:s1+s2], $0x8000, $0x38;
	[tilespmem:$0x8800] =	vst v63  }
0x26d: {  	_ =	swait.ge [sflag:s14], $0x8000  }
0x26e: {  	[sflag:s14] =	ssyncset.done $0x0  }
0x26f: {  	[sflag:s14] =	ssyncadd.s32 $0xFFFF8000  }
0x270: {  	v3 =	vld [tilespmem:$0x8380];
	_ =	sdelay $0x4  }
0x271: {  	v62 =	vshll.u32 v3, $0x4  }
0x272: {  	v3 =	vand.u32 $0x7, v3;
	v4 =	vand.u32 $0xFFFFFF80, v62  }
0x273: {  	v3 =	vor.u32 v3, v4  }
0x274: {  	v4 =	vperm.xlane v3, v0;
	_ =	sdelay $0x1  }
0x275: {  	v4 =	vadd.s32 v1, v4;
	_ =	sdelay $0x4  }
0x276: {  	[hbm4b:s3+s2] =	stream.indirect_vreg.scatter [tilespmem:s2], [sflag:$0x1], $0x80, v4, vm0, $0xb8;
	[tilespmem:$0x8800] =	vst v63  }
0x277: {  	_ = 	snop  }
0x278: {  	[hbm4b:s5+s2] =	stream.indirect_vreg.scatter [tilespmem:s16], [sflag:$0x1], $0x80, v4, vm0, $0xb8;
	[tilespmem:$0x8800] =	vst v63  }
0x279: {  	_ = 	snop  }
0x27a: {  	[hbm4b:s6+s2] =	stream.indirect_vreg.scatter [tilespmem:s17], [sflag:$0x1], $0x80, v4, vm0, $0xb8;
	[tilespmem:$0x8800] =	vst v63  }
0x27b: {  	_ = 	snop  }
0x27c: {  	[hbm4b:s7+s2] =	stream.indirect_vreg.scatter [tilespmem:s18], [sflag:$0x1], $0x80, v4, vm0, $0xb8;
	[tilespmem:$0x8800] =	vst v63  }
0x27d: {  	_ = 	snop  }
0x27e: {  	[hbm4b:s8+s2] =	stream.indirect_vreg.scatter [tilespmem:s19], [sflag:$0x1], $0x80, v4, vm0, $0xb8;
	[tilespmem:$0x8800] =	vst v63  }
0x27f: {  	v3 =	vperm.xlane v3, v2  }
0x280: {  	[hbm4b:s9+s2] =	stream.indirect_vreg.scatter [tilespmem:s20], [sflag:$0x1], $0x80, v4, vm0, $0xb8;
	[tilespmem:$0x8800] =	vst v63  }
0x281: {  	v3 =	vadd.s32 v1, v3  }
0x282: {  	[hbm4b:s10+s2] =	stream.indirect_vreg.scatter [tilespmem:s21], [sflag:$0x1], $0x80, v4, vm0, $0xb8;
	[tilespmem:$0x8800] =	vst v63  }
0x283: {  	_ = 	snop  }
0x284: {  	[hbm4b:s11+s2] =	stream.indirect_vreg.scatter [tilespmem:s22], [sflag:$0x1], $0x80, v4, vm0, $0xb8;
	[tilespmem:$0x8800] =	vst v63  }
0x285: {  	_ = 	snop  }
0x286: {  	[hbm4b:s3+s2] =	stream.indirect_vreg.scatter [tilespmem:s23], [sflag:$0x1], $0x80, v3, vm0, $0xb8;
	[tilespmem:$0x8800] =	vst v63  }
0x287: {  	_ = 	snop  }
0x288: {  	[hbm4b:s5+s2] =	stream.indirect_vreg.scatter [tilespmem:s24], [sflag:$0x1], $0x80, v3, vm0, $0xb8;
	[tilespmem:$0x8800] =	vst v63  }
0x289: {  	_ = 	snop  }
0x28a: {  	[hbm4b:s6+s2] =	stream.indirect_vreg.scatter [tilespmem:s25], [sflag:$0x1], $0x80, v3, vm0, $0xb8;
	[tilespmem:$0x8800] =	vst v63  }
0x28b: {  	_ = 	snop  }
0x28c: {  	[hbm4b:s7+s2] =	stream.indirect_vreg.scatter [tilespmem:s26], [sflag:$0x1], $0x80, v3, vm0, $0xb8;
	[tilespmem:$0x8800] =	vst v63  }
0x28d: {  	_ = 	snop  }
0x28e: {  	[hbm4b:s8+s2] =	stream.indirect_vreg.scatter [tilespmem:s28], [sflag:$0x1], $0x80, v3, vm0, $0xb8;
	[tilespmem:$0x8800] =	vst v63  }
0x28f: {  	_ = 	snop  }
0x290: {  	[hbm4b:s9+s2] =	stream.indirect_vreg.scatter [tilespmem:s29], [sflag:$0x1], $0x80, v3, vm0, $0xb8;
	[tilespmem:$0x8800] =	vst v63  }
0x291: {  	_ = 	snop  }
0x292: {  	[hbm4b:s10+s2] =	stream.indirect_vreg.scatter [tilespmem:s30], [sflag:$0x1], $0x80, v3, vm0, $0xb8;
	[tilespmem:$0x8800] =	vst v63  }
0x293: {  	_ = 	snop  }
0x294: {  	[hbm4b:s11+s2] =	stream.indirect_vreg.scatter [tilespmem:s31], [sflag:$0x1], $0x80, v3, vm0, $0xb8;
	[tilespmem:$0x8800] =	vst v63  }
0x295: {  	v3 =	vld [tilespmem:$0x8780];
	_ =	sdelay $0x4  }
0x296: {  	v63 =	vshll.u32 v3, $0x4  }
0x297: {  	v3 =	vand.u32 $0x7, v3;
	v4 =	vand.u32 $0xFFFFFF80, v63  }
0x298: {  	v3 =	vor.u32 v3, v4  }
0x299: {  	v4 =	vperm.xlane v3, v0;
	_ =	sdelay $0x1  }
0x29a: {  	v4 =	vadd.s32 v1, v4;
	_ =	sdelay $0x4  }
0x29b: {  	[hbm4b:s3+s2] =	stream.indirect_vreg.scatter [tilespmem:s2], [sflag:$0x1], $0x80, v4, vm0, $0xb8;
	[tilespmem:$0x8800] =	vst v63  }
0x29c: {  	_ = 	snop  }
0x29d: {  	[hbm4b:s5+s2] =	stream.indirect_vreg.scatter [tilespmem:s16], [sflag:$0x1], $0x80, v4, vm0, $0xb8;
	[tilespmem:$0x8800] =	vst v63  }
0x29e: {  	_ = 	snop  }
0x29f: {  	[hbm4b:s6+s2] =	stream.indirect_vreg.scatter [tilespmem:s17], [sflag:$0x1], $0x80, v4, vm0, $0xb8;
	[tilespmem:$0x8800] =	vst v63  }
0x2a0: {  	_ = 	snop  }
0x2a1: {  	[hbm4b:s7+s2] =	stream.indirect_vreg.scatter [tilespmem:s18], [sflag:$0x1], $0x80, v4, vm0, $0xb8;
	[tilespmem:$0x8800] =	vst v63  }
0x2a2: {  	_ = 	snop  }
0x2a3: {  	[hbm4b:s8+s2] =	stream.indirect_vreg.scatter [tilespmem:s19], [sflag:$0x1], $0x80, v4, vm0, $0xb8;
	[tilespmem:$0x8800] =	vst v63  }
0x2a4: {  	v3 =	vperm.xlane v3, v2  }
0x2a5: {  	[hbm4b:s9+s2] =	stream.indirect_vreg.scatter [tilespmem:s20], [sflag:$0x1], $0x80, v4, vm0, $0xb8;
	[tilespmem:$0x8800] =	vst v63  }
0x2a6: {  	v3 =	vadd.s32 v1, v3  }
0x2a7: {  	[hbm4b:s10+s2] =	stream.indirect_vreg.scatter [tilespmem:s21], [sflag:$0x1], $0x80, v4, vm0, $0xb8;
	[tilespmem:$0x8800] =	vst v63  }
0x2a8: {  	_ = 	snop  }
0x2a9: {  	[hbm4b:s11+s2] =	stream.indirect_vreg.scatter [tilespmem:s22], [sflag:$0x1], $0x80, v4, vm0, $0xb8;
	[tilespmem:$0x8800] =	vst v63  }
0x2aa: {  	_ = 	snop  }
0x2ab: {  	[hbm4b:s3+s2] =	stream.indirect_vreg.scatter [tilespmem:s23], [sflag:$0x1], $0x80, v3, vm0, $0xb8;
	[tilespmem:$0x8800] =	vst v63  }
0x2ac: {  	_ = 	snop  }
0x2ad: {  	[hbm4b:s5+s2] =	stream.indirect_vreg.scatter [tilespmem:s24], [sflag:$0x1], $0x80, v3, vm0, $0xb8;
	[tilespmem:$0x8800] =	vst v63  }
0x2ae: {  	_ = 	snop  }
0x2af: {  	[hbm4b:s6+s2] =	stream.indirect_vreg.scatter [tilespmem:s25], [sflag:$0x1], $0x80, v3, vm0, $0xb8;
	[tilespmem:$0x8800] =	vst v63  }
0x2b0: {  	_ = 	snop  }
0x2b1: {  	[hbm4b:s7+s2] =	stream.indirect_vreg.scatter [tilespmem:s26], [sflag:$0x1], $0x80, v3, vm0, $0xb8;
	[tilespmem:$0x8800] =	vst v63  }
0x2b2: {  	_ = 	snop  }
0x2b3: {  	[hbm4b:s8+s2] =	stream.indirect_vreg.scatter [tilespmem:s28], [sflag:$0x1], $0x80, v3, vm0, $0xb8;
	[tilespmem:$0x8800] =	vst v63  }
0x2b4: {  	_ = 	snop  }
0x2b5: {  	[hbm4b:s9+s2] =	stream.indirect_vreg.scatter [tilespmem:s29], [sflag:$0x1], $0x80, v3, vm0, $0xb8;
	[tilespmem:$0x8800] =	vst v63  }
0x2b6: {  	_ = 	snop  }
0x2b7: {  	[hbm4b:s10+s2] =	stream.indirect_vreg.scatter [tilespmem:s30], [sflag:$0x1], $0x80, v3, vm0, $0xb8;
	[tilespmem:$0x8800] =	vst v63  }
0x2b8: {  	_ = 	snop  }
0x2b9: {  	[hbm4b:s11+s2] =	stream.indirect_vreg.scatter [tilespmem:s31], [sflag:$0x1], $0x80, v3, vm0, $0xb8;
	[tilespmem:$0x8800] =	vst v63  }
0x2ba: {  	p0 =	sne.s32 s12, $0x1;
	_ =	swait.ge [sflag:s0], $0x8000  }
.Ltmp0:
0x2bb: {  	[sflag:s0] =	ssyncset.done $0x0;
	(pc) =	sbr.rel @p0 .LBB2_1-.Ltmp0, $4  }
0x2bc: {  	[sflag:s0] =	ssyncadd.s32 $0xFFFF8000  }
0x2bd: {  	_ =	swait.ge [sflag:s0], $0x8000  }
0x2be: {  	[sflag:s0] =	ssyncset.done $0x0  }
0x2bf: {  	s12 =	sadd.s32 $0xFFFFFFFF, s12;
	[sflag:s0] =	ssyncadd.s32 $0xFFFF8000  }
0x2c0: {  	_ =	sfence.sel $0x180000  }
0x2c1: {  	[bflag:$0x0] =	sbarrier.arrive $0xFFFF  }
0x2c2: {  	_ =	strace $0x90000047  }
0x2c3: {  	s0 =	stileid.u32;
	[bflag:$0x2] =	sbarrier.arrive $0xFFFF  }
0x2c4: {  	p0 =	sne.s32 s0, $0x0;
	s0 =	rddreg [dreg:$0x2]  }
0x2c5: {  	s0 =	sadd.s32 @!p0 $0x100000, s0  }
0x2c6: {  	[sflag:s0] =	ssyncadd.tile.s32 @!p0 $0x1;
	_ =	shalt  }
.Lfunc_end2:
_tile_overlayer_lowered:
.L_overlay_start_2:
0x2c7: {  	(tag) =	ssettag $0x2  }
0x2c8: {  	s0 =	rddreg [dreg:$0x0];
	s2 =	stileid.u32  }
0x2c9: {  	s1 =	rddreg [dreg:$0x1];
	p0 =	sne.s32 s2, $0x0  }
0x2ca: {  	s3 =	rddreg [dreg:$0x2];
	[bflag:$0x3] =	sbarrier.arrive $0xFFFF;
	s2 =	simm.s32 @!p0 $0x1C02  }
0x2cb: {  	[timem:s3], [sflag:s2] =	dma.local @!p0 [hbm:s0], s1  }
0x2cc: {  	s0 =	simm.s32 @!p0 $0x2  }
0x2cd: {  	_ =	swait.ge @!p0 [sflag:s0], s1  }
0x2ce: {  	s1 =	ssub.s32 @!p0 $0x0, s1;
	[sflag:s0] =	ssyncset.done @!p0 $0x0  }
0x2cf: {  	[sflag:s0] =	ssyncadd.s32 @!p0 s1  }
0x2d0: {  	[bflag:$0x3] =	sbarrier.arrive $0xFFFF  }
0x2d1: {  	_ =	shalt  }

</sc_bundles>
